<compile_context>
chip_gen: v7x
topology: tpu7x:2x2x1
jax: 0.10.2.dev20260603
libtpu: 0.0.44.dev20260713+nightly
codegen_flags: <defaults>
</compile_context>

<pallas_src>
import functools

import jax
import jax.numpy as jnp
from jax import lax
from jax.experimental import pallas as pl
from jax.experimental.pallas import tpu as pltpu
from jax.experimental.pallas import tpu_sc as plsc

N = 50000
E = 800000
C = 64
G = 8
NPAD = 50176
NROW = 392
EPAD = 802816
NS = 16
NTILE = NPAD // NS
CHK = 392
HCHK = CHK // 2
BR = 8
GRID = NROW // BR
F32 = jnp.float32
BF16 = jnp.bfloat16
I32 = jnp.int32

def _zero_vec(ref, nwords):
    @pl.loop(0, nwords // 16)
    def _(i):
        ref[pl.ds(i * 16, 16)] = jnp.zeros((16,), F32)


def _zero_acc_chunks(zbuf, acc_sh, s):
    @pl.loop(0, 25)
    def _(j):
        idx = j * 16 + s

        @pl.when(idx < NROW)
        def _():
            pltpu.sync_copy(zbuf, acc_sh.at[pl.ds(idx * 128, 128)])


def _readout_chunks(acc_sh, out_hbm, c, s):
    @pl.loop(0, 25)
    def _(j):
        idx = j * 16 + s

        @pl.when(idx < NROW)
        def _():
            pltpu.sync_copy(acc_sh.at[pl.ds(idx * 128, 128)],
                            out_hbm.at[pl.ds(c * NPAD + idx * 128, 128)])



@functools.cache
def _sc_kernels():
    mesh = plsc.VectorSubcoreMesh(core_axis_name="c", subcore_axis_name="s")
    params = pltpu.CompilerParams(use_tc_tiling_on_sc=False)
    params_nl = pltpu.CompilerParams(needs_layout_passes=False)

    pre = functools.partial(
        pl.kernel,
        out_type=[jax.ShapeDtypeStruct((2 * NPAD,), F32),
                  jax.ShapeDtypeStruct((NPAD,), F32)],
        mesh=mesh,
        scratch_types=[
            pltpu.VMEM((HCHK, 128), I32),
            pltpu.VMEM((CHK, 128), I32),
            pltpu.VMEM((4, 128), F32),
            pltpu.VMEM((128,), F32),
            pltpu.VMEM((128,), F32),
            pltpu.VMEM((NTILE,), F32),
            pltpu.VMEM((NTILE,), F32),
            pltpu.VMEM((NTILE,), F32),
            pltpu.VMEM_SHARED((NPAD,), F32),
            pltpu.VMEM_SHARED((NPAD,), F32),
            pltpu.SemaphoreType.DMA((4,)),
            pltpu.SemaphoreType.DMA((4,)),
        ],
        compiler_params=params_nl,
    )(_pre_sc)
    agg2 = functools.partial(
        pl.kernel,
        out_type=[jax.ShapeDtypeStruct((NPAD, 16), BF16) for _ in range(4)],
        mesh=mesh,
        scratch_types=[
            pltpu.VMEM((CHK, 128), I32),
            pltpu.VMEM((CHK, 128), I32),
            pltpu.VMEM((4, 128, 16), BF16),
            pltpu.VMEM((128, 16), BF16),
            pltpu.VMEM_SHARED((NPAD, 16), BF16),
            pltpu.SemaphoreType.DMA((4,)),
            pltpu.SemaphoreType.DMA((4,)),
        ],
        compiler_params=params,
    )(_agg2_sc)
    return pre, agg2



def _pre_sc(row_hbm, col_hbm, x_hbm, out_hbm, dinv_hbm,
            rowbuf, colbuf, vring, zbuf, ones_v, d0b, xb, db,
            u_sh, acc_sh, gsem, ssem):
    c = lax.axis_index("c")
    s = lax.axis_index("s")
    w = s * 2 + c
    base = s * NTILE
    co = c * HCHK

    @pl.loop(0, 8)
    def _(i):
        ones_v[pl.ds(i * 16, 16)] = jnp.ones((16,), F32)

    _zero_vec(zbuf, 128)
    _zero_acc_chunks(zbuf, acc_sh, s)
    plsc.subcore_barrier()

    pltpu.sync_copy(col_hbm.at[s], colbuf)

    @pl.loop(0, CHK // 7)
    def _(m):
        for j in range(7):
            pltpu.async_copy(ones_v, acc_sh.at[colbuf.at[m * 7 + j]],
                             gsem.at[0], add=True)
        for j in range(7):
            pltpu.make_async_copy(ones_v, acc_sh.at[colbuf.at[m * 7 + j]],
                                  gsem.at[0]).wait()

    plsc.subcore_barrier()

    pltpu.sync_copy(acc_sh.at[pl.ds(base, NTILE)], d0b)
    pltpu.sync_copy(x_hbm.at[pl.ds(base, NTILE)], xb)

    @pl.loop(0, NTILE // 16)
    def _(i):
        sl = pl.ds(i * 16, 16)
        d = d0b[sl] + 1.0
        ibits = plsc.bitcast(d, I32)
        y = plsc.bitcast(jnp.int32(0x5F3759DF) - (ibits >> 1), F32)
        hd = 0.5 * d
        y = y * (1.5 - hd * y * y)
        y = y * (1.5 - hd * y * y)
        y = y * (1.5 - hd * y * y)
        db[sl] = y
        xb[sl] = xb[sl] * y

    pltpu.sync_copy(xb, u_sh.at[pl.ds(base, NTILE)])

    @pl.when(c == 0)
    def _():
        pltpu.sync_copy(db, dinv_hbm.at[pl.ds(base, NTILE)])

    plsc.subcore_barrier()

    _zero_acc_chunks(zbuf, acc_sh, s)
    plsc.subcore_barrier()

    pltpu.sync_copy(row_hbm.at[w], rowbuf)

    @pl.loop(0, HCHK // 4)
    def _(m):
        k = m * 4
        for j in range(4):
            @pl.when(m > 0)
            def _():
                pltpu.make_async_copy(
                    vring.at[j], acc_sh.at[colbuf.at[co + k + j - 4]],
                    ssem.at[j]).wait()

            pltpu.async_copy(u_sh.at[rowbuf.at[k + j]], vring.at[j],
                             gsem.at[j])
        for j in range(4):
            pltpu.make_async_copy(u_sh.at[rowbuf.at[k + j]], vring.at[j],
                                  gsem.at[j]).wait()
            pltpu.async_copy(vring.at[j], acc_sh.at[colbuf.at[co + k + j]],
                             ssem.at[j], add=True)

    for j in range(4):
        pltpu.make_async_copy(vring.at[j],
                              acc_sh.at[colbuf.at[co + HCHK - 4 + j]],
                              ssem.at[j]).wait()

    plsc.subcore_barrier()
    _readout_chunks(acc_sh, out_hbm, c, s)



def _h1_tc(x_ref, t_ref, dinv_ref, w1_ref, b1_ref, h1_ref,
           g0_ref, g1_ref, g2_ref, g3_ref):
    g_refs = (g0_ref, g1_ref, g2_ref, g3_ref)
    dinv = dinv_ref[...]
    s1 = dinv * (t_ref[0] + t_ref[1] + x_ref[...] * dinv)
    s1t = jnp.transpose(s1)
    xt = jnp.transpose(x_ref[...])
    dt = jnp.transpose(dinv)
    w1 = w1_ref[...]
    b1 = b1_ref[...]
    for u in range(BR):
        s1c = s1t[:, u:u + 1]
        z = s1c * w1 + b1
        h1 = xt[:, u:u + 1] + z * jax.nn.sigmoid(z)
        g = h1 * dt[:, u:u + 1]
        h1_ref[pl.ds(u * 128, 128), :] = h1
        gb = g.astype(BF16)
        for p in range(4):
            g_refs[p][pl.ds(u * 128, 128), :] = gb[:, p * 16:(p + 1) * 16]



def _agg2_sc(row_hbm, col_hbm, g0_hbm, g1_hbm, g2_hbm, g3_hbm,
             o0_hbm, o1_hbm, o2_hbm, o3_hbm,
             rowbuf, colbuf, gring, zbuf, acc_sh, gsem, ssem):
    c = lax.axis_index("c")
    s = lax.axis_index("s")

    @pl.loop(0, 64)
    def _(r):
        zbuf[pl.ds(r * 2, 2), :] = jnp.zeros((2, 16), BF16)

    pltpu.sync_copy(col_hbm.at[s], colbuf)
    pltpu.sync_copy(row_hbm.at[s], rowbuf)

    def one_pass(g_hbm, o_hbm):
        _zero_acc_chunks(zbuf, acc_sh, s)
        plsc.subcore_barrier()

        @pl.loop(0, CHK // 4)
        def _(m):
            k = m * 4
            for j in range(4):
                @pl.when(m > 0)
                def _():
                    pltpu.make_async_copy(
                        gring.at[j], acc_sh.at[colbuf.at[k + j - 4]],
                        ssem.at[j]).wait()

                pltpu.async_copy(g_hbm.at[rowbuf.at[k + j]], gring.at[j],
                                 gsem.at[j])
            for j in range(4):
                pltpu.make_async_copy(g_hbm.at[rowbuf.at[k + j]], gring.at[j],
                                      gsem.at[j]).wait()
                pltpu.async_copy(gring.at[j], acc_sh.at[colbuf.at[k + j]],
                                 ssem.at[j], add=True)

        for j in range(4):
            pltpu.make_async_copy(gring.at[j],
                                  acc_sh.at[colbuf.at[CHK - 4 + j]],
                                  ssem.at[j]).wait()

        plsc.subcore_barrier()

        @pl.loop(0, 25)
        def _(j):
            idx = j * 16 + s

            @pl.when(idx < NROW)
            def _():
                pltpu.sync_copy(acc_sh.at[pl.ds(idx * 128, 128)],
                                o_hbm.at[pl.ds(idx * 128, 128)])

        plsc.subcore_barrier()

    @pl.when(c == 0)
    def _():
        one_pass(g0_hbm, o0_hbm)
        one_pass(g2_hbm, o2_hbm)

    @pl.when(c == 1)
    def _():
        one_pass(g1_hbm, o1_hbm)
        one_pass(g3_hbm, o3_hbm)



def _fin_tc(acc0_ref, acc1_ref, acc2_ref, acc3_ref,
            h1_ref, dinv_ref, batch_ref, w2_ref, b2_ref,
            fcw_ref, fcb_ref, out_ref, a2s, masks, psum, pcnt):
    acc_refs = (acc0_ref, acc1_ref, acc2_ref, acc3_ref)
    i = pl.program_id(0)

    @pl.when(i == 0)
    def _():
        psum[...] = jnp.zeros((G, C), F32)
        pcnt[...] = jnp.zeros((1, G), F32)

    dt = jnp.transpose(dinv_ref[...])
    bt = jnp.transpose(batch_ref[...])
    h1 = h1_ref[...]
    gid = lax.broadcasted_iota(I32, (128, G), 1)
    for u in range(BR):
        dc = dt[:, u:u + 1]
        accu = jnp.concatenate([r[pl.ds(u * 128, 128), :]
                                for r in acc_refs], axis=1).astype(F32)
        h1u = h1[u * 128:(u + 1) * 128, :]
        a2s[pl.ds(u * 128, 128), :] = dc * accu + (dc * dc) * h1u
        masks[pl.ds(u * 128, 128), :] = (bt[:, u:u + 1] == gid).astype(F32)

    out2 = jnp.dot(a2s[...], w2_ref[...], preferred_element_type=F32)
    out2 = out2 + b2_ref[...]
    h2 = h1 + out2 * jax.nn.sigmoid(out2)
    m = masks[...]
    psum[...] += lax.dot_general(m, h2, (((0,), (0,)), ((), ())),
                                 preferred_element_type=F32)
    pcnt[...] += jnp.sum(m, axis=0, keepdims=True)

    @pl.when(i == GRID - 1)
    def _():
        cnt = jnp.maximum(pcnt[...], 1.0)
        pooled = psum[...] / jnp.transpose(cnt)
        z = jnp.dot(pooled, fcw_ref[...], preferred_element_type=F32)
        out_ref[...] = jax.nn.sigmoid(z + fcb_ref[...])


def kernel(x, edge_index, batch, W1, b1, W2, b2, fcW, fcb):
    ei = edge_index.astype(I32)
    rowf = jnp.concatenate([ei[0], jnp.zeros((EPAD - E,), I32)])
    colf = jnp.concatenate([ei[1], jnp.full((EPAD - E,), N, I32)])
    row_t = rowf.reshape(NS, CHK, 128)
    col_t = colf.reshape(NS, CHK, 128)
    row_w = rowf.reshape(2 * NS, HCHK, 128)
    col_w = colf.reshape(2 * NS, HCHK, 128)
    x2 = jnp.concatenate([x[:, 0], jnp.zeros((NPAD - N,), F32)]).reshape(NROW, 128)
    batch2 = jnp.concatenate([batch.astype(I32),
                              jnp.full((NPAD - N,), 127, I32)]).reshape(NROW, 128)

    pre_k, agg2_k = _sc_kernels()
    tflat, dinvflat = pre_k(row_w, col_t, x2.reshape(NPAD))
    t = tflat.reshape(2, NROW, 128)
    dinv2 = dinvflat.reshape(NROW, 128)

    h1, g0, g1, g2, g3 = pl.pallas_call(
        _h1_tc,
        grid=(GRID,),
        in_specs=[
            pl.BlockSpec((BR, 128), lambda i: (i, 0)),
            pl.BlockSpec((2, BR, 128), lambda i: (0, i, 0)),
            pl.BlockSpec((BR, 128), lambda i: (i, 0)),
            pl.BlockSpec((1, C), lambda i: (0, 0)),
            pl.BlockSpec((1, C), lambda i: (0, 0)),
        ],
        out_specs=[pl.BlockSpec((BR * 128, C), lambda i: (i, 0))] +
                  [pl.BlockSpec((BR * 128, 16), lambda i: (i, 0))
                   for _ in range(4)],
        out_shape=[jax.ShapeDtypeStruct((NPAD, C), F32)] +
                  [jax.ShapeDtypeStruct((NPAD, 16), BF16) for _ in range(4)],
    )(x2, t, dinv2, W1, b1.reshape(1, C))

    acc0, acc1, acc2, acc3 = agg2_k(row_t, col_t, g0, g1, g2, g3)

    out = pl.pallas_call(
        _fin_tc,
        grid=(GRID,),
        in_specs=[pl.BlockSpec((BR * 128, 16), lambda i: (i, 0))
                  for _ in range(4)] + [
            pl.BlockSpec((BR * 128, C), lambda i: (i, 0)),
            pl.BlockSpec((BR, 128), lambda i: (i, 0)),
            pl.BlockSpec((BR, 128), lambda i: (i, 0)),
            pl.BlockSpec((C, C), lambda i: (0, 0)),
            pl.BlockSpec((1, C), lambda i: (0, 0)),
            pl.BlockSpec((C, 1), lambda i: (0, 0)),
            pl.BlockSpec((1, 1), lambda i: (0, 0)),
        ],
        out_specs=pl.BlockSpec((G, 1), lambda i: (0, 0)),
        out_shape=jax.ShapeDtypeStruct((G, 1), F32),
        scratch_shapes=[
            pltpu.VMEM((BR * 128, C), F32),
            pltpu.VMEM((BR * 128, G), F32),
            pltpu.VMEM((G, C), F32),
            pltpu.VMEM((1, G), F32),
        ],
    )(acc0, acc1, acc2, acc3,
      h1, dinv2, batch2, W2, b2.reshape(1, C), fcW, fcb.reshape(1, 1))

    return out

# --- scband reference (transcript-rebuilt; emitter-appended) ---
"""Pipeline reference for scband-gnn-79474074845671 (READ-ONLY COPY).

The authoritative reference and input builder live on the scoring server;
editing this copy changes nothing except your own understanding.
"""

import jax, jax.numpy as jnp
import numpy as np

N_NODES = 50000
N_EDGES = 800000
CHANNELS = 64
N_GRAPHS = 8


def gcn_conv(x, edge_index, W, b):
    # GCNConv: x' = D^{-1/2} (A + I) D^{-1/2} X W + b  (add_self_loops=True, normalize=True)
    n = x.shape[0]
    h = x @ W
    loop = jnp.arange(n, dtype=edge_index.dtype)
    row = jnp.concatenate([edge_index[0], loop])  # source
    col = jnp.concatenate([edge_index[1], loop])  # target (aggregation index)
    deg = jnp.zeros((n,), dtype=h.dtype).at[col].add(1.0)
    dinv = jnp.where(deg > 0, jax.lax.rsqrt(deg), 0.0)
    norm = dinv[row] * dinv[col]
    msg = h[row] * norm[:, None]
    out = jnp.zeros((n, h.shape[1]), dtype=h.dtype).at[col].add(msg)
    return out + b


def setup_inputs(seed: int = 0) -> dict:
    key = jax.random.key(seed)
    ks = jax.random.split(key, 9)
    x = jax.random.normal(ks[0], (N_NODES, 1), dtype=jnp.float32)
    edge_index = jax.random.randint(ks[1], (2, N_EDGES), 0, N_NODES, dtype=jnp.int64)
    batch = jnp.sort(jax.random.randint(ks[2], (N_NODES,), 0, N_GRAPHS, dtype=jnp.int64))
    W1 = jax.random.normal(ks[3], (1, CHANNELS), dtype=jnp.float32) * (1.0 / np.sqrt(1.0))
    b1 = jnp.zeros((CHANNELS,), dtype=jnp.float32)
    W2 = jax.random.normal(ks[4], (CHANNELS, CHANNELS), dtype=jnp.float32) * (1.0 / np.sqrt(CHANNELS))
    b2 = jnp.zeros((CHANNELS,), dtype=jnp.float32)
    fcW = jax.random.normal(ks[5], (CHANNELS, 1), dtype=jnp.float32) * (1.0 / np.sqrt(CHANNELS))
    fcb = jnp.zeros((1,), dtype=jnp.float32)
    return {"x": x, "edge_index": edge_index, "batch": batch, "W1": W1, "b1": b1, "W2": W2, "b2": b2, "fcW": fcW, "fcb": fcb}


def reference(x, edge_index, batch, W1, b1, W2, b2, fcW, fcb):
    # forward of GNN (dropout is identity in eval mode)
    h = x + jax.nn.silu(gcn_conv(x, edge_index, W1, b1))  # [N,1] + [N,C] broadcasts
    h = h + jax.nn.silu(gcn_conv(h, edge_index, W2, b2))
    # global_mean_pool over batch ids
    sums = jax.ops.segment_sum(h, batch, num_segments=N_GRAPHS)
    cnts = jax.ops.segment_sum(jnp.ones((h.shape[0],), dtype=h.dtype), batch, num_segments=N_GRAPHS)
    pooled = sums / jnp.maximum(cnts, 1.0)[:, None]
    return jax.nn.sigmoid(pooled @ fcW + fcb)

if __name__ == "__main__":
    import jax
    _d = setup_inputs()
    print(jax.jit(kernel)(*tuple(_d.values())))

</pallas_src>

<mosaic_0001>
#map = affine_map<(d0, d1) -> (0, 0, 0)>
#map1 = affine_map<(d0, d1) -> (0)>
module attributes {stable_mosaic.version = 14 : i64} {
  func.func @_pre_sc(%arg0: i32, %arg1: i32, %arg2: memref<32x196x128xi32, #tpu.memory_space<hbm>>, %arg3: memref<16x392x128xi32, #tpu.memory_space<hbm>>, %arg4: memref<50176xf32, #tpu.memory_space<hbm>>, %arg5: memref<100352xf32, #tpu.memory_space<hbm>>, %arg6: memref<50176xf32, #tpu.memory_space<hbm>>, %arg7: memref<196x128xi32, #tpu.memory_space<vmem>>, %arg8: memref<392x128xi32, #tpu.memory_space<vmem>>, %arg9: memref<4x128xf32, #tpu.memory_space<vmem>>, %arg10: memref<128xf32, #tpu.memory_space<vmem>>, %arg11: memref<128xf32, #tpu.memory_space<vmem>>, %arg12: memref<3136xf32, #tpu.memory_space<vmem>>, %arg13: memref<3136xf32, #tpu.memory_space<vmem>>, %arg14: memref<3136xf32, #tpu.memory_space<vmem>>, %arg15: memref<50176xf32, #tpu.memory_space<vmem_shared>>, %arg16: memref<50176xf32, #tpu.memory_space<vmem_shared>>, %arg17: memref<4x!tpu.dma_semaphore, #tpu.memory_space<semaphore_mem>>, %arg18: memref<4x!tpu.dma_semaphore, #tpu.memory_space<semaphore_mem>>) attributes {dimension_semantics = [#tpu.dimension_semantics<core_parallel>, #tpu.dimension_semantics<subcore_parallel>], iteration_bounds = array<i64: 2, 16>, scalar_prefetch = 0 : i64, scratch_operands = 12 : i64, tpu.core_type = #tpu.core_type<sc_vector_subcore>, window_params = [{transform_indices = #map}, {transform_indices = #map}, {transform_indices = #map1}, {transform_indices = #map1}, {transform_indices = #map1}]} {
    %mul3A = arith.constant 2 : i32
    %mul3A_0 = arith.muli %arg1, %mul3A : i32
    %add3A = arith.addi %mul3A_0, %arg0 : i32
    %mul3A_1 = arith.constant 3136 : i32
    %mul3A_2 = arith.muli %arg1, %mul3A_1 : i32
    %mul3A_3 = arith.constant 196 : i32
    %mul3A_4 = arith.muli %arg0, %mul3A_3 : i32
    %scan3A = arith.constant 0 : i32
    %scan3A_5 = arith.constant 8 : i32
    %scan3A_6 = arith.addi %scan3A, %scan3A_5 : i32
    %scan3A_7 = arith.constant 1 : i32
    scf.for %scan3A_120 = %scan3A to %scan3A_6 step %scan3A_7  : i32 {
      %mul3A_121 = arith.constant 1 : i32
      %mul3A_122 = arith.muli %scan3A_120, %mul3A_121 : i32
      %add3A_123 = arith.constant 0 : i32
      %add3A_124 = arith.addi %add3A_123, %mul3A_122 : i32
      %broadcast_in_dim3A = arith.constant 1.000000e+00 : f32
      %broadcast_in_dim3A_125 = vector.broadcast %broadcast_in_dim3A : f32 to vector<16xf32>
      %mul3A_126 = arith.constant 16 : i32
      %mul3A_127 = arith.muli %add3A_124, %mul3A_126 : i32
      %swap3A = arith.index_cast %mul3A_127 : i32 to index
      %swap3A_128 = tpu.vector_load %arg11[%swap3A] {strides = array<i32>} : memref<128xf32, #tpu.memory_space<vmem>>, vector<16xf32>,
      tpu.vector_store %arg11[%swap3A], %broadcast_in_dim3A_125 {strides = array<i32>} : memref<128xf32, #tpu.memory_space<vmem>>, vector<16xf32>,
    }
    %scan3A_8 = arith.constant 8 : i32
    %scan3A_9 = arith.constant 0 : i32
    %scan3A_10 = arith.constant 8 : i32
    %scan3A_11 = arith.addi %scan3A_9, %scan3A_10 : i32
    %scan3A_12 = arith.constant 1 : i32
    scf.for %scan3A_120 = %scan3A_9 to %scan3A_11 step %scan3A_12  : i32 {
      %mul3A_121 = arith.constant 1 : i32
      %mul3A_122 = arith.muli %scan3A_120, %mul3A_121 : i32
      %add3A_123 = arith.constant 0 : i32
      %add3A_124 = arith.addi %add3A_123, %mul3A_122 : i32
      %broadcast_in_dim3A = arith.constant 0.000000e+00 : f32
      %broadcast_in_dim3A_125 = vector.broadcast %broadcast_in_dim3A : f32 to vector<16xf32>
      %mul3A_126 = arith.constant 16 : i32
      %mul3A_127 = arith.muli %add3A_124, %mul3A_126 : i32
      %swap3A = arith.index_cast %mul3A_127 : i32 to index
      %swap3A_128 = tpu.vector_load %arg10[%swap3A] {strides = array<i32>} : memref<128xf32, #tpu.memory_space<vmem>>, vector<16xf32>,
      tpu.vector_store %arg10[%swap3A], %broadcast_in_dim3A_125 {strides = array<i32>} : memref<128xf32, #tpu.memory_space<vmem>>, vector<16xf32>,
    }
    %scan3A_13 = arith.constant 8 : i32
    %scan3A_14 = arith.constant 0 : i32
    %scan3A_15 = arith.constant 25 : i32
    %scan3A_16 = arith.addi %scan3A_14, %scan3A_15 : i32
    %scan3A_17 = arith.constant 1 : i32
    scf.for %scan3A_120 = %scan3A_14 to %scan3A_16 step %scan3A_17  : i32 {
      %mul3A_121 = arith.constant 1 : i32
      %mul3A_122 = arith.muli %scan3A_120, %mul3A_121 : i32
      %add3A_123 = arith.constant 0 : i32
      %add3A_124 = arith.addi %add3A_123, %mul3A_122 : i32
      %mul3A_125 = arith.constant 16 : i32
      %mul3A_126 = arith.muli %add3A_124, %mul3A_125 : i32
      %add3A_127 = arith.addi %mul3A_126, %arg1 : i32
      %lt3A = arith.constant 392 : i32
      %lt3A_128 = arith.cmpi slt, %add3A_127, %lt3A : i32
      %convert_element_type3A_129 = arith.extui %lt3A_128 : i1 to i32
      %cond3A_130 = arith.constant 0 : i32
      %cond3A_131 = arith.cmpi ne, %convert_element_type3A_129, %cond3A_130 : i32
      scf.if %cond3A_131 {
        %mul3A_132 = arith.constant 128 : i32
        %mul3A_133 = arith.muli %add3A_127, %mul3A_132 : i32
        "tpu.region"() ({
          %run_scoped3A = tpu.sem_alloc : memref<!tpu.dma_semaphore, #tpu.memory_space<semaphore_mem>>
          %dma_start3A = tpu.memref_slice %arg16[%mul3A_133] : memref<50176xf32, #tpu.memory_space<vmem_shared>> -> memref<128xf32, #tpu.memory_space<vmem_shared>>
          %dma_start3A_134 = tpu.memref_slice %arg16[%mul3A_133] : memref<50176xf32, #tpu.memory_space<vmem_shared>> -> memref<128xf32, #tpu.memory_space<vmem_shared>>
          tpu.enqueue_dma source(%arg10 : memref<128xf32, #tpu.memory_space<vmem>>) target(%dma_start3A_134 : memref<128xf32, #tpu.memory_space<vmem_shared>>) target_semaphore(%run_scoped3A : memref<!tpu.dma_semaphore, #tpu.memory_space<semaphore_mem>>)
          %dma_wait3A_135 = tpu.memref_slice %arg16[%mul3A_133] : memref<50176xf32, #tpu.memory_space<vmem_shared>> -> memref<128xf32, #tpu.memory_space<vmem_shared>>
          %dma_wait3A_136 = tpu.memref_slice %arg16[%mul3A_133] : memref<50176xf32, #tpu.memory_space<vmem_shared>> -> memref<128xf32, #tpu.memory_space<vmem_shared>>
          tpu.wait_dma2 semaphore(%run_scoped3A : memref<!tpu.dma_semaphore, #tpu.memory_space<semaphore_mem>>) src(%arg10 : memref<128xf32, #tpu.memory_space<vmem>>) dst(%dma_wait3A_136 : memref<128xf32, #tpu.memory_space<vmem_shared>>)
          tpu.yield
        }) : () -> ()
      } else {
      }
    }
    %scan3A_18 = arith.constant 25 : i32
    %barrier3A = arith.constant 0 : index
    tpu.barrier barrier_id(%barrier3A)
    "tpu.region"() ({
      %run_scoped3A = tpu.sem_alloc : memref<!tpu.dma_semaphore, #tpu.memory_space<semaphore_mem>>
      %dma_start3A = arith.constant 0 : i32
      %dma_start3A_120 = arith.constant 0 : i32
      %dma_start3A_121 = tpu.memref_slice %arg3[%arg1, %dma_start3A, %dma_start3A_120] : memref<16x392x128xi32, #tpu.memory_space<hbm>> -> memref<1x392x128xi32, #tpu.memory_space<hbm>>
      %dma_start3A_122 = tpu.memref_squeeze %dma_start3A_121 : memref<1x392x128xi32, #tpu.memory_space<hbm>> -> memref<392x128xi32, #tpu.memory_space<hbm>>
      %dma_start3A_123 = arith.constant 0 : i32
      %dma_start3A_124 = arith.constant 0 : i32
      %dma_start3A_125 = tpu.memref_slice %arg3[%arg1, %dma_start3A_123, %dma_start3A_124] : memref<16x392x128xi32, #tpu.memory_space<hbm>> -> memref<1x392x128xi32, #tpu.memory_space<hbm>>
      %dma_start3A_126 = tpu.memref_squeeze %dma_start3A_125 : memref<1x392x128xi32, #tpu.memory_space<hbm>> -> memref<392x128xi32, #tpu.memory_space<hbm>>
      tpu.enqueue_dma source(%dma_start3A_126 : memref<392x128xi32, #tpu.memory_space<hbm>>) target(%arg8 : memref<392x128xi32, #tpu.memory_space<vmem>>) target_semaphore(%run_scoped3A : memref<!tpu.dma_semaphore, #tpu.memory_space<semaphore_mem>>)
      %dma_wait3A_127 = arith.constant 0 : i32
      %dma_wait3A_128 = arith.constant 0 : i32
      %dma_wait3A_129 = tpu.memref_slice %arg3[%arg1, %dma_wait3A_127, %dma_wait3A_128] : memref<16x392x128xi32, #tpu.memory_space<hbm>> -> memref<1x392x128xi32, #tpu.memory_space<hbm>>
      %dma_wait3A_130 = tpu.memref_squeeze %dma_wait3A_129 : memref<1x392x128xi32, #tpu.memory_space<hbm>> -> memref<392x128xi32, #tpu.memory_space<hbm>>
      %dma_wait3A_131 = arith.constant 0 : i32
      %dma_wait3A_132 = arith.constant 0 : i32
      %dma_wait3A_133 = tpu.memref_slice %arg3[%arg1, %dma_wait3A_131, %dma_wait3A_132] : memref<16x392x128xi32, #tpu.memory_space<hbm>> -> memref<1x392x128xi32, #tpu.memory_space<hbm>>
      %dma_wait3A_134 = tpu.memref_squeeze %dma_wait3A_133 : memref<1x392x128xi32, #tpu.memory_space<hbm>> -> memref<392x128xi32, #tpu.memory_space<hbm>>
      tpu.wait_dma2 semaphore(%run_scoped3A : memref<!tpu.dma_semaphore, #tpu.memory_space<semaphore_mem>>) src(%dma_wait3A_134 : memref<392x128xi32, #tpu.memory_space<hbm>>) dst(%arg8 : memref<392x128xi32, #tpu.memory_space<vmem>>)
      tpu.yield
    }) : () -> ()
    %scan3A_19 = arith.constant 0 : i32
    %scan3A_20 = arith.constant 56 : i32
    %scan3A_21 = arith.addi %scan3A_19, %scan3A_20 : i32
    %scan3A_22 = arith.constant 1 : i32
    scf.for %scan3A_120 = %scan3A_19 to %scan3A_21 step %scan3A_22  : i32 {
      %mul3A_121 = arith.constant 1 : i32
      %mul3A_122 = arith.muli %scan3A_120, %mul3A_121 : i32
      %add3A_123 = arith.constant 0 : i32
      %add3A_124 = arith.addi %add3A_123, %mul3A_122 : i32
      %mul3A_125 = arith.constant 7 : i32
      %mul3A_126 = arith.muli %add3A_124, %mul3A_125 : i32
      %add3A_127 = arith.constant 0 : i32
      %add3A_128 = arith.addi %mul3A_126, %add3A_127 : i32
      %dma_start3A = arith.constant 0 : i32
      %dma_start3A_129 = arith.constant 0 : i32
      %dma_start3A_130 = tpu.memref_slice %arg8[%add3A_128, %dma_start3A_129] : memref<392x128xi32, #tpu.memory_space<vmem>> -> memref<1x128xi32, #tpu.memory_space<vmem>>
      %dma_start3A_131 = tpu.memref_squeeze %dma_start3A_130 : memref<1x128xi32, #tpu.memory_space<vmem>> -> memref<128xi32, #tpu.memory_space<vmem>>
      %dma_start3A_132 = arith.constant 0 : i32
      %dma_start3A_133 = tpu.memref_slice %arg16[%dma_start3A_132] : memref<50176xf32, #tpu.memory_space<vmem_shared>> -> memref<50176xf32, #tpu.memory_space<vmem_shared>>
      %dma_start3A_134 = tpu.memref_slice %arg17[%dma_start3A] : memref<4x!tpu.dma_semaphore, #tpu.memory_space<semaphore_mem>> -> memref<1x!tpu.dma_semaphore, #tpu.memory_space<semaphore_mem>>
      %dma_start3A_135 = tpu.memref_squeeze %dma_start3A_134 : memref<1x!tpu.dma_semaphore, #tpu.memory_space<semaphore_mem>> -> memref<!tpu.dma_semaphore, #tpu.memory_space<semaphore_mem>>
      tpu.enqueue_indirect_dma source(%arg11 : memref<128xf32, #tpu.memory_space<vmem>>) target(%dma_start3A_133 : memref<50176xf32, #tpu.memory_space<vmem_shared>>) offsets(%dma_start3A_131 : memref<128xi32, #tpu.memory_space<vmem>>) semaphore(%dma_start3A_135 : memref<!tpu.dma_semaphore, #tpu.memory_space<semaphore_mem>>) {add = true}
      %mul3A_136 = arith.constant 7 : i32
      %mul3A_137 = arith.muli %add3A_124, %mul3A_136 : i32
      %add3A_138 = arith.constant 1 : i32
      %add3A_139 = arith.addi %mul3A_137, %add3A_138 : i32
      %dma_start3A_140 = arith.constant 0 : i32
      %dma_start3A_141 = arith.constant 0 : i32
      %dma_start3A_142 = tpu.memref_slice %arg8[%add3A_139, %dma_start3A_141] : memref<392x128xi32, #tpu.memory_space<vmem>> -> memref<1x128xi32, #tpu.memory_space<vmem>>
      %dma_start3A_143 = tpu.memref_squeeze %dma_start3A_142 : memref<1x128xi32, #tpu.memory_space<vmem>> -> memref<128xi32, #tpu.memory_space<vmem>>
      %dma_start3A_144 = arith.constant 0 : i32
      %dma_start3A_145 = tpu.memref_slice %arg16[%dma_start3A_144] : memref<50176xf32, #tpu.memory_space<vmem_shared>> -> memref<50176xf32, #tpu.memory_space<vmem_shared>>
      %dma_start3A_146 = tpu.memref_slice %arg17[%dma_start3A_140] : memref<4x!tpu.dma_semaphore, #tpu.memory_space<semaphore_mem>> -> memref<1x!tpu.dma_semaphore, #tpu.memory_space<semaphore_mem>>
      %dma_start3A_147 = tpu.memref_squeeze %dma_start3A_146 : memref<1x!tpu.dma_semaphore, #tpu.memory_space<semaphore_mem>> -> memref<!tpu.dma_semaphore, #tpu.memory_space<semaphore_mem>>
      tpu.enqueue_indirect_dma source(%arg11 : memref<128xf32, #tpu.memory_space<vmem>>) target(%dma_start3A_145 : memref<50176xf32, #tpu.memory_space<vmem_shared>>) offsets(%dma_start3A_143 : memref<128xi32, #tpu.memory_space<vmem>>) semaphore(%dma_start3A_147 : memref<!tpu.dma_semaphore, #tpu.memory_space<semaphore_mem>>) {add = true}
      %mul3A_148 = arith.constant 7 : i32
      %mul3A_149 = arith.muli %add3A_124, %mul3A_148 : i32
      %add3A_150 = arith.constant 2 : i32
      %add3A_151 = arith.addi %mul3A_149, %add3A_150 : i32
      %dma_start3A_152 = arith.constant 0 : i32
      %dma_start3A_153 = arith.constant 0 : i32
      %dma_start3A_154 = tpu.memref_slice %arg8[%add3A_151, %dma_start3A_153] : memref<392x128xi32, #tpu.memory_space<vmem>> -> memref<1x128xi32, #tpu.memory_space<vmem>>
      %dma_start3A_155 = tpu.memref_squeeze %dma_start3A_154 : memref<1x128xi32, #tpu.memory_space<vmem>> -> memref<128xi32, #tpu.memory_space<vmem>>
      %dma_start3A_156 = arith.constant 0 : i32
      %dma_start3A_157 = tpu.memref_slice %arg16[%dma_start3A_156] : memref<50176xf32, #tpu.memory_space<vmem_shared>> -> memref<50176xf32, #tpu.memory_space<vmem_shared>>
      %dma_start3A_158 = tpu.memref_slice %arg17[%dma_start3A_152] : memref<4x!tpu.dma_semaphore, #tpu.memory_space<semaphore_mem>> -> memref<1x!tpu.dma_semaphore, #tpu.memory_space<semaphore_mem>>
      %dma_start3A_159 = tpu.memref_squeeze %dma_start3A_158 : memref<1x!tpu.dma_semaphore, #tpu.memory_space<semaphore_mem>> -> memref<!tpu.dma_semaphore, #tpu.memory_space<semaphore_mem>>
      tpu.enqueue_indirect_dma source(%arg11 : memref<128xf32, #tpu.memory_space<vmem>>) target(%dma_start3A_157 : memref<50176xf32, #tpu.memory_space<vmem_shared>>) offsets(%dma_start3A_155 : memref<128xi32, #tpu.memory_space<vmem>>) semaphore(%dma_start3A_159 : memref<!tpu.dma_semaphore, #tpu.memory_space<semaphore_mem>>) {add = true}
      %mul3A_160 = arith.constant 7 : i32
      %mul3A_161 = arith.muli %add3A_124, %mul3A_160 : i32
      %add3A_162 = arith.constant 3 : i32
      %add3A_163 = arith.addi %mul3A_161, %add3A_162 : i32
      %dma_start3A_164 = arith.constant 0 : i32
      %dma_start3A_165 = arith.constant 0 : i32
      %dma_start3A_166 = tpu.memref_slice %arg8[%add3A_163, %dma_start3A_165] : memref<392x128xi32, #tpu.memory_space<vmem>> -> memref<1x128xi32, #tpu.memory_space<vmem>>
      %dma_start3A_167 = tpu.memref_squeeze %dma_start3A_166 : memref<1x128xi32, #tpu.memory_space<vmem>> -> memref<128xi32, #tpu.memory_space<vmem>>
      %dma_start3A_168 = arith.constant 0 : i32
      %dma_start3A_169 = tpu.memref_slice %arg16[%dma_start3A_168] : memref<50176xf32, #tpu.memory_space<vmem_shared>> -> memref<50176xf32, #tpu.memory_space<vmem_shared>>
      %dma_start3A_170 = tpu.memref_slice %arg17[%dma_start3A_164] : memref<4x!tpu.dma_semaphore, #tpu.memory_space<semaphore_mem>> -> memref<1x!tpu.dma_semaphore, #tpu.memory_space<semaphore_mem>>
      %dma_start3A_171 = tpu.memref_squeeze %dma_start3A_170 : memref<1x!tpu.dma_semaphore, #tpu.memory_space<semaphore_mem>> -> memref<!tpu.dma_semaphore, #tpu.memory_space<semaphore_mem>>
      tpu.enqueue_indirect_dma source(%arg11 : memref<128xf32, #tpu.memory_space<vmem>>) target(%dma_start3A_169 : memref<50176xf32, #tpu.memory_space<vmem_shared>>) offsets(%dma_start3A_167 : memref<128xi32, #tpu.memory_space<vmem>>) semaphore(%dma_start3A_171 : memref<!tpu.dma_semaphore, #tpu.memory_space<semaphore_mem>>) {add = true}
      %mul3A_172 = arith.constant 7 : i32
      %mul3A_173 = arith.muli %add3A_124, %mul3A_172 : i32
      %add3A_174 = arith.constant 4 : i32
      %add3A_175 = arith.addi %mul3A_173, %add3A_174 : i32
      %dma_start3A_176 = arith.constant 0 : i32
      %dma_start3A_177 = arith.constant 0 : i32
      %dma_start3A_178 = tpu.memref_slice %arg8[%add3A_175, %dma_start3A_177] : memref<392x128xi32, #tpu.memory_space<vmem>> -> memref<1x128xi32, #tpu.memory_space<vmem>>
      %dma_start3A_179 = tpu.memref_squeeze %dma_start3A_178 : memref<1x128xi32, #tpu.memory_space<vmem>> -> memref<128xi32, #tpu.memory_space<vmem>>
      %dma_start3A_180 = arith.constant 0 : i32
      %dma_start3A_181 = tpu.memref_slice %arg16[%dma_start3A_180] : memref<50176xf32, #tpu.memory_space<vmem_shared>> -> memref<50176xf32, #tpu.memory_space<vmem_shared>>
      %dma_start3A_182 = tpu.memref_slice %arg17[%dma_start3A_176] : memref<4x!tpu.dma_semaphore, #tpu.memory_space<semaphore_mem>> -> memref<1x!tpu.dma_semaphore, #tpu.memory_space<semaphore_mem>>
      %dma_start3A_183 = tpu.memref_squeeze %dma_start3A_182 : memref<1x!tpu.dma_semaphore, #tpu.memory_space<semaphore_mem>> -> memref<!tpu.dma_semaphore, #tpu.memory_space<semaphore_mem>>
      tpu.enqueue_indirect_dma source(%arg11 : memref<128xf32, #tpu.memory_space<vmem>>) target(%dma_start3A_181 : memref<50176xf32, #tpu.memory_space<vmem_shared>>) offsets(%dma_start3A_179 : memref<128xi32, #tpu.memory_space<vmem>>) semaphore(%dma_start3A_183 : memref<!tpu.dma_semaphore, #tpu.memory_space<semaphore_mem>>) {add = true}
      %mul3A_184 = arith.constant 7 : i32
      %mul3A_185 = arith.muli %add3A_124, %mul3A_184 : i32
      %add3A_186 = arith.constant 5 : i32
      %add3A_187 = arith.addi %mul3A_185, %add3A_186 : i32
      %dma_start3A_188 = arith.constant 0 : i32
      %dma_start3A_189 = arith.constant 0 : i32
      %dma_start3A_190 = tpu.memref_slice %arg8[%add3A_187, %dma_start3A_189] : memref<392x128xi32, #tpu.memory_space<vmem>> -> memref<1x128xi32, #tpu.memory_space<vmem>>
      %dma_start3A_191 = tpu.memref_squeeze %dma_start3A_190 : memref<1x128xi32, #tpu.memory_space<vmem>> -> memref<128xi32, #tpu.memory_space<vmem>>
      %dma_start3A_192 = arith.constant 0 : i32
      %dma_start3A_193 = tpu.memref_slice %arg16[%dma_start3A_192] : memref<50176xf32, #tpu.memory_space<vmem_shared>> -> memref<50176xf32, #tpu.memory_space<vmem_shared>>
      %dma_start3A_194 = tpu.memref_slice %arg17[%dma_start3A_188] : memref<4x!tpu.dma_semaphore, #tpu.memory_space<semaphore_mem>> -> memref<1x!tpu.dma_semaphore, #tpu.memory_space<semaphore_mem>>
      %dma_start3A_195 = tpu.memref_squeeze %dma_start3A_194 : memref<1x!tpu.dma_semaphore, #tpu.memory_space<semaphore_mem>> -> memref<!tpu.dma_semaphore, #tpu.memory_space<semaphore_mem>>
      tpu.enqueue_indirect_dma source(%arg11 : memref<128xf32, #tpu.memory_space<vmem>>) target(%dma_start3A_193 : memref<50176xf32, #tpu.memory_space<vmem_shared>>) offsets(%dma_start3A_191 : memref<128xi32, #tpu.memory_space<vmem>>) semaphore(%dma_start3A_195 : memref<!tpu.dma_semaphore, #tpu.memory_space<semaphore_mem>>) {add = true}
      %mul3A_196 = arith.constant 7 : i32
      %mul3A_197 = arith.muli %add3A_124, %mul3A_196 : i32
      %add3A_198 = arith.constant 6 : i32
      %add3A_199 = arith.addi %mul3A_197, %add3A_198 : i32
      %dma_start3A_200 = arith.constant 0 : i32
      %dma_start3A_201 = arith.constant 0 : i32
      %dma_start3A_202 = tpu.memref_slice %arg8[%add3A_199, %dma_start3A_201] : memref<392x128xi32, #tpu.memory_space<vmem>> -> memref<1x128xi32, #tpu.memory_space<vmem>>
      %dma_start3A_203 = tpu.memref_squeeze %dma_start3A_202 : memref<1x128xi32, #tpu.memory_space<vmem>> -> memref<128xi32, #tpu.memory_space<vmem>>
      %dma_start3A_204 = arith.constant 0 : i32
      %dma_start3A_205 = tpu.memref_slice %arg16[%dma_start3A_204] : memref<50176xf32, #tpu.memory_space<vmem_shared>> -> memref<50176xf32, #tpu.memory_space<vmem_shared>>
      %dma_start3A_206 = tpu.memref_slice %arg17[%dma_start3A_200] : memref<4x!tpu.dma_semaphore, #tpu.memory_space<semaphore_mem>> -> memref<1x!tpu.dma_semaphore, #tpu.memory_space<semaphore_mem>>
      %dma_start3A_207 = tpu.memref_squeeze %dma_start3A_206 : memref<1x!tpu.dma_semaphore, #tpu.memory_space<semaphore_mem>> -> memref<!tpu.dma_semaphore, #tpu.memory_space<semaphore_mem>>
      tpu.enqueue_indirect_dma source(%arg11 : memref<128xf32, #tpu.memory_space<vmem>>) target(%dma_start3A_205 : memref<50176xf32, #tpu.memory_space<vmem_shared>>) offsets(%dma_start3A_203 : memref<128xi32, #tpu.memory_space<vmem>>) semaphore(%dma_start3A_207 : memref<!tpu.dma_semaphore, #tpu.memory_space<semaphore_mem>>) {add = true}
      %mul3A_208 = arith.constant 7 : i32
      %mul3A_209 = arith.muli %add3A_124, %mul3A_208 : i32
      %add3A_210 = arith.constant 0 : i32
      %add3A_211 = arith.addi %mul3A_209, %add3A_210 : i32
      %dma_wait3A_212 = arith.constant 0 : i32
      %dma_wait3A_213 = arith.constant 0 : i32
      %dma_wait3A_214 = tpu.memref_slice %arg8[%add3A_211, %dma_wait3A_213] : memref<392x128xi32, #tpu.memory_space<vmem>> -> memref<1x128xi32, #tpu.memory_space<vmem>>
      %dma_wait3A_215 = tpu.memref_squeeze %dma_wait3A_214 : memref<1x128xi32, #tpu.memory_space<vmem>> -> memref<128xi32, #tpu.memory_space<vmem>>
      %dma_wait3A_216 = arith.constant 0 : i32
      %dma_wait3A_217 = tpu.memref_slice %arg16[%dma_wait3A_216] : memref<50176xf32, #tpu.memory_space<vmem_shared>> -> memref<50176xf32, #tpu.memory_space<vmem_shared>>
      %dma_wait3A_218 = tpu.memref_slice %arg17[%dma_wait3A_212] : memref<4x!tpu.dma_semaphore, #tpu.memory_space<semaphore_mem>> -> memref<1x!tpu.dma_semaphore, #tpu.memory_space<semaphore_mem>>
      %dma_wait3A_219 = tpu.memref_squeeze %dma_wait3A_218 : memref<1x!tpu.dma_semaphore, #tpu.memory_space<semaphore_mem>> -> memref<!tpu.dma_semaphore, #tpu.memory_space<semaphore_mem>>
      tpu.wait_indirect_dma semaphore(%dma_wait3A_219 : memref<!tpu.dma_semaphore, #tpu.memory_space<semaphore_mem>>) src(%arg11 : memref<128xf32, #tpu.memory_space<vmem>>) dst(%dma_wait3A_217 : memref<50176xf32, #tpu.memory_space<vmem_shared>>)
      %mul3A_220 = arith.constant 7 : i32
      %mul3A_221 = arith.muli %add3A_124, %mul3A_220 : i32
      %add3A_222 = arith.constant 1 : i32
      %add3A_223 = arith.addi %mul3A_221, %add3A_222 : i32
      %dma_wait3A_224 = arith.constant 0 : i32
      %dma_wait3A_225 = arith.constant 0 : i32
      %dma_wait3A_226 = tpu.memref_slice %arg8[%add3A_223, %dma_wait3A_225] : memref<392x128xi32, #tpu.memory_space<vmem>> -> memref<1x128xi32, #tpu.memory_space<vmem>>
      %dma_wait3A_227 = tpu.memref_squeeze %dma_wait3A_226 : memref<1x128xi32, #tpu.memory_space<vmem>> -> memref<128xi32, #tpu.memory_space<vmem>>
      %dma_wait3A_228 = arith.constant 0 : i32
      %dma_wait3A_229 = tpu.memref_slice %arg16[%dma_wait3A_228] : memref<50176xf32, #tpu.memory_space<vmem_shared>> -> memref<50176xf32, #tpu.memory_space<vmem_shared>>
      %dma_wait3A_230 = tpu.memref_slice %arg17[%dma_wait3A_224] : memref<4x!tpu.dma_semaphore, #tpu.memory_space<semaphore_mem>> -> memref<1x!tpu.dma_semaphore, #tpu.memory_space<semaphore_mem>>
      %dma_wait3A_231 = tpu.memref_squeeze %dma_wait3A_230 : memref<1x!tpu.dma_semaphore, #tpu.memory_space<semaphore_mem>> -> memref<!tpu.dma_semaphore, #tpu.memory_space<semaphore_mem>>
      tpu.wait_indirect_dma semaphore(%dma_wait3A_231 : memref<!tpu.dma_semaphore, #tpu.memory_space<semaphore_mem>>) src(%arg11 : memref<128xf32, #tpu.memory_space<vmem>>) dst(%dma_wait3A_229 : memref<50176xf32, #tpu.memory_space<vmem_shared>>)
      %mul3A_232 = arith.constant 7 : i32
      %mul3A_233 = arith.muli %add3A_124, %mul3A_232 : i32
      %add3A_234 = arith.constant 2 : i32
      %add3A_235 = arith.addi %mul3A_233, %add3A_234 : i32
      %dma_wait3A_236 = arith.constant 0 : i32
      %dma_wait3A_237 = arith.constant 0 : i32
      %dma_wait3A_238 = tpu.memref_slice %arg8[%add3A_235, %dma_wait3A_237] : memref<392x128xi32, #tpu.memory_space<vmem>> -> memref<1x128xi32, #tpu.memory_space<vmem>>
      %dma_wait3A_239 = tpu.memref_squeeze %dma_wait3A_238 : memref<1x128xi32, #tpu.memory_space<vmem>> -> memref<128xi32, #tpu.memory_space<vmem>>
      %dma_wait3A_240 = arith.constant 0 : i32
      %dma_wait3A_241 = tpu.memref_slice %arg16[%dma_wait3A_240] : memref<50176xf32, #tpu.memory_space<vmem_shared>> -> memref<50176xf32, #tpu.memory_space<vmem_shared>>
      %dma_wait3A_242 = tpu.memref_slice %arg17[%dma_wait3A_236] : memref<4x!tpu.dma_semaphore, #tpu.memory_space<semaphore_mem>> -> memref<1x!tpu.dma_semaphore, #tpu.memory_space<semaphore_mem>>
      %dma_wait3A_243 = tpu.memref_squeeze %dma_wait3A_242 : memref<1x!tpu.dma_semaphore, #tpu.memory_space<semaphore_mem>> -> memref<!tpu.dma_semaphore, #tpu.memory_space<semaphore_mem>>
      tpu.wait_indirect_dma semaphore(%dma_wait3A_243 : memref<!tpu.dma_semaphore, #tpu.memory_space<semaphore_mem>>) src(%arg11 : memref<128xf32, #tpu.memory_space<vmem>>) dst(%dma_wait3A_241 : memref<50176xf32, #tpu.memory_space<vmem_shared>>)
      %mul3A_244 = arith.constant 7 : i32
      %mul3A_245 = arith.muli %add3A_124, %mul3A_244 : i32
      %add3A_246 = arith.constant 3 : i32
      %add3A_247 = arith.addi %mul3A_245, %add3A_246 : i32
      %dma_wait3A_248 = arith.constant 0 : i32
      %dma_wait3A_249 = arith.constant 0 : i32
      %dma_wait3A_250 = tpu.memref_slice %arg8[%add3A_247, %dma_wait3A_249] : memref<392x128xi32, #tpu.memory_space<vmem>> -> memref<1x128xi32, #tpu.memory_space<vmem>>
      %dma_wait3A_251 = tpu.memref_squeeze %dma_wait3A_250 : memref<1x128xi32, #tpu.memory_space<vmem>> -> memref<128xi32, #tpu.memory_space<vmem>>
      %dma_wait3A_252 = arith.constant 0 : i32
      %dma_wait3A_253 = tpu.memref_slice %arg16[%dma_wait3A_252] : memref<50176xf32, #tpu.memory_space<vmem_shared>> -> memref<50176xf32, #tpu.memory_space<vmem_shared>>
      %dma_wait3A_254 = tpu.memref_slice %arg17[%dma_wait3A_248] : memref<4x!tpu.dma_semaphore, #tpu.memory_space<semaphore_mem>> -> memref<1x!tpu.dma_semaphore, #tpu.memory_space<semaphore_mem>>
      %dma_wait3A_255 = tpu.memref_squeeze %dma_wait3A_254 : memref<1x!tpu.dma_semaphore, #tpu.memory_space<semaphore_mem>> -> memref<!tpu.dma_semaphore, #tpu.memory_space<semaphore_mem>>
      tpu.wait_indirect_dma semaphore(%dma_wait3A_255 : memref<!tpu.dma_semaphore, #tpu.memory_space<semaphore_mem>>) src(%arg11 : memref<128xf32, #tpu.memory_space<vmem>>) dst(%dma_wait3A_253 : memref<50176xf32, #tpu.memory_space<vmem_shared>>)
      %mul3A_256 = arith.constant 7 : i32
      %mul3A_257 = arith.muli %add3A_124, %mul3A_256 : i32
      %add3A_258 = arith.constant 4 : i32
      %add3A_259 = arith.addi %mul3A_257, %add3A_258 : i32
      %dma_wait3A_260 = arith.constant 0 : i32
      %dma_wait3A_261 = arith.constant 0 : i32
      %dma_wait3A_262 = tpu.memref_slice %arg8[%add3A_259, %dma_wait3A_261] : memref<392x128xi32, #tpu.memory_space<vmem>> -> memref<1x128xi32, #tpu.memory_space<vmem>>
      %dma_wait3A_263 = tpu.memref_squeeze %dma_wait3A_262 : memref<1x128xi32, #tpu.memory_space<vmem>> -> memref<128xi32, #tpu.memory_space<vmem>>
      %dma_wait3A_264 = arith.constant 0 : i32
      %dma_wait3A_265 = tpu.memref_slice %arg16[%dma_wait3A_264] : memref<50176xf32, #tpu.memory_space<vmem_shared>> -> memref<50176xf32, #tpu.memory_space<vmem_shared>>
      %dma_wait3A_266 = tpu.memref_slice %arg17[%dma_wait3A_260] : memref<4x!tpu.dma_semaphore, #tpu.memory_space<semaphore_mem>> -> memref<1x!tpu.dma_semaphore, #tpu.memory_space<semaphore_mem>>
      %dma_wait3A_267 = tpu.memref_squeeze %dma_wait3A_266 : memref<1x!tpu.dma_semaphore, #tpu.memory_space<semaphore_mem>> -> memref<!tpu.dma_semaphore, #tpu.memory_space<semaphore_mem>>
      tpu.wait_indirect_dma semaphore(%dma_wait3A_267 : memref<!tpu.dma_semaphore, #tpu.memory_space<semaphore_mem>>) src(%arg11 : memref<128xf32, #tpu.memory_space<vmem>>) dst(%dma_wait3A_265 : memref<50176xf32, #tpu.memory_space<vmem_shared>>)
      %mul3A_268 = arith.constant 7 : i32
      %mul3A_269 = arith.muli %add3A_124, %mul3A_268 : i32
      %add3A_270 = arith.constant 5 : i32
      %add3A_271 = arith.addi %mul3A_269, %add3A_270 : i32
      %dma_wait3A_272 = arith.constant 0 : i32
      %dma_wait3A_273 = arith.constant 0 : i32
      %dma_wait3A_274 = tpu.memref_slice %arg8[%add3A_271, %dma_wait3A_273] : memref<392x128xi32, #tpu.memory_space<vmem>> -> memref<1x128xi32, #tpu.memory_space<vmem>>
      %dma_wait3A_275 = tpu.memref_squeeze %dma_wait3A_274 : memref<1x128xi32, #tpu.memory_space<vmem>> -> memref<128xi32, #tpu.memory_space<vmem>>
      %dma_wait3A_276 = arith.constant 0 : i32
      %dma_wait3A_277 = tpu.memref_slice %arg16[%dma_wait3A_276] : memref<50176xf32, #tpu.memory_space<vmem_shared>> -> memref<50176xf32, #tpu.memory_space<vmem_shared>>
      %dma_wait3A_278 = tpu.memref_slice %arg17[%dma_wait3A_272] : memref<4x!tpu.dma_semaphore, #tpu.memory_space<semaphore_mem>> -> memref<1x!tpu.dma_semaphore, #tpu.memory_space<semaphore_mem>>
      %dma_wait3A_279 = tpu.memref_squeeze %dma_wait3A_278 : memref<1x!tpu.dma_semaphore, #tpu.memory_space<semaphore_mem>> -> memref<!tpu.dma_semaphore, #tpu.memory_space<semaphore_mem>>
      tpu.wait_indirect_dma semaphore(%dma_wait3A_279 : memref<!tpu.dma_semaphore, #tpu.memory_space<semaphore_mem>>) src(%arg11 : memref<128xf32, #tpu.memory_space<vmem>>) dst(%dma_wait3A_277 : memref<50176xf32, #tpu.memory_space<vmem_shared>>)
      %mul3A_280 = arith.constant 7 : i32
      %mul3A_281 = arith.muli %add3A_124, %mul3A_280 : i32
      %add3A_282 = arith.constant 6 : i32
      %add3A_283 = arith.addi %mul3A_281, %add3A_282 : i32
      %dma_wait3A_284 = arith.constant 0 : i32
      %dma_wait3A_285 = arith.constant 0 : i32
      %dma_wait3A_286 = tpu.memref_slice %arg8[%add3A_283, %dma_wait3A_285] : memref<392x128xi32, #tpu.memory_space<vmem>> -> memref<1x128xi32, #tpu.memory_space<vmem>>
      %dma_wait3A_287 = tpu.memref_squeeze %dma_wait3A_286 : memref<1x128xi32, #tpu.memory_space<vmem>> -> memref<128xi32, #tpu.memory_space<vmem>>
      %dma_wait3A_288 = arith.constant 0 : i32
      %dma_wait3A_289 = tpu.memref_slice %arg16[%dma_wait3A_288] : memref<50176xf32, #tpu.memory_space<vmem_shared>> -> memref<50176xf32, #tpu.memory_space<vmem_shared>>
      %dma_wait3A_290 = tpu.memref_slice %arg17[%dma_wait3A_284] : memref<4x!tpu.dma_semaphore, #tpu.memory_space<semaphore_mem>> -> memref<1x!tpu.dma_semaphore, #tpu.memory_space<semaphore_mem>>
      %dma_wait3A_291 = tpu.memref_squeeze %dma_wait3A_290 : memref<1x!tpu.dma_semaphore, #tpu.memory_space<semaphore_mem>> -> memref<!tpu.dma_semaphore, #tpu.memory_space<semaphore_mem>>
      tpu.wait_indirect_dma semaphore(%dma_wait3A_291 : memref<!tpu.dma_semaphore, #tpu.memory_space<semaphore_mem>>) src(%arg11 : memref<128xf32, #tpu.memory_space<vmem>>) dst(%dma_wait3A_289 : memref<50176xf32, #tpu.memory_space<vmem_shared>>)
    }
    %scan3A_23 = arith.constant 56 : i32
    %barrier3A_24 = arith.constant 0 : index
    tpu.barrier barrier_id(%barrier3A_24)
    "tpu.region"() ({
      %run_scoped3A = tpu.sem_alloc : memref<!tpu.dma_semaphore, #tpu.memory_space<semaphore_mem>>
      %dma_start3A = tpu.memref_slice %arg16[%mul3A_2] : memref<50176xf32, #tpu.memory_space<vmem_shared>> -> memref<3136xf32, #tpu.memory_space<vmem_shared>>
      %dma_start3A_120 = tpu.memref_slice %arg16[%mul3A_2] : memref<50176xf32, #tpu.memory_space<vmem_shared>> -> memref<3136xf32, #tpu.memory_space<vmem_shared>>
      tpu.enqueue_dma source(%dma_start3A_120 : memref<3136xf32, #tpu.memory_space<vmem_shared>>) target(%arg12 : memref<3136xf32, #tpu.memory_space<vmem>>) target_semaphore(%run_scoped3A : memref<!tpu.dma_semaphore, #tpu.memory_space<semaphore_mem>>)
      %dma_wait3A_121 = tpu.memref_slice %arg16[%mul3A_2] : memref<50176xf32, #tpu.memory_space<vmem_shared>> -> memref<3136xf32, #tpu.memory_space<vmem_shared>>
      %dma_wait3A_122 = tpu.memref_slice %arg16[%mul3A_2] : memref<50176xf32, #tpu.memory_space<vmem_shared>> -> memref<3136xf32, #tpu.memory_space<vmem_shared>>
      tpu.wait_dma2 semaphore(%run_scoped3A : memref<!tpu.dma_semaphore, #tpu.memory_space<semaphore_mem>>) src(%dma_wait3A_122 : memref<3136xf32, #tpu.memory_space<vmem_shared>>) dst(%arg12 : memref<3136xf32, #tpu.memory_space<vmem>>)
      tpu.yield
    }) : () -> ()
    "tpu.region"() ({
      %run_scoped3A = tpu.sem_alloc : memref<!tpu.dma_semaphore, #tpu.memory_space<semaphore_mem>>
      %dma_start3A = tpu.memref_slice %arg4[%mul3A_2] : memref<50176xf32, #tpu.memory_space<hbm>> -> memref<3136xf32, #tpu.memory_space<hbm>>
      %dma_start3A_120 = tpu.memref_slice %arg4[%mul3A_2] : memref<50176xf32, #tpu.memory_space<hbm>> -> memref<3136xf32, #tpu.memory_space<hbm>>
      tpu.enqueue_dma source(%dma_start3A_120 : memref<3136xf32, #tpu.memory_space<hbm>>) target(%arg13 : memref<3136xf32, #tpu.memory_space<vmem>>) target_semaphore(%run_scoped3A : memref<!tpu.dma_semaphore, #tpu.memory_space<semaphore_mem>>)
      %dma_wait3A_121 = tpu.memref_slice %arg4[%mul3A_2] : memref<50176xf32, #tpu.memory_space<hbm>> -> memref<3136xf32, #tpu.memory_space<hbm>>
      %dma_wait3A_122 = tpu.memref_slice %arg4[%mul3A_2] : memref<50176xf32, #tpu.memory_space<hbm>> -> memref<3136xf32, #tpu.memory_space<hbm>>
      tpu.wait_dma2 semaphore(%run_scoped3A : memref<!tpu.dma_semaphore, #tpu.memory_space<semaphore_mem>>) src(%dma_wait3A_122 : memref<3136xf32, #tpu.memory_space<hbm>>) dst(%arg13 : memref<3136xf32, #tpu.memory_space<vmem>>)
      tpu.yield
    }) : () -> ()
    %scan3A_25 = arith.constant 0 : i32
    %scan3A_26 = arith.constant 196 : i32
    %scan3A_27 = arith.addi %scan3A_25, %scan3A_26 : i32
    %scan3A_28 = arith.constant 1 : i32
    scf.for %scan3A_120 = %scan3A_25 to %scan3A_27 step %scan3A_28  : i32 {
      %mul3A_121 = arith.constant 1 : i32
      %mul3A_122 = arith.muli %scan3A_120, %mul3A_121 : i32
      %add3A_123 = arith.constant 0 : i32
      %add3A_124 = arith.addi %add3A_123, %mul3A_122 : i32
      %mul3A_125 = arith.constant 16 : i32
      %mul3A_126 = arith.muli %add3A_124, %mul3A_125 : i32
      %get3A = arith.index_cast %mul3A_126 : i32 to index
      %get3A_127 = tpu.vector_load %arg12[%get3A] {strides = array<i32>} : memref<3136xf32, #tpu.memory_space<vmem>>, vector<16xf32>,
      %add3A_128 = arith.constant 1.000000e+00 : f32
      %add3A_129 = vector.broadcast %add3A_128 : f32 to vector<16xf32>
      %add3A_130 = arith.addf %get3A_127, %add3A_129 : vector<16xf32>
      %bitcast3A = vector.bitcast %add3A_130 : vector<16xf32> to vector<16xi32>
      %shift_right_arithmetic3A = arith.constant 1 : i32
      %shift_right_arithmetic3A_131 = vector.broadcast %shift_right_arithmetic3A : i32 to vector<16xi32>
      %shift_right_arithmetic3A_132 = arith.shrsi %bitcast3A, %shift_right_arithmetic3A_131 : vector<16xi32>
      %sub3A_133 = arith.constant 1597463007 : i32
      %sub3A_134 = vector.broadcast %sub3A_133 : i32 to vector<16xi32>
      %sub3A_135 = arith.subi %sub3A_134, %shift_right_arithmetic3A_132 : vector<16xi32>
      %bitcast3A_136 = vector.bitcast %sub3A_135 : vector<16xi32> to vector<16xf32>
      %mul3A_137 = arith.constant 5.000000e-01 : f32
      %mul3A_138 = vector.broadcast %mul3A_137 : f32 to vector<16xf32>
      %mul3A_139 = arith.mulf %mul3A_138, %add3A_130 : vector<16xf32>
      %mul3A_140 = arith.mulf %mul3A_139, %bitcast3A_136 : vector<16xf32>
      %mul3A_141 = arith.mulf %mul3A_140, %bitcast3A_136 : vector<16xf32>
      %sub3A_142 = arith.constant 1.500000e+00 : f32
      %sub3A_143 = vector.broadcast %sub3A_142 : f32 to vector<16xf32>
      %sub3A_144 = arith.subf %sub3A_143, %mul3A_141 : vector<16xf32>
      %mul3A_145 = arith.mulf %bitcast3A_136, %sub3A_144 : vector<16xf32>
      %mul3A_146 = arith.mulf %mul3A_139, %mul3A_145 : vector<16xf32>
      %mul3A_147 = arith.mulf %mul3A_146, %mul3A_145 : vector<16xf32>
      %sub3A_148 = arith.constant 1.500000e+00 : f32
      %sub3A_149 = vector.broadcast %sub3A_148 : f32 to vector<16xf32>
      %sub3A_150 = arith.subf %sub3A_149, %mul3A_147 : vector<16xf32>
      %mul3A_151 = arith.mulf %mul3A_145, %sub3A_150 : vector<16xf32>
      %mul3A_152 = arith.mulf %mul3A_139, %mul3A_151 : vector<16xf32>
      %mul3A_153 = arith.mulf %mul3A_152, %mul3A_151 : vector<16xf32>
      %sub3A_154 = arith.constant 1.500000e+00 : f32
      %sub3A_155 = vector.broadcast %sub3A_154 : f32 to vector<16xf32>
      %sub3A_156 = arith.subf %sub3A_155, %mul3A_153 : vector<16xf32>
      %mul3A_157 = arith.mulf %mul3A_151, %sub3A_156 : vector<16xf32>
      %swap3A = arith.index_cast %mul3A_126 : i32 to index
      %swap3A_158 = tpu.vector_load %arg14[%swap3A] {strides = array<i32>} : memref<3136xf32, #tpu.memory_space<vmem>>, vector<16xf32>,
      tpu.vector_store %arg14[%swap3A], %mul3A_157 {strides = array<i32>} : memref<3136xf32, #tpu.memory_space<vmem>>, vector<16xf32>,
      %get3A_159 = arith.index_cast %mul3A_126 : i32 to index
      %get3A_160 = tpu.vector_load %arg13[%get3A_159] {strides = array<i32>} : memref<3136xf32, #tpu.memory_space<vmem>>, vector<16xf32>,
      %mul3A_161 = arith.mulf %get3A_160, %mul3A_157 : vector<16xf32>
      %swap3A_162 = arith.index_cast %mul3A_126 : i32 to index
      %swap3A_163 = tpu.vector_load %arg13[%swap3A_162] {strides = array<i32>} : memref<3136xf32, #tpu.memory_space<vmem>>, vector<16xf32>,
      tpu.vector_store %arg13[%swap3A_162], %mul3A_161 {strides = array<i32>} : memref<3136xf32, #tpu.memory_space<vmem>>, vector<16xf32>,
    }
    %scan3A_29 = arith.constant 196 : i32
    "tpu.region"() ({
      %run_scoped3A = tpu.sem_alloc : memref<!tpu.dma_semaphore, #tpu.memory_space<semaphore_mem>>
      %dma_start3A = tpu.memref_slice %arg15[%mul3A_2] : memref<50176xf32, #tpu.memory_space<vmem_shared>> -> memref<3136xf32, #tpu.memory_space<vmem_shared>>
      %dma_start3A_120 = tpu.memref_slice %arg15[%mul3A_2] : memref<50176xf32, #tpu.memory_space<vmem_shared>> -> memref<3136xf32, #tpu.memory_space<vmem_shared>>
      tpu.enqueue_dma source(%arg13 : memref<3136xf32, #tpu.memory_space<vmem>>) target(%dma_start3A_120 : memref<3136xf32, #tpu.memory_space<vmem_shared>>) target_semaphore(%run_scoped3A : memref<!tpu.dma_semaphore, #tpu.memory_space<semaphore_mem>>)
      %dma_wait3A_121 = tpu.memref_slice %arg15[%mul3A_2] : memref<50176xf32, #tpu.memory_space<vmem_shared>> -> memref<3136xf32, #tpu.memory_space<vmem_shared>>
      %dma_wait3A_122 = tpu.memref_slice %arg15[%mul3A_2] : memref<50176xf32, #tpu.memory_space<vmem_shared>> -> memref<3136xf32, #tpu.memory_space<vmem_shared>>
      tpu.wait_dma2 semaphore(%run_scoped3A : memref<!tpu.dma_semaphore, #tpu.memory_space<semaphore_mem>>) src(%arg13 : memref<3136xf32, #tpu.memory_space<vmem>>) dst(%dma_wait3A_122 : memref<3136xf32, #tpu.memory_space<vmem_shared>>)
      tpu.yield
    }) : () -> ()
    %eq3A = arith.constant 0 : i32
    %eq3A_30 = arith.cmpi eq, %arg0, %eq3A : i32
    %convert_element_type3A = arith.extui %eq3A_30 : i1 to i32
    %cond3A = arith.constant 0 : i32
    %cond3A_31 = arith.cmpi ne, %convert_element_type3A, %cond3A : i32
    scf.if %cond3A_31 {
      "tpu.region"() ({
        %run_scoped3A = tpu.sem_alloc : memref<!tpu.dma_semaphore, #tpu.memory_space<semaphore_mem>>
        %dma_start3A = tpu.memref_slice %arg6[%mul3A_2] : memref<50176xf32, #tpu.memory_space<hbm>> -> memref<3136xf32, #tpu.memory_space<hbm>>
        %dma_start3A_120 = tpu.memref_slice %arg6[%mul3A_2] : memref<50176xf32, #tpu.memory_space<hbm>> -> memref<3136xf32, #tpu.memory_space<hbm>>
        tpu.enqueue_dma source(%arg14 : memref<3136xf32, #tpu.memory_space<vmem>>) target(%dma_start3A_120 : memref<3136xf32, #tpu.memory_space<hbm>>) target_semaphore(%run_scoped3A : memref<!tpu.dma_semaphore, #tpu.memory_space<semaphore_mem>>)
        %dma_wait3A_121 = tpu.memref_slice %arg6[%mul3A_2] : memref<50176xf32, #tpu.memory_space<hbm>> -> memref<3136xf32, #tpu.memory_space<hbm>>
        %dma_wait3A_122 = tpu.memref_slice %arg6[%mul3A_2] : memref<50176xf32, #tpu.memory_space<hbm>> -> memref<3136xf32, #tpu.memory_space<hbm>>
        tpu.wait_dma2 semaphore(%run_scoped3A : memref<!tpu.dma_semaphore, #tpu.memory_space<semaphore_mem>>) src(%arg14 : memref<3136xf32, #tpu.memory_space<vmem>>) dst(%dma_wait3A_122 : memref<3136xf32, #tpu.memory_space<hbm>>)
        tpu.yield
      }) : () -> ()
    } else {
    }
    %barrier3A_32 = arith.constant 0 : index
    tpu.barrier barrier_id(%barrier3A_32)
    %scan3A_33 = arith.constant 0 : i32
    %scan3A_34 = arith.constant 25 : i32
    %scan3A_35 = arith.addi %scan3A_33, %scan3A_34 : i32
    %scan3A_36 = arith.constant 1 : i32
    scf.for %scan3A_120 = %scan3A_33 to %scan3A_35 step %scan3A_36  : i32 {
      %mul3A_121 = arith.constant 1 : i32
      %mul3A_122 = arith.muli %scan3A_120, %mul3A_121 : i32
      %add3A_123 = arith.constant 0 : i32
      %add3A_124 = arith.addi %add3A_123, %mul3A_122 : i32
      %mul3A_125 = arith.constant 16 : i32
      %mul3A_126 = arith.muli %add3A_124, %mul3A_125 : i32
      %add3A_127 = arith.addi %mul3A_126, %arg1 : i32
      %lt3A = arith.constant 392 : i32
      %lt3A_128 = arith.cmpi slt, %add3A_127, %lt3A : i32
      %convert_element_type3A_129 = arith.extui %lt3A_128 : i1 to i32
      %cond3A_130 = arith.constant 0 : i32
      %cond3A_131 = arith.cmpi ne, %convert_element_type3A_129, %cond3A_130 : i32
      scf.if %cond3A_131 {
        %mul3A_132 = arith.constant 128 : i32
        %mul3A_133 = arith.muli %add3A_127, %mul3A_132 : i32
        "tpu.region"() ({
          %run_scoped3A = tpu.sem_alloc : memref<!tpu.dma_semaphore, #tpu.memory_space<semaphore_mem>>
          %dma_start3A = tpu.memref_slice %arg16[%mul3A_133] : memref<50176xf32, #tpu.memory_space<vmem_shared>> -> memref<128xf32, #tpu.memory_space<vmem_shared>>
          %dma_start3A_134 = tpu.memref_slice %arg16[%mul3A_133] : memref<50176xf32, #tpu.memory_space<vmem_shared>> -> memref<128xf32, #tpu.memory_space<vmem_shared>>
          tpu.enqueue_dma source(%arg10 : memref<128xf32, #tpu.memory_space<vmem>>) target(%dma_start3A_134 : memref<128xf32, #tpu.memory_space<vmem_shared>>) target_semaphore(%run_scoped3A : memref<!tpu.dma_semaphore, #tpu.memory_space<semaphore_mem>>)
          %dma_wait3A_135 = tpu.memref_slice %arg16[%mul3A_133] : memref<50176xf32, #tpu.memory_space<vmem_shared>> -> memref<128xf32, #tpu.memory_space<vmem_shared>>
          %dma_wait3A_136 = tpu.memref_slice %arg16[%mul3A_133] : memref<50176xf32, #tpu.memory_space<vmem_shared>> -> memref<128xf32, #tpu.memory_space<vmem_shared>>
          tpu.wait_dma2 semaphore(%run_scoped3A : memref<!tpu.dma_semaphore, #tpu.memory_space<semaphore_mem>>) src(%arg10 : memref<128xf32, #tpu.memory_space<vmem>>) dst(%dma_wait3A_136 : memref<128xf32, #tpu.memory_space<vmem_shared>>)
          tpu.yield
        }) : () -> ()
      } else {
      }
    }
    %scan3A_37 = arith.constant 25 : i32
    %barrier3A_38 = arith.constant 0 : index
    tpu.barrier barrier_id(%barrier3A_38)
    "tpu.region"() ({
      %run_scoped3A = tpu.sem_alloc : memref<!tpu.dma_semaphore, #tpu.memory_space<semaphore_mem>>
      %dma_start3A = arith.constant 0 : i32
      %dma_start3A_120 = arith.constant 0 : i32
      %dma_start3A_121 = tpu.memref_slice %arg2[%add3A, %dma_start3A, %dma_start3A_120] : memref<32x196x128xi32, #tpu.memory_space<hbm>> -> memref<1x196x128xi32, #tpu.memory_space<hbm>>
      %dma_start3A_122 = tpu.memref_squeeze %dma_start3A_121 : memref<1x196x128xi32, #tpu.memory_space<hbm>> -> memref<196x128xi32, #tpu.memory_space<hbm>>
      %dma_start3A_123 = arith.constant 0 : i32
      %dma_start3A_124 = arith.constant 0 : i32
      %dma_start3A_125 = tpu.memref_slice %arg2[%add3A, %dma_start3A_123, %dma_start3A_124] : memref<32x196x128xi32, #tpu.memory_space<hbm>> -> memref<1x196x128xi32, #tpu.memory_space<hbm>>
      %dma_start3A_126 = tpu.memref_squeeze %dma_start3A_125 : memref<1x196x128xi32, #tpu.memory_space<hbm>> -> memref<196x128xi32, #tpu.memory_space<hbm>>
      tpu.enqueue_dma source(%dma_start3A_126 : memref<196x128xi32, #tpu.memory_space<hbm>>) target(%arg7 : memref<196x128xi32, #tpu.memory_space<vmem>>) target_semaphore(%run_scoped3A : memref<!tpu.dma_semaphore, #tpu.memory_space<semaphore_mem>>)
      %dma_wait3A_127 = arith.constant 0 : i32
      %dma_wait3A_128 = arith.constant 0 : i32
      %dma_wait3A_129 = tpu.memref_slice %arg2[%add3A, %dma_wait3A_127, %dma_wait3A_128] : memref<32x196x128xi32, #tpu.memory_space<hbm>> -> memref<1x196x128xi32, #tpu.memory_space<hbm>>
      %dma_wait3A_130 = tpu.memref_squeeze %dma_wait3A_129 : memref<1x196x128xi32, #tpu.memory_space<hbm>> -> memref<196x128xi32, #tpu.memory_space<hbm>>
      %dma_wait3A_131 = arith.constant 0 : i32
      %dma_wait3A_132 = arith.constant 0 : i32
      %dma_wait3A_133 = tpu.memref_slice %arg2[%add3A, %dma_wait3A_131, %dma_wait3A_132] : memref<32x196x128xi32, #tpu.memory_space<hbm>> -> memref<1x196x128xi32, #tpu.memory_space<hbm>>
      %dma_wait3A_134 = tpu.memref_squeeze %dma_wait3A_133 : memref<1x196x128xi32, #tpu.memory_space<hbm>> -> memref<196x128xi32, #tpu.memory_space<hbm>>
      tpu.wait_dma2 semaphore(%run_scoped3A : memref<!tpu.dma_semaphore, #tpu.memory_space<semaphore_mem>>) src(%dma_wait3A_134 : memref<196x128xi32, #tpu.memory_space<hbm>>) dst(%arg7 : memref<196x128xi32, #tpu.memory_space<vmem>>)
      tpu.yield
    }) : () -> ()
    %scan3A_39 = arith.constant 0 : i32
    %scan3A_40 = arith.constant 49 : i32
    %scan3A_41 = arith.addi %scan3A_39, %scan3A_40 : i32
    %scan3A_42 = arith.constant 1 : i32
    scf.for %scan3A_120 = %scan3A_39 to %scan3A_41 step %scan3A_42  : i32 {
      %mul3A_121 = arith.constant 1 : i32
      %mul3A_122 = arith.muli %scan3A_120, %mul3A_121 : i32
      %add3A_123 = arith.constant 0 : i32
      %add3A_124 = arith.addi %add3A_123, %mul3A_122 : i32
      %mul3A_125 = arith.constant 4 : i32
      %mul3A_126 = arith.muli %add3A_124, %mul3A_125 : i32
      %gt3A = arith.constant 0 : i32
      %gt3A_127 = arith.cmpi sgt, %add3A_124, %gt3A : i32
      %convert_element_type3A_128 = arith.extui %gt3A_127 : i1 to i32
      %cond3A_129 = arith.constant 0 : i32
      %cond3A_130 = arith.cmpi ne, %convert_element_type3A_128, %cond3A_129 : i32
      scf.if %cond3A_130 {
        %add3A_317 = arith.addi %mul3A_4, %mul3A_126 : i32
        %add3A_318 = arith.constant 0 : i32
        %add3A_319 = arith.addi %add3A_317, %add3A_318 : i32
        %sub3A_320 = arith.constant 4 : i32
        %sub3A_321 = arith.subi %add3A_319, %sub3A_320 : i32
        %dma_wait3A_322 = arith.constant 0 : i32
        %dma_wait3A_323 = arith.constant 0 : i32
        %dma_wait3A_324 = arith.constant 0 : i32
        %dma_wait3A_325 = tpu.memref_slice %arg9[%dma_wait3A_322, %dma_wait3A_324] : memref<4x128xf32, #tpu.memory_space<vmem>> -> memref<1x128xf32, #tpu.memory_space<vmem>>
        %dma_wait3A_326 = tpu.memref_squeeze %dma_wait3A_325 : memref<1x128xf32, #tpu.memory_space<vmem>> -> memref<128xf32, #tpu.memory_space<vmem>>
        %dma_wait3A_327 = arith.constant 0 : i32
        %dma_wait3A_328 = tpu.memref_slice %arg8[%sub3A_321, %dma_wait3A_327] : memref<392x128xi32, #tpu.memory_space<vmem>> -> memref<1x128xi32, #tpu.memory_space<vmem>>
        %dma_wait3A_329 = tpu.memref_squeeze %dma_wait3A_328 : memref<1x128xi32, #tpu.memory_space<vmem>> -> memref<128xi32, #tpu.memory_space<vmem>>
        %dma_wait3A_330 = arith.constant 0 : i32
        %dma_wait3A_331 = tpu.memref_slice %arg16[%dma_wait3A_330] : memref<50176xf32, #tpu.memory_space<vmem_shared>> -> memref<50176xf32, #tpu.memory_space<vmem_shared>>
        %dma_wait3A_332 = tpu.memref_slice %arg18[%dma_wait3A_323] : memref<4x!tpu.dma_semaphore, #tpu.memory_space<semaphore_mem>> -> memref<1x!tpu.dma_semaphore, #tpu.memory_space<semaphore_mem>>
        %dma_wait3A_333 = tpu.memref_squeeze %dma_wait3A_332 : memref<1x!tpu.dma_semaphore, #tpu.memory_space<semaphore_mem>> -> memref<!tpu.dma_semaphore, #tpu.memory_space<semaphore_mem>>
        tpu.wait_indirect_dma semaphore(%dma_wait3A_333 : memref<!tpu.dma_semaphore, #tpu.memory_space<semaphore_mem>>) src(%dma_wait3A_326 : memref<128xf32, #tpu.memory_space<vmem>>) dst(%dma_wait3A_331 : memref<50176xf32, #tpu.memory_space<vmem_shared>>)
      } else {
      }
      %add3A_131 = arith.constant 0 : i32
      %add3A_132 = arith.addi %mul3A_126, %add3A_131 : i32
      %dma_start3A = arith.constant 0 : i32
      %dma_start3A_133 = arith.constant 0 : i32
      %dma_start3A_134 = arith.constant 0 : i32
      %dma_start3A_135 = tpu.memref_slice %arg9[%dma_start3A, %dma_start3A_134] : memref<4x128xf32, #tpu.memory_space<vmem>> -> memref<1x128xf32, #tpu.memory_space<vmem>>
      %dma_start3A_136 = tpu.memref_squeeze %dma_start3A_135 : memref<1x128xf32, #tpu.memory_space<vmem>> -> memref<128xf32, #tpu.memory_space<vmem>>
      %dma_start3A_137 = arith.constant 0 : i32
      %dma_start3A_138 = tpu.memref_slice %arg7[%add3A_132, %dma_start3A_137] : memref<196x128xi32, #tpu.memory_space<vmem>> -> memref<1x128xi32, #tpu.memory_space<vmem>>
      %dma_start3A_139 = tpu.memref_squeeze %dma_start3A_138 : memref<1x128xi32, #tpu.memory_space<vmem>> -> memref<128xi32, #tpu.memory_space<vmem>>
      %dma_start3A_140 = arith.constant 0 : i32
      %dma_start3A_141 = tpu.memref_slice %arg15[%dma_start3A_140] : memref<50176xf32, #tpu.memory_space<vmem_shared>> -> memref<50176xf32, #tpu.memory_space<vmem_shared>>
      %dma_start3A_142 = tpu.memref_slice %arg17[%dma_start3A_133] : memref<4x!tpu.dma_semaphore, #tpu.memory_space<semaphore_mem>> -> memref<1x!tpu.dma_semaphore, #tpu.memory_space<semaphore_mem>>
      %dma_start3A_143 = tpu.memref_squeeze %dma_start3A_142 : memref<1x!tpu.dma_semaphore, #tpu.memory_space<semaphore_mem>> -> memref<!tpu.dma_semaphore, #tpu.memory_space<semaphore_mem>>
      tpu.enqueue_indirect_dma source(%dma_start3A_141 : memref<50176xf32, #tpu.memory_space<vmem_shared>>) target(%dma_start3A_136 : memref<128xf32, #tpu.memory_space<vmem>>) offsets(%dma_start3A_139 : memref<128xi32, #tpu.memory_space<vmem>>) semaphore(%dma_start3A_143 : memref<!tpu.dma_semaphore, #tpu.memory_space<semaphore_mem>>)
      %gt3A_144 = arith.constant 0 : i32
      %gt3A_145 = arith.cmpi sgt, %add3A_124, %gt3A_144 : i32
      %convert_element_type3A_146 = arith.extui %gt3A_145 : i1 to i32
      %cond3A_147 = arith.constant 0 : i32
      %cond3A_148 = arith.cmpi ne, %convert_element_type3A_146, %cond3A_147 : i32
      scf.if %cond3A_148 {
        %add3A_317 = arith.addi %mul3A_4, %mul3A_126 : i32
        %add3A_318 = arith.constant 1 : i32
        %add3A_319 = arith.addi %add3A_317, %add3A_318 : i32
        %sub3A_320 = arith.constant 4 : i32
        %sub3A_321 = arith.subi %add3A_319, %sub3A_320 : i32
        %dma_wait3A_322 = arith.constant 1 : i32
        %dma_wait3A_323 = arith.constant 1 : i32
        %dma_wait3A_324 = arith.constant 0 : i32
        %dma_wait3A_325 = tpu.memref_slice %arg9[%dma_wait3A_322, %dma_wait3A_324] : memref<4x128xf32, #tpu.memory_space<vmem>> -> memref<1x128xf32, #tpu.memory_space<vmem>>
        %dma_wait3A_326 = tpu.memref_squeeze %dma_wait3A_325 : memref<1x128xf32, #tpu.memory_space<vmem>> -> memref<128xf32, #tpu.memory_space<vmem>>
        %dma_wait3A_327 = arith.constant 0 : i32
        %dma_wait3A_328 = tpu.memref_slice %arg8[%sub3A_321, %dma_wait3A_327] : memref<392x128xi32, #tpu.memory_space<vmem>> -> memref<1x128xi32, #tpu.memory_space<vmem>>
        %dma_wait3A_329 = tpu.memref_squeeze %dma_wait3A_328 : memref<1x128xi32, #tpu.memory_space<vmem>> -> memref<128xi32, #tpu.memory_space<vmem>>
        %dma_wait3A_330 = arith.constant 0 : i32
        %dma_wait3A_331 = tpu.memref_slice %arg16[%dma_wait3A_330] : memref<50176xf32, #tpu.memory_space<vmem_shared>> -> memref<50176xf32, #tpu.memory_space<vmem_shared>>
        %dma_wait3A_332 = tpu.memref_slice %arg18[%dma_wait3A_323] : memref<4x!tpu.dma_semaphore, #tpu.memory_space<semaphore_mem>> -> memref<1x!tpu.dma_semaphore, #tpu.memory_space<semaphore_mem>>
        %dma_wait3A_333 = tpu.memref_squeeze %dma_wait3A_332 : memref<1x!tpu.dma_semaphore, #tpu.memory_space<semaphore_mem>> -> memref<!tpu.dma_semaphore, #tpu.memory_space<semaphore_mem>>
        tpu.wait_indirect_dma semaphore(%dma_wait3A_333 : memref<!tpu.dma_semaphore, #tpu.memory_space<semaphore_mem>>) src(%dma_wait3A_326 : memref<128xf32, #tpu.memory_space<vmem>>) dst(%dma_wait3A_331 : memref<50176xf32, #tpu.memory_space<vmem_shared>>)
      } else {
      }
      %add3A_149 = arith.constant 1 : i32
      %add3A_150 = arith.addi %mul3A_126, %add3A_149 : i32
      %dma_start3A_151 = arith.constant 1 : i32
      %dma_start3A_152 = arith.constant 1 : i32
      %dma_start3A_153 = arith.constant 0 : i32
      %dma_start3A_154 = tpu.memref_slice %arg9[%dma_start3A_151, %dma_start3A_153] : memref<4x128xf32, #tpu.memory_space<vmem>> -> memref<1x128xf32, #tpu.memory_space<vmem>>
      %dma_start3A_155 = tpu.memref_squeeze %dma_start3A_154 : memref<1x128xf32, #tpu.memory_space<vmem>> -> memref<128xf32, #tpu.memory_space<vmem>>
      %dma_start3A_156 = arith.constant 0 : i32
      %dma_start3A_157 = tpu.memref_slice %arg7[%add3A_150, %dma_start3A_156] : memref<196x128xi32, #tpu.memory_space<vmem>> -> memref<1x128xi32, #tpu.memory_space<vmem>>
      %dma_start3A_158 = tpu.memref_squeeze %dma_start3A_157 : memref<1x128xi32, #tpu.memory_space<vmem>> -> memref<128xi32, #tpu.memory_space<vmem>>
      %dma_start3A_159 = arith.constant 0 : i32
      %dma_start3A_160 = tpu.memref_slice %arg15[%dma_start3A_159] : memref<50176xf32, #tpu.memory_space<vmem_shared>> -> memref<50176xf32, #tpu.memory_space<vmem_shared>>
      %dma_start3A_161 = tpu.memref_slice %arg17[%dma_start3A_152] : memref<4x!tpu.dma_semaphore, #tpu.memory_space<semaphore_mem>> -> memref<1x!tpu.dma_semaphore, #tpu.memory_space<semaphore_mem>>
      %dma_start3A_162 = tpu.memref_squeeze %dma_start3A_161 : memref<1x!tpu.dma_semaphore, #tpu.memory_space<semaphore_mem>> -> memref<!tpu.dma_semaphore, #tpu.memory_space<semaphore_mem>>
      tpu.enqueue_indirect_dma source(%dma_start3A_160 : memref<50176xf32, #tpu.memory_space<vmem_shared>>) target(%dma_start3A_155 : memref<128xf32, #tpu.memory_space<vmem>>) offsets(%dma_start3A_158 : memref<128xi32, #tpu.memory_space<vmem>>) semaphore(%dma_start3A_162 : memref<!tpu.dma_semaphore, #tpu.memory_space<semaphore_mem>>)
      %gt3A_163 = arith.constant 0 : i32
      %gt3A_164 = arith.cmpi sgt, %add3A_124, %gt3A_163 : i32
      %convert_element_type3A_165 = arith.extui %gt3A_164 : i1 to i32
      %cond3A_166 = arith.constant 0 : i32
      %cond3A_167 = arith.cmpi ne, %convert_element_type3A_165, %cond3A_166 : i32
      scf.if %cond3A_167 {
        %add3A_317 = arith.addi %mul3A_4, %mul3A_126 : i32
        %add3A_318 = arith.constant 2 : i32
        %add3A_319 = arith.addi %add3A_317, %add3A_318 : i32
        %sub3A_320 = arith.constant 4 : i32
        %sub3A_321 = arith.subi %add3A_319, %sub3A_320 : i32
        %dma_wait3A_322 = arith.constant 2 : i32
        %dma_wait3A_323 = arith.constant 2 : i32
        %dma_wait3A_324 = arith.constant 0 : i32
        %dma_wait3A_325 = tpu.memref_slice %arg9[%dma_wait3A_322, %dma_wait3A_324] : memref<4x128xf32, #tpu.memory_space<vmem>> -> memref<1x128xf32, #tpu.memory_space<vmem>>
        %dma_wait3A_326 = tpu.memref_squeeze %dma_wait3A_325 : memref<1x128xf32, #tpu.memory_space<vmem>> -> memref<128xf32, #tpu.memory_space<vmem>>
        %dma_wait3A_327 = arith.constant 0 : i32
        %dma_wait3A_328 = tpu.memref_slice %arg8[%sub3A_321, %dma_wait3A_327] : memref<392x128xi32, #tpu.memory_space<vmem>> -> memref<1x128xi32, #tpu.memory_space<vmem>>
        %dma_wait3A_329 = tpu.memref_squeeze %dma_wait3A_328 : memref<1x128xi32, #tpu.memory_space<vmem>> -> memref<128xi32, #tpu.memory_space<vmem>>
        %dma_wait3A_330 = arith.constant 0 : i32
        %dma_wait3A_331 = tpu.memref_slice %arg16[%dma_wait3A_330] : memref<50176xf32, #tpu.memory_space<vmem_shared>> -> memref<50176xf32, #tpu.memory_space<vmem_shared>>
        %dma_wait3A_332 = tpu.memref_slice %arg18[%dma_wait3A_323] : memref<4x!tpu.dma_semaphore, #tpu.memory_space<semaphore_mem>> -> memref<1x!tpu.dma_semaphore, #tpu.memory_space<semaphore_mem>>
        %dma_wait3A_333 = tpu.memref_squeeze %dma_wait3A_332 : memref<1x!tpu.dma_semaphore, #tpu.memory_space<semaphore_mem>> -> memref<!tpu.dma_semaphore, #tpu.memory_space<semaphore_mem>>
        tpu.wait_indirect_dma semaphore(%dma_wait3A_333 : memref<!tpu.dma_semaphore, #tpu.memory_space<semaphore_mem>>) src(%dma_wait3A_326 : memref<128xf32, #tpu.memory_space<vmem>>) dst(%dma_wait3A_331 : memref<50176xf32, #tpu.memory_space<vmem_shared>>)
      } else {
      }
      %add3A_168 = arith.constant 2 : i32
      %add3A_169 = arith.addi %mul3A_126, %add3A_168 : i32
      %dma_start3A_170 = arith.constant 2 : i32
      %dma_start3A_171 = arith.constant 2 : i32
      %dma_start3A_172 = arith.constant 0 : i32
      %dma_start3A_173 = tpu.memref_slice %arg9[%dma_start3A_170, %dma_start3A_172] : memref<4x128xf32, #tpu.memory_space<vmem>> -> memref<1x128xf32, #tpu.memory_space<vmem>>
      %dma_start3A_174 = tpu.memref_squeeze %dma_start3A_173 : memref<1x128xf32, #tpu.memory_space<vmem>> -> memref<128xf32, #tpu.memory_space<vmem>>
      %dma_start3A_175 = arith.constant 0 : i32
      %dma_start3A_176 = tpu.memref_slice %arg7[%add3A_169, %dma_start3A_175] : memref<196x128xi32, #tpu.memory_space<vmem>> -> memref<1x128xi32, #tpu.memory_space<vmem>>
      %dma_start3A_177 = tpu.memref_squeeze %dma_start3A_176 : memref<1x128xi32, #tpu.memory_space<vmem>> -> memref<128xi32, #tpu.memory_space<vmem>>
      %dma_start3A_178 = arith.constant 0 : i32
      %dma_start3A_179 = tpu.memref_slice %arg15[%dma_start3A_178] : memref<50176xf32, #tpu.memory_space<vmem_shared>> -> memref<50176xf32, #tpu.memory_space<vmem_shared>>
      %dma_start3A_180 = tpu.memref_slice %arg17[%dma_start3A_171] : memref<4x!tpu.dma_semaphore, #tpu.memory_space<semaphore_mem>> -> memref<1x!tpu.dma_semaphore, #tpu.memory_space<semaphore_mem>>
      %dma_start3A_181 = tpu.memref_squeeze %dma_start3A_180 : memref<1x!tpu.dma_semaphore, #tpu.memory_space<semaphore_mem>> -> memref<!tpu.dma_semaphore, #tpu.memory_space<semaphore_mem>>
      tpu.enqueue_indirect_dma source(%dma_start3A_179 : memref<50176xf32, #tpu.memory_space<vmem_shared>>) target(%dma_start3A_174 : memref<128xf32, #tpu.memory_space<vmem>>) offsets(%dma_start3A_177 : memref<128xi32, #tpu.memory_space<vmem>>) semaphore(%dma_start3A_181 : memref<!tpu.dma_semaphore, #tpu.memory_space<semaphore_mem>>)
      %gt3A_182 = arith.constant 0 : i32
      %gt3A_183 = arith.cmpi sgt, %add3A_124, %gt3A_182 : i32
      %convert_element_type3A_184 = arith.extui %gt3A_183 : i1 to i32
      %cond3A_185 = arith.constant 0 : i32
      %cond3A_186 = arith.cmpi ne, %convert_element_type3A_184, %cond3A_185 : i32
      scf.if %cond3A_186 {
        %add3A_317 = arith.addi %mul3A_4, %mul3A_126 : i32
        %add3A_318 = arith.constant 3 : i32
        %add3A_319 = arith.addi %add3A_317, %add3A_318 : i32
        %sub3A_320 = arith.constant 4 : i32
        %sub3A_321 = arith.subi %add3A_319, %sub3A_320 : i32
        %dma_wait3A_322 = arith.constant 3 : i32
        %dma_wait3A_323 = arith.constant 3 : i32
        %dma_wait3A_324 = arith.constant 0 : i32
        %dma_wait3A_325 = tpu.memref_slice %arg9[%dma_wait3A_322, %dma_wait3A_324] : memref<4x128xf32, #tpu.memory_space<vmem>> -> memref<1x128xf32, #tpu.memory_space<vmem>>
        %dma_wait3A_326 = tpu.memref_squeeze %dma_wait3A_325 : memref<1x128xf32, #tpu.memory_space<vmem>> -> memref<128xf32, #tpu.memory_space<vmem>>
        %dma_wait3A_327 = arith.constant 0 : i32
        %dma_wait3A_328 = tpu.memref_slice %arg8[%sub3A_321, %dma_wait3A_327] : memref<392x128xi32, #tpu.memory_space<vmem>> -> memref<1x128xi32, #tpu.memory_space<vmem>>
        %dma_wait3A_329 = tpu.memref_squeeze %dma_wait3A_328 : memref<1x128xi32, #tpu.memory_space<vmem>> -> memref<128xi32, #tpu.memory_space<vmem>>
        %dma_wait3A_330 = arith.constant 0 : i32
        %dma_wait3A_331 = tpu.memref_slice %arg16[%dma_wait3A_330] : memref<50176xf32, #tpu.memory_space<vmem_shared>> -> memref<50176xf32, #tpu.memory_space<vmem_shared>>
        %dma_wait3A_332 = tpu.memref_slice %arg18[%dma_wait3A_323] : memref<4x!tpu.dma_semaphore, #tpu.memory_space<semaphore_mem>> -> memref<1x!tpu.dma_semaphore, #tpu.memory_space<semaphore_mem>>
        %dma_wait3A_333 = tpu.memref_squeeze %dma_wait3A_332 : memref<1x!tpu.dma_semaphore, #tpu.memory_space<semaphore_mem>> -> memref<!tpu.dma_semaphore, #tpu.memory_space<semaphore_mem>>
        tpu.wait_indirect_dma semaphore(%dma_wait3A_333 : memref<!tpu.dma_semaphore, #tpu.memory_space<semaphore_mem>>) src(%dma_wait3A_326 : memref<128xf32, #tpu.memory_space<vmem>>) dst(%dma_wait3A_331 : memref<50176xf32, #tpu.memory_space<vmem_shared>>)
      } else {
      }
      %add3A_187 = arith.constant 3 : i32
      %add3A_188 = arith.addi %mul3A_126, %add3A_187 : i32
      %dma_start3A_189 = arith.constant 3 : i32
      %dma_start3A_190 = arith.constant 3 : i32
      %dma_start3A_191 = arith.constant 0 : i32
      %dma_start3A_192 = tpu.memref_slice %arg9[%dma_start3A_189, %dma_start3A_191] : memref<4x128xf32, #tpu.memory_space<vmem>> -> memref<1x128xf32, #tpu.memory_space<vmem>>
      %dma_start3A_193 = tpu.memref_squeeze %dma_start3A_192 : memref<1x128xf32, #tpu.memory_space<vmem>> -> memref<128xf32, #tpu.memory_space<vmem>>
      %dma_start3A_194 = arith.constant 0 : i32
      %dma_start3A_195 = tpu.memref_slice %arg7[%add3A_188, %dma_start3A_194] : memref<196x128xi32, #tpu.memory_space<vmem>> -> memref<1x128xi32, #tpu.memory_space<vmem>>
      %dma_start3A_196 = tpu.memref_squeeze %dma_start3A_195 : memref<1x128xi32, #tpu.memory_space<vmem>> -> memref<128xi32, #tpu.memory_space<vmem>>
      %dma_start3A_197 = arith.constant 0 : i32
      %dma_start3A_198 = tpu.memref_slice %arg15[%dma_start3A_197] : memref<50176xf32, #tpu.memory_space<vmem_shared>> -> memref<50176xf32, #tpu.memory_space<vmem_shared>>
      %dma_start3A_199 = tpu.memref_slice %arg17[%dma_start3A_190] : memref<4x!tpu.dma_semaphore, #tpu.memory_space<semaphore_mem>> -> memref<1x!tpu.dma_semaphore, #tpu.memory_space<semaphore_mem>>
      %dma_start3A_200 = tpu.memref_squeeze %dma_start3A_199 : memref<1x!tpu.dma_semaphore, #tpu.memory_space<semaphore_mem>> -> memref<!tpu.dma_semaphore, #tpu.memory_space<semaphore_mem>>
      tpu.enqueue_indirect_dma source(%dma_start3A_198 : memref<50176xf32, #tpu.memory_space<vmem_shared>>) target(%dma_start3A_193 : memref<128xf32, #tpu.memory_space<vmem>>) offsets(%dma_start3A_196 : memref<128xi32, #tpu.memory_space<vmem>>) semaphore(%dma_start3A_200 : memref<!tpu.dma_semaphore, #tpu.memory_space<semaphore_mem>>)
      %add3A_201 = arith.constant 0 : i32
      %add3A_202 = arith.addi %mul3A_126, %add3A_201 : i32
      %dma_wait3A_203 = arith.constant 0 : i32
      %dma_wait3A_204 = arith.constant 0 : i32
      %dma_wait3A_205 = arith.constant 0 : i32
      %dma_wait3A_206 = tpu.memref_slice %arg9[%dma_wait3A_203, %dma_wait3A_205] : memref<4x128xf32, #tpu.memory_space<vmem>> -> memref<1x128xf32, #tpu.memory_space<vmem>>
      %dma_wait3A_207 = tpu.memref_squeeze %dma_wait3A_206 : memref<1x128xf32, #tpu.memory_space<vmem>> -> memref<128xf32, #tpu.memory_space<vmem>>
      %dma_wait3A_208 = arith.constant 0 : i32
      %dma_wait3A_209 = tpu.memref_slice %arg7[%add3A_202, %dma_wait3A_208] : memref<196x128xi32, #tpu.memory_space<vmem>> -> memref<1x128xi32, #tpu.memory_space<vmem>>
      %dma_wait3A_210 = tpu.memref_squeeze %dma_wait3A_209 : memref<1x128xi32, #tpu.memory_space<vmem>> -> memref<128xi32, #tpu.memory_space<vmem>>
      %dma_wait3A_211 = arith.constant 0 : i32
      %dma_wait3A_212 = tpu.memref_slice %arg15[%dma_wait3A_211] : memref<50176xf32, #tpu.memory_space<vmem_shared>> -> memref<50176xf32, #tpu.memory_space<vmem_shared>>
      %dma_wait3A_213 = tpu.memref_slice %arg17[%dma_wait3A_204] : memref<4x!tpu.dma_semaphore, #tpu.memory_space<semaphore_mem>> -> memref<1x!tpu.dma_semaphore, #tpu.memory_space<semaphore_mem>>
      %dma_wait3A_214 = tpu.memref_squeeze %dma_wait3A_213 : memref<1x!tpu.dma_semaphore, #tpu.memory_space<semaphore_mem>> -> memref<!tpu.dma_semaphore, #tpu.memory_space<semaphore_mem>>
      tpu.wait_indirect_dma semaphore(%dma_wait3A_214 : memref<!tpu.dma_semaphore, #tpu.memory_space<semaphore_mem>>) src(%dma_wait3A_212 : memref<50176xf32, #tpu.memory_space<vmem_shared>>) dst(%dma_wait3A_207 : memref<128xf32, #tpu.memory_space<vmem>>)
      %add3A_215 = arith.addi %mul3A_4, %mul3A_126 : i32
      %add3A_216 = arith.constant 0 : i32
      %add3A_217 = arith.addi %add3A_215, %add3A_216 : i32
      %dma_start3A_218 = arith.constant 0 : i32
      %dma_start3A_219 = arith.constant 0 : i32
      %dma_start3A_220 = arith.constant 0 : i32
      %dma_start3A_221 = tpu.memref_slice %arg9[%dma_start3A_218, %dma_start3A_220] : memref<4x128xf32, #tpu.memory_space<vmem>> -> memref<1x128xf32, #tpu.memory_space<vmem>>
      %dma_start3A_222 = tpu.memref_squeeze %dma_start3A_221 : memref<1x128xf32, #tpu.memory_space<vmem>> -> memref<128xf32, #tpu.memory_space<vmem>>
      %dma_start3A_223 = arith.constant 0 : i32
      %dma_start3A_224 = tpu.memref_slice %arg8[%add3A_217, %dma_start3A_223] : memref<392x128xi32, #tpu.memory_space<vmem>> -> memref<1x128xi32, #tpu.memory_space<vmem>>
      %dma_start3A_225 = tpu.memref_squeeze %dma_start3A_224 : memref<1x128xi32, #tpu.memory_space<vmem>> -> memref<128xi32, #tpu.memory_space<vmem>>
      %dma_start3A_226 = arith.constant 0 : i32
      %dma_start3A_227 = tpu.memref_slice %arg16[%dma_start3A_226] : memref<50176xf32, #tpu.memory_space<vmem_shared>> -> memref<50176xf32, #tpu.memory_space<vmem_shared>>
      %dma_start3A_228 = tpu.memref_slice %arg18[%dma_start3A_219] : memref<4x!tpu.dma_semaphore, #tpu.memory_space<semaphore_mem>> -> memref<1x!tpu.dma_semaphore, #tpu.memory_space<semaphore_mem>>
      %dma_start3A_229 = tpu.memref_squeeze %dma_start3A_228 : memref<1x!tpu.dma_semaphore, #tpu.memory_space<semaphore_mem>> -> memref<!tpu.dma_semaphore, #tpu.memory_space<semaphore_mem>>
      tpu.enqueue_indirect_dma source(%dma_start3A_222 : memref<128xf32, #tpu.memory_space<vmem>>) target(%dma_start3A_227 : memref<50176xf32, #tpu.memory_space<vmem_shared>>) offsets(%dma_start3A_225 : memref<128xi32, #tpu.memory_space<vmem>>) semaphore(%dma_start3A_229 : memref<!tpu.dma_semaphore, #tpu.memory_space<semaphore_mem>>) {add = true}
      %add3A_230 = arith.constant 1 : i32
      %add3A_231 = arith.addi %mul3A_126, %add3A_230 : i32
      %dma_wait3A_232 = arith.constant 1 : i32
      %dma_wait3A_233 = arith.constant 1 : i32
      %dma_wait3A_234 = arith.constant 0 : i32
      %dma_wait3A_235 = tpu.memref_slice %arg9[%dma_wait3A_232, %dma_wait3A_234] : memref<4x128xf32, #tpu.memory_space<vmem>> -> memref<1x128xf32, #tpu.memory_space<vmem>>
      %dma_wait3A_236 = tpu.memref_squeeze %dma_wait3A_235 : memref<1x128xf32, #tpu.memory_space<vmem>> -> memref<128xf32, #tpu.memory_space<vmem>>
      %dma_wait3A_237 = arith.constant 0 : i32
      %dma_wait3A_238 = tpu.memref_slice %arg7[%add3A_231, %dma_wait3A_237] : memref<196x128xi32, #tpu.memory_space<vmem>> -> memref<1x128xi32, #tpu.memory_space<vmem>>
      %dma_wait3A_239 = tpu.memref_squeeze %dma_wait3A_238 : memref<1x128xi32, #tpu.memory_space<vmem>> -> memref<128xi32, #tpu.memory_space<vmem>>
      %dma_wait3A_240 = arith.constant 0 : i32
      %dma_wait3A_241 = tpu.memref_slice %arg15[%dma_wait3A_240] : memref<50176xf32, #tpu.memory_space<vmem_shared>> -> memref<50176xf32, #tpu.memory_space<vmem_shared>>
      %dma_wait3A_242 = tpu.memref_slice %arg17[%dma_wait3A_233] : memref<4x!tpu.dma_semaphore, #tpu.memory_space<semaphore_mem>> -> memref<1x!tpu.dma_semaphore, #tpu.memory_space<semaphore_mem>>
      %dma_wait3A_243 = tpu.memref_squeeze %dma_wait3A_242 : memref<1x!tpu.dma_semaphore, #tpu.memory_space<semaphore_mem>> -> memref<!tpu.dma_semaphore, #tpu.memory_space<semaphore_mem>>
      tpu.wait_indirect_dma semaphore(%dma_wait3A_243 : memref<!tpu.dma_semaphore, #tpu.memory_space<semaphore_mem>>) src(%dma_wait3A_241 : memref<50176xf32, #tpu.memory_space<vmem_shared>>) dst(%dma_wait3A_236 : memref<128xf32, #tpu.memory_space<vmem>>)
      %add3A_244 = arith.addi %mul3A_4, %mul3A_126 : i32
      %add3A_245 = arith.constant 1 : i32
      %add3A_246 = arith.addi %add3A_244, %add3A_245 : i32
      %dma_start3A_247 = arith.constant 1 : i32
      %dma_start3A_248 = arith.constant 1 : i32
      %dma_start3A_249 = arith.constant 0 : i32
      %dma_start3A_250 = tpu.memref_slice %arg9[%dma_start3A_247, %dma_start3A_249] : memref<4x128xf32, #tpu.memory_space<vmem>> -> memref<1x128xf32, #tpu.memory_space<vmem>>
      %dma_start3A_251 = tpu.memref_squeeze %dma_start3A_250 : memref<1x128xf32, #tpu.memory_space<vmem>> -> memref<128xf32, #tpu.memory_space<vmem>>
      %dma_start3A_252 = arith.constant 0 : i32
      %dma_start3A_253 = tpu.memref_slice %arg8[%add3A_246, %dma_start3A_252] : memref<392x128xi32, #tpu.memory_space<vmem>> -> memref<1x128xi32, #tpu.memory_space<vmem>>
      %dma_start3A_254 = tpu.memref_squeeze %dma_start3A_253 : memref<1x128xi32, #tpu.memory_space<vmem>> -> memref<128xi32, #tpu.memory_space<vmem>>
      %dma_start3A_255 = arith.constant 0 : i32
      %dma_start3A_256 = tpu.memref_slice %arg16[%dma_start3A_255] : memref<50176xf32, #tpu.memory_space<vmem_shared>> -> memref<50176xf32, #tpu.memory_space<vmem_shared>>
      %dma_start3A_257 = tpu.memref_slice %arg18[%dma_start3A_248] : memref<4x!tpu.dma_semaphore, #tpu.memory_space<semaphore_mem>> -> memref<1x!tpu.dma_semaphore, #tpu.memory_space<semaphore_mem>>
      %dma_start3A_258 = tpu.memref_squeeze %dma_start3A_257 : memref<1x!tpu.dma_semaphore, #tpu.memory_space<semaphore_mem>> -> memref<!tpu.dma_semaphore, #tpu.memory_space<semaphore_mem>>
      tpu.enqueue_indirect_dma source(%dma_start3A_251 : memref<128xf32, #tpu.memory_space<vmem>>) target(%dma_start3A_256 : memref<50176xf32, #tpu.memory_space<vmem_shared>>) offsets(%dma_start3A_254 : memref<128xi32, #tpu.memory_space<vmem>>) semaphore(%dma_start3A_258 : memref<!tpu.dma_semaphore, #tpu.memory_space<semaphore_mem>>) {add = true}
      %add3A_259 = arith.constant 2 : i32
      %add3A_260 = arith.addi %mul3A_126, %add3A_259 : i32
      %dma_wait3A_261 = arith.constant 2 : i32
      %dma_wait3A_262 = arith.constant 2 : i32
      %dma_wait3A_263 = arith.constant 0 : i32
      %dma_wait3A_264 = tpu.memref_slice %arg9[%dma_wait3A_261, %dma_wait3A_263] : memref<4x128xf32, #tpu.memory_space<vmem>> -> memref<1x128xf32, #tpu.memory_space<vmem>>
      %dma_wait3A_265 = tpu.memref_squeeze %dma_wait3A_264 : memref<1x128xf32, #tpu.memory_space<vmem>> -> memref<128xf32, #tpu.memory_space<vmem>>
      %dma_wait3A_266 = arith.constant 0 : i32
      %dma_wait3A_267 = tpu.memref_slice %arg7[%add3A_260, %dma_wait3A_266] : memref<196x128xi32, #tpu.memory_space<vmem>> -> memref<1x128xi32, #tpu.memory_space<vmem>>
      %dma_wait3A_268 = tpu.memref_squeeze %dma_wait3A_267 : memref<1x128xi32, #tpu.memory_space<vmem>> -> memref<128xi32, #tpu.memory_space<vmem>>
      %dma_wait3A_269 = arith.constant 0 : i32
      %dma_wait3A_270 = tpu.memref_slice %arg15[%dma_wait3A_269] : memref<50176xf32, #tpu.memory_space<vmem_shared>> -> memref<50176xf32, #tpu.memory_space<vmem_shared>>
      %dma_wait3A_271 = tpu.memref_slice %arg17[%dma_wait3A_262] : memref<4x!tpu.dma_semaphore, #tpu.memory_space<semaphore_mem>> -> memref<1x!tpu.dma_semaphore, #tpu.memory_space<semaphore_mem>>
      %dma_wait3A_272 = tpu.memref_squeeze %dma_wait3A_271 : memref<1x!tpu.dma_semaphore, #tpu.memory_space<semaphore_mem>> -> memref<!tpu.dma_semaphore, #tpu.memory_space<semaphore_mem>>
      tpu.wait_indirect_dma semaphore(%dma_wait3A_272 : memref<!tpu.dma_semaphore, #tpu.memory_space<semaphore_mem>>) src(%dma_wait3A_270 : memref<50176xf32, #tpu.memory_space<vmem_shared>>) dst(%dma_wait3A_265 : memref<128xf32, #tpu.memory_space<vmem>>)
      %add3A_273 = arith.addi %mul3A_4, %mul3A_126 : i32
      %add3A_274 = arith.constant 2 : i32
      %add3A_275 = arith.addi %add3A_273, %add3A_274 : i32
      %dma_start3A_276 = arith.constant 2 : i32
      %dma_start3A_277 = arith.constant 2 : i32
      %dma_start3A_278 = arith.constant 0 : i32
      %dma_start3A_279 = tpu.memref_slice %arg9[%dma_start3A_276, %dma_start3A_278] : memref<4x128xf32, #tpu.memory_space<vmem>> -> memref<1x128xf32, #tpu.memory_space<vmem>>
      %dma_start3A_280 = tpu.memref_squeeze %dma_start3A_279 : memref<1x128xf32, #tpu.memory_space<vmem>> -> memref<128xf32, #tpu.memory_space<vmem>>
      %dma_start3A_281 = arith.constant 0 : i32
      %dma_start3A_282 = tpu.memref_slice %arg8[%add3A_275, %dma_start3A_281] : memref<392x128xi32, #tpu.memory_space<vmem>> -> memref<1x128xi32, #tpu.memory_space<vmem>>
      %dma_start3A_283 = tpu.memref_squeeze %dma_start3A_282 : memref<1x128xi32, #tpu.memory_space<vmem>> -> memref<128xi32, #tpu.memory_space<vmem>>
      %dma_start3A_284 = arith.constant 0 : i32
      %dma_start3A_285 = tpu.memref_slice %arg16[%dma_start3A_284] : memref<50176xf32, #tpu.memory_space<vmem_shared>> -> memref<50176xf32, #tpu.memory_space<vmem_shared>>
      %dma_start3A_286 = tpu.memref_slice %arg18[%dma_start3A_277] : memref<4x!tpu.dma_semaphore, #tpu.memory_space<semaphore_mem>> -> memref<1x!tpu.dma_semaphore, #tpu.memory_space<semaphore_mem>>
      %dma_start3A_287 = tpu.memref_squeeze %dma_start3A_286 : memref<1x!tpu.dma_semaphore, #tpu.memory_space<semaphore_mem>> -> memref<!tpu.dma_semaphore, #tpu.memory_space<semaphore_mem>>
      tpu.enqueue_indirect_dma source(%dma_start3A_280 : memref<128xf32, #tpu.memory_space<vmem>>) target(%dma_start3A_285 : memref<50176xf32, #tpu.memory_space<vmem_shared>>) offsets(%dma_start3A_283 : memref<128xi32, #tpu.memory_space<vmem>>) semaphore(%dma_start3A_287 : memref<!tpu.dma_semaphore, #tpu.memory_space<semaphore_mem>>) {add = true}
      %add3A_288 = arith.constant 3 : i32
      %add3A_289 = arith.addi %mul3A_126, %add3A_288 : i32
      %dma_wait3A_290 = arith.constant 3 : i32
      %dma_wait3A_291 = arith.constant 3 : i32
      %dma_wait3A_292 = arith.constant 0 : i32
      %dma_wait3A_293 = tpu.memref_slice %arg9[%dma_wait3A_290, %dma_wait3A_292] : memref<4x128xf32, #tpu.memory_space<vmem>> -> memref<1x128xf32, #tpu.memory_space<vmem>>
      %dma_wait3A_294 = tpu.memref_squeeze %dma_wait3A_293 : memref<1x128xf32, #tpu.memory_space<vmem>> -> memref<128xf32, #tpu.memory_space<vmem>>
      %dma_wait3A_295 = arith.constant 0 : i32
      %dma_wait3A_296 = tpu.memref_slice %arg7[%add3A_289, %dma_wait3A_295] : memref<196x128xi32, #tpu.memory_space<vmem>> -> memref<1x128xi32, #tpu.memory_space<vmem>>
      %dma_wait3A_297 = tpu.memref_squeeze %dma_wait3A_296 : memref<1x128xi32, #tpu.memory_space<vmem>> -> memref<128xi32, #tpu.memory_space<vmem>>
      %dma_wait3A_298 = arith.constant 0 : i32
      %dma_wait3A_299 = tpu.memref_slice %arg15[%dma_wait3A_298] : memref<50176xf32, #tpu.memory_space<vmem_shared>> -> memref<50176xf32, #tpu.memory_space<vmem_shared>>
      %dma_wait3A_300 = tpu.memref_slice %arg17[%dma_wait3A_291] : memref<4x!tpu.dma_semaphore, #tpu.memory_space<semaphore_mem>> -> memref<1x!tpu.dma_semaphore, #tpu.memory_space<semaphore_mem>>
      %dma_wait3A_301 = tpu.memref_squeeze %dma_wait3A_300 : memref<1x!tpu.dma_semaphore, #tpu.memory_space<semaphore_mem>> -> memref<!tpu.dma_semaphore, #tpu.memory_space<semaphore_mem>>
      tpu.wait_indirect_dma semaphore(%dma_wait3A_301 : memref<!tpu.dma_semaphore, #tpu.memory_space<semaphore_mem>>) src(%dma_wait3A_299 : memref<50176xf32, #tpu.memory_space<vmem_shared>>) dst(%dma_wait3A_294 : memref<128xf32, #tpu.memory_space<vmem>>)
      %add3A_302 = arith.addi %mul3A_4, %mul3A_126 : i32
      %add3A_303 = arith.constant 3 : i32
      %add3A_304 = arith.addi %add3A_302, %add3A_303 : i32
      %dma_start3A_305 = arith.constant 3 : i32
      %dma_start3A_306 = arith.constant 3 : i32
      %dma_start3A_307 = arith.constant 0 : i32
      %dma_start3A_308 = tpu.memref_slice %arg9[%dma_start3A_305, %dma_start3A_307] : memref<4x128xf32, #tpu.memory_space<vmem>> -> memref<1x128xf32, #tpu.memory_space<vmem>>
      %dma_start3A_309 = tpu.memref_squeeze %dma_start3A_308 : memref<1x128xf32, #tpu.memory_space<vmem>> -> memref<128xf32, #tpu.memory_space<vmem>>
      %dma_start3A_310 = arith.constant 0 : i32
      %dma_start3A_311 = tpu.memref_slice %arg8[%add3A_304, %dma_start3A_310] : memref<392x128xi32, #tpu.memory_space<vmem>> -> memref<1x128xi32, #tpu.memory_space<vmem>>
      %dma_start3A_312 = tpu.memref_squeeze %dma_start3A_311 : memref<1x128xi32, #tpu.memory_space<vmem>> -> memref<128xi32, #tpu.memory_space<vmem>>
      %dma_start3A_313 = arith.constant 0 : i32
      %dma_start3A_314 = tpu.memref_slice %arg16[%dma_start3A_313] : memref<50176xf32, #tpu.memory_space<vmem_shared>> -> memref<50176xf32, #tpu.memory_space<vmem_shared>>
      %dma_start3A_315 = tpu.memref_slice %arg18[%dma_start3A_306] : memref<4x!tpu.dma_semaphore, #tpu.memory_space<semaphore_mem>> -> memref<1x!tpu.dma_semaphore, #tpu.memory_space<semaphore_mem>>
      %dma_start3A_316 = tpu.memref_squeeze %dma_start3A_315 : memref<1x!tpu.dma_semaphore, #tpu.memory_space<semaphore_mem>> -> memref<!tpu.dma_semaphore, #tpu.memory_space<semaphore_mem>>
      tpu.enqueue_indirect_dma source(%dma_start3A_309 : memref<128xf32, #tpu.memory_space<vmem>>) target(%dma_start3A_314 : memref<50176xf32, #tpu.memory_space<vmem_shared>>) offsets(%dma_start3A_312 : memref<128xi32, #tpu.memory_space<vmem>>) semaphore(%dma_start3A_316 : memref<!tpu.dma_semaphore, #tpu.memory_space<semaphore_mem>>) {add = true}
    }
    %scan3A_43 = arith.constant 49 : i32
    %add3A_44 = arith.constant 196 : i32
    %add3A_45 = arith.addi %mul3A_4, %add3A_44 : i32
    %sub3A = arith.constant 4 : i32
    %sub3A_46 = arith.subi %add3A_45, %sub3A : i32
    %add3A_47 = arith.constant 0 : i32
    %add3A_48 = arith.addi %sub3A_46, %add3A_47 : i32
    %dma_wait3A = arith.constant 0 : i32
    %dma_wait3A_49 = arith.constant 0 : i32
    %dma_wait3A_50 = arith.constant 0 : i32
    %dma_wait3A_51 = tpu.memref_slice %arg9[%dma_wait3A, %dma_wait3A_50] : memref<4x128xf32, #tpu.memory_space<vmem>> -> memref<1x128xf32, #tpu.memory_space<vmem>>
    %dma_wait3A_52 = tpu.memref_squeeze %dma_wait3A_51 : memref<1x128xf32, #tpu.memory_space<vmem>> -> memref<128xf32, #tpu.memory_space<vmem>>
    %dma_wait3A_53 = arith.constant 0 : i32
    %dma_wait3A_54 = tpu.memref_slice %arg8[%add3A_48, %dma_wait3A_53] : memref<392x128xi32, #tpu.memory_space<vmem>> -> memref<1x128xi32, #tpu.memory_space<vmem>>
    %dma_wait3A_55 = tpu.memref_squeeze %dma_wait3A_54 : memref<1x128xi32, #tpu.memory_space<vmem>> -> memref<128xi32, #tpu.memory_space<vmem>>
    %dma_wait3A_56 = arith.constant 0 : i32
    %dma_wait3A_57 = tpu.memref_slice %arg16[%dma_wait3A_56] : memref<50176xf32, #tpu.memory_space<vmem_shared>> -> memref<50176xf32, #tpu.memory_space<vmem_shared>>
    %dma_wait3A_58 = tpu.memref_slice %arg18[%dma_wait3A_49] : memref<4x!tpu.dma_semaphore, #tpu.memory_space<semaphore_mem>> -> memref<1x!tpu.dma_semaphore, #tpu.memory_space<semaphore_mem>>
    %dma_wait3A_59 = tpu.memref_squeeze %dma_wait3A_58 : memref<1x!tpu.dma_semaphore, #tpu.memory_space<semaphore_mem>> -> memref<!tpu.dma_semaphore, #tpu.memory_space<semaphore_mem>>
    tpu.wait_indirect_dma semaphore(%dma_wait3A_59 : memref<!tpu.dma_semaphore, #tpu.memory_space<semaphore_mem>>) src(%dma_wait3A_52 : memref<128xf32, #tpu.memory_space<vmem>>) dst(%dma_wait3A_57 : memref<50176xf32, #tpu.memory_space<vmem_shared>>)
    %add3A_60 = arith.constant 196 : i32
    %add3A_61 = arith.addi %mul3A_4, %add3A_60 : i32
    %sub3A_62 = arith.constant 4 : i32
    %sub3A_63 = arith.subi %add3A_61, %sub3A_62 : i32
    %add3A_64 = arith.constant 1 : i32
    %add3A_65 = arith.addi %sub3A_63, %add3A_64 : i32
    %dma_wait3A_66 = arith.constant 1 : i32
    %dma_wait3A_67 = arith.constant 1 : i32
    %dma_wait3A_68 = arith.constant 0 : i32
    %dma_wait3A_69 = tpu.memref_slice %arg9[%dma_wait3A_66, %dma_wait3A_68] : memref<4x128xf32, #tpu.memory_space<vmem>> -> memref<1x128xf32, #tpu.memory_space<vmem>>
    %dma_wait3A_70 = tpu.memref_squeeze %dma_wait3A_69 : memref<1x128xf32, #tpu.memory_space<vmem>> -> memref<128xf32, #tpu.memory_space<vmem>>
    %dma_wait3A_71 = arith.constant 0 : i32
    %dma_wait3A_72 = tpu.memref_slice %arg8[%add3A_65, %dma_wait3A_71] : memref<392x128xi32, #tpu.memory_space<vmem>> -> memref<1x128xi32, #tpu.memory_space<vmem>>
    %dma_wait3A_73 = tpu.memref_squeeze %dma_wait3A_72 : memref<1x128xi32, #tpu.memory_space<vmem>> -> memref<128xi32, #tpu.memory_space<vmem>>
    %dma_wait3A_74 = arith.constant 0 : i32
    %dma_wait3A_75 = tpu.memref_slice %arg16[%dma_wait3A_74] : memref<50176xf32, #tpu.memory_space<vmem_shared>> -> memref<50176xf32, #tpu.memory_space<vmem_shared>>
    %dma_wait3A_76 = tpu.memref_slice %arg18[%dma_wait3A_67] : memref<4x!tpu.dma_semaphore, #tpu.memory_space<semaphore_mem>> -> memref<1x!tpu.dma_semaphore, #tpu.memory_space<semaphore_mem>>
    %dma_wait3A_77 = tpu.memref_squeeze %dma_wait3A_76 : memref<1x!tpu.dma_semaphore, #tpu.memory_space<semaphore_mem>> -> memref<!tpu.dma_semaphore, #tpu.memory_space<semaphore_mem>>
    tpu.wait_indirect_dma semaphore(%dma_wait3A_77 : memref<!tpu.dma_semaphore, #tpu.memory_space<semaphore_mem>>) src(%dma_wait3A_70 : memref<128xf32, #tpu.memory_space<vmem>>) dst(%dma_wait3A_75 : memref<50176xf32, #tpu.memory_space<vmem_shared>>)
    %add3A_78 = arith.constant 196 : i32
    %add3A_79 = arith.addi %mul3A_4, %add3A_78 : i32
    %sub3A_80 = arith.constant 4 : i32
    %sub3A_81 = arith.subi %add3A_79, %sub3A_80 : i32
    %add3A_82 = arith.constant 2 : i32
    %add3A_83 = arith.addi %sub3A_81, %add3A_82 : i32
    %dma_wait3A_84 = arith.constant 2 : i32
    %dma_wait3A_85 = arith.constant 2 : i32
    %dma_wait3A_86 = arith.constant 0 : i32
    %dma_wait3A_87 = tpu.memref_slice %arg9[%dma_wait3A_84, %dma_wait3A_86] : memref<4x128xf32, #tpu.memory_space<vmem>> -> memref<1x128xf32, #tpu.memory_space<vmem>>
    %dma_wait3A_88 = tpu.memref_squeeze %dma_wait3A_87 : memref<1x128xf32, #tpu.memory_space<vmem>> -> memref<128xf32, #tpu.memory_space<vmem>>
    %dma_wait3A_89 = arith.constant 0 : i32
    %dma_wait3A_90 = tpu.memref_slice %arg8[%add3A_83, %dma_wait3A_89] : memref<392x128xi32, #tpu.memory_space<vmem>> -> memref<1x128xi32, #tpu.memory_space<vmem>>
    %dma_wait3A_91 = tpu.memref_squeeze %dma_wait3A_90 : memref<1x128xi32, #tpu.memory_space<vmem>> -> memref<128xi32, #tpu.memory_space<vmem>>
    %dma_wait3A_92 = arith.constant 0 : i32
    %dma_wait3A_93 = tpu.memref_slice %arg16[%dma_wait3A_92] : memref<50176xf32, #tpu.memory_space<vmem_shared>> -> memref<50176xf32, #tpu.memory_space<vmem_shared>>
    %dma_wait3A_94 = tpu.memref_slice %arg18[%dma_wait3A_85] : memref<4x!tpu.dma_semaphore, #tpu.memory_space<semaphore_mem>> -> memref<1x!tpu.dma_semaphore, #tpu.memory_space<semaphore_mem>>
    %dma_wait3A_95 = tpu.memref_squeeze %dma_wait3A_94 : memref<1x!tpu.dma_semaphore, #tpu.memory_space<semaphore_mem>> -> memref<!tpu.dma_semaphore, #tpu.memory_space<semaphore_mem>>
    tpu.wait_indirect_dma semaphore(%dma_wait3A_95 : memref<!tpu.dma_semaphore, #tpu.memory_space<semaphore_mem>>) src(%dma_wait3A_88 : memref<128xf32, #tpu.memory_space<vmem>>) dst(%dma_wait3A_93 : memref<50176xf32, #tpu.memory_space<vmem_shared>>)
    %add3A_96 = arith.constant 196 : i32
    %add3A_97 = arith.addi %mul3A_4, %add3A_96 : i32
    %sub3A_98 = arith.constant 4 : i32
    %sub3A_99 = arith.subi %add3A_97, %sub3A_98 : i32
    %add3A_100 = arith.constant 3 : i32
    %add3A_101 = arith.addi %sub3A_99, %add3A_100 : i32
    %dma_wait3A_102 = arith.constant 3 : i32
    %dma_wait3A_103 = arith.constant 3 : i32
    %dma_wait3A_104 = arith.constant 0 : i32
    %dma_wait3A_105 = tpu.memref_slice %arg9[%dma_wait3A_102, %dma_wait3A_104] : memref<4x128xf32, #tpu.memory_space<vmem>> -> memref<1x128xf32, #tpu.memory_space<vmem>>
    %dma_wait3A_106 = tpu.memref_squeeze %dma_wait3A_105 : memref<1x128xf32, #tpu.memory_space<vmem>> -> memref<128xf32, #tpu.memory_space<vmem>>
    %dma_wait3A_107 = arith.constant 0 : i32
    %dma_wait3A_108 = tpu.memref_slice %arg8[%add3A_101, %dma_wait3A_107] : memref<392x128xi32, #tpu.memory_space<vmem>> -> memref<1x128xi32, #tpu.memory_space<vmem>>
    %dma_wait3A_109 = tpu.memref_squeeze %dma_wait3A_108 : memref<1x128xi32, #tpu.memory_space<vmem>> -> memref<128xi32, #tpu.memory_space<vmem>>
    %dma_wait3A_110 = arith.constant 0 : i32
    %dma_wait3A_111 = tpu.memref_slice %arg16[%dma_wait3A_110] : memref<50176xf32, #tpu.memory_space<vmem_shared>> -> memref<50176xf32, #tpu.memory_space<vmem_shared>>
    %dma_wait3A_112 = tpu.memref_slice %arg18[%dma_wait3A_103] : memref<4x!tpu.dma_semaphore, #tpu.memory_space<semaphore_mem>> -> memref<1x!tpu.dma_semaphore, #tpu.memory_space<semaphore_mem>>
    %dma_wait3A_113 = tpu.memref_squeeze %dma_wait3A_112 : memref<1x!tpu.dma_semaphore, #tpu.memory_space<semaphore_mem>> -> memref<!tpu.dma_semaphore, #tpu.memory_space<semaphore_mem>>
    tpu.wait_indirect_dma semaphore(%dma_wait3A_113 : memref<!tpu.dma_semaphore, #tpu.memory_space<semaphore_mem>>) src(%dma_wait3A_106 : memref<128xf32, #tpu.memory_space<vmem>>) dst(%dma_wait3A_111 : memref<50176xf32, #tpu.memory_space<vmem_shared>>)
    %barrier3A_114 = arith.constant 0 : index
    tpu.barrier barrier_id(%barrier3A_114)
    %scan3A_115 = arith.constant 0 : i32
    %scan3A_116 = arith.constant 25 : i32
    %scan3A_117 = arith.addi %scan3A_115, %scan3A_116 : i32
    %scan3A_118 = arith.constant 1 : i32
    scf.for %scan3A_120 = %scan3A_115 to %scan3A_117 step %scan3A_118  : i32 {
      %mul3A_121 = arith.constant 1 : i32
      %mul3A_122 = arith.muli %scan3A_120, %mul3A_121 : i32
      %add3A_123 = arith.constant 0 : i32
      %add3A_124 = arith.addi %add3A_123, %mul3A_122 : i32
      %mul3A_125 = arith.constant 16 : i32
      %mul3A_126 = arith.muli %add3A_124, %mul3A_125 : i32
      %add3A_127 = arith.addi %mul3A_126, %arg1 : i32
      %lt3A = arith.constant 392 : i32
      %lt3A_128 = arith.cmpi slt, %add3A_127, %lt3A : i32
      %convert_element_type3A_129 = arith.extui %lt3A_128 : i1 to i32
      %cond3A_130 = arith.constant 0 : i32
      %cond3A_131 = arith.cmpi ne, %convert_element_type3A_129, %cond3A_130 : i32
      scf.if %cond3A_131 {
        %mul3A_132 = arith.constant 128 : i32
        %mul3A_133 = arith.muli %add3A_127, %mul3A_132 : i32
        %mul3A_134 = arith.constant 50176 : i32
        %mul3A_135 = arith.muli %arg0, %mul3A_134 : i32
        %mul3A_136 = arith.constant 128 : i32
        %mul3A_137 = arith.muli %add3A_127, %mul3A_136 : i32
        %add3A_138 = arith.addi %mul3A_135, %mul3A_137 : i32
        "tpu.region"() ({
          %run_scoped3A = tpu.sem_alloc : memref<!tpu.dma_semaphore, #tpu.memory_space<semaphore_mem>>
          %dma_start3A = tpu.memref_slice %arg5[%add3A_138] : memref<100352xf32, #tpu.memory_space<hbm>> -> memref<128xf32, #tpu.memory_space<hbm>>
          %dma_start3A_139 = tpu.memref_slice %arg16[%mul3A_133] : memref<50176xf32, #tpu.memory_space<vmem_shared>> -> memref<128xf32, #tpu.memory_space<vmem_shared>>
          tpu.enqueue_dma source(%dma_start3A_139 : memref<128xf32, #tpu.memory_space<vmem_shared>>) target(%dma_start3A : memref<128xf32, #tpu.memory_space<hbm>>) target_semaphore(%run_scoped3A : memref<!tpu.dma_semaphore, #tpu.memory_space<semaphore_mem>>)
          %dma_wait3A_140 = tpu.memref_slice %arg5[%add3A_138] : memref<100352xf32, #tpu.memory_space<hbm>> -> memref<128xf32, #tpu.memory_space<hbm>>
          %dma_wait3A_141 = tpu.memref_slice %arg16[%mul3A_133] : memref<50176xf32, #tpu.memory_space<vmem_shared>> -> memref<128xf32, #tpu.memory_space<vmem_shared>>
          tpu.wait_dma2 semaphore(%run_scoped3A : memref<!tpu.dma_semaphore, #tpu.memory_space<semaphore_mem>>) src(%dma_wait3A_141 : memref<128xf32, #tpu.memory_space<vmem_shared>>) dst(%dma_wait3A_140 : memref<128xf32, #tpu.memory_space<hbm>>)
          tpu.yield
        }) : () -> ()
      } else {
      }
    }
    %scan3A_119 = arith.constant 25 : i32
    return
  }
}

#map = affine_map<(d0, d1) -> (0, 0, 0)>
#map1 = affine_map<(d0, d1) -> (0, 0)>
module attributes {stable_mosaic.version = 14 : i64} {
  func.func @_agg2_sc(%arg0: i32, %arg1: i32, %arg2: memref<16x392x128xi32, #tpu.memory_space<hbm>>, %arg3: memref<16x392x128xi32, #tpu.memory_space<hbm>>, %arg4: memref<50176x16xbf16, #tpu.memory_space<hbm>>, %arg5: memref<50176x16xbf16, #tpu.memory_space<hbm>>, %arg6: memref<50176x16xbf16, #tpu.memory_space<hbm>>, %arg7: memref<50176x16xbf16, #tpu.memory_space<hbm>>, %arg8: memref<50176x16xbf16, #tpu.memory_space<hbm>>, %arg9: memref<50176x16xbf16, #tpu.memory_space<hbm>>, %arg10: memref<50176x16xbf16, #tpu.memory_space<hbm>>, %arg11: memref<50176x16xbf16, #tpu.memory_space<hbm>>, %arg12: memref<392x128xi32, #tpu.memory_space<vmem>>, %arg13: memref<392x128xi32, #tpu.memory_space<vmem>>, %arg14: memref<4x128x16xbf16, #tpu.memory_space<vmem>>, %arg15: memref<128x16xbf16, #tpu.memory_space<vmem>>, %arg16: memref<50176x16xbf16, #tpu.memory_space<vmem_shared>>, %arg17: memref<4x!tpu.dma_semaphore, #tpu.memory_space<semaphore_mem>>, %arg18: memref<4x!tpu.dma_semaphore, #tpu.memory_space<semaphore_mem>>) attributes {dimension_semantics = [#tpu.dimension_semantics<core_parallel>, #tpu.dimension_semantics<subcore_parallel>], iteration_bounds = array<i64: 2, 16>, scalar_prefetch = 0 : i64, scratch_operands = 7 : i64, tpu.core_type = #tpu.core_type<sc_vector_subcore>, window_params = [{transform_indices = #map}, {transform_indices = #map}, {transform_indices = #map1}, {transform_indices = #map1}, {transform_indices = #map1}, {transform_indices = #map1}, {transform_indices = #map1}, {transform_indices = #map1}, {transform_indices = #map1}, {transform_indices = #map1}]} {
    %scan3A = arith.constant 0 : i32
    %scan3A_0 = arith.constant 64 : i32
    %scan3A_1 = arith.addi %scan3A, %scan3A_0 : i32
    %scan3A_2 = arith.constant 1 : i32
    scf.for %scan3A_11 = %scan3A to %scan3A_1 step %scan3A_2  : i32 {
      %mul3A = arith.constant 1 : i32
      %mul3A_12 = arith.muli %scan3A_11, %mul3A : i32
      %add3A = arith.constant 0 : i32
      %add3A_13 = arith.addi %add3A, %mul3A_12 : i32
      %broadcast_in_dim3A = arith.constant 0.000000e+00 : bf16
      %broadcast_in_dim3A_14 = vector.broadcast %broadcast_in_dim3A : bf16 to vector<2x16xbf16>
      %mul3A_15 = arith.constant 2 : i32
      %mul3A_16 = arith.muli %add3A_13, %mul3A_15 : i32
      %swap3A = arith.index_cast %mul3A_16 : i32 to index
      %swap3A_17 = arith.constant 0 : index
      %swap3A_18 = tpu.vector_load %arg15[%swap3A, %swap3A_17] {strides = array<i32>} : memref<128x16xbf16, #tpu.memory_space<vmem>>, vector<2x16xbf16>,
      %swap3A_19 = vector.shape_cast %swap3A_18 : vector<2x16xbf16> to vector<2x16xbf16>
      %swap3A_20 = vector.shape_cast %broadcast_in_dim3A_14 : vector<2x16xbf16> to vector<2x16xbf16>
      tpu.vector_store %arg15[%swap3A, %swap3A_17], %swap3A_20 {strides = array<i32>} : memref<128x16xbf16, #tpu.memory_space<vmem>>, vector<2x16xbf16>,
    }
    %scan3A_3 = arith.constant 64 : i32
    "tpu.region"() ({
      %run_scoped3A = tpu.sem_alloc : memref<!tpu.dma_semaphore, #tpu.memory_space<semaphore_mem>>
      %dma_start3A = arith.constant 0 : i32
      %dma_start3A_11 = arith.constant 0 : i32
      %dma_start3A_12 = tpu.memref_slice %arg3[%arg1, %dma_start3A, %dma_start3A_11] : memref<16x392x128xi32, #tpu.memory_space<hbm>> -> memref<1x392x128xi32, #tpu.memory_space<hbm>>
      %dma_start3A_13 = tpu.memref_squeeze %dma_start3A_12 : memref<1x392x128xi32, #tpu.memory_space<hbm>> -> memref<392x128xi32, #tpu.memory_space<hbm>>
      %dma_start3A_14 = arith.constant 0 : i32
      %dma_start3A_15 = arith.constant 0 : i32
      %dma_start3A_16 = tpu.memref_slice %arg3[%arg1, %dma_start3A_14, %dma_start3A_15] : memref<16x392x128xi32, #tpu.memory_space<hbm>> -> memref<1x392x128xi32, #tpu.memory_space<hbm>>
      %dma_start3A_17 = tpu.memref_squeeze %dma_start3A_16 : memref<1x392x128xi32, #tpu.memory_space<hbm>> -> memref<392x128xi32, #tpu.memory_space<hbm>>
      tpu.enqueue_dma source(%dma_start3A_17 : memref<392x128xi32, #tpu.memory_space<hbm>>) target(%arg13 : memref<392x128xi32, #tpu.memory_space<vmem>>) target_semaphore(%run_scoped3A : memref<!tpu.dma_semaphore, #tpu.memory_space<semaphore_mem>>)
      %dma_wait3A = arith.constant 0 : i32
      %dma_wait3A_18 = arith.constant 0 : i32
      %dma_wait3A_19 = tpu.memref_slice %arg3[%arg1, %dma_wait3A, %dma_wait3A_18] : memref<16x392x128xi32, #tpu.memory_space<hbm>> -> memref<1x392x128xi32, #tpu.memory_space<hbm>>
      %dma_wait3A_20 = tpu.memref_squeeze %dma_wait3A_19 : memref<1x392x128xi32, #tpu.memory_space<hbm>> -> memref<392x128xi32, #tpu.memory_space<hbm>>
      %dma_wait3A_21 = arith.constant 0 : i32
      %dma_wait3A_22 = arith.constant 0 : i32
      %dma_wait3A_23 = tpu.memref_slice %arg3[%arg1, %dma_wait3A_21, %dma_wait3A_22] : memref<16x392x128xi32, #tpu.memory_space<hbm>> -> memref<1x392x128xi32, #tpu.memory_space<hbm>>
      %dma_wait3A_24 = tpu.memref_squeeze %dma_wait3A_23 : memref<1x392x128xi32, #tpu.memory_space<hbm>> -> memref<392x128xi32, #tpu.memory_space<hbm>>
      tpu.wait_dma2 semaphore(%run_scoped3A : memref<!tpu.dma_semaphore, #tpu.memory_space<semaphore_mem>>) src(%dma_wait3A_24 : memref<392x128xi32, #tpu.memory_space<hbm>>) dst(%arg13 : memref<392x128xi32, #tpu.memory_space<vmem>>)
      tpu.yield
    }) : () -> ()
    "tpu.region"() ({
      %run_scoped3A = tpu.sem_alloc : memref<!tpu.dma_semaphore, #tpu.memory_space<semaphore_mem>>
      %dma_start3A = arith.constant 0 : i32
      %dma_start3A_11 = arith.constant 0 : i32
      %dma_start3A_12 = tpu.memref_slice %arg2[%arg1, %dma_start3A, %dma_start3A_11] : memref<16x392x128xi32, #tpu.memory_space<hbm>> -> memref<1x392x128xi32, #tpu.memory_space<hbm>>
      %dma_start3A_13 = tpu.memref_squeeze %dma_start3A_12 : memref<1x392x128xi32, #tpu.memory_space<hbm>> -> memref<392x128xi32, #tpu.memory_space<hbm>>
      %dma_start3A_14 = arith.constant 0 : i32
      %dma_start3A_15 = arith.constant 0 : i32
      %dma_start3A_16 = tpu.memref_slice %arg2[%arg1, %dma_start3A_14, %dma_start3A_15] : memref<16x392x128xi32, #tpu.memory_space<hbm>> -> memref<1x392x128xi32, #tpu.memory_space<hbm>>
      %dma_start3A_17 = tpu.memref_squeeze %dma_start3A_16 : memref<1x392x128xi32, #tpu.memory_space<hbm>> -> memref<392x128xi32, #tpu.memory_space<hbm>>
      tpu.enqueue_dma source(%dma_start3A_17 : memref<392x128xi32, #tpu.memory_space<hbm>>) target(%arg12 : memref<392x128xi32, #tpu.memory_space<vmem>>) target_semaphore(%run_scoped3A : memref<!tpu.dma_semaphore, #tpu.memory_space<semaphore_mem>>)
      %dma_wait3A = arith.constant 0 : i32
      %dma_wait3A_18 = arith.constant 0 : i32
      %dma_wait3A_19 = tpu.memref_slice %arg2[%arg1, %dma_wait3A, %dma_wait3A_18] : memref<16x392x128xi32, #tpu.memory_space<hbm>> -> memref<1x392x128xi32, #tpu.memory_space<hbm>>
      %dma_wait3A_20 = tpu.memref_squeeze %dma_wait3A_19 : memref<1x392x128xi32, #tpu.memory_space<hbm>> -> memref<392x128xi32, #tpu.memory_space<hbm>>
      %dma_wait3A_21 = arith.constant 0 : i32
      %dma_wait3A_22 = arith.constant 0 : i32
      %dma_wait3A_23 = tpu.memref_slice %arg2[%arg1, %dma_wait3A_21, %dma_wait3A_22] : memref<16x392x128xi32, #tpu.memory_space<hbm>> -> memref<1x392x128xi32, #tpu.memory_space<hbm>>
      %dma_wait3A_24 = tpu.memref_squeeze %dma_wait3A_23 : memref<1x392x128xi32, #tpu.memory_space<hbm>> -> memref<392x128xi32, #tpu.memory_space<hbm>>
      tpu.wait_dma2 semaphore(%run_scoped3A : memref<!tpu.dma_semaphore, #tpu.memory_space<semaphore_mem>>) src(%dma_wait3A_24 : memref<392x128xi32, #tpu.memory_space<hbm>>) dst(%arg12 : memref<392x128xi32, #tpu.memory_space<vmem>>)
      tpu.yield
    }) : () -> ()
    %eq3A = arith.constant 0 : i32
    %eq3A_4 = arith.cmpi eq, %arg0, %eq3A : i32
    %convert_element_type3A = arith.extui %eq3A_4 : i1 to i32
    %cond3A = arith.constant 0 : i32
    %cond3A_5 = arith.cmpi ne, %convert_element_type3A, %cond3A : i32
    scf.if %cond3A_5 {
      %scan3A_11 = arith.constant 0 : i32
      %scan3A_12 = arith.constant 25 : i32
      %scan3A_13 = arith.addi %scan3A_11, %scan3A_12 : i32
      %scan3A_14 = arith.constant 1 : i32
      scf.for %scan3A_165 = %scan3A_11 to %scan3A_13 step %scan3A_14  : i32 {
        %mul3A = arith.constant 1 : i32
        %mul3A_166 = arith.muli %scan3A_165, %mul3A : i32
        %add3A = arith.constant 0 : i32
        %add3A_167 = arith.addi %add3A, %mul3A_166 : i32
        %mul3A_168 = arith.constant 16 : i32
        %mul3A_169 = arith.muli %add3A_167, %mul3A_168 : i32
        %add3A_170 = arith.addi %mul3A_169, %arg1 : i32
        %lt3A = arith.constant 392 : i32
        %lt3A_171 = arith.cmpi slt, %add3A_170, %lt3A : i32
        %convert_element_type3A_172 = arith.extui %lt3A_171 : i1 to i32
        %cond3A_173 = arith.constant 0 : i32
        %cond3A_174 = arith.cmpi ne, %convert_element_type3A_172, %cond3A_173 : i32
        scf.if %cond3A_174 {
          %mul3A_175 = arith.constant 128 : i32
          %mul3A_176 = arith.muli %add3A_170, %mul3A_175 : i32
          "tpu.region"() ({
            %run_scoped3A = tpu.sem_alloc : memref<!tpu.dma_semaphore, #tpu.memory_space<semaphore_mem>>
            %dma_start3A = arith.constant 0 : i32
            %dma_start3A_177 = tpu.memref_slice %arg16[%mul3A_176, %dma_start3A] : memref<50176x16xbf16, #tpu.memory_space<vmem_shared>> -> memref<128x16xbf16, #tpu.memory_space<vmem_shared>>
            %dma_start3A_178 = arith.constant 0 : i32
            %dma_start3A_179 = tpu.memref_slice %arg16[%mul3A_176, %dma_start3A_178] : memref<50176x16xbf16, #tpu.memory_space<vmem_shared>> -> memref<128x16xbf16, #tpu.memory_space<vmem_shared>>
            tpu.enqueue_dma source(%arg15 : memref<128x16xbf16, #tpu.memory_space<vmem>>) target(%dma_start3A_179 : memref<128x16xbf16, #tpu.memory_space<vmem_shared>>) target_semaphore(%run_scoped3A : memref<!tpu.dma_semaphore, #tpu.memory_space<semaphore_mem>>)
            %dma_wait3A_180 = arith.constant 0 : i32
            %dma_wait3A_181 = tpu.memref_slice %arg16[%mul3A_176, %dma_wait3A_180] : memref<50176x16xbf16, #tpu.memory_space<vmem_shared>> -> memref<128x16xbf16, #tpu.memory_space<vmem_shared>>
            %dma_wait3A_182 = arith.constant 0 : i32
            %dma_wait3A_183 = tpu.memref_slice %arg16[%mul3A_176, %dma_wait3A_182] : memref<50176x16xbf16, #tpu.memory_space<vmem_shared>> -> memref<128x16xbf16, #tpu.memory_space<vmem_shared>>
            tpu.wait_dma2 semaphore(%run_scoped3A : memref<!tpu.dma_semaphore, #tpu.memory_space<semaphore_mem>>) src(%arg15 : memref<128x16xbf16, #tpu.memory_space<vmem>>) dst(%dma_wait3A_183 : memref<128x16xbf16, #tpu.memory_space<vmem_shared>>)
            tpu.yield
          }) : () -> ()
        } else {
        }
      }
      %scan3A_15 = arith.constant 25 : i32
      %barrier3A = arith.constant 0 : index
      tpu.barrier barrier_id(%barrier3A)
      %scan3A_16 = arith.constant 0 : i32
      %scan3A_17 = arith.constant 98 : i32
      %scan3A_18 = arith.addi %scan3A_16, %scan3A_17 : i32
      %scan3A_19 = arith.constant 1 : i32
      scf.for %scan3A_165 = %scan3A_16 to %scan3A_18 step %scan3A_19  : i32 {
        %mul3A = arith.constant 1 : i32
        %mul3A_166 = arith.muli %scan3A_165, %mul3A : i32
        %add3A = arith.constant 0 : i32
        %add3A_167 = arith.addi %add3A, %mul3A_166 : i32
        %mul3A_168 = arith.constant 4 : i32
        %mul3A_169 = arith.muli %add3A_167, %mul3A_168 : i32
        %gt3A = arith.constant 0 : i32
        %gt3A_170 = arith.cmpi sgt, %add3A_167, %gt3A : i32
        %convert_element_type3A_171 = arith.extui %gt3A_170 : i1 to i32
        %cond3A_172 = arith.constant 0 : i32
        %cond3A_173 = arith.cmpi ne, %convert_element_type3A_171, %cond3A_172 : i32
        scf.if %cond3A_173 {
          %add3A_380 = arith.constant 0 : i32
          %add3A_381 = arith.addi %mul3A_169, %add3A_380 : i32
          %sub3A = arith.constant 4 : i32
          %sub3A_382 = arith.subi %add3A_381, %sub3A : i32
          %dma_wait3A_383 = arith.constant 0 : i32
          %dma_wait3A_384 = arith.constant 0 : i32
          %dma_wait3A_385 = arith.constant 0 : i32
          %dma_wait3A_386 = arith.constant 0 : i32
          %dma_wait3A_387 = tpu.memref_slice %arg14[%dma_wait3A_383, %dma_wait3A_385, %dma_wait3A_386] : memref<4x128x16xbf16, #tpu.memory_space<vmem>> -> memref<1x128x16xbf16, #tpu.memory_space<vmem>>
          %dma_wait3A_388 = tpu.memref_squeeze %dma_wait3A_387 : memref<1x128x16xbf16, #tpu.memory_space<vmem>> -> memref<128x16xbf16, #tpu.memory_space<vmem>>
          %dma_wait3A_389 = arith.constant 0 : i32
          %dma_wait3A_390 = tpu.memref_slice %arg13[%sub3A_382, %dma_wait3A_389] : memref<392x128xi32, #tpu.memory_space<vmem>> -> memref<1x128xi32, #tpu.memory_space<vmem>>
          %dma_wait3A_391 = tpu.memref_squeeze %dma_wait3A_390 : memref<1x128xi32, #tpu.memory_space<vmem>> -> memref<128xi32, #tpu.memory_space<vmem>>
          %dma_wait3A_392 = arith.constant 0 : i32
          %dma_wait3A_393 = arith.constant 0 : i32
          %dma_wait3A_394 = tpu.memref_slice %arg16[%dma_wait3A_392, %dma_wait3A_393] : memref<50176x16xbf16, #tpu.memory_space<vmem_shared>> -> memref<50176x16xbf16, #tpu.memory_space<vmem_shared>>
          %dma_wait3A_395 = tpu.memref_slice %arg18[%dma_wait3A_384] : memref<4x!tpu.dma_semaphore, #tpu.memory_space<semaphore_mem>> -> memref<1x!tpu.dma_semaphore, #tpu.memory_space<semaphore_mem>>
          %dma_wait3A_396 = tpu.memref_squeeze %dma_wait3A_395 : memref<1x!tpu.dma_semaphore, #tpu.memory_space<semaphore_mem>> -> memref<!tpu.dma_semaphore, #tpu.memory_space<semaphore_mem>>
          tpu.wait_indirect_dma semaphore(%dma_wait3A_396 : memref<!tpu.dma_semaphore, #tpu.memory_space<semaphore_mem>>) src(%dma_wait3A_388 : memref<128x16xbf16, #tpu.memory_space<vmem>>) dst(%dma_wait3A_394 : memref<50176x16xbf16, #tpu.memory_space<vmem_shared>>)
        } else {
        }
        %add3A_174 = arith.constant 0 : i32
        %add3A_175 = arith.addi %mul3A_169, %add3A_174 : i32
        %dma_start3A = arith.constant 0 : i32
        %dma_start3A_176 = arith.constant 0 : i32
        %dma_start3A_177 = arith.constant 0 : i32
        %dma_start3A_178 = arith.constant 0 : i32
        %dma_start3A_179 = tpu.memref_slice %arg14[%dma_start3A, %dma_start3A_177, %dma_start3A_178] : memref<4x128x16xbf16, #tpu.memory_space<vmem>> -> memref<1x128x16xbf16, #tpu.memory_space<vmem>>
        %dma_start3A_180 = tpu.memref_squeeze %dma_start3A_179 : memref<1x128x16xbf16, #tpu.memory_space<vmem>> -> memref<128x16xbf16, #tpu.memory_space<vmem>>
        %dma_start3A_181 = arith.constant 0 : i32
        %dma_start3A_182 = tpu.memref_slice %arg12[%add3A_175, %dma_start3A_181] : memref<392x128xi32, #tpu.memory_space<vmem>> -> memref<1x128xi32, #tpu.memory_space<vmem>>
        %dma_start3A_183 = tpu.memref_squeeze %dma_start3A_182 : memref<1x128xi32, #tpu.memory_space<vmem>> -> memref<128xi32, #tpu.memory_space<vmem>>
        %dma_start3A_184 = arith.constant 0 : i32
        %dma_start3A_185 = arith.constant 0 : i32
        %dma_start3A_186 = tpu.memref_slice %arg4[%dma_start3A_184, %dma_start3A_185] : memref<50176x16xbf16, #tpu.memory_space<hbm>> -> memref<50176x16xbf16, #tpu.memory_space<hbm>>
        %dma_start3A_187 = tpu.memref_slice %arg17[%dma_start3A_176] : memref<4x!tpu.dma_semaphore, #tpu.memory_space<semaphore_mem>> -> memref<1x!tpu.dma_semaphore, #tpu.memory_space<semaphore_mem>>
        %dma_start3A_188 = tpu.memref_squeeze %dma_start3A_187 : memref<1x!tpu.dma_semaphore, #tpu.memory_space<semaphore_mem>> -> memref<!tpu.dma_semaphore, #tpu.memory_space<semaphore_mem>>
        tpu.enqueue_indirect_dma source(%dma_start3A_186 : memref<50176x16xbf16, #tpu.memory_space<hbm>>) target(%dma_start3A_180 : memref<128x16xbf16, #tpu.memory_space<vmem>>) offsets(%dma_start3A_183 : memref<128xi32, #tpu.memory_space<vmem>>) semaphore(%dma_start3A_188 : memref<!tpu.dma_semaphore, #tpu.memory_space<semaphore_mem>>)
        %gt3A_189 = arith.constant 0 : i32
        %gt3A_190 = arith.cmpi sgt, %add3A_167, %gt3A_189 : i32
        %convert_element_type3A_191 = arith.extui %gt3A_190 : i1 to i32
        %cond3A_192 = arith.constant 0 : i32
        %cond3A_193 = arith.cmpi ne, %convert_element_type3A_191, %cond3A_192 : i32
        scf.if %cond3A_193 {
          %add3A_380 = arith.constant 1 : i32
          %add3A_381 = arith.addi %mul3A_169, %add3A_380 : i32
          %sub3A = arith.constant 4 : i32
          %sub3A_382 = arith.subi %add3A_381, %sub3A : i32
          %dma_wait3A_383 = arith.constant 1 : i32
          %dma_wait3A_384 = arith.constant 1 : i32
          %dma_wait3A_385 = arith.constant 0 : i32
          %dma_wait3A_386 = arith.constant 0 : i32
          %dma_wait3A_387 = tpu.memref_slice %arg14[%dma_wait3A_383, %dma_wait3A_385, %dma_wait3A_386] : memref<4x128x16xbf16, #tpu.memory_space<vmem>> -> memref<1x128x16xbf16, #tpu.memory_space<vmem>>
          %dma_wait3A_388 = tpu.memref_squeeze %dma_wait3A_387 : memref<1x128x16xbf16, #tpu.memory_space<vmem>> -> memref<128x16xbf16, #tpu.memory_space<vmem>>
          %dma_wait3A_389 = arith.constant 0 : i32
          %dma_wait3A_390 = tpu.memref_slice %arg13[%sub3A_382, %dma_wait3A_389] : memref<392x128xi32, #tpu.memory_space<vmem>> -> memref<1x128xi32, #tpu.memory_space<vmem>>
          %dma_wait3A_391 = tpu.memref_squeeze %dma_wait3A_390 : memref<1x128xi32, #tpu.memory_space<vmem>> -> memref<128xi32, #tpu.memory_space<vmem>>
          %dma_wait3A_392 = arith.constant 0 : i32
          %dma_wait3A_393 = arith.constant 0 : i32
          %dma_wait3A_394 = tpu.memref_slice %arg16[%dma_wait3A_392, %dma_wait3A_393] : memref<50176x16xbf16, #tpu.memory_space<vmem_shared>> -> memref<50176x16xbf16, #tpu.memory_space<vmem_shared>>
          %dma_wait3A_395 = tpu.memref_slice %arg18[%dma_wait3A_384] : memref<4x!tpu.dma_semaphore, #tpu.memory_space<semaphore_mem>> -> memref<1x!tpu.dma_semaphore, #tpu.memory_space<semaphore_mem>>
          %dma_wait3A_396 = tpu.memref_squeeze %dma_wait3A_395 : memref<1x!tpu.dma_semaphore, #tpu.memory_space<semaphore_mem>> -> memref<!tpu.dma_semaphore, #tpu.memory_space<semaphore_mem>>
          tpu.wait_indirect_dma semaphore(%dma_wait3A_396 : memref<!tpu.dma_semaphore, #tpu.memory_space<semaphore_mem>>) src(%dma_wait3A_388 : memref<128x16xbf16, #tpu.memory_space<vmem>>) dst(%dma_wait3A_394 : memref<50176x16xbf16, #tpu.memory_space<vmem_shared>>)
        } else {
        }
        %add3A_194 = arith.constant 1 : i32
        %add3A_195 = arith.addi %mul3A_169, %add3A_194 : i32
        %dma_start3A_196 = arith.constant 1 : i32
        %dma_start3A_197 = arith.constant 1 : i32
        %dma_start3A_198 = arith.constant 0 : i32
        %dma_start3A_199 = arith.constant 0 : i32
        %dma_start3A_200 = tpu.memref_slice %arg14[%dma_start3A_196, %dma_start3A_198, %dma_start3A_199] : memref<4x128x16xbf16, #tpu.memory_space<vmem>> -> memref<1x128x16xbf16, #tpu.memory_space<vmem>>
        %dma_start3A_201 = tpu.memref_squeeze %dma_start3A_200 : memref<1x128x16xbf16, #tpu.memory_space<vmem>> -> memref<128x16xbf16, #tpu.memory_space<vmem>>
        %dma_start3A_202 = arith.constant 0 : i32
        %dma_start3A_203 = tpu.memref_slice %arg12[%add3A_195, %dma_start3A_202] : memref<392x128xi32, #tpu.memory_space<vmem>> -> memref<1x128xi32, #tpu.memory_space<vmem>>
        %dma_start3A_204 = tpu.memref_squeeze %dma_start3A_203 : memref<1x128xi32, #tpu.memory_space<vmem>> -> memref<128xi32, #tpu.memory_space<vmem>>
        %dma_start3A_205 = arith.constant 0 : i32
        %dma_start3A_206 = arith.constant 0 : i32
        %dma_start3A_207 = tpu.memref_slice %arg4[%dma_start3A_205, %dma_start3A_206] : memref<50176x16xbf16, #tpu.memory_space<hbm>> -> memref<50176x16xbf16, #tpu.memory_space<hbm>>
        %dma_start3A_208 = tpu.memref_slice %arg17[%dma_start3A_197] : memref<4x!tpu.dma_semaphore, #tpu.memory_space<semaphore_mem>> -> memref<1x!tpu.dma_semaphore, #tpu.memory_space<semaphore_mem>>
        %dma_start3A_209 = tpu.memref_squeeze %dma_start3A_208 : memref<1x!tpu.dma_semaphore, #tpu.memory_space<semaphore_mem>> -> memref<!tpu.dma_semaphore, #tpu.memory_space<semaphore_mem>>
        tpu.enqueue_indirect_dma source(%dma_start3A_207 : memref<50176x16xbf16, #tpu.memory_space<hbm>>) target(%dma_start3A_201 : memref<128x16xbf16, #tpu.memory_space<vmem>>) offsets(%dma_start3A_204 : memref<128xi32, #tpu.memory_space<vmem>>) semaphore(%dma_start3A_209 : memref<!tpu.dma_semaphore, #tpu.memory_space<semaphore_mem>>)
        %gt3A_210 = arith.constant 0 : i32
        %gt3A_211 = arith.cmpi sgt, %add3A_167, %gt3A_210 : i32
        %convert_element_type3A_212 = arith.extui %gt3A_211 : i1 to i32
        %cond3A_213 = arith.constant 0 : i32
        %cond3A_214 = arith.cmpi ne, %convert_element_type3A_212, %cond3A_213 : i32
        scf.if %cond3A_214 {
          %add3A_380 = arith.constant 2 : i32
          %add3A_381 = arith.addi %mul3A_169, %add3A_380 : i32
          %sub3A = arith.constant 4 : i32
          %sub3A_382 = arith.subi %add3A_381, %sub3A : i32
          %dma_wait3A_383 = arith.constant 2 : i32
          %dma_wait3A_384 = arith.constant 2 : i32
          %dma_wait3A_385 = arith.constant 0 : i32
          %dma_wait3A_386 = arith.constant 0 : i32
          %dma_wait3A_387 = tpu.memref_slice %arg14[%dma_wait3A_383, %dma_wait3A_385, %dma_wait3A_386] : memref<4x128x16xbf16, #tpu.memory_space<vmem>> -> memref<1x128x16xbf16, #tpu.memory_space<vmem>>
          %dma_wait3A_388 = tpu.memref_squeeze %dma_wait3A_387 : memref<1x128x16xbf16, #tpu.memory_space<vmem>> -> memref<128x16xbf16, #tpu.memory_space<vmem>>
          %dma_wait3A_389 = arith.constant 0 : i32
          %dma_wait3A_390 = tpu.memref_slice %arg13[%sub3A_382, %dma_wait3A_389] : memref<392x128xi32, #tpu.memory_space<vmem>> -> memref<1x128xi32, #tpu.memory_space<vmem>>
          %dma_wait3A_391 = tpu.memref_squeeze %dma_wait3A_390 : memref<1x128xi32, #tpu.memory_space<vmem>> -> memref<128xi32, #tpu.memory_space<vmem>>
          %dma_wait3A_392 = arith.constant 0 : i32
          %dma_wait3A_393 = arith.constant 0 : i32
          %dma_wait3A_394 = tpu.memref_slice %arg16[%dma_wait3A_392, %dma_wait3A_393] : memref<50176x16xbf16, #tpu.memory_space<vmem_shared>> -> memref<50176x16xbf16, #tpu.memory_space<vmem_shared>>
          %dma_wait3A_395 = tpu.memref_slice %arg18[%dma_wait3A_384] : memref<4x!tpu.dma_semaphore, #tpu.memory_space<semaphore_mem>> -> memref<1x!tpu.dma_semaphore, #tpu.memory_space<semaphore_mem>>
          %dma_wait3A_396 = tpu.memref_squeeze %dma_wait3A_395 : memref<1x!tpu.dma_semaphore, #tpu.memory_space<semaphore_mem>> -> memref<!tpu.dma_semaphore, #tpu.memory_space<semaphore_mem>>
          tpu.wait_indirect_dma semaphore(%dma_wait3A_396 : memref<!tpu.dma_semaphore, #tpu.memory_space<semaphore_mem>>) src(%dma_wait3A_388 : memref<128x16xbf16, #tpu.memory_space<vmem>>) dst(%dma_wait3A_394 : memref<50176x16xbf16, #tpu.memory_space<vmem_shared>>)
        } else {
        }
        %add3A_215 = arith.constant 2 : i32
        %add3A_216 = arith.addi %mul3A_169, %add3A_215 : i32
        %dma_start3A_217 = arith.constant 2 : i32
        %dma_start3A_218 = arith.constant 2 : i32
        %dma_start3A_219 = arith.constant 0 : i32
        %dma_start3A_220 = arith.constant 0 : i32
        %dma_start3A_221 = tpu.memref_slice %arg14[%dma_start3A_217, %dma_start3A_219, %dma_start3A_220] : memref<4x128x16xbf16, #tpu.memory_space<vmem>> -> memref<1x128x16xbf16, #tpu.memory_space<vmem>>
        %dma_start3A_222 = tpu.memref_squeeze %dma_start3A_221 : memref<1x128x16xbf16, #tpu.memory_space<vmem>> -> memref<128x16xbf16, #tpu.memory_space<vmem>>
        %dma_start3A_223 = arith.constant 0 : i32
        %dma_start3A_224 = tpu.memref_slice %arg12[%add3A_216, %dma_start3A_223] : memref<392x128xi32, #tpu.memory_space<vmem>> -> memref<1x128xi32, #tpu.memory_space<vmem>>
        %dma_start3A_225 = tpu.memref_squeeze %dma_start3A_224 : memref<1x128xi32, #tpu.memory_space<vmem>> -> memref<128xi32, #tpu.memory_space<vmem>>
        %dma_start3A_226 = arith.constant 0 : i32
        %dma_start3A_227 = arith.constant 0 : i32
        %dma_start3A_228 = tpu.memref_slice %arg4[%dma_start3A_226, %dma_start3A_227] : memref<50176x16xbf16, #tpu.memory_space<hbm>> -> memref<50176x16xbf16, #tpu.memory_space<hbm>>
        %dma_start3A_229 = tpu.memref_slice %arg17[%dma_start3A_218] : memref<4x!tpu.dma_semaphore, #tpu.memory_space<semaphore_mem>> -> memref<1x!tpu.dma_semaphore, #tpu.memory_space<semaphore_mem>>
        %dma_start3A_230 = tpu.memref_squeeze %dma_start3A_229 : memref<1x!tpu.dma_semaphore, #tpu.memory_space<semaphore_mem>> -> memref<!tpu.dma_semaphore, #tpu.memory_space<semaphore_mem>>
        tpu.enqueue_indirect_dma source(%dma_start3A_228 : memref<50176x16xbf16, #tpu.memory_space<hbm>>) target(%dma_start3A_222 : memref<128x16xbf16, #tpu.memory_space<vmem>>) offsets(%dma_start3A_225 : memref<128xi32, #tpu.memory_space<vmem>>) semaphore(%dma_start3A_230 : memref<!tpu.dma_semaphore, #tpu.memory_space<semaphore_mem>>)
        %gt3A_231 = arith.constant 0 : i32
        %gt3A_232 = arith.cmpi sgt, %add3A_167, %gt3A_231 : i32
        %convert_element_type3A_233 = arith.extui %gt3A_232 : i1 to i32
        %cond3A_234 = arith.constant 0 : i32
        %cond3A_235 = arith.cmpi ne, %convert_element_type3A_233, %cond3A_234 : i32
        scf.if %cond3A_235 {
          %add3A_380 = arith.constant 3 : i32
          %add3A_381 = arith.addi %mul3A_169, %add3A_380 : i32
          %sub3A = arith.constant 4 : i32
          %sub3A_382 = arith.subi %add3A_381, %sub3A : i32
          %dma_wait3A_383 = arith.constant 3 : i32
          %dma_wait3A_384 = arith.constant 3 : i32
          %dma_wait3A_385 = arith.constant 0 : i32
          %dma_wait3A_386 = arith.constant 0 : i32
          %dma_wait3A_387 = tpu.memref_slice %arg14[%dma_wait3A_383, %dma_wait3A_385, %dma_wait3A_386] : memref<4x128x16xbf16, #tpu.memory_space<vmem>> -> memref<1x128x16xbf16, #tpu.memory_space<vmem>>
          %dma_wait3A_388 = tpu.memref_squeeze %dma_wait3A_387 : memref<1x128x16xbf16, #tpu.memory_space<vmem>> -> memref<128x16xbf16, #tpu.memory_space<vmem>>
          %dma_wait3A_389 = arith.constant 0 : i32
          %dma_wait3A_390 = tpu.memref_slice %arg13[%sub3A_382, %dma_wait3A_389] : memref<392x128xi32, #tpu.memory_space<vmem>> -> memref<1x128xi32, #tpu.memory_space<vmem>>
          %dma_wait3A_391 = tpu.memref_squeeze %dma_wait3A_390 : memref<1x128xi32, #tpu.memory_space<vmem>> -> memref<128xi32, #tpu.memory_space<vmem>>
          %dma_wait3A_392 = arith.constant 0 : i32
          %dma_wait3A_393 = arith.constant 0 : i32
          %dma_wait3A_394 = tpu.memref_slice %arg16[%dma_wait3A_392, %dma_wait3A_393] : memref<50176x16xbf16, #tpu.memory_space<vmem_shared>> -> memref<50176x16xbf16, #tpu.memory_space<vmem_shared>>
          %dma_wait3A_395 = tpu.memref_slice %arg18[%dma_wait3A_384] : memref<4x!tpu.dma_semaphore, #tpu.memory_space<semaphore_mem>> -> memref<1x!tpu.dma_semaphore, #tpu.memory_space<semaphore_mem>>
          %dma_wait3A_396 = tpu.memref_squeeze %dma_wait3A_395 : memref<1x!tpu.dma_semaphore, #tpu.memory_space<semaphore_mem>> -> memref<!tpu.dma_semaphore, #tpu.memory_space<semaphore_mem>>
          tpu.wait_indirect_dma semaphore(%dma_wait3A_396 : memref<!tpu.dma_semaphore, #tpu.memory_space<semaphore_mem>>) src(%dma_wait3A_388 : memref<128x16xbf16, #tpu.memory_space<vmem>>) dst(%dma_wait3A_394 : memref<50176x16xbf16, #tpu.memory_space<vmem_shared>>)
        } else {
        }
        %add3A_236 = arith.constant 3 : i32
        %add3A_237 = arith.addi %mul3A_169, %add3A_236 : i32
        %dma_start3A_238 = arith.constant 3 : i32
        %dma_start3A_239 = arith.constant 3 : i32
        %dma_start3A_240 = arith.constant 0 : i32
        %dma_start3A_241 = arith.constant 0 : i32
        %dma_start3A_242 = tpu.memref_slice %arg14[%dma_start3A_238, %dma_start3A_240, %dma_start3A_241] : memref<4x128x16xbf16, #tpu.memory_space<vmem>> -> memref<1x128x16xbf16, #tpu.memory_space<vmem>>
        %dma_start3A_243 = tpu.memref_squeeze %dma_start3A_242 : memref<1x128x16xbf16, #tpu.memory_space<vmem>> -> memref<128x16xbf16, #tpu.memory_space<vmem>>
        %dma_start3A_244 = arith.constant 0 : i32
        %dma_start3A_245 = tpu.memref_slice %arg12[%add3A_237, %dma_start3A_244] : memref<392x128xi32, #tpu.memory_space<vmem>> -> memref<1x128xi32, #tpu.memory_space<vmem>>
        %dma_start3A_246 = tpu.memref_squeeze %dma_start3A_245 : memref<1x128xi32, #tpu.memory_space<vmem>> -> memref<128xi32, #tpu.memory_space<vmem>>
        %dma_start3A_247 = arith.constant 0 : i32
        %dma_start3A_248 = arith.constant 0 : i32
        %dma_start3A_249 = tpu.memref_slice %arg4[%dma_start3A_247, %dma_start3A_248] : memref<50176x16xbf16, #tpu.memory_space<hbm>> -> memref<50176x16xbf16, #tpu.memory_space<hbm>>
        %dma_start3A_250 = tpu.memref_slice %arg17[%dma_start3A_239] : memref<4x!tpu.dma_semaphore, #tpu.memory_space<semaphore_mem>> -> memref<1x!tpu.dma_semaphore, #tpu.memory_space<semaphore_mem>>
        %dma_start3A_251 = tpu.memref_squeeze %dma_start3A_250 : memref<1x!tpu.dma_semaphore, #tpu.memory_space<semaphore_mem>> -> memref<!tpu.dma_semaphore, #tpu.memory_space<semaphore_mem>>
        tpu.enqueue_indirect_dma source(%dma_start3A_249 : memref<50176x16xbf16, #tpu.memory_space<hbm>>) target(%dma_start3A_243 : memref<128x16xbf16, #tpu.memory_space<vmem>>) offsets(%dma_start3A_246 : memref<128xi32, #tpu.memory_space<vmem>>) semaphore(%dma_start3A_251 : memref<!tpu.dma_semaphore, #tpu.memory_space<semaphore_mem>>)
        %add3A_252 = arith.constant 0 : i32
        %add3A_253 = arith.addi %mul3A_169, %add3A_252 : i32
        %dma_wait3A_254 = arith.constant 0 : i32
        %dma_wait3A_255 = arith.constant 0 : i32
        %dma_wait3A_256 = arith.constant 0 : i32
        %dma_wait3A_257 = arith.constant 0 : i32
        %dma_wait3A_258 = tpu.memref_slice %arg14[%dma_wait3A_254, %dma_wait3A_256, %dma_wait3A_257] : memref<4x128x16xbf16, #tpu.memory_space<vmem>> -> memref<1x128x16xbf16, #tpu.memory_space<vmem>>
        %dma_wait3A_259 = tpu.memref_squeeze %dma_wait3A_258 : memref<1x128x16xbf16, #tpu.memory_space<vmem>> -> memref<128x16xbf16, #tpu.memory_space<vmem>>
        %dma_wait3A_260 = arith.constant 0 : i32
        %dma_wait3A_261 = tpu.memref_slice %arg12[%add3A_253, %dma_wait3A_260] : memref<392x128xi32, #tpu.memory_space<vmem>> -> memref<1x128xi32, #tpu.memory_space<vmem>>
        %dma_wait3A_262 = tpu.memref_squeeze %dma_wait3A_261 : memref<1x128xi32, #tpu.memory_space<vmem>> -> memref<128xi32, #tpu.memory_space<vmem>>
        %dma_wait3A_263 = arith.constant 0 : i32
        %dma_wait3A_264 = arith.constant 0 : i32
        %dma_wait3A_265 = tpu.memref_slice %arg4[%dma_wait3A_263, %dma_wait3A_264] : memref<50176x16xbf16, #tpu.memory_space<hbm>> -> memref<50176x16xbf16, #tpu.memory_space<hbm>>
        %dma_wait3A_266 = tpu.memref_slice %arg17[%dma_wait3A_255] : memref<4x!tpu.dma_semaphore, #tpu.memory_space<semaphore_mem>> -> memref<1x!tpu.dma_semaphore, #tpu.memory_space<semaphore_mem>>
        %dma_wait3A_267 = tpu.memref_squeeze %dma_wait3A_266 : memref<1x!tpu.dma_semaphore, #tpu.memory_space<semaphore_mem>> -> memref<!tpu.dma_semaphore, #tpu.memory_space<semaphore_mem>>
        tpu.wait_indirect_dma semaphore(%dma_wait3A_267 : memref<!tpu.dma_semaphore, #tpu.memory_space<semaphore_mem>>) src(%dma_wait3A_265 : memref<50176x16xbf16, #tpu.memory_space<hbm>>) dst(%dma_wait3A_259 : memref<128x16xbf16, #tpu.memory_space<vmem>>)
        %add3A_268 = arith.constant 0 : i32
        %add3A_269 = arith.addi %mul3A_169, %add3A_268 : i32
        %dma_start3A_270 = arith.constant 0 : i32
        %dma_start3A_271 = arith.constant 0 : i32
        %dma_start3A_272 = arith.constant 0 : i32
        %dma_start3A_273 = arith.constant 0 : i32
        %dma_start3A_274 = tpu.memref_slice %arg14[%dma_start3A_270, %dma_start3A_272, %dma_start3A_273] : memref<4x128x16xbf16, #tpu.memory_space<vmem>> -> memref<1x128x16xbf16, #tpu.memory_space<vmem>>
        %dma_start3A_275 = tpu.memref_squeeze %dma_start3A_274 : memref<1x128x16xbf16, #tpu.memory_space<vmem>> -> memref<128x16xbf16, #tpu.memory_space<vmem>>
        %dma_start3A_276 = arith.constant 0 : i32
        %dma_start3A_277 = tpu.memref_slice %arg13[%add3A_269, %dma_start3A_276] : memref<392x128xi32, #tpu.memory_space<vmem>> -> memref<1x128xi32, #tpu.memory_space<vmem>>
        %dma_start3A_278 = tpu.memref_squeeze %dma_start3A_277 : memref<1x128xi32, #tpu.memory_space<vmem>> -> memref<128xi32, #tpu.memory_space<vmem>>
        %dma_start3A_279 = arith.constant 0 : i32
        %dma_start3A_280 = arith.constant 0 : i32
        %dma_start3A_281 = tpu.memref_slice %arg16[%dma_start3A_279, %dma_start3A_280] : memref<50176x16xbf16, #tpu.memory_space<vmem_shared>> -> memref<50176x16xbf16, #tpu.memory_space<vmem_shared>>
        %dma_start3A_282 = tpu.memref_slice %arg18[%dma_start3A_271] : memref<4x!tpu.dma_semaphore, #tpu.memory_space<semaphore_mem>> -> memref<1x!tpu.dma_semaphore, #tpu.memory_space<semaphore_mem>>
        %dma_start3A_283 = tpu.memref_squeeze %dma_start3A_282 : memref<1x!tpu.dma_semaphore, #tpu.memory_space<semaphore_mem>> -> memref<!tpu.dma_semaphore, #tpu.memory_space<semaphore_mem>>
        tpu.enqueue_indirect_dma source(%dma_start3A_275 : memref<128x16xbf16, #tpu.memory_space<vmem>>) target(%dma_start3A_281 : memref<50176x16xbf16, #tpu.memory_space<vmem_shared>>) offsets(%dma_start3A_278 : memref<128xi32, #tpu.memory_space<vmem>>) semaphore(%dma_start3A_283 : memref<!tpu.dma_semaphore, #tpu.memory_space<semaphore_mem>>) {add = true}
        %add3A_284 = arith.constant 1 : i32
        %add3A_285 = arith.addi %mul3A_169, %add3A_284 : i32
        %dma_wait3A_286 = arith.constant 1 : i32
        %dma_wait3A_287 = arith.constant 1 : i32
        %dma_wait3A_288 = arith.constant 0 : i32
        %dma_wait3A_289 = arith.constant 0 : i32
        %dma_wait3A_290 = tpu.memref_slice %arg14[%dma_wait3A_286, %dma_wait3A_288, %dma_wait3A_289] : memref<4x128x16xbf16, #tpu.memory_space<vmem>> -> memref<1x128x16xbf16, #tpu.memory_space<vmem>>
        %dma_wait3A_291 = tpu.memref_squeeze %dma_wait3A_290 : memref<1x128x16xbf16, #tpu.memory_space<vmem>> -> memref<128x16xbf16, #tpu.memory_space<vmem>>
        %dma_wait3A_292 = arith.constant 0 : i32
        %dma_wait3A_293 = tpu.memref_slice %arg12[%add3A_285, %dma_wait3A_292] : memref<392x128xi32, #tpu.memory_space<vmem>> -> memref<1x128xi32, #tpu.memory_space<vmem>>
        %dma_wait3A_294 = tpu.memref_squeeze %dma_wait3A_293 : memref<1x128xi32, #tpu.memory_space<vmem>> -> memref<128xi32, #tpu.memory_space<vmem>>
        %dma_wait3A_295 = arith.constant 0 : i32
        %dma_wait3A_296 = arith.constant 0 : i32
        %dma_wait3A_297 = tpu.memref_slice %arg4[%dma_wait3A_295, %dma_wait3A_296] : memref<50176x16xbf16, #tpu.memory_space<hbm>> -> memref<50176x16xbf16, #tpu.memory_space<hbm>>
        %dma_wait3A_298 = tpu.memref_slice %arg17[%dma_wait3A_287] : memref<4x!tpu.dma_semaphore, #tpu.memory_space<semaphore_mem>> -> memref<1x!tpu.dma_semaphore, #tpu.memory_space<semaphore_mem>>
        %dma_wait3A_299 = tpu.memref_squeeze %dma_wait3A_298 : memref<1x!tpu.dma_semaphore, #tpu.memory_space<semaphore_mem>> -> memref<!tpu.dma_semaphore, #tpu.memory_space<semaphore_mem>>
        tpu.wait_indirect_dma semaphore(%dma_wait3A_299 : memref<!tpu.dma_semaphore, #tpu.memory_space<semaphore_mem>>) src(%dma_wait3A_297 : memref<50176x16xbf16, #tpu.memory_space<hbm>>) dst(%dma_wait3A_291 : memref<128x16xbf16, #tpu.memory_space<vmem>>)
        %add3A_300 = arith.constant 1 : i32
        %add3A_301 = arith.addi %mul3A_169, %add3A_300 : i32
        %dma_start3A_302 = arith.constant 1 : i32
        %dma_start3A_303 = arith.constant 1 : i32
        %dma_start3A_304 = arith.constant 0 : i32
        %dma_start3A_305 = arith.constant 0 : i32
        %dma_start3A_306 = tpu.memref_slice %arg14[%dma_start3A_302, %dma_start3A_304, %dma_start3A_305] : memref<4x128x16xbf16, #tpu.memory_space<vmem>> -> memref<1x128x16xbf16, #tpu.memory_space<vmem>>
        %dma_start3A_307 = tpu.memref_squeeze %dma_start3A_306 : memref<1x128x16xbf16, #tpu.memory_space<vmem>> -> memref<128x16xbf16, #tpu.memory_space<vmem>>
        %dma_start3A_308 = arith.constant 0 : i32
        %dma_start3A_309 = tpu.memref_slice %arg13[%add3A_301, %dma_start3A_308] : memref<392x128xi32, #tpu.memory_space<vmem>> -> memref<1x128xi32, #tpu.memory_space<vmem>>
        %dma_start3A_310 = tpu.memref_squeeze %dma_start3A_309 : memref<1x128xi32, #tpu.memory_space<vmem>> -> memref<128xi32, #tpu.memory_space<vmem>>
        %dma_start3A_311 = arith.constant 0 : i32
        %dma_start3A_312 = arith.constant 0 : i32
        %dma_start3A_313 = tpu.memref_slice %arg16[%dma_start3A_311, %dma_start3A_312] : memref<50176x16xbf16, #tpu.memory_space<vmem_shared>> -> memref<50176x16xbf16, #tpu.memory_space<vmem_shared>>
        %dma_start3A_314 = tpu.memref_slice %arg18[%dma_start3A_303] : memref<4x!tpu.dma_semaphore, #tpu.memory_space<semaphore_mem>> -> memref<1x!tpu.dma_semaphore, #tpu.memory_space<semaphore_mem>>
        %dma_start3A_315 = tpu.memref_squeeze %dma_start3A_314 : memref<1x!tpu.dma_semaphore, #tpu.memory_space<semaphore_mem>> -> memref<!tpu.dma_semaphore, #tpu.memory_space<semaphore_mem>>
        tpu.enqueue_indirect_dma source(%dma_start3A_307 : memref<128x16xbf16, #tpu.memory_space<vmem>>) target(%dma_start3A_313 : memref<50176x16xbf16, #tpu.memory_space<vmem_shared>>) offsets(%dma_start3A_310 : memref<128xi32, #tpu.memory_space<vmem>>) semaphore(%dma_start3A_315 : memref<!tpu.dma_semaphore, #tpu.memory_space<semaphore_mem>>) {add = true}
        %add3A_316 = arith.constant 2 : i32
        %add3A_317 = arith.addi %mul3A_169, %add3A_316 : i32
        %dma_wait3A_318 = arith.constant 2 : i32
        %dma_wait3A_319 = arith.constant 2 : i32
        %dma_wait3A_320 = arith.constant 0 : i32
        %dma_wait3A_321 = arith.constant 0 : i32
        %dma_wait3A_322 = tpu.memref_slice %arg14[%dma_wait3A_318, %dma_wait3A_320, %dma_wait3A_321] : memref<4x128x16xbf16, #tpu.memory_space<vmem>> -> memref<1x128x16xbf16, #tpu.memory_space<vmem>>
        %dma_wait3A_323 = tpu.memref_squeeze %dma_wait3A_322 : memref<1x128x16xbf16, #tpu.memory_space<vmem>> -> memref<128x16xbf16, #tpu.memory_space<vmem>>
        %dma_wait3A_324 = arith.constant 0 : i32
        %dma_wait3A_325 = tpu.memref_slice %arg12[%add3A_317, %dma_wait3A_324] : memref<392x128xi32, #tpu.memory_space<vmem>> -> memref<1x128xi32, #tpu.memory_space<vmem>>
        %dma_wait3A_326 = tpu.memref_squeeze %dma_wait3A_325 : memref<1x128xi32, #tpu.memory_space<vmem>> -> memref<128xi32, #tpu.memory_space<vmem>>
        %dma_wait3A_327 = arith.constant 0 : i32
        %dma_wait3A_328 = arith.constant 0 : i32
        %dma_wait3A_329 = tpu.memref_slice %arg4[%dma_wait3A_327, %dma_wait3A_328] : memref<50176x16xbf16, #tpu.memory_space<hbm>> -> memref<50176x16xbf16, #tpu.memory_space<hbm>>
        %dma_wait3A_330 = tpu.memref_slice %arg17[%dma_wait3A_319] : memref<4x!tpu.dma_semaphore, #tpu.memory_space<semaphore_mem>> -> memref<1x!tpu.dma_semaphore, #tpu.memory_space<semaphore_mem>>
        %dma_wait3A_331 = tpu.memref_squeeze %dma_wait3A_330 : memref<1x!tpu.dma_semaphore, #tpu.memory_space<semaphore_mem>> -> memref<!tpu.dma_semaphore, #tpu.memory_space<semaphore_mem>>
        tpu.wait_indirect_dma semaphore(%dma_wait3A_331 : memref<!tpu.dma_semaphore, #tpu.memory_space<semaphore_mem>>) src(%dma_wait3A_329 : memref<50176x16xbf16, #tpu.memory_space<hbm>>) dst(%dma_wait3A_323 : memref<128x16xbf16, #tpu.memory_space<vmem>>)
        %add3A_332 = arith.constant 2 : i32
        %add3A_333 = arith.addi %mul3A_169, %add3A_332 : i32
        %dma_start3A_334 = arith.constant 2 : i32
        %dma_start3A_335 = arith.constant 2 : i32
        %dma_start3A_336 = arith.constant 0 : i32
        %dma_start3A_337 = arith.constant 0 : i32
        %dma_start3A_338 = tpu.memref_slice %arg14[%dma_start3A_334, %dma_start3A_336, %dma_start3A_337] : memref<4x128x16xbf16, #tpu.memory_space<vmem>> -> memref<1x128x16xbf16, #tpu.memory_space<vmem>>
        %dma_start3A_339 = tpu.memref_squeeze %dma_start3A_338 : memref<1x128x16xbf16, #tpu.memory_space<vmem>> -> memref<128x16xbf16, #tpu.memory_space<vmem>>
        %dma_start3A_340 = arith.constant 0 : i32
        %dma_start3A_341 = tpu.memref_slice %arg13[%add3A_333, %dma_start3A_340] : memref<392x128xi32, #tpu.memory_space<vmem>> -> memref<1x128xi32, #tpu.memory_space<vmem>>
        %dma_start3A_342 = tpu.memref_squeeze %dma_start3A_341 : memref<1x128xi32, #tpu.memory_space<vmem>> -> memref<128xi32, #tpu.memory_space<vmem>>
        %dma_start3A_343 = arith.constant 0 : i32
        %dma_start3A_344 = arith.constant 0 : i32
        %dma_start3A_345 = tpu.memref_slice %arg16[%dma_start3A_343, %dma_start3A_344] : memref<50176x16xbf16, #tpu.memory_space<vmem_shared>> -> memref<50176x16xbf16, #tpu.memory_space<vmem_shared>>
        %dma_start3A_346 = tpu.memref_slice %arg18[%dma_start3A_335] : memref<4x!tpu.dma_semaphore, #tpu.memory_space<semaphore_mem>> -> memref<1x!tpu.dma_semaphore, #tpu.memory_space<semaphore_mem>>
        %dma_start3A_347 = tpu.memref_squeeze %dma_start3A_346 : memref<1x!tpu.dma_semaphore, #tpu.memory_space<semaphore_mem>> -> memref<!tpu.dma_semaphore, #tpu.memory_space<semaphore_mem>>
        tpu.enqueue_indirect_dma source(%dma_start3A_339 : memref<128x16xbf16, #tpu.memory_space<vmem>>) target(%dma_start3A_345 : memref<50176x16xbf16, #tpu.memory_space<vmem_shared>>) offsets(%dma_start3A_342 : memref<128xi32, #tpu.memory_space<vmem>>) semaphore(%dma_start3A_347 : memref<!tpu.dma_semaphore, #tpu.memory_space<semaphore_mem>>) {add = true}
        %add3A_348 = arith.constant 3 : i32
        %add3A_349 = arith.addi %mul3A_169, %add3A_348 : i32
        %dma_wait3A_350 = arith.constant 3 : i32
        %dma_wait3A_351 = arith.constant 3 : i32
        %dma_wait3A_352 = arith.constant 0 : i32
        %dma_wait3A_353 = arith.constant 0 : i32
        %dma_wait3A_354 = tpu.memref_slice %arg14[%dma_wait3A_350, %dma_wait3A_352, %dma_wait3A_353] : memref<4x128x16xbf16, #tpu.memory_space<vmem>> -> memref<1x128x16xbf16, #tpu.memory_space<vmem>>
        %dma_wait3A_355 = tpu.memref_squeeze %dma_wait3A_354 : memref<1x128x16xbf16, #tpu.memory_space<vmem>> -> memref<128x16xbf16, #tpu.memory_space<vmem>>
        %dma_wait3A_356 = arith.constant 0 : i32
        %dma_wait3A_357 = tpu.memref_slice %arg12[%add3A_349, %dma_wait3A_356] : memref<392x128xi32, #tpu.memory_space<vmem>> -> memref<1x128xi32, #tpu.memory_space<vmem>>
        %dma_wait3A_358 = tpu.memref_squeeze %dma_wait3A_357 : memref<1x128xi32, #tpu.memory_space<vmem>> -> memref<128xi32, #tpu.memory_space<vmem>>
        %dma_wait3A_359 = arith.constant 0 : i32
        %dma_wait3A_360 = arith.constant 0 : i32
        %dma_wait3A_361 = tpu.memref_slice %arg4[%dma_wait3A_359, %dma_wait3A_360] : memref<50176x16xbf16, #tpu.memory_space<hbm>> -> memref<50176x16xbf16, #tpu.memory_space<hbm>>
        %dma_wait3A_362 = tpu.memref_slice %arg17[%dma_wait3A_351] : memref<4x!tpu.dma_semaphore, #tpu.memory_space<semaphore_mem>> -> memref<1x!tpu.dma_semaphore, #tpu.memory_space<semaphore_mem>>
        %dma_wait3A_363 = tpu.memref_squeeze %dma_wait3A_362 : memref<1x!tpu.dma_semaphore, #tpu.memory_space<semaphore_mem>> -> memref<!tpu.dma_semaphore, #tpu.memory_space<semaphore_mem>>
        tpu.wait_indirect_dma semaphore(%dma_wait3A_363 : memref<!tpu.dma_semaphore, #tpu.memory_space<semaphore_mem>>) src(%dma_wait3A_361 : memref<50176x16xbf16, #tpu.memory_space<hbm>>) dst(%dma_wait3A_355 : memref<128x16xbf16, #tpu.memory_space<vmem>>)
        %add3A_364 = arith.constant 3 : i32
        %add3A_365 = arith.addi %mul3A_169, %add3A_364 : i32
        %dma_start3A_366 = arith.constant 3 : i32
        %dma_start3A_367 = arith.constant 3 : i32
        %dma_start3A_368 = arith.constant 0 : i32
        %dma_start3A_369 = arith.constant 0 : i32
        %dma_start3A_370 = tpu.memref_slice %arg14[%dma_start3A_366, %dma_start3A_368, %dma_start3A_369] : memref<4x128x16xbf16, #tpu.memory_space<vmem>> -> memref<1x128x16xbf16, #tpu.memory_space<vmem>>
        %dma_start3A_371 = tpu.memref_squeeze %dma_start3A_370 : memref<1x128x16xbf16, #tpu.memory_space<vmem>> -> memref<128x16xbf16, #tpu.memory_space<vmem>>
        %dma_start3A_372 = arith.constant 0 : i32
        %dma_start3A_373 = tpu.memref_slice %arg13[%add3A_365, %dma_start3A_372] : memref<392x128xi32, #tpu.memory_space<vmem>> -> memref<1x128xi32, #tpu.memory_space<vmem>>
        %dma_start3A_374 = tpu.memref_squeeze %dma_start3A_373 : memref<1x128xi32, #tpu.memory_space<vmem>> -> memref<128xi32, #tpu.memory_space<vmem>>
        %dma_start3A_375 = arith.constant 0 : i32
        %dma_start3A_376 = arith.constant 0 : i32
        %dma_start3A_377 = tpu.memref_slice %arg16[%dma_start3A_375, %dma_start3A_376] : memref<50176x16xbf16, #tpu.memory_space<vmem_shared>> -> memref<50176x16xbf16, #tpu.memory_space<vmem_shared>>
        %dma_start3A_378 = tpu.memref_slice %arg18[%dma_start3A_367] : memref<4x!tpu.dma_semaphore, #tpu.memory_space<semaphore_mem>> -> memref<1x!tpu.dma_semaphore, #tpu.memory_space<semaphore_mem>>
        %dma_start3A_379 = tpu.memref_squeeze %dma_start3A_378 : memref<1x!tpu.dma_semaphore, #tpu.memory_space<semaphore_mem>> -> memref<!tpu.dma_semaphore, #tpu.memory_space<semaphore_mem>>
        tpu.enqueue_indirect_dma source(%dma_start3A_371 : memref<128x16xbf16, #tpu.memory_space<vmem>>) target(%dma_start3A_377 : memref<50176x16xbf16, #tpu.memory_space<vmem_shared>>) offsets(%dma_start3A_374 : memref<128xi32, #tpu.memory_space<vmem>>) semaphore(%dma_start3A_379 : memref<!tpu.dma_semaphore, #tpu.memory_space<semaphore_mem>>) {add = true}
      }
      %scan3A_20 = arith.constant 98 : i32
      %dma_wait3A = arith.constant 0 : i32
      %dma_wait3A_21 = arith.constant 388 : i32
      %dma_wait3A_22 = arith.constant 0 : i32
      %dma_wait3A_23 = arith.constant 0 : i32
      %dma_wait3A_24 = arith.constant 0 : i32
      %dma_wait3A_25 = tpu.memref_slice %arg14[%dma_wait3A, %dma_wait3A_23, %dma_wait3A_24] : memref<4x128x16xbf16, #tpu.memory_space<vmem>> -> memref<1x128x16xbf16, #tpu.memory_space<vmem>>
      %dma_wait3A_26 = tpu.memref_squeeze %dma_wait3A_25 : memref<1x128x16xbf16, #tpu.memory_space<vmem>> -> memref<128x16xbf16, #tpu.memory_space<vmem>>
      %dma_wait3A_27 = arith.constant 0 : i32
      %dma_wait3A_28 = tpu.memref_slice %arg13[%dma_wait3A_21, %dma_wait3A_27] : memref<392x128xi32, #tpu.memory_space<vmem>> -> memref<1x128xi32, #tpu.memory_space<vmem>>
      %dma_wait3A_29 = tpu.memref_squeeze %dma_wait3A_28 : memref<1x128xi32, #tpu.memory_space<vmem>> -> memref<128xi32, #tpu.memory_space<vmem>>
      %dma_wait3A_30 = arith.constant 0 : i32
      %dma_wait3A_31 = arith.constant 0 : i32
      %dma_wait3A_32 = tpu.memref_slice %arg16[%dma_wait3A_30, %dma_wait3A_31] : memref<50176x16xbf16, #tpu.memory_space<vmem_shared>> -> memref<50176x16xbf16, #tpu.memory_space<vmem_shared>>
      %dma_wait3A_33 = tpu.memref_slice %arg18[%dma_wait3A_22] : memref<4x!tpu.dma_semaphore, #tpu.memory_space<semaphore_mem>> -> memref<1x!tpu.dma_semaphore, #tpu.memory_space<semaphore_mem>>
      %dma_wait3A_34 = tpu.memref_squeeze %dma_wait3A_33 : memref<1x!tpu.dma_semaphore, #tpu.memory_space<semaphore_mem>> -> memref<!tpu.dma_semaphore, #tpu.memory_space<semaphore_mem>>
      tpu.wait_indirect_dma semaphore(%dma_wait3A_34 : memref<!tpu.dma_semaphore, #tpu.memory_space<semaphore_mem>>) src(%dma_wait3A_26 : memref<128x16xbf16, #tpu.memory_space<vmem>>) dst(%dma_wait3A_32 : memref<50176x16xbf16, #tpu.memory_space<vmem_shared>>)
      %dma_wait3A_35 = arith.constant 1 : i32
      %dma_wait3A_36 = arith.constant 389 : i32
      %dma_wait3A_37 = arith.constant 1 : i32
      %dma_wait3A_38 = arith.constant 0 : i32
      %dma_wait3A_39 = arith.constant 0 : i32
      %dma_wait3A_40 = tpu.memref_slice %arg14[%dma_wait3A_35, %dma_wait3A_38, %dma_wait3A_39] : memref<4x128x16xbf16, #tpu.memory_space<vmem>> -> memref<1x128x16xbf16, #tpu.memory_space<vmem>>
      %dma_wait3A_41 = tpu.memref_squeeze %dma_wait3A_40 : memref<1x128x16xbf16, #tpu.memory_space<vmem>> -> memref<128x16xbf16, #tpu.memory_space<vmem>>
      %dma_wait3A_42 = arith.constant 0 : i32
      %dma_wait3A_43 = tpu.memref_slice %arg13[%dma_wait3A_36, %dma_wait3A_42] : memref<392x128xi32, #tpu.memory_space<vmem>> -> memref<1x128xi32, #tpu.memory_space<vmem>>
      %dma_wait3A_44 = tpu.memref_squeeze %dma_wait3A_43 : memref<1x128xi32, #tpu.memory_space<vmem>> -> memref<128xi32, #tpu.memory_space<vmem>>
      %dma_wait3A_45 = arith.constant 0 : i32
      %dma_wait3A_46 = arith.constant 0 : i32
      %dma_wait3A_47 = tpu.memref_slice %arg16[%dma_wait3A_45, %dma_wait3A_46] : memref<50176x16xbf16, #tpu.memory_space<vmem_shared>> -> memref<50176x16xbf16, #tpu.memory_space<vmem_shared>>
      %dma_wait3A_48 = tpu.memref_slice %arg18[%dma_wait3A_37] : memref<4x!tpu.dma_semaphore, #tpu.memory_space<semaphore_mem>> -> memref<1x!tpu.dma_semaphore, #tpu.memory_space<semaphore_mem>>
      %dma_wait3A_49 = tpu.memref_squeeze %dma_wait3A_48 : memref<1x!tpu.dma_semaphore, #tpu.memory_space<semaphore_mem>> -> memref<!tpu.dma_semaphore, #tpu.memory_space<semaphore_mem>>
      tpu.wait_indirect_dma semaphore(%dma_wait3A_49 : memref<!tpu.dma_semaphore, #tpu.memory_space<semaphore_mem>>) src(%dma_wait3A_41 : memref<128x16xbf16, #tpu.memory_space<vmem>>) dst(%dma_wait3A_47 : memref<50176x16xbf16, #tpu.memory_space<vmem_shared>>)
      %dma_wait3A_50 = arith.constant 2 : i32
      %dma_wait3A_51 = arith.constant 390 : i32
      %dma_wait3A_52 = arith.constant 2 : i32
      %dma_wait3A_53 = arith.constant 0 : i32
      %dma_wait3A_54 = arith.constant 0 : i32
      %dma_wait3A_55 = tpu.memref_slice %arg14[%dma_wait3A_50, %dma_wait3A_53, %dma_wait3A_54] : memref<4x128x16xbf16, #tpu.memory_space<vmem>> -> memref<1x128x16xbf16, #tpu.memory_space<vmem>>
      %dma_wait3A_56 = tpu.memref_squeeze %dma_wait3A_55 : memref<1x128x16xbf16, #tpu.memory_space<vmem>> -> memref<128x16xbf16, #tpu.memory_space<vmem>>
      %dma_wait3A_57 = arith.constant 0 : i32
      %dma_wait3A_58 = tpu.memref_slice %arg13[%dma_wait3A_51, %dma_wait3A_57] : memref<392x128xi32, #tpu.memory_space<vmem>> -> memref<1x128xi32, #tpu.memory_space<vmem>>
      %dma_wait3A_59 = tpu.memref_squeeze %dma_wait3A_58 : memref<1x128xi32, #tpu.memory_space<vmem>> -> memref<128xi32, #tpu.memory_space<vmem>>
      %dma_wait3A_60 = arith.constant 0 : i32
      %dma_wait3A_61 = arith.constant 0 : i32
      %dma_wait3A_62 = tpu.memref_slice %arg16[%dma_wait3A_60, %dma_wait3A_61] : memref<50176x16xbf16, #tpu.memory_space<vmem_shared>> -> memref<50176x16xbf16, #tpu.memory_space<vmem_shared>>
      %dma_wait3A_63 = tpu.memref_slice %arg18[%dma_wait3A_52] : memref<4x!tpu.dma_semaphore, #tpu.memory_space<semaphore_mem>> -> memref<1x!tpu.dma_semaphore, #tpu.memory_space<semaphore_mem>>
      %dma_wait3A_64 = tpu.memref_squeeze %dma_wait3A_63 : memref<1x!tpu.dma_semaphore, #tpu.memory_space<semaphore_mem>> -> memref<!tpu.dma_semaphore, #tpu.memory_space<semaphore_mem>>
      tpu.wait_indirect_dma semaphore(%dma_wait3A_64 : memref<!tpu.dma_semaphore, #tpu.memory_space<semaphore_mem>>) src(%dma_wait3A_56 : memref<128x16xbf16, #tpu.memory_space<vmem>>) dst(%dma_wait3A_62 : memref<50176x16xbf16, #tpu.memory_space<vmem_shared>>)
      %dma_wait3A_65 = arith.constant 3 : i32
      %dma_wait3A_66 = arith.constant 391 : i32
      %dma_wait3A_67 = arith.constant 3 : i32
      %dma_wait3A_68 = arith.constant 0 : i32
      %dma_wait3A_69 = arith.constant 0 : i32
      %dma_wait3A_70 = tpu.memref_slice %arg14[%dma_wait3A_65, %dma_wait3A_68, %dma_wait3A_69] : memref<4x128x16xbf16, #tpu.memory_space<vmem>> -> memref<1x128x16xbf16, #tpu.memory_space<vmem>>
      %dma_wait3A_71 = tpu.memref_squeeze %dma_wait3A_70 : memref<1x128x16xbf16, #tpu.memory_space<vmem>> -> memref<128x16xbf16, #tpu.memory_space<vmem>>
      %dma_wait3A_72 = arith.constant 0 : i32
      %dma_wait3A_73 = tpu.memref_slice %arg13[%dma_wait3A_66, %dma_wait3A_72] : memref<392x128xi32, #tpu.memory_space<vmem>> -> memref<1x128xi32, #tpu.memory_space<vmem>>
      %dma_wait3A_74 = tpu.memref_squeeze %dma_wait3A_73 : memref<1x128xi32, #tpu.memory_space<vmem>> -> memref<128xi32, #tpu.memory_space<vmem>>
      %dma_wait3A_75 = arith.constant 0 : i32
      %dma_wait3A_76 = arith.constant 0 : i32
      %dma_wait3A_77 = tpu.memref_slice %arg16[%dma_wait3A_75, %dma_wait3A_76] : memref<50176x16xbf16, #tpu.memory_space<vmem_shared>> -> memref<50176x16xbf16, #tpu.memory_space<vmem_shared>>
      %dma_wait3A_78 = tpu.memref_slice %arg18[%dma_wait3A_67] : memref<4x!tpu.dma_semaphore, #tpu.memory_space<semaphore_mem>> -> memref<1x!tpu.dma_semaphore, #tpu.memory_space<semaphore_mem>>
      %dma_wait3A_79 = tpu.memref_squeeze %dma_wait3A_78 : memref<1x!tpu.dma_semaphore, #tpu.memory_space<semaphore_mem>> -> memref<!tpu.dma_semaphore, #tpu.memory_space<semaphore_mem>>
      tpu.wait_indirect_dma semaphore(%dma_wait3A_79 : memref<!tpu.dma_semaphore, #tpu.memory_space<semaphore_mem>>) src(%dma_wait3A_71 : memref<128x16xbf16, #tpu.memory_space<vmem>>) dst(%dma_wait3A_77 : memref<50176x16xbf16, #tpu.memory_space<vmem_shared>>)
      %barrier3A_80 = arith.constant 0 : index
      tpu.barrier barrier_id(%barrier3A_80)
      %scan3A_81 = arith.constant 0 : i32
      %scan3A_82 = arith.constant 25 : i32
      %scan3A_83 = arith.addi %scan3A_81, %scan3A_82 : i32
      %scan3A_84 = arith.constant 1 : i32
      scf.for %scan3A_165 = %scan3A_81 to %scan3A_83 step %scan3A_84  : i32 {
        %mul3A = arith.constant 1 : i32
        %mul3A_166 = arith.muli %scan3A_165, %mul3A : i32
        %add3A = arith.constant 0 : i32
        %add3A_167 = arith.addi %add3A, %mul3A_166 : i32
        %mul3A_168 = arith.constant 16 : i32
        %mul3A_169 = arith.muli %add3A_167, %mul3A_168 : i32
        %add3A_170 = arith.addi %mul3A_169, %arg1 : i32
        %lt3A = arith.constant 392 : i32
        %lt3A_171 = arith.cmpi slt, %add3A_170, %lt3A : i32
        %convert_element_type3A_172 = arith.extui %lt3A_171 : i1 to i32
        %cond3A_173 = arith.constant 0 : i32
        %cond3A_174 = arith.cmpi ne, %convert_element_type3A_172, %cond3A_173 : i32
        scf.if %cond3A_174 {
          %mul3A_175 = arith.constant 128 : i32
          %mul3A_176 = arith.muli %add3A_170, %mul3A_175 : i32
          %mul3A_177 = arith.constant 128 : i32
          %mul3A_178 = arith.muli %add3A_170, %mul3A_177 : i32
          "tpu.region"() ({
            %run_scoped3A = tpu.sem_alloc : memref<!tpu.dma_semaphore, #tpu.memory_space<semaphore_mem>>
            %dma_start3A = arith.constant 0 : i32
            %dma_start3A_179 = tpu.memref_slice %arg8[%mul3A_178, %dma_start3A] : memref<50176x16xbf16, #tpu.memory_space<hbm>> -> memref<128x16xbf16, #tpu.memory_space<hbm>>
            %dma_start3A_180 = arith.constant 0 : i32
            %dma_start3A_181 = tpu.memref_slice %arg16[%mul3A_176, %dma_start3A_180] : memref<50176x16xbf16, #tpu.memory_space<vmem_shared>> -> memref<128x16xbf16, #tpu.memory_space<vmem_shared>>
            tpu.enqueue_dma source(%dma_start3A_181 : memref<128x16xbf16, #tpu.memory_space<vmem_shared>>) target(%dma_start3A_179 : memref<128x16xbf16, #tpu.memory_space<hbm>>) target_semaphore(%run_scoped3A : memref<!tpu.dma_semaphore, #tpu.memory_space<semaphore_mem>>)
            %dma_wait3A_182 = arith.constant 0 : i32
            %dma_wait3A_183 = tpu.memref_slice %arg8[%mul3A_178, %dma_wait3A_182] : memref<50176x16xbf16, #tpu.memory_space<hbm>> -> memref<128x16xbf16, #tpu.memory_space<hbm>>
            %dma_wait3A_184 = arith.constant 0 : i32
            %dma_wait3A_185 = tpu.memref_slice %arg16[%mul3A_176, %dma_wait3A_184] : memref<50176x16xbf16, #tpu.memory_space<vmem_shared>> -> memref<128x16xbf16, #tpu.memory_space<vmem_shared>>
            tpu.wait_dma2 semaphore(%run_scoped3A : memref<!tpu.dma_semaphore, #tpu.memory_space<semaphore_mem>>) src(%dma_wait3A_185 : memref<128x16xbf16, #tpu.memory_space<vmem_shared>>) dst(%dma_wait3A_183 : memref<128x16xbf16, #tpu.memory_space<hbm>>)
            tpu.yield
          }) : () -> ()
        } else {
        }
      }
      %scan3A_85 = arith.constant 25 : i32
      %barrier3A_86 = arith.constant 0 : index
      tpu.barrier barrier_id(%barrier3A_86)
      %scan3A_87 = arith.constant 0 : i32
      %scan3A_88 = arith.constant 25 : i32
      %scan3A_89 = arith.addi %scan3A_87, %scan3A_88 : i32
      %scan3A_90 = arith.constant 1 : i32
      scf.for %scan3A_165 = %scan3A_87 to %scan3A_89 step %scan3A_90  : i32 {
        %mul3A = arith.constant 1 : i32
        %mul3A_166 = arith.muli %scan3A_165, %mul3A : i32
        %add3A = arith.constant 0 : i32
        %add3A_167 = arith.addi %add3A, %mul3A_166 : i32
        %mul3A_168 = arith.constant 16 : i32
        %mul3A_169 = arith.muli %add3A_167, %mul3A_168 : i32
        %add3A_170 = arith.addi %mul3A_169, %arg1 : i32
        %lt3A = arith.constant 392 : i32
        %lt3A_171 = arith.cmpi slt, %add3A_170, %lt3A : i32
        %convert_element_type3A_172 = arith.extui %lt3A_171 : i1 to i32
        %cond3A_173 = arith.constant 0 : i32
        %cond3A_174 = arith.cmpi ne, %convert_element_type3A_172, %cond3A_173 : i32
        scf.if %cond3A_174 {
          %mul3A_175 = arith.constant 128 : i32
          %mul3A_176 = arith.muli %add3A_170, %mul3A_175 : i32
          "tpu.region"() ({
            %run_scoped3A = tpu.sem_alloc : memref<!tpu.dma_semaphore, #tpu.memory_space<semaphore_mem>>
            %dma_start3A = arith.constant 0 : i32
            %dma_start3A_177 = tpu.memref_slice %arg16[%mul3A_176, %dma_start3A] : memref<50176x16xbf16, #tpu.memory_space<vmem_shared>> -> memref<128x16xbf16, #tpu.memory_space<vmem_shared>>
            %dma_start3A_178 = arith.constant 0 : i32
            %dma_start3A_179 = tpu.memref_slice %arg16[%mul3A_176, %dma_start3A_178] : memref<50176x16xbf16, #tpu.memory_space<vmem_shared>> -> memref<128x16xbf16, #tpu.memory_space<vmem_shared>>
            tpu.enqueue_dma source(%arg15 : memref<128x16xbf16, #tpu.memory_space<vmem>>) target(%dma_start3A_179 : memref<128x16xbf16, #tpu.memory_space<vmem_shared>>) target_semaphore(%run_scoped3A : memref<!tpu.dma_semaphore, #tpu.memory_space<semaphore_mem>>)
            %dma_wait3A_180 = arith.constant 0 : i32
            %dma_wait3A_181 = tpu.memref_slice %arg16[%mul3A_176, %dma_wait3A_180] : memref<50176x16xbf16, #tpu.memory_space<vmem_shared>> -> memref<128x16xbf16, #tpu.memory_space<vmem_shared>>
            %dma_wait3A_182 = arith.constant 0 : i32
            %dma_wait3A_183 = tpu.memref_slice %arg16[%mul3A_176, %dma_wait3A_182] : memref<50176x16xbf16, #tpu.memory_space<vmem_shared>> -> memref<128x16xbf16, #tpu.memory_space<vmem_shared>>
            tpu.wait_dma2 semaphore(%run_scoped3A : memref<!tpu.dma_semaphore, #tpu.memory_space<semaphore_mem>>) src(%arg15 : memref<128x16xbf16, #tpu.memory_space<vmem>>) dst(%dma_wait3A_183 : memref<128x16xbf16, #tpu.memory_space<vmem_shared>>)
            tpu.yield
          }) : () -> ()
        } else {
        }
      }
      %scan3A_91 = arith.constant 25 : i32
      %barrier3A_92 = arith.constant 0 : index
      tpu.barrier barrier_id(%barrier3A_92)
      %scan3A_93 = arith.constant 0 : i32
      %scan3A_94 = arith.constant 98 : i32
      %scan3A_95 = arith.addi %scan3A_93, %scan3A_94 : i32
      %scan3A_96 = arith.constant 1 : i32
      scf.for %scan3A_165 = %scan3A_93 to %scan3A_95 step %scan3A_96  : i32 {
        %mul3A = arith.constant 1 : i32
        %mul3A_166 = arith.muli %scan3A_165, %mul3A : i32
        %add3A = arith.constant 0 : i32
        %add3A_167 = arith.addi %add3A, %mul3A_166 : i32
        %mul3A_168 = arith.constant 4 : i32
        %mul3A_169 = arith.muli %add3A_167, %mul3A_168 : i32
        %gt3A = arith.constant 0 : i32
        %gt3A_170 = arith.cmpi sgt, %add3A_167, %gt3A : i32
        %convert_element_type3A_171 = arith.extui %gt3A_170 : i1 to i32
        %cond3A_172 = arith.constant 0 : i32
        %cond3A_173 = arith.cmpi ne, %convert_element_type3A_171, %cond3A_172 : i32
        scf.if %cond3A_173 {
          %add3A_380 = arith.constant 0 : i32
          %add3A_381 = arith.addi %mul3A_169, %add3A_380 : i32
          %sub3A = arith.constant 4 : i32
          %sub3A_382 = arith.subi %add3A_381, %sub3A : i32
          %dma_wait3A_383 = arith.constant 0 : i32
          %dma_wait3A_384 = arith.constant 0 : i32
          %dma_wait3A_385 = arith.constant 0 : i32
          %dma_wait3A_386 = arith.constant 0 : i32
          %dma_wait3A_387 = tpu.memref_slice %arg14[%dma_wait3A_383, %dma_wait3A_385, %dma_wait3A_386] : memref<4x128x16xbf16, #tpu.memory_space<vmem>> -> memref<1x128x16xbf16, #tpu.memory_space<vmem>>
          %dma_wait3A_388 = tpu.memref_squeeze %dma_wait3A_387 : memref<1x128x16xbf16, #tpu.memory_space<vmem>> -> memref<128x16xbf16, #tpu.memory_space<vmem>>
          %dma_wait3A_389 = arith.constant 0 : i32
          %dma_wait3A_390 = tpu.memref_slice %arg13[%sub3A_382, %dma_wait3A_389] : memref<392x128xi32, #tpu.memory_space<vmem>> -> memref<1x128xi32, #tpu.memory_space<vmem>>
          %dma_wait3A_391 = tpu.memref_squeeze %dma_wait3A_390 : memref<1x128xi32, #tpu.memory_space<vmem>> -> memref<128xi32, #tpu.memory_space<vmem>>
          %dma_wait3A_392 = arith.constant 0 : i32
          %dma_wait3A_393 = arith.constant 0 : i32
          %dma_wait3A_394 = tpu.memref_slice %arg16[%dma_wait3A_392, %dma_wait3A_393] : memref<50176x16xbf16, #tpu.memory_space<vmem_shared>> -> memref<50176x16xbf16, #tpu.memory_space<vmem_shared>>
          %dma_wait3A_395 = tpu.memref_slice %arg18[%dma_wait3A_384] : memref<4x!tpu.dma_semaphore, #tpu.memory_space<semaphore_mem>> -> memref<1x!tpu.dma_semaphore, #tpu.memory_space<semaphore_mem>>
          %dma_wait3A_396 = tpu.memref_squeeze %dma_wait3A_395 : memref<1x!tpu.dma_semaphore, #tpu.memory_space<semaphore_mem>> -> memref<!tpu.dma_semaphore, #tpu.memory_space<semaphore_mem>>
          tpu.wait_indirect_dma semaphore(%dma_wait3A_396 : memref<!tpu.dma_semaphore, #tpu.memory_space<semaphore_mem>>) src(%dma_wait3A_388 : memref<128x16xbf16, #tpu.memory_space<vmem>>) dst(%dma_wait3A_394 : memref<50176x16xbf16, #tpu.memory_space<vmem_shared>>)
        } else {
        }
        %add3A_174 = arith.constant 0 : i32
        %add3A_175 = arith.addi %mul3A_169, %add3A_174 : i32
        %dma_start3A = arith.constant 0 : i32
        %dma_start3A_176 = arith.constant 0 : i32
        %dma_start3A_177 = arith.constant 0 : i32
        %dma_start3A_178 = arith.constant 0 : i32
        %dma_start3A_179 = tpu.memref_slice %arg14[%dma_start3A, %dma_start3A_177, %dma_start3A_178] : memref<4x128x16xbf16, #tpu.memory_space<vmem>> -> memref<1x128x16xbf16, #tpu.memory_space<vmem>>
        %dma_start3A_180 = tpu.memref_squeeze %dma_start3A_179 : memref<1x128x16xbf16, #tpu.memory_space<vmem>> -> memref<128x16xbf16, #tpu.memory_space<vmem>>
        %dma_start3A_181 = arith.constant 0 : i32
        %dma_start3A_182 = tpu.memref_slice %arg12[%add3A_175, %dma_start3A_181] : memref<392x128xi32, #tpu.memory_space<vmem>> -> memref<1x128xi32, #tpu.memory_space<vmem>>
        %dma_start3A_183 = tpu.memref_squeeze %dma_start3A_182 : memref<1x128xi32, #tpu.memory_space<vmem>> -> memref<128xi32, #tpu.memory_space<vmem>>
        %dma_start3A_184 = arith.constant 0 : i32
        %dma_start3A_185 = arith.constant 0 : i32
        %dma_start3A_186 = tpu.memref_slice %arg6[%dma_start3A_184, %dma_start3A_185] : memref<50176x16xbf16, #tpu.memory_space<hbm>> -> memref<50176x16xbf16, #tpu.memory_space<hbm>>
        %dma_start3A_187 = tpu.memref_slice %arg17[%dma_start3A_176] : memref<4x!tpu.dma_semaphore, #tpu.memory_space<semaphore_mem>> -> memref<1x!tpu.dma_semaphore, #tpu.memory_space<semaphore_mem>>
        %dma_start3A_188 = tpu.memref_squeeze %dma_start3A_187 : memref<1x!tpu.dma_semaphore, #tpu.memory_space<semaphore_mem>> -> memref<!tpu.dma_semaphore, #tpu.memory_space<semaphore_mem>>
        tpu.enqueue_indirect_dma source(%dma_start3A_186 : memref<50176x16xbf16, #tpu.memory_space<hbm>>) target(%dma_start3A_180 : memref<128x16xbf16, #tpu.memory_space<vmem>>) offsets(%dma_start3A_183 : memref<128xi32, #tpu.memory_space<vmem>>) semaphore(%dma_start3A_188 : memref<!tpu.dma_semaphore, #tpu.memory_space<semaphore_mem>>)
        %gt3A_189 = arith.constant 0 : i32
        %gt3A_190 = arith.cmpi sgt, %add3A_167, %gt3A_189 : i32
        %convert_element_type3A_191 = arith.extui %gt3A_190 : i1 to i32
        %cond3A_192 = arith.constant 0 : i32
        %cond3A_193 = arith.cmpi ne, %convert_element_type3A_191, %cond3A_192 : i32
        scf.if %cond3A_193 {
          %add3A_380 = arith.constant 1 : i32
          %add3A_381 = arith.addi %mul3A_169, %add3A_380 : i32
          %sub3A = arith.constant 4 : i32
          %sub3A_382 = arith.subi %add3A_381, %sub3A : i32
          %dma_wait3A_383 = arith.constant 1 : i32
          %dma_wait3A_384 = arith.constant 1 : i32
          %dma_wait3A_385 = arith.constant 0 : i32
          %dma_wait3A_386 = arith.constant 0 : i32
          %dma_wait3A_387 = tpu.memref_slice %arg14[%dma_wait3A_383, %dma_wait3A_385, %dma_wait3A_386] : memref<4x128x16xbf16, #tpu.memory_space<vmem>> -> memref<1x128x16xbf16, #tpu.memory_space<vmem>>
          %dma_wait3A_388 = tpu.memref_squeeze %dma_wait3A_387 : memref<1x128x16xbf16, #tpu.memory_space<vmem>> -> memref<128x16xbf16, #tpu.memory_space<vmem>>
          %dma_wait3A_389 = arith.constant 0 : i32
          %dma_wait3A_390 = tpu.memref_slice %arg13[%sub3A_382, %dma_wait3A_389] : memref<392x128xi32, #tpu.memory_space<vmem>> -> memref<1x128xi32, #tpu.memory_space<vmem>>
          %dma_wait3A_391 = tpu.memref_squeeze %dma_wait3A_390 : memref<1x128xi32, #tpu.memory_space<vmem>> -> memref<128xi32, #tpu.memory_space<vmem>>
          %dma_wait3A_392 = arith.constant 0 : i32
          %dma_wait3A_393 = arith.constant 0 : i32
          %dma_wait3A_394 = tpu.memref_slice %arg16[%dma_wait3A_392, %dma_wait3A_393] : memref<50176x16xbf16, #tpu.memory_space<vmem_shared>> -> memref<50176x16xbf16, #tpu.memory_space<vmem_shared>>
          %dma_wait3A_395 = tpu.memref_slice %arg18[%dma_wait3A_384] : memref<4x!tpu.dma_semaphore, #tpu.memory_space<semaphore_mem>> -> memref<1x!tpu.dma_semaphore, #tpu.memory_space<semaphore_mem>>
          %dma_wait3A_396 = tpu.memref_squeeze %dma_wait3A_395 : memref<1x!tpu.dma_semaphore, #tpu.memory_space<semaphore_mem>> -> memref<!tpu.dma_semaphore, #tpu.memory_space<semaphore_mem>>
          tpu.wait_indirect_dma semaphore(%dma_wait3A_396 : memref<!tpu.dma_semaphore, #tpu.memory_space<semaphore_mem>>) src(%dma_wait3A_388 : memref<128x16xbf16, #tpu.memory_space<vmem>>) dst(%dma_wait3A_394 : memref<50176x16xbf16, #tpu.memory_space<vmem_shared>>)
        } else {
        }
        %add3A_194 = arith.constant 1 : i32
        %add3A_195 = arith.addi %mul3A_169, %add3A_194 : i32
        %dma_start3A_196 = arith.constant 1 : i32
        %dma_start3A_197 = arith.constant 1 : i32
        %dma_start3A_198 = arith.constant 0 : i32
        %dma_start3A_199 = arith.constant 0 : i32
        %dma_start3A_200 = tpu.memref_slice %arg14[%dma_start3A_196, %dma_start3A_198, %dma_start3A_199] : memref<4x128x16xbf16, #tpu.memory_space<vmem>> -> memref<1x128x16xbf16, #tpu.memory_space<vmem>>
        %dma_start3A_201 = tpu.memref_squeeze %dma_start3A_200 : memref<1x128x16xbf16, #tpu.memory_space<vmem>> -> memref<128x16xbf16, #tpu.memory_space<vmem>>
        %dma_start3A_202 = arith.constant 0 : i32
        %dma_start3A_203 = tpu.memref_slice %arg12[%add3A_195, %dma_start3A_202] : memref<392x128xi32, #tpu.memory_space<vmem>> -> memref<1x128xi32, #tpu.memory_space<vmem>>
        %dma_start3A_204 = tpu.memref_squeeze %dma_start3A_203 : memref<1x128xi32, #tpu.memory_space<vmem>> -> memref<128xi32, #tpu.memory_space<vmem>>
        %dma_start3A_205 = arith.constant 0 : i32
        %dma_start3A_206 = arith.constant 0 : i32
        %dma_start3A_207 = tpu.memref_slice %arg6[%dma_start3A_205, %dma_start3A_206] : memref<50176x16xbf16, #tpu.memory_space<hbm>> -> memref<50176x16xbf16, #tpu.memory_space<hbm>>
        %dma_start3A_208 = tpu.memref_slice %arg17[%dma_start3A_197] : memref<4x!tpu.dma_semaphore, #tpu.memory_space<semaphore_mem>> -> memref<1x!tpu.dma_semaphore, #tpu.memory_space<semaphore_mem>>
        %dma_start3A_209 = tpu.memref_squeeze %dma_start3A_208 : memref<1x!tpu.dma_semaphore, #tpu.memory_space<semaphore_mem>> -> memref<!tpu.dma_semaphore, #tpu.memory_space<semaphore_mem>>
        tpu.enqueue_indirect_dma source(%dma_start3A_207 : memref<50176x16xbf16, #tpu.memory_space<hbm>>) target(%dma_start3A_201 : memref<128x16xbf16, #tpu.memory_space<vmem>>) offsets(%dma_start3A_204 : memref<128xi32, #tpu.memory_space<vmem>>) semaphore(%dma_start3A_209 : memref<!tpu.dma_semaphore, #tpu.memory_space<semaphore_mem>>)
        %gt3A_210 = arith.constant 0 : i32
        %gt3A_211 = arith.cmpi sgt, %add3A_167, %gt3A_210 : i32
        %convert_element_type3A_212 = arith.extui %gt3A_211 : i1 to i32
        %cond3A_213 = arith.constant 0 : i32
        %cond3A_214 = arith.cmpi ne, %convert_element_type3A_212, %cond3A_213 : i32
        scf.if %cond3A_214 {
          %add3A_380 = arith.constant 2 : i32
          %add3A_381 = arith.addi %mul3A_169, %add3A_380 : i32
          %sub3A = arith.constant 4 : i32
          %sub3A_382 = arith.subi %add3A_381, %sub3A : i32
          %dma_wait3A_383 = arith.constant 2 : i32
          %dma_wait3A_384 = arith.constant 2 : i32
          %dma_wait3A_385 = arith.constant 0 : i32
          %dma_wait3A_386 = arith.constant 0 : i32
          %dma_wait3A_387 = tpu.memref_slice %arg14[%dma_wait3A_383, %dma_wait3A_385, %dma_wait3A_386] : memref<4x128x16xbf16, #tpu.memory_space<vmem>> -> memref<1x128x16xbf16, #tpu.memory_space<vmem>>
          %dma_wait3A_388 = tpu.memref_squeeze %dma_wait3A_387 : memref<1x128x16xbf16, #tpu.memory_space<vmem>> -> memref<128x16xbf16, #tpu.memory_space<vmem>>
          %dma_wait3A_389 = arith.constant 0 : i32
          %dma_wait3A_390 = tpu.memref_slice %arg13[%sub3A_382, %dma_wait3A_389] : memref<392x128xi32, #tpu.memory_space<vmem>> -> memref<1x128xi32, #tpu.memory_space<vmem>>
          %dma_wait3A_391 = tpu.memref_squeeze %dma_wait3A_390 : memref<1x128xi32, #tpu.memory_space<vmem>> -> memref<128xi32, #tpu.memory_space<vmem>>
          %dma_wait3A_392 = arith.constant 0 : i32
          %dma_wait3A_393 = arith.constant 0 : i32
          %dma_wait3A_394 = tpu.memref_slice %arg16[%dma_wait3A_392, %dma_wait3A_393] : memref<50176x16xbf16, #tpu.memory_space<vmem_shared>> -> memref<50176x16xbf16, #tpu.memory_space<vmem_shared>>
          %dma_wait3A_395 = tpu.memref_slice %arg18[%dma_wait3A_384] : memref<4x!tpu.dma_semaphore, #tpu.memory_space<semaphore_mem>> -> memref<1x!tpu.dma_semaphore, #tpu.memory_space<semaphore_mem>>
          %dma_wait3A_396 = tpu.memref_squeeze %dma_wait3A_395 : memref<1x!tpu.dma_semaphore, #tpu.memory_space<semaphore_mem>> -> memref<!tpu.dma_semaphore, #tpu.memory_space<semaphore_mem>>
          tpu.wait_indirect_dma semaphore(%dma_wait3A_396 : memref<!tpu.dma_semaphore, #tpu.memory_space<semaphore_mem>>) src(%dma_wait3A_388 : memref<128x16xbf16, #tpu.memory_space<vmem>>) dst(%dma_wait3A_394 : memref<50176x16xbf16, #tpu.memory_space<vmem_shared>>)
        } else {
        }
        %add3A_215 = arith.constant 2 : i32
        %add3A_216 = arith.addi %mul3A_169, %add3A_215 : i32
        %dma_start3A_217 = arith.constant 2 : i32
        %dma_start3A_218 = arith.constant 2 : i32
        %dma_start3A_219 = arith.constant 0 : i32
        %dma_start3A_220 = arith.constant 0 : i32
        %dma_start3A_221 = tpu.memref_slice %arg14[%dma_start3A_217, %dma_start3A_219, %dma_start3A_220] : memref<4x128x16xbf16, #tpu.memory_space<vmem>> -> memref<1x128x16xbf16, #tpu.memory_space<vmem>>
        %dma_start3A_222 = tpu.memref_squeeze %dma_start3A_221 : memref<1x128x16xbf16, #tpu.memory_space<vmem>> -> memref<128x16xbf16, #tpu.memory_space<vmem>>
        %dma_start3A_223 = arith.constant 0 : i32
        %dma_start3A_224 = tpu.memref_slice %arg12[%add3A_216, %dma_start3A_223] : memref<392x128xi32, #tpu.memory_space<vmem>> -> memref<1x128xi32, #tpu.memory_space<vmem>>
        %dma_start3A_225 = tpu.memref_squeeze %dma_start3A_224 : memref<1x128xi32, #tpu.memory_space<vmem>> -> memref<128xi32, #tpu.memory_space<vmem>>
        %dma_start3A_226 = arith.constant 0 : i32
        %dma_start3A_227 = arith.constant 0 : i32
        %dma_start3A_228 = tpu.memref_slice %arg6[%dma_start3A_226, %dma_start3A_227] : memref<50176x16xbf16, #tpu.memory_space<hbm>> -> memref<50176x16xbf16, #tpu.memory_space<hbm>>
        %dma_start3A_229 = tpu.memref_slice %arg17[%dma_start3A_218] : memref<4x!tpu.dma_semaphore, #tpu.memory_space<semaphore_mem>> -> memref<1x!tpu.dma_semaphore, #tpu.memory_space<semaphore_mem>>
        %dma_start3A_230 = tpu.memref_squeeze %dma_start3A_229 : memref<1x!tpu.dma_semaphore, #tpu.memory_space<semaphore_mem>> -> memref<!tpu.dma_semaphore, #tpu.memory_space<semaphore_mem>>
        tpu.enqueue_indirect_dma source(%dma_start3A_228 : memref<50176x16xbf16, #tpu.memory_space<hbm>>) target(%dma_start3A_222 : memref<128x16xbf16, #tpu.memory_space<vmem>>) offsets(%dma_start3A_225 : memref<128xi32, #tpu.memory_space<vmem>>) semaphore(%dma_start3A_230 : memref<!tpu.dma_semaphore, #tpu.memory_space<semaphore_mem>>)
        %gt3A_231 = arith.constant 0 : i32
        %gt3A_232 = arith.cmpi sgt, %add3A_167, %gt3A_231 : i32
        %convert_element_type3A_233 = arith.extui %gt3A_232 : i1 to i32
        %cond3A_234 = arith.constant 0 : i32
        %cond3A_235 = arith.cmpi ne, %convert_element_type3A_233, %cond3A_234 : i32
        scf.if %cond3A_235 {
          %add3A_380 = arith.constant 3 : i32
          %add3A_381 = arith.addi %mul3A_169, %add3A_380 : i32
          %sub3A = arith.constant 4 : i32
          %sub3A_382 = arith.subi %add3A_381, %sub3A : i32
          %dma_wait3A_383 = arith.constant 3 : i32
          %dma_wait3A_384 = arith.constant 3 : i32
          %dma_wait3A_385 = arith.constant 0 : i32
          %dma_wait3A_386 = arith.constant 0 : i32
          %dma_wait3A_387 = tpu.memref_slice %arg14[%dma_wait3A_383, %dma_wait3A_385, %dma_wait3A_386] : memref<4x128x16xbf16, #tpu.memory_space<vmem>> -> memref<1x128x16xbf16, #tpu.memory_space<vmem>>
          %dma_wait3A_388 = tpu.memref_squeeze %dma_wait3A_387 : memref<1x128x16xbf16, #tpu.memory_space<vmem>> -> memref<128x16xbf16, #tpu.memory_space<vmem>>
          %dma_wait3A_389 = arith.constant 0 : i32
          %dma_wait3A_390 = tpu.memref_slice %arg13[%sub3A_382, %dma_wait3A_389] : memref<392x128xi32, #tpu.memory_space<vmem>> -> memref<1x128xi32, #tpu.memory_space<vmem>>
          %dma_wait3A_391 = tpu.memref_squeeze %dma_wait3A_390 : memref<1x128xi32, #tpu.memory_space<vmem>> -> memref<128xi32, #tpu.memory_space<vmem>>
          %dma_wait3A_392 = arith.constant 0 : i32
          %dma_wait3A_393 = arith.constant 0 : i32
          %dma_wait3A_394 = tpu.memref_slice %arg16[%dma_wait3A_392, %dma_wait3A_393] : memref<50176x16xbf16, #tpu.memory_space<vmem_shared>> -> memref<50176x16xbf16, #tpu.memory_space<vmem_shared>>
          %dma_wait3A_395 = tpu.memref_slice %arg18[%dma_wait3A_384] : memref<4x!tpu.dma_semaphore, #tpu.memory_space<semaphore_mem>> -> memref<1x!tpu.dma_semaphore, #tpu.memory_space<semaphore_mem>>
          %dma_wait3A_396 = tpu.memref_squeeze %dma_wait3A_395 : memref<1x!tpu.dma_semaphore, #tpu.memory_space<semaphore_mem>> -> memref<!tpu.dma_semaphore, #tpu.memory_space<semaphore_mem>>
          tpu.wait_indirect_dma semaphore(%dma_wait3A_396 : memref<!tpu.dma_semaphore, #tpu.memory_space<semaphore_mem>>) src(%dma_wait3A_388 : memref<128x16xbf16, #tpu.memory_space<vmem>>) dst(%dma_wait3A_394 : memref<50176x16xbf16, #tpu.memory_space<vmem_shared>>)
        } else {
        }
        %add3A_236 = arith.constant 3 : i32
        %add3A_237 = arith.addi %mul3A_169, %add3A_236 : i32
        %dma_start3A_238 = arith.constant 3 : i32
        %dma_start3A_239 = arith.constant 3 : i32
        %dma_start3A_240 = arith.constant 0 : i32
        %dma_start3A_241 = arith.constant 0 : i32
        %dma_start3A_242 = tpu.memref_slice %arg14[%dma_start3A_238, %dma_start3A_240, %dma_start3A_241] : memref<4x128x16xbf16, #tpu.memory_space<vmem>> -> memref<1x128x16xbf16, #tpu.memory_space<vmem>>
        %dma_start3A_243 = tpu.memref_squeeze %dma_start3A_242 : memref<1x128x16xbf16, #tpu.memory_space<vmem>> -> memref<128x16xbf16, #tpu.memory_space<vmem>>
        %dma_start3A_244 = arith.constant 0 : i32
        %dma_start3A_245 = tpu.memref_slice %arg12[%add3A_237, %dma_start3A_244] : memref<392x128xi32, #tpu.memory_space<vmem>> -> memref<1x128xi32, #tpu.memory_space<vmem>>
        %dma_start3A_246 = tpu.memref_squeeze %dma_start3A_245 : memref<1x128xi32, #tpu.memory_space<vmem>> -> memref<128xi32, #tpu.memory_space<vmem>>
        %dma_start3A_247 = arith.constant 0 : i32
        %dma_start3A_248 = arith.constant 0 : i32
        %dma_start3A_249 = tpu.memref_slice %arg6[%dma_start3A_247, %dma_start3A_248] : memref<50176x16xbf16, #tpu.memory_space<hbm>> -> memref<50176x16xbf16, #tpu.memory_space<hbm>>
        %dma_start3A_250 = tpu.memref_slice %arg17[%dma_start3A_239] : memref<4x!tpu.dma_semaphore, #tpu.memory_space<semaphore_mem>> -> memref<1x!tpu.dma_semaphore, #tpu.memory_space<semaphore_mem>>
        %dma_start3A_251 = tpu.memref_squeeze %dma_start3A_250 : memref<1x!tpu.dma_semaphore, #tpu.memory_space<semaphore_mem>> -> memref<!tpu.dma_semaphore, #tpu.memory_space<semaphore_mem>>
        tpu.enqueue_indirect_dma source(%dma_start3A_249 : memref<50176x16xbf16, #tpu.memory_space<hbm>>) target(%dma_start3A_243 : memref<128x16xbf16, #tpu.memory_space<vmem>>) offsets(%dma_start3A_246 : memref<128xi32, #tpu.memory_space<vmem>>) semaphore(%dma_start3A_251 : memref<!tpu.dma_semaphore, #tpu.memory_space<semaphore_mem>>)
        %add3A_252 = arith.constant 0 : i32
        %add3A_253 = arith.addi %mul3A_169, %add3A_252 : i32
        %dma_wait3A_254 = arith.constant 0 : i32
        %dma_wait3A_255 = arith.constant 0 : i32
        %dma_wait3A_256 = arith.constant 0 : i32
        %dma_wait3A_257 = arith.constant 0 : i32
        %dma_wait3A_258 = tpu.memref_slice %arg14[%dma_wait3A_254, %dma_wait3A_256, %dma_wait3A_257] : memref<4x128x16xbf16, #tpu.memory_space<vmem>> -> memref<1x128x16xbf16, #tpu.memory_space<vmem>>
        %dma_wait3A_259 = tpu.memref_squeeze %dma_wait3A_258 : memref<1x128x16xbf16, #tpu.memory_space<vmem>> -> memref<128x16xbf16, #tpu.memory_space<vmem>>
        %dma_wait3A_260 = arith.constant 0 : i32
        %dma_wait3A_261 = tpu.memref_slice %arg12[%add3A_253, %dma_wait3A_260] : memref<392x128xi32, #tpu.memory_space<vmem>> -> memref<1x128xi32, #tpu.memory_space<vmem>>
        %dma_wait3A_262 = tpu.memref_squeeze %dma_wait3A_261 : memref<1x128xi32, #tpu.memory_space<vmem>> -> memref<128xi32, #tpu.memory_space<vmem>>
        %dma_wait3A_263 = arith.constant 0 : i32
        %dma_wait3A_264 = arith.constant 0 : i32
        %dma_wait3A_265 = tpu.memref_slice %arg6[%dma_wait3A_263, %dma_wait3A_264] : memref<50176x16xbf16, #tpu.memory_space<hbm>> -> memref<50176x16xbf16, #tpu.memory_space<hbm>>
        %dma_wait3A_266 = tpu.memref_slice %arg17[%dma_wait3A_255] : memref<4x!tpu.dma_semaphore, #tpu.memory_space<semaphore_mem>> -> memref<1x!tpu.dma_semaphore, #tpu.memory_space<semaphore_mem>>
        %dma_wait3A_267 = tpu.memref_squeeze %dma_wait3A_266 : memref<1x!tpu.dma_semaphore, #tpu.memory_space<semaphore_mem>> -> memref<!tpu.dma_semaphore, #tpu.memory_space<semaphore_mem>>
        tpu.wait_indirect_dma semaphore(%dma_wait3A_267 : memref<!tpu.dma_semaphore, #tpu.memory_space<semaphore_mem>>) src(%dma_wait3A_265 : memref<50176x16xbf16, #tpu.memory_space<hbm>>) dst(%dma_wait3A_259 : memref<128x16xbf16, #tpu.memory_space<vmem>>)
        %add3A_268 = arith.constant 0 : i32
        %add3A_269 = arith.addi %mul3A_169, %add3A_268 : i32
        %dma_start3A_270 = arith.constant 0 : i32
        %dma_start3A_271 = arith.constant 0 : i32
        %dma_start3A_272 = arith.constant 0 : i32
        %dma_start3A_273 = arith.constant 0 : i32
        %dma_start3A_274 = tpu.memref_slice %arg14[%dma_start3A_270, %dma_start3A_272, %dma_start3A_273] : memref<4x128x16xbf16, #tpu.memory_space<vmem>> -> memref<1x128x16xbf16, #tpu.memory_space<vmem>>
        %dma_start3A_275 = tpu.memref_squeeze %dma_start3A_274 : memref<1x128x16xbf16, #tpu.memory_space<vmem>> -> memref<128x16xbf16, #tpu.memory_space<vmem>>
        %dma_start3A_276 = arith.constant 0 : i32
        %dma_start3A_277 = tpu.memref_slice %arg13[%add3A_269, %dma_start3A_276] : memref<392x128xi32, #tpu.memory_space<vmem>> -> memref<1x128xi32, #tpu.memory_space<vmem>>
        %dma_start3A_278 = tpu.memref_squeeze %dma_start3A_277 : memref<1x128xi32, #tpu.memory_space<vmem>> -> memref<128xi32, #tpu.memory_space<vmem>>
        %dma_start3A_279 = arith.constant 0 : i32
        %dma_start3A_280 = arith.constant 0 : i32
        %dma_start3A_281 = tpu.memref_slice %arg16[%dma_start3A_279, %dma_start3A_280] : memref<50176x16xbf16, #tpu.memory_space<vmem_shared>> -> memref<50176x16xbf16, #tpu.memory_space<vmem_shared>>
        %dma_start3A_282 = tpu.memref_slice %arg18[%dma_start3A_271] : memref<4x!tpu.dma_semaphore, #tpu.memory_space<semaphore_mem>> -> memref<1x!tpu.dma_semaphore, #tpu.memory_space<semaphore_mem>>
        %dma_start3A_283 = tpu.memref_squeeze %dma_start3A_282 : memref<1x!tpu.dma_semaphore, #tpu.memory_space<semaphore_mem>> -> memref<!tpu.dma_semaphore, #tpu.memory_space<semaphore_mem>>
        tpu.enqueue_indirect_dma source(%dma_start3A_275 : memref<128x16xbf16, #tpu.memory_space<vmem>>) target(%dma_start3A_281 : memref<50176x16xbf16, #tpu.memory_space<vmem_shared>>) offsets(%dma_start3A_278 : memref<128xi32, #tpu.memory_space<vmem>>) semaphore(%dma_start3A_283 : memref<!tpu.dma_semaphore, #tpu.memory_space<semaphore_mem>>) {add = true}
        %add3A_284 = arith.constant 1 : i32
        %add3A_285 = arith.addi %mul3A_169, %add3A_284 : i32
        %dma_wait3A_286 = arith.constant 1 : i32
        %dma_wait3A_287 = arith.constant 1 : i32
        %dma_wait3A_288 = arith.constant 0 : i32
        %dma_wait3A_289 = arith.constant 0 : i32
        %dma_wait3A_290 = tpu.memref_slice %arg14[%dma_wait3A_286, %dma_wait3A_288, %dma_wait3A_289] : memref<4x128x16xbf16, #tpu.memory_space<vmem>> -> memref<1x128x16xbf16, #tpu.memory_space<vmem>>
        %dma_wait3A_291 = tpu.memref_squeeze %dma_wait3A_290 : memref<1x128x16xbf16, #tpu.memory_space<vmem>> -> memref<128x16xbf16, #tpu.memory_space<vmem>>
        %dma_wait3A_292 = arith.constant 0 : i32
        %dma_wait3A_293 = tpu.memref_slice %arg12[%add3A_285, %dma_wait3A_292] : memref<392x128xi32, #tpu.memory_space<vmem>> -> memref<1x128xi32, #tpu.memory_space<vmem>>
        %dma_wait3A_294 = tpu.memref_squeeze %dma_wait3A_293 : memref<1x128xi32, #tpu.memory_space<vmem>> -> memref<128xi32, #tpu.memory_space<vmem>>
        %dma_wait3A_295 = arith.constant 0 : i32
        %dma_wait3A_296 = arith.constant 0 : i32
        %dma_wait3A_297 = tpu.memref_slice %arg6[%dma_wait3A_295, %dma_wait3A_296] : memref<50176x16xbf16, #tpu.memory_space<hbm>> -> memref<50176x16xbf16, #tpu.memory_space<hbm>>
        %dma_wait3A_298 = tpu.memref_slice %arg17[%dma_wait3A_287] : memref<4x!tpu.dma_semaphore, #tpu.memory_space<semaphore_mem>> -> memref<1x!tpu.dma_semaphore, #tpu.memory_space<semaphore_mem>>
        %dma_wait3A_299 = tpu.memref_squeeze %dma_wait3A_298 : memref<1x!tpu.dma_semaphore, #tpu.memory_space<semaphore_mem>> -> memref<!tpu.dma_semaphore, #tpu.memory_space<semaphore_mem>>
        tpu.wait_indirect_dma semaphore(%dma_wait3A_299 : memref<!tpu.dma_semaphore, #tpu.memory_space<semaphore_mem>>) src(%dma_wait3A_297 : memref<50176x16xbf16, #tpu.memory_space<hbm>>) dst(%dma_wait3A_291 : memref<128x16xbf16, #tpu.memory_space<vmem>>)
        %add3A_300 = arith.constant 1 : i32
        %add3A_301 = arith.addi %mul3A_169, %add3A_300 : i32
        %dma_start3A_302 = arith.constant 1 : i32
        %dma_start3A_303 = arith.constant 1 : i32
        %dma_start3A_304 = arith.constant 0 : i32
        %dma_start3A_305 = arith.constant 0 : i32
        %dma_start3A_306 = tpu.memref_slice %arg14[%dma_start3A_302, %dma_start3A_304, %dma_start3A_305] : memref<4x128x16xbf16, #tpu.memory_space<vmem>> -> memref<1x128x16xbf16, #tpu.memory_space<vmem>>
        %dma_start3A_307 = tpu.memref_squeeze %dma_start3A_306 : memref<1x128x16xbf16, #tpu.memory_space<vmem>> -> memref<128x16xbf16, #tpu.memory_space<vmem>>
        %dma_start3A_308 = arith.constant 0 : i32
        %dma_start3A_309 = tpu.memref_slice %arg13[%add3A_301, %dma_start3A_308] : memref<392x128xi32, #tpu.memory_space<vmem>> -> memref<1x128xi32, #tpu.memory_space<vmem>>
        %dma_start3A_310 = tpu.memref_squeeze %dma_start3A_309 : memref<1x128xi32, #tpu.memory_space<vmem>> -> memref<128xi32, #tpu.memory_space<vmem>>
        %dma_start3A_311 = arith.constant 0 : i32
        %dma_start3A_312 = arith.constant 0 : i32
        %dma_start3A_313 = tpu.memref_slice %arg16[%dma_start3A_311, %dma_start3A_312] : memref<50176x16xbf16, #tpu.memory_space<vmem_shared>> -> memref<50176x16xbf16, #tpu.memory_space<vmem_shared>>
        %dma_start3A_314 = tpu.memref_slice %arg18[%dma_start3A_303] : memref<4x!tpu.dma_semaphore, #tpu.memory_space<semaphore_mem>> -> memref<1x!tpu.dma_semaphore, #tpu.memory_space<semaphore_mem>>
        %dma_start3A_315 = tpu.memref_squeeze %dma_start3A_314 : memref<1x!tpu.dma_semaphore, #tpu.memory_space<semaphore_mem>> -> memref<!tpu.dma_semaphore, #tpu.memory_space<semaphore_mem>>
        tpu.enqueue_indirect_dma source(%dma_start3A_307 : memref<128x16xbf16, #tpu.memory_space<vmem>>) target(%dma_start3A_313 : memref<50176x16xbf16, #tpu.memory_space<vmem_shared>>) offsets(%dma_start3A_310 : memref<128xi32, #tpu.memory_space<vmem>>) semaphore(%dma_start3A_315 : memref<!tpu.dma_semaphore, #tpu.memory_space<semaphore_mem>>) {add = true}
        %add3A_316 = arith.constant 2 : i32
        %add3A_317 = arith.addi %mul3A_169, %add3A_316 : i32
        %dma_wait3A_318 = arith.constant 2 : i32
        %dma_wait3A_319 = arith.constant 2 : i32
        %dma_wait3A_320 = arith.constant 0 : i32
        %dma_wait3A_321 = arith.constant 0 : i32
        %dma_wait3A_322 = tpu.memref_slice %arg14[%dma_wait3A_318, %dma_wait3A_320, %dma_wait3A_321] : memref<4x128x16xbf16, #tpu.memory_space<vmem>> -> memref<1x128x16xbf16, #tpu.memory_space<vmem>>
        %dma_wait3A_323 = tpu.memref_squeeze %dma_wait3A_322 : memref<1x128x16xbf16, #tpu.memory_space<vmem>> -> memref<128x16xbf16, #tpu.memory_space<vmem>>
        %dma_wait3A_324 = arith.constant 0 : i32
        %dma_wait3A_325 = tpu.memref_slice %arg12[%add3A_317, %dma_wait3A_324] : memref<392x128xi32, #tpu.memory_space<vmem>> -> memref<1x128xi32, #tpu.memory_space<vmem>>
        %dma_wait3A_326 = tpu.memref_squeeze %dma_wait3A_325 : memref<1x128xi32, #tpu.memory_space<vmem>> -> memref<128xi32, #tpu.memory_space<vmem>>
        %dma_wait3A_327 = arith.constant 0 : i32
        %dma_wait3A_328 = arith.constant 0 : i32
        %dma_wait3A_329 = tpu.memref_slice %arg6[%dma_wait3A_327, %dma_wait3A_328] : memref<50176x16xbf16, #tpu.memory_space<hbm>> -> memref<50176x16xbf16, #tpu.memory_space<hbm>>
        %dma_wait3A_330 = tpu.memref_slice %arg17[%dma_wait3A_319] : memref<4x!tpu.dma_semaphore, #tpu.memory_space<semaphore_mem>> -> memref<1x!tpu.dma_semaphore, #tpu.memory_space<semaphore_mem>>
        %dma_wait3A_331 = tpu.memref_squeeze %dma_wait3A_330 : memref<1x!tpu.dma_semaphore, #tpu.memory_space<semaphore_mem>> -> memref<!tpu.dma_semaphore, #tpu.memory_space<semaphore_mem>>
        tpu.wait_indirect_dma semaphore(%dma_wait3A_331 : memref<!tpu.dma_semaphore, #tpu.memory_space<semaphore_mem>>) src(%dma_wait3A_329 : memref<50176x16xbf16, #tpu.memory_space<hbm>>) dst(%dma_wait3A_323 : memref<128x16xbf16, #tpu.memory_space<vmem>>)
        %add3A_332 = arith.constant 2 : i32
        %add3A_333 = arith.addi %mul3A_169, %add3A_332 : i32
        %dma_start3A_334 = arith.constant 2 : i32
        %dma_start3A_335 = arith.constant 2 : i32
        %dma_start3A_336 = arith.constant 0 : i32
        %dma_start3A_337 = arith.constant 0 : i32
        %dma_start3A_338 = tpu.memref_slice %arg14[%dma_start3A_334, %dma_start3A_336, %dma_start3A_337] : memref<4x128x16xbf16, #tpu.memory_space<vmem>> -> memref<1x128x16xbf16, #tpu.memory_space<vmem>>
        %dma_start3A_339 = tpu.memref_squeeze %dma_start3A_338 : memref<1x128x16xbf16, #tpu.memory_space<vmem>> -> memref<128x16xbf16, #tpu.memory_space<vmem>>
        %dma_start3A_340 = arith.constant 0 : i32
        %dma_start3A_341 = tpu.memref_slice %arg13[%add3A_333, %dma_start3A_340] : memref<392x128xi32, #tpu.memory_space<vmem>> -> memref<1x128xi32, #tpu.memory_space<vmem>>
        %dma_start3A_342 = tpu.memref_squeeze %dma_start3A_341 : memref<1x128xi32, #tpu.memory_space<vmem>> -> memref<128xi32, #tpu.memory_space<vmem>>
        %dma_start3A_343 = arith.constant 0 : i32
        %dma_start3A_344 = arith.constant 0 : i32
        %dma_start3A_345 = tpu.memref_slice %arg16[%dma_start3A_343, %dma_start3A_344] : memref<50176x16xbf16, #tpu.memory_space<vmem_shared>> -> memref<50176x16xbf16, #tpu.memory_space<vmem_shared>>
        %dma_start3A_346 = tpu.memref_slice %arg18[%dma_start3A_335] : memref<4x!tpu.dma_semaphore, #tpu.memory_space<semaphore_mem>> -> memref<1x!tpu.dma_semaphore, #tpu.memory_space<semaphore_mem>>
        %dma_start3A_347 = tpu.memref_squeeze %dma_start3A_346 : memref<1x!tpu.dma_semaphore, #tpu.memory_space<semaphore_mem>> -> memref<!tpu.dma_semaphore, #tpu.memory_space<semaphore_mem>>
        tpu.enqueue_indirect_dma source(%dma_start3A_339 : memref<128x16xbf16, #tpu.memory_space<vmem>>) target(%dma_start3A_345 : memref<50176x16xbf16, #tpu.memory_space<vmem_shared>>) offsets(%dma_start3A_342 : memref<128xi32, #tpu.memory_space<vmem>>) semaphore(%dma_start3A_347 : memref<!tpu.dma_semaphore, #tpu.memory_space<semaphore_mem>>) {add = true}
        %add3A_348 = arith.constant 3 : i32
        %add3A_349 = arith.addi %mul3A_169, %add3A_348 : i32
        %dma_wait3A_350 = arith.constant 3 : i32
        %dma_wait3A_351 = arith.constant 3 : i32
        %dma_wait3A_352 = arith.constant 0 : i32
        %dma_wait3A_353 = arith.constant 0 : i32
        %dma_wait3A_354 = tpu.memref_slice %arg14[%dma_wait3A_350, %dma_wait3A_352, %dma_wait3A_353] : memref<4x128x16xbf16, #tpu.memory_space<vmem>> -> memref<1x128x16xbf16, #tpu.memory_space<vmem>>
        %dma_wait3A_355 = tpu.memref_squeeze %dma_wait3A_354 : memref<1x128x16xbf16, #tpu.memory_space<vmem>> -> memref<128x16xbf16, #tpu.memory_space<vmem>>
        %dma_wait3A_356 = arith.constant 0 : i32
        %dma_wait3A_357 = tpu.memref_slice %arg12[%add3A_349, %dma_wait3A_356] : memref<392x128xi32, #tpu.memory_space<vmem>> -> memref<1x128xi32, #tpu.memory_space<vmem>>
        %dma_wait3A_358 = tpu.memref_squeeze %dma_wait3A_357 : memref<1x128xi32, #tpu.memory_space<vmem>> -> memref<128xi32, #tpu.memory_space<vmem>>
        %dma_wait3A_359 = arith.constant 0 : i32
        %dma_wait3A_360 = arith.constant 0 : i32
        %dma_wait3A_361 = tpu.memref_slice %arg6[%dma_wait3A_359, %dma_wait3A_360] : memref<50176x16xbf16, #tpu.memory_space<hbm>> -> memref<50176x16xbf16, #tpu.memory_space<hbm>>
        %dma_wait3A_362 = tpu.memref_slice %arg17[%dma_wait3A_351] : memref<4x!tpu.dma_semaphore, #tpu.memory_space<semaphore_mem>> -> memref<1x!tpu.dma_semaphore, #tpu.memory_space<semaphore_mem>>
        %dma_wait3A_363 = tpu.memref_squeeze %dma_wait3A_362 : memref<1x!tpu.dma_semaphore, #tpu.memory_space<semaphore_mem>> -> memref<!tpu.dma_semaphore, #tpu.memory_space<semaphore_mem>>
        tpu.wait_indirect_dma semaphore(%dma_wait3A_363 : memref<!tpu.dma_semaphore, #tpu.memory_space<semaphore_mem>>) src(%dma_wait3A_361 : memref<50176x16xbf16, #tpu.memory_space<hbm>>) dst(%dma_wait3A_355 : memref<128x16xbf16, #tpu.memory_space<vmem>>)
        %add3A_364 = arith.constant 3 : i32
        %add3A_365 = arith.addi %mul3A_169, %add3A_364 : i32
        %dma_start3A_366 = arith.constant 3 : i32
        %dma_start3A_367 = arith.constant 3 : i32
        %dma_start3A_368 = arith.constant 0 : i32
        %dma_start3A_369 = arith.constant 0 : i32
        %dma_start3A_370 = tpu.memref_slice %arg14[%dma_start3A_366, %dma_start3A_368, %dma_start3A_369] : memref<4x128x16xbf16, #tpu.memory_space<vmem>> -> memref<1x128x16xbf16, #tpu.memory_space<vmem>>
        %dma_start3A_371 = tpu.memref_squeeze %dma_start3A_370 : memref<1x128x16xbf16, #tpu.memory_space<vmem>> -> memref<128x16xbf16, #tpu.memory_space<vmem>>
        %dma_start3A_372 = arith.constant 0 : i32
        %dma_start3A_373 = tpu.memref_slice %arg13[%add3A_365, %dma_start3A_372] : memref<392x128xi32, #tpu.memory_space<vmem>> -> memref<1x128xi32, #tpu.memory_space<vmem>>
        %dma_start3A_374 = tpu.memref_squeeze %dma_start3A_373 : memref<1x128xi32, #tpu.memory_space<vmem>> -> memref<128xi32, #tpu.memory_space<vmem>>
        %dma_start3A_375 = arith.constant 0 : i32
        %dma_start3A_376 = arith.constant 0 : i32
        %dma_start3A_377 = tpu.memref_slice %arg16[%dma_start3A_375, %dma_start3A_376] : memref<50176x16xbf16, #tpu.memory_space<vmem_shared>> -> memref<50176x16xbf16, #tpu.memory_space<vmem_shared>>
        %dma_start3A_378 = tpu.memref_slice %arg18[%dma_start3A_367] : memref<4x!tpu.dma_semaphore, #tpu.memory_space<semaphore_mem>> -> memref<1x!tpu.dma_semaphore, #tpu.memory_space<semaphore_mem>>
        %dma_start3A_379 = tpu.memref_squeeze %dma_start3A_378 : memref<1x!tpu.dma_semaphore, #tpu.memory_space<semaphore_mem>> -> memref<!tpu.dma_semaphore, #tpu.memory_space<semaphore_mem>>
        tpu.enqueue_indirect_dma source(%dma_start3A_371 : memref<128x16xbf16, #tpu.memory_space<vmem>>) target(%dma_start3A_377 : memref<50176x16xbf16, #tpu.memory_space<vmem_shared>>) offsets(%dma_start3A_374 : memref<128xi32, #tpu.memory_space<vmem>>) semaphore(%dma_start3A_379 : memref<!tpu.dma_semaphore, #tpu.memory_space<semaphore_mem>>) {add = true}
      }
      %scan3A_97 = arith.constant 98 : i32
      %dma_wait3A_98 = arith.constant 0 : i32
      %dma_wait3A_99 = arith.constant 388 : i32
      %dma_wait3A_100 = arith.constant 0 : i32
      %dma_wait3A_101 = arith.constant 0 : i32
      %dma_wait3A_102 = arith.constant 0 : i32
      %dma_wait3A_103 = tpu.memref_slice %arg14[%dma_wait3A_98, %dma_wait3A_101, %dma_wait3A_102] : memref<4x128x16xbf16, #tpu.memory_space<vmem>> -> memref<1x128x16xbf16, #tpu.memory_space<vmem>>
      %dma_wait3A_104 = tpu.memref_squeeze %dma_wait3A_103 : memref<1x128x16xbf16, #tpu.memory_space<vmem>> -> memref<128x16xbf16, #tpu.memory_space<vmem>>
      %dma_wait3A_105 = arith.constant 0 : i32
      %dma_wait3A_106 = tpu.memref_slice %arg13[%dma_wait3A_99, %dma_wait3A_105] : memref<392x128xi32, #tpu.memory_space<vmem>> -> memref<1x128xi32, #tpu.memory_space<vmem>>
      %dma_wait3A_107 = tpu.memref_squeeze %dma_wait3A_106 : memref<1x128xi32, #tpu.memory_space<vmem>> -> memref<128xi32, #tpu.memory_space<vmem>>
      %dma_wait3A_108 = arith.constant 0 : i32
      %dma_wait3A_109 = arith.constant 0 : i32
      %dma_wait3A_110 = tpu.memref_slice %arg16[%dma_wait3A_108, %dma_wait3A_109] : memref<50176x16xbf16, #tpu.memory_space<vmem_shared>> -> memref<50176x16xbf16, #tpu.memory_space<vmem_shared>>
      %dma_wait3A_111 = tpu.memref_slice %arg18[%dma_wait3A_100] : memref<4x!tpu.dma_semaphore, #tpu.memory_space<semaphore_mem>> -> memref<1x!tpu.dma_semaphore, #tpu.memory_space<semaphore_mem>>
      %dma_wait3A_112 = tpu.memref_squeeze %dma_wait3A_111 : memref<1x!tpu.dma_semaphore, #tpu.memory_space<semaphore_mem>> -> memref<!tpu.dma_semaphore, #tpu.memory_space<semaphore_mem>>
      tpu.wait_indirect_dma semaphore(%dma_wait3A_112 : memref<!tpu.dma_semaphore, #tpu.memory_space<semaphore_mem>>) src(%dma_wait3A_104 : memref<128x16xbf16, #tpu.memory_space<vmem>>) dst(%dma_wait3A_110 : memref<50176x16xbf16, #tpu.memory_space<vmem_shared>>)
      %dma_wait3A_113 = arith.constant 1 : i32
      %dma_wait3A_114 = arith.constant 389 : i32
      %dma_wait3A_115 = arith.constant 1 : i32
      %dma_wait3A_116 = arith.constant 0 : i32
      %dma_wait3A_117 = arith.constant 0 : i32
      %dma_wait3A_118 = tpu.memref_slice %arg14[%dma_wait3A_113, %dma_wait3A_116, %dma_wait3A_117] : memref<4x128x16xbf16, #tpu.memory_space<vmem>> -> memref<1x128x16xbf16, #tpu.memory_space<vmem>>
      %dma_wait3A_119 = tpu.memref_squeeze %dma_wait3A_118 : memref<1x128x16xbf16, #tpu.memory_space<vmem>> -> memref<128x16xbf16, #tpu.memory_space<vmem>>
      %dma_wait3A_120 = arith.constant 0 : i32
      %dma_wait3A_121 = tpu.memref_slice %arg13[%dma_wait3A_114, %dma_wait3A_120] : memref<392x128xi32, #tpu.memory_space<vmem>> -> memref<1x128xi32, #tpu.memory_space<vmem>>
      %dma_wait3A_122 = tpu.memref_squeeze %dma_wait3A_121 : memref<1x128xi32, #tpu.memory_space<vmem>> -> memref<128xi32, #tpu.memory_space<vmem>>
      %dma_wait3A_123 = arith.constant 0 : i32
      %dma_wait3A_124 = arith.constant 0 : i32
      %dma_wait3A_125 = tpu.memref_slice %arg16[%dma_wait3A_123, %dma_wait3A_124] : memref<50176x16xbf16, #tpu.memory_space<vmem_shared>> -> memref<50176x16xbf16, #tpu.memory_space<vmem_shared>>
      %dma_wait3A_126 = tpu.memref_slice %arg18[%dma_wait3A_115] : memref<4x!tpu.dma_semaphore, #tpu.memory_space<semaphore_mem>> -> memref<1x!tpu.dma_semaphore, #tpu.memory_space<semaphore_mem>>
      %dma_wait3A_127 = tpu.memref_squeeze %dma_wait3A_126 : memref<1x!tpu.dma_semaphore, #tpu.memory_space<semaphore_mem>> -> memref<!tpu.dma_semaphore, #tpu.memory_space<semaphore_mem>>
      tpu.wait_indirect_dma semaphore(%dma_wait3A_127 : memref<!tpu.dma_semaphore, #tpu.memory_space<semaphore_mem>>) src(%dma_wait3A_119 : memref<128x16xbf16, #tpu.memory_space<vmem>>) dst(%dma_wait3A_125 : memref<50176x16xbf16, #tpu.memory_space<vmem_shared>>)
      %dma_wait3A_128 = arith.constant 2 : i32
      %dma_wait3A_129 = arith.constant 390 : i32
      %dma_wait3A_130 = arith.constant 2 : i32
      %dma_wait3A_131 = arith.constant 0 : i32
      %dma_wait3A_132 = arith.constant 0 : i32
      %dma_wait3A_133 = tpu.memref_slice %arg14[%dma_wait3A_128, %dma_wait3A_131, %dma_wait3A_132] : memref<4x128x16xbf16, #tpu.memory_space<vmem>> -> memref<1x128x16xbf16, #tpu.memory_space<vmem>>
      %dma_wait3A_134 = tpu.memref_squeeze %dma_wait3A_133 : memref<1x128x16xbf16, #tpu.memory_space<vmem>> -> memref<128x16xbf16, #tpu.memory_space<vmem>>
      %dma_wait3A_135 = arith.constant 0 : i32
      %dma_wait3A_136 = tpu.memref_slice %arg13[%dma_wait3A_129, %dma_wait3A_135] : memref<392x128xi32, #tpu.memory_space<vmem>> -> memref<1x128xi32, #tpu.memory_space<vmem>>
      %dma_wait3A_137 = tpu.memref_squeeze %dma_wait3A_136 : memref<1x128xi32, #tpu.memory_space<vmem>> -> memref<128xi32, #tpu.memory_space<vmem>>
      %dma_wait3A_138 = arith.constant 0 : i32
      %dma_wait3A_139 = arith.constant 0 : i32
      %dma_wait3A_140 = tpu.memref_slice %arg16[%dma_wait3A_138, %dma_wait3A_139] : memref<50176x16xbf16, #tpu.memory_space<vmem_shared>> -> memref<50176x16xbf16, #tpu.memory_space<vmem_shared>>
      %dma_wait3A_141 = tpu.memref_slice %arg18[%dma_wait3A_130] : memref<4x!tpu.dma_semaphore, #tpu.memory_space<semaphore_mem>> -> memref<1x!tpu.dma_semaphore, #tpu.memory_space<semaphore_mem>>
      %dma_wait3A_142 = tpu.memref_squeeze %dma_wait3A_141 : memref<1x!tpu.dma_semaphore, #tpu.memory_space<semaphore_mem>> -> memref<!tpu.dma_semaphore, #tpu.memory_space<semaphore_mem>>
      tpu.wait_indirect_dma semaphore(%dma_wait3A_142 : memref<!tpu.dma_semaphore, #tpu.memory_space<semaphore_mem>>) src(%dma_wait3A_134 : memref<128x16xbf16, #tpu.memory_space<vmem>>) dst(%dma_wait3A_140 : memref<50176x16xbf16, #tpu.memory_space<vmem_shared>>)
      %dma_wait3A_143 = arith.constant 3 : i32
      %dma_wait3A_144 = arith.constant 391 : i32
      %dma_wait3A_145 = arith.constant 3 : i32
      %dma_wait3A_146 = arith.constant 0 : i32
      %dma_wait3A_147 = arith.constant 0 : i32
      %dma_wait3A_148 = tpu.memref_slice %arg14[%dma_wait3A_143, %dma_wait3A_146, %dma_wait3A_147] : memref<4x128x16xbf16, #tpu.memory_space<vmem>> -> memref<1x128x16xbf16, #tpu.memory_space<vmem>>
      %dma_wait3A_149 = tpu.memref_squeeze %dma_wait3A_148 : memref<1x128x16xbf16, #tpu.memory_space<vmem>> -> memref<128x16xbf16, #tpu.memory_space<vmem>>
      %dma_wait3A_150 = arith.constant 0 : i32
      %dma_wait3A_151 = tpu.memref_slice %arg13[%dma_wait3A_144, %dma_wait3A_150] : memref<392x128xi32, #tpu.memory_space<vmem>> -> memref<1x128xi32, #tpu.memory_space<vmem>>
      %dma_wait3A_152 = tpu.memref_squeeze %dma_wait3A_151 : memref<1x128xi32, #tpu.memory_space<vmem>> -> memref<128xi32, #tpu.memory_space<vmem>>
      %dma_wait3A_153 = arith.constant 0 : i32
      %dma_wait3A_154 = arith.constant 0 : i32
      %dma_wait3A_155 = tpu.memref_slice %arg16[%dma_wait3A_153, %dma_wait3A_154] : memref<50176x16xbf16, #tpu.memory_space<vmem_shared>> -> memref<50176x16xbf16, #tpu.memory_space<vmem_shared>>
      %dma_wait3A_156 = tpu.memref_slice %arg18[%dma_wait3A_145] : memref<4x!tpu.dma_semaphore, #tpu.memory_space<semaphore_mem>> -> memref<1x!tpu.dma_semaphore, #tpu.memory_space<semaphore_mem>>
      %dma_wait3A_157 = tpu.memref_squeeze %dma_wait3A_156 : memref<1x!tpu.dma_semaphore, #tpu.memory_space<semaphore_mem>> -> memref<!tpu.dma_semaphore, #tpu.memory_space<semaphore_mem>>
      tpu.wait_indirect_dma semaphore(%dma_wait3A_157 : memref<!tpu.dma_semaphore, #tpu.memory_space<semaphore_mem>>) src(%dma_wait3A_149 : memref<128x16xbf16, #tpu.memory_space<vmem>>) dst(%dma_wait3A_155 : memref<50176x16xbf16, #tpu.memory_space<vmem_shared>>)
      %barrier3A_158 = arith.constant 0 : index
      tpu.barrier barrier_id(%barrier3A_158)
      %scan3A_159 = arith.constant 0 : i32
      %scan3A_160 = arith.constant 25 : i32
      %scan3A_161 = arith.addi %scan3A_159, %scan3A_160 : i32
      %scan3A_162 = arith.constant 1 : i32
      scf.for %scan3A_165 = %scan3A_159 to %scan3A_161 step %scan3A_162  : i32 {
        %mul3A = arith.constant 1 : i32
        %mul3A_166 = arith.muli %scan3A_165, %mul3A : i32
        %add3A = arith.constant 0 : i32
        %add3A_167 = arith.addi %add3A, %mul3A_166 : i32
        %mul3A_168 = arith.constant 16 : i32
        %mul3A_169 = arith.muli %add3A_167, %mul3A_168 : i32
        %add3A_170 = arith.addi %mul3A_169, %arg1 : i32
        %lt3A = arith.constant 392 : i32
        %lt3A_171 = arith.cmpi slt, %add3A_170, %lt3A : i32
        %convert_element_type3A_172 = arith.extui %lt3A_171 : i1 to i32
        %cond3A_173 = arith.constant 0 : i32
        %cond3A_174 = arith.cmpi ne, %convert_element_type3A_172, %cond3A_173 : i32
        scf.if %cond3A_174 {
          %mul3A_175 = arith.constant 128 : i32
          %mul3A_176 = arith.muli %add3A_170, %mul3A_175 : i32
          %mul3A_177 = arith.constant 128 : i32
          %mul3A_178 = arith.muli %add3A_170, %mul3A_177 : i32
          "tpu.region"() ({
            %run_scoped3A = tpu.sem_alloc : memref<!tpu.dma_semaphore, #tpu.memory_space<semaphore_mem>>
            %dma_start3A = arith.constant 0 : i32
            %dma_start3A_179 = tpu.memref_slice %arg10[%mul3A_178, %dma_start3A] : memref<50176x16xbf16, #tpu.memory_space<hbm>> -> memref<128x16xbf16, #tpu.memory_space<hbm>>
            %dma_start3A_180 = arith.constant 0 : i32
            %dma_start3A_181 = tpu.memref_slice %arg16[%mul3A_176, %dma_start3A_180] : memref<50176x16xbf16, #tpu.memory_space<vmem_shared>> -> memref<128x16xbf16, #tpu.memory_space<vmem_shared>>
            tpu.enqueue_dma source(%dma_start3A_181 : memref<128x16xbf16, #tpu.memory_space<vmem_shared>>) target(%dma_start3A_179 : memref<128x16xbf16, #tpu.memory_space<hbm>>) target_semaphore(%run_scoped3A : memref<!tpu.dma_semaphore, #tpu.memory_space<semaphore_mem>>)
            %dma_wait3A_182 = arith.constant 0 : i32
            %dma_wait3A_183 = tpu.memref_slice %arg10[%mul3A_178, %dma_wait3A_182] : memref<50176x16xbf16, #tpu.memory_space<hbm>> -> memref<128x16xbf16, #tpu.memory_space<hbm>>
            %dma_wait3A_184 = arith.constant 0 : i32
            %dma_wait3A_185 = tpu.memref_slice %arg16[%mul3A_176, %dma_wait3A_184] : memref<50176x16xbf16, #tpu.memory_space<vmem_shared>> -> memref<128x16xbf16, #tpu.memory_space<vmem_shared>>
            tpu.wait_dma2 semaphore(%run_scoped3A : memref<!tpu.dma_semaphore, #tpu.memory_space<semaphore_mem>>) src(%dma_wait3A_185 : memref<128x16xbf16, #tpu.memory_space<vmem_shared>>) dst(%dma_wait3A_183 : memref<128x16xbf16, #tpu.memory_space<hbm>>)
            tpu.yield
          }) : () -> ()
        } else {
        }
      }
      %scan3A_163 = arith.constant 25 : i32
      %barrier3A_164 = arith.constant 0 : index
      tpu.barrier barrier_id(%barrier3A_164)
    } else {
    }
    %eq3A_6 = arith.constant 1 : i32
    %eq3A_7 = arith.cmpi eq, %arg0, %eq3A_6 : i32
    %convert_element_type3A_8 = arith.extui %eq3A_7 : i1 to i32
    %cond3A_9 = arith.constant 0 : i32
    %cond3A_10 = arith.cmpi ne, %convert_element_type3A_8, %cond3A_9 : i32
    scf.if %cond3A_10 {
      %scan3A_11 = arith.constant 0 : i32
      %scan3A_12 = arith.constant 25 : i32
      %scan3A_13 = arith.addi %scan3A_11, %scan3A_12 : i32
      %scan3A_14 = arith.constant 1 : i32
      scf.for %scan3A_165 = %scan3A_11 to %scan3A_13 step %scan3A_14  : i32 {
        %mul3A = arith.constant 1 : i32
        %mul3A_166 = arith.muli %scan3A_165, %mul3A : i32
        %add3A = arith.constant 0 : i32
        %add3A_167 = arith.addi %add3A, %mul3A_166 : i32
        %mul3A_168 = arith.constant 16 : i32
        %mul3A_169 = arith.muli %add3A_167, %mul3A_168 : i32
        %add3A_170 = arith.addi %mul3A_169, %arg1 : i32
        %lt3A = arith.constant 392 : i32
        %lt3A_171 = arith.cmpi slt, %add3A_170, %lt3A : i32
        %convert_element_type3A_172 = arith.extui %lt3A_171 : i1 to i32
        %cond3A_173 = arith.constant 0 : i32
        %cond3A_174 = arith.cmpi ne, %convert_element_type3A_172, %cond3A_173 : i32
        scf.if %cond3A_174 {
          %mul3A_175 = arith.constant 128 : i32
          %mul3A_176 = arith.muli %add3A_170, %mul3A_175 : i32
          "tpu.region"() ({
            %run_scoped3A = tpu.sem_alloc : memref<!tpu.dma_semaphore, #tpu.memory_space<semaphore_mem>>
            %dma_start3A = arith.constant 0 : i32
            %dma_start3A_177 = tpu.memref_slice %arg16[%mul3A_176, %dma_start3A] : memref<50176x16xbf16, #tpu.memory_space<vmem_shared>> -> memref<128x16xbf16, #tpu.memory_space<vmem_shared>>
            %dma_start3A_178 = arith.constant 0 : i32
            %dma_start3A_179 = tpu.memref_slice %arg16[%mul3A_176, %dma_start3A_178] : memref<50176x16xbf16, #tpu.memory_space<vmem_shared>> -> memref<128x16xbf16, #tpu.memory_space<vmem_shared>>
            tpu.enqueue_dma source(%arg15 : memref<128x16xbf16, #tpu.memory_space<vmem>>) target(%dma_start3A_179 : memref<128x16xbf16, #tpu.memory_space<vmem_shared>>) target_semaphore(%run_scoped3A : memref<!tpu.dma_semaphore, #tpu.memory_space<semaphore_mem>>)
            %dma_wait3A_180 = arith.constant 0 : i32
            %dma_wait3A_181 = tpu.memref_slice %arg16[%mul3A_176, %dma_wait3A_180] : memref<50176x16xbf16, #tpu.memory_space<vmem_shared>> -> memref<128x16xbf16, #tpu.memory_space<vmem_shared>>
            %dma_wait3A_182 = arith.constant 0 : i32
            %dma_wait3A_183 = tpu.memref_slice %arg16[%mul3A_176, %dma_wait3A_182] : memref<50176x16xbf16, #tpu.memory_space<vmem_shared>> -> memref<128x16xbf16, #tpu.memory_space<vmem_shared>>
            tpu.wait_dma2 semaphore(%run_scoped3A : memref<!tpu.dma_semaphore, #tpu.memory_space<semaphore_mem>>) src(%arg15 : memref<128x16xbf16, #tpu.memory_space<vmem>>) dst(%dma_wait3A_183 : memref<128x16xbf16, #tpu.memory_space<vmem_shared>>)
            tpu.yield
          }) : () -> ()
        } else {
        }
      }
      %scan3A_15 = arith.constant 25 : i32
      %barrier3A = arith.constant 0 : index
      tpu.barrier barrier_id(%barrier3A)
      %scan3A_16 = arith.constant 0 : i32
      %scan3A_17 = arith.constant 98 : i32
      %scan3A_18 = arith.addi %scan3A_16, %scan3A_17 : i32
      %scan3A_19 = arith.constant 1 : i32
      scf.for %scan3A_165 = %scan3A_16 to %scan3A_18 step %scan3A_19  : i32 {
        %mul3A = arith.constant 1 : i32
        %mul3A_166 = arith.muli %scan3A_165, %mul3A : i32
        %add3A = arith.constant 0 : i32
        %add3A_167 = arith.addi %add3A, %mul3A_166 : i32
        %mul3A_168 = arith.constant 4 : i32
        %mul3A_169 = arith.muli %add3A_167, %mul3A_168 : i32
        %gt3A = arith.constant 0 : i32
        %gt3A_170 = arith.cmpi sgt, %add3A_167, %gt3A : i32
        %convert_element_type3A_171 = arith.extui %gt3A_170 : i1 to i32
        %cond3A_172 = arith.constant 0 : i32
        %cond3A_173 = arith.cmpi ne, %convert_element_type3A_171, %cond3A_172 : i32
        scf.if %cond3A_173 {
          %add3A_380 = arith.constant 0 : i32
          %add3A_381 = arith.addi %mul3A_169, %add3A_380 : i32
          %sub3A = arith.constant 4 : i32
          %sub3A_382 = arith.subi %add3A_381, %sub3A : i32
          %dma_wait3A_383 = arith.constant 0 : i32
          %dma_wait3A_384 = arith.constant 0 : i32
          %dma_wait3A_385 = arith.constant 0 : i32
          %dma_wait3A_386 = arith.constant 0 : i32
          %dma_wait3A_387 = tpu.memref_slice %arg14[%dma_wait3A_383, %dma_wait3A_385, %dma_wait3A_386] : memref<4x128x16xbf16, #tpu.memory_space<vmem>> -> memref<1x128x16xbf16, #tpu.memory_space<vmem>>
          %dma_wait3A_388 = tpu.memref_squeeze %dma_wait3A_387 : memref<1x128x16xbf16, #tpu.memory_space<vmem>> -> memref<128x16xbf16, #tpu.memory_space<vmem>>
          %dma_wait3A_389 = arith.constant 0 : i32
          %dma_wait3A_390 = tpu.memref_slice %arg13[%sub3A_382, %dma_wait3A_389] : memref<392x128xi32, #tpu.memory_space<vmem>> -> memref<1x128xi32, #tpu.memory_space<vmem>>
          %dma_wait3A_391 = tpu.memref_squeeze %dma_wait3A_390 : memref<1x128xi32, #tpu.memory_space<vmem>> -> memref<128xi32, #tpu.memory_space<vmem>>
          %dma_wait3A_392 = arith.constant 0 : i32
          %dma_wait3A_393 = arith.constant 0 : i32
          %dma_wait3A_394 = tpu.memref_slice %arg16[%dma_wait3A_392, %dma_wait3A_393] : memref<50176x16xbf16, #tpu.memory_space<vmem_shared>> -> memref<50176x16xbf16, #tpu.memory_space<vmem_shared>>
          %dma_wait3A_395 = tpu.memref_slice %arg18[%dma_wait3A_384] : memref<4x!tpu.dma_semaphore, #tpu.memory_space<semaphore_mem>> -> memref<1x!tpu.dma_semaphore, #tpu.memory_space<semaphore_mem>>
          %dma_wait3A_396 = tpu.memref_squeeze %dma_wait3A_395 : memref<1x!tpu.dma_semaphore, #tpu.memory_space<semaphore_mem>> -> memref<!tpu.dma_semaphore, #tpu.memory_space<semaphore_mem>>
          tpu.wait_indirect_dma semaphore(%dma_wait3A_396 : memref<!tpu.dma_semaphore, #tpu.memory_space<semaphore_mem>>) src(%dma_wait3A_388 : memref<128x16xbf16, #tpu.memory_space<vmem>>) dst(%dma_wait3A_394 : memref<50176x16xbf16, #tpu.memory_space<vmem_shared>>)
        } else {
        }
        %add3A_174 = arith.constant 0 : i32
        %add3A_175 = arith.addi %mul3A_169, %add3A_174 : i32
        %dma_start3A = arith.constant 0 : i32
        %dma_start3A_176 = arith.constant 0 : i32
        %dma_start3A_177 = arith.constant 0 : i32
        %dma_start3A_178 = arith.constant 0 : i32
        %dma_start3A_179 = tpu.memref_slice %arg14[%dma_start3A, %dma_start3A_177, %dma_start3A_178] : memref<4x128x16xbf16, #tpu.memory_space<vmem>> -> memref<1x128x16xbf16, #tpu.memory_space<vmem>>
        %dma_start3A_180 = tpu.memref_squeeze %dma_start3A_179 : memref<1x128x16xbf16, #tpu.memory_space<vmem>> -> memref<128x16xbf16, #tpu.memory_space<vmem>>
        %dma_start3A_181 = arith.constant 0 : i32
        %dma_start3A_182 = tpu.memref_slice %arg12[%add3A_175, %dma_start3A_181] : memref<392x128xi32, #tpu.memory_space<vmem>> -> memref<1x128xi32, #tpu.memory_space<vmem>>
        %dma_start3A_183 = tpu.memref_squeeze %dma_start3A_182 : memref<1x128xi32, #tpu.memory_space<vmem>> -> memref<128xi32, #tpu.memory_space<vmem>>
        %dma_start3A_184 = arith.constant 0 : i32
        %dma_start3A_185 = arith.constant 0 : i32
        %dma_start3A_186 = tpu.memref_slice %arg5[%dma_start3A_184, %dma_start3A_185] : memref<50176x16xbf16, #tpu.memory_space<hbm>> -> memref<50176x16xbf16, #tpu.memory_space<hbm>>
        %dma_start3A_187 = tpu.memref_slice %arg17[%dma_start3A_176] : memref<4x!tpu.dma_semaphore, #tpu.memory_space<semaphore_mem>> -> memref<1x!tpu.dma_semaphore, #tpu.memory_space<semaphore_mem>>
        %dma_start3A_188 = tpu.memref_squeeze %dma_start3A_187 : memref<1x!tpu.dma_semaphore, #tpu.memory_space<semaphore_mem>> -> memref<!tpu.dma_semaphore, #tpu.memory_space<semaphore_mem>>
        tpu.enqueue_indirect_dma source(%dma_start3A_186 : memref<50176x16xbf16, #tpu.memory_space<hbm>>) target(%dma_start3A_180 : memref<128x16xbf16, #tpu.memory_space<vmem>>) offsets(%dma_start3A_183 : memref<128xi32, #tpu.memory_space<vmem>>) semaphore(%dma_start3A_188 : memref<!tpu.dma_semaphore, #tpu.memory_space<semaphore_mem>>)
        %gt3A_189 = arith.constant 0 : i32
        %gt3A_190 = arith.cmpi sgt, %add3A_167, %gt3A_189 : i32
        %convert_element_type3A_191 = arith.extui %gt3A_190 : i1 to i32
        %cond3A_192 = arith.constant 0 : i32
        %cond3A_193 = arith.cmpi ne, %convert_element_type3A_191, %cond3A_192 : i32
        scf.if %cond3A_193 {
          %add3A_380 = arith.constant 1 : i32
          %add3A_381 = arith.addi %mul3A_169, %add3A_380 : i32
          %sub3A = arith.constant 4 : i32
          %sub3A_382 = arith.subi %add3A_381, %sub3A : i32
          %dma_wait3A_383 = arith.constant 1 : i32
          %dma_wait3A_384 = arith.constant 1 : i32
          %dma_wait3A_385 = arith.constant 0 : i32
          %dma_wait3A_386 = arith.constant 0 : i32
          %dma_wait3A_387 = tpu.memref_slice %arg14[%dma_wait3A_383, %dma_wait3A_385, %dma_wait3A_386] : memref<4x128x16xbf16, #tpu.memory_space<vmem>> -> memref<1x128x16xbf16, #tpu.memory_space<vmem>>
          %dma_wait3A_388 = tpu.memref_squeeze %dma_wait3A_387 : memref<1x128x16xbf16, #tpu.memory_space<vmem>> -> memref<128x16xbf16, #tpu.memory_space<vmem>>
          %dma_wait3A_389 = arith.constant 0 : i32
          %dma_wait3A_390 = tpu.memref_slice %arg13[%sub3A_382, %dma_wait3A_389] : memref<392x128xi32, #tpu.memory_space<vmem>> -> memref<1x128xi32, #tpu.memory_space<vmem>>
          %dma_wait3A_391 = tpu.memref_squeeze %dma_wait3A_390 : memref<1x128xi32, #tpu.memory_space<vmem>> -> memref<128xi32, #tpu.memory_space<vmem>>
          %dma_wait3A_392 = arith.constant 0 : i32
          %dma_wait3A_393 = arith.constant 0 : i32
          %dma_wait3A_394 = tpu.memref_slice %arg16[%dma_wait3A_392, %dma_wait3A_393] : memref<50176x16xbf16, #tpu.memory_space<vmem_shared>> -> memref<50176x16xbf16, #tpu.memory_space<vmem_shared>>
          %dma_wait3A_395 = tpu.memref_slice %arg18[%dma_wait3A_384] : memref<4x!tpu.dma_semaphore, #tpu.memory_space<semaphore_mem>> -> memref<1x!tpu.dma_semaphore, #tpu.memory_space<semaphore_mem>>
          %dma_wait3A_396 = tpu.memref_squeeze %dma_wait3A_395 : memref<1x!tpu.dma_semaphore, #tpu.memory_space<semaphore_mem>> -> memref<!tpu.dma_semaphore, #tpu.memory_space<semaphore_mem>>
          tpu.wait_indirect_dma semaphore(%dma_wait3A_396 : memref<!tpu.dma_semaphore, #tpu.memory_space<semaphore_mem>>) src(%dma_wait3A_388 : memref<128x16xbf16, #tpu.memory_space<vmem>>) dst(%dma_wait3A_394 : memref<50176x16xbf16, #tpu.memory_space<vmem_shared>>)
        } else {
        }
        %add3A_194 = arith.constant 1 : i32
        %add3A_195 = arith.addi %mul3A_169, %add3A_194 : i32
        %dma_start3A_196 = arith.constant 1 : i32
        %dma_start3A_197 = arith.constant 1 : i32
        %dma_start3A_198 = arith.constant 0 : i32
        %dma_start3A_199 = arith.constant 0 : i32
        %dma_start3A_200 = tpu.memref_slice %arg14[%dma_start3A_196, %dma_start3A_198, %dma_start3A_199] : memref<4x128x16xbf16, #tpu.memory_space<vmem>> -> memref<1x128x16xbf16, #tpu.memory_space<vmem>>
        %dma_start3A_201 = tpu.memref_squeeze %dma_start3A_200 : memref<1x128x16xbf16, #tpu.memory_space<vmem>> -> memref<128x16xbf16, #tpu.memory_space<vmem>>
        %dma_start3A_202 = arith.constant 0 : i32
        %dma_start3A_203 = tpu.memref_slice %arg12[%add3A_195, %dma_start3A_202] : memref<392x128xi32, #tpu.memory_space<vmem>> -> memref<1x128xi32, #tpu.memory_space<vmem>>
        %dma_start3A_204 = tpu.memref_squeeze %dma_start3A_203 : memref<1x128xi32, #tpu.memory_space<vmem>> -> memref<128xi32, #tpu.memory_space<vmem>>
        %dma_start3A_205 = arith.constant 0 : i32
        %dma_start3A_206 = arith.constant 0 : i32
        %dma_start3A_207 = tpu.memref_slice %arg5[%dma_start3A_205, %dma_start3A_206] : memref<50176x16xbf16, #tpu.memory_space<hbm>> -> memref<50176x16xbf16, #tpu.memory_space<hbm>>
        %dma_start3A_208 = tpu.memref_slice %arg17[%dma_start3A_197] : memref<4x!tpu.dma_semaphore, #tpu.memory_space<semaphore_mem>> -> memref<1x!tpu.dma_semaphore, #tpu.memory_space<semaphore_mem>>
        %dma_start3A_209 = tpu.memref_squeeze %dma_start3A_208 : memref<1x!tpu.dma_semaphore, #tpu.memory_space<semaphore_mem>> -> memref<!tpu.dma_semaphore, #tpu.memory_space<semaphore_mem>>
        tpu.enqueue_indirect_dma source(%dma_start3A_207 : memref<50176x16xbf16, #tpu.memory_space<hbm>>) target(%dma_start3A_201 : memref<128x16xbf16, #tpu.memory_space<vmem>>) offsets(%dma_start3A_204 : memref<128xi32, #tpu.memory_space<vmem>>) semaphore(%dma_start3A_209 : memref<!tpu.dma_semaphore, #tpu.memory_space<semaphore_mem>>)
        %gt3A_210 = arith.constant 0 : i32
        %gt3A_211 = arith.cmpi sgt, %add3A_167, %gt3A_210 : i32
        %convert_element_type3A_212 = arith.extui %gt3A_211 : i1 to i32
        %cond3A_213 = arith.constant 0 : i32
        %cond3A_214 = arith.cmpi ne, %convert_element_type3A_212, %cond3A_213 : i32
        scf.if %cond3A_214 {
          %add3A_380 = arith.constant 2 : i32
          %add3A_381 = arith.addi %mul3A_169, %add3A_380 : i32
          %sub3A = arith.constant 4 : i32
          %sub3A_382 = arith.subi %add3A_381, %sub3A : i32
          %dma_wait3A_383 = arith.constant 2 : i32
          %dma_wait3A_384 = arith.constant 2 : i32
          %dma_wait3A_385 = arith.constant 0 : i32
          %dma_wait3A_386 = arith.constant 0 : i32
          %dma_wait3A_387 = tpu.memref_slice %arg14[%dma_wait3A_383, %dma_wait3A_385, %dma_wait3A_386] : memref<4x128x16xbf16, #tpu.memory_space<vmem>> -> memref<1x128x16xbf16, #tpu.memory_space<vmem>>
          %dma_wait3A_388 = tpu.memref_squeeze %dma_wait3A_387 : memref<1x128x16xbf16, #tpu.memory_space<vmem>> -> memref<128x16xbf16, #tpu.memory_space<vmem>>
          %dma_wait3A_389 = arith.constant 0 : i32
          %dma_wait3A_390 = tpu.memref_slice %arg13[%sub3A_382, %dma_wait3A_389] : memref<392x128xi32, #tpu.memory_space<vmem>> -> memref<1x128xi32, #tpu.memory_space<vmem>>
          %dma_wait3A_391 = tpu.memref_squeeze %dma_wait3A_390 : memref<1x128xi32, #tpu.memory_space<vmem>> -> memref<128xi32, #tpu.memory_space<vmem>>
          %dma_wait3A_392 = arith.constant 0 : i32
          %dma_wait3A_393 = arith.constant 0 : i32
          %dma_wait3A_394 = tpu.memref_slice %arg16[%dma_wait3A_392, %dma_wait3A_393] : memref<50176x16xbf16, #tpu.memory_space<vmem_shared>> -> memref<50176x16xbf16, #tpu.memory_space<vmem_shared>>
          %dma_wait3A_395 = tpu.memref_slice %arg18[%dma_wait3A_384] : memref<4x!tpu.dma_semaphore, #tpu.memory_space<semaphore_mem>> -> memref<1x!tpu.dma_semaphore, #tpu.memory_space<semaphore_mem>>
          %dma_wait3A_396 = tpu.memref_squeeze %dma_wait3A_395 : memref<1x!tpu.dma_semaphore, #tpu.memory_space<semaphore_mem>> -> memref<!tpu.dma_semaphore, #tpu.memory_space<semaphore_mem>>
          tpu.wait_indirect_dma semaphore(%dma_wait3A_396 : memref<!tpu.dma_semaphore, #tpu.memory_space<semaphore_mem>>) src(%dma_wait3A_388 : memref<128x16xbf16, #tpu.memory_space<vmem>>) dst(%dma_wait3A_394 : memref<50176x16xbf16, #tpu.memory_space<vmem_shared>>)
        } else {
        }
        %add3A_215 = arith.constant 2 : i32
        %add3A_216 = arith.addi %mul3A_169, %add3A_215 : i32
        %dma_start3A_217 = arith.constant 2 : i32
        %dma_start3A_218 = arith.constant 2 : i32
        %dma_start3A_219 = arith.constant 0 : i32
        %dma_start3A_220 = arith.constant 0 : i32
        %dma_start3A_221 = tpu.memref_slice %arg14[%dma_start3A_217, %dma_start3A_219, %dma_start3A_220] : memref<4x128x16xbf16, #tpu.memory_space<vmem>> -> memref<1x128x16xbf16, #tpu.memory_space<vmem>>
        %dma_start3A_222 = tpu.memref_squeeze %dma_start3A_221 : memref<1x128x16xbf16, #tpu.memory_space<vmem>> -> memref<128x16xbf16, #tpu.memory_space<vmem>>
        %dma_start3A_223 = arith.constant 0 : i32
        %dma_start3A_224 = tpu.memref_slice %arg12[%add3A_216, %dma_start3A_223] : memref<392x128xi32, #tpu.memory_space<vmem>> -> memref<1x128xi32, #tpu.memory_space<vmem>>
        %dma_start3A_225 = tpu.memref_squeeze %dma_start3A_224 : memref<1x128xi32, #tpu.memory_space<vmem>> -> memref<128xi32, #tpu.memory_space<vmem>>
        %dma_start3A_226 = arith.constant 0 : i32
        %dma_start3A_227 = arith.constant 0 : i32
        %dma_start3A_228 = tpu.memref_slice %arg5[%dma_start3A_226, %dma_start3A_227] : memref<50176x16xbf16, #tpu.memory_space<hbm>> -> memref<50176x16xbf16, #tpu.memory_space<hbm>>
        %dma_start3A_229 = tpu.memref_slice %arg17[%dma_start3A_218] : memref<4x!tpu.dma_semaphore, #tpu.memory_space<semaphore_mem>> -> memref<1x!tpu.dma_semaphore, #tpu.memory_space<semaphore_mem>>
        %dma_start3A_230 = tpu.memref_squeeze %dma_start3A_229 : memref<1x!tpu.dma_semaphore, #tpu.memory_space<semaphore_mem>> -> memref<!tpu.dma_semaphore, #tpu.memory_space<semaphore_mem>>
        tpu.enqueue_indirect_dma source(%dma_start3A_228 : memref<50176x16xbf16, #tpu.memory_space<hbm>>) target(%dma_start3A_222 : memref<128x16xbf16, #tpu.memory_space<vmem>>) offsets(%dma_start3A_225 : memref<128xi32, #tpu.memory_space<vmem>>) semaphore(%dma_start3A_230 : memref<!tpu.dma_semaphore, #tpu.memory_space<semaphore_mem>>)
        %gt3A_231 = arith.constant 0 : i32
        %gt3A_232 = arith.cmpi sgt, %add3A_167, %gt3A_231 : i32
        %convert_element_type3A_233 = arith.extui %gt3A_232 : i1 to i32
        %cond3A_234 = arith.constant 0 : i32
        %cond3A_235 = arith.cmpi ne, %convert_element_type3A_233, %cond3A_234 : i32
        scf.if %cond3A_235 {
          %add3A_380 = arith.constant 3 : i32
          %add3A_381 = arith.addi %mul3A_169, %add3A_380 : i32
          %sub3A = arith.constant 4 : i32
          %sub3A_382 = arith.subi %add3A_381, %sub3A : i32
          %dma_wait3A_383 = arith.constant 3 : i32
          %dma_wait3A_384 = arith.constant 3 : i32
          %dma_wait3A_385 = arith.constant 0 : i32
          %dma_wait3A_386 = arith.constant 0 : i32
          %dma_wait3A_387 = tpu.memref_slice %arg14[%dma_wait3A_383, %dma_wait3A_385, %dma_wait3A_386] : memref<4x128x16xbf16, #tpu.memory_space<vmem>> -> memref<1x128x16xbf16, #tpu.memory_space<vmem>>
          %dma_wait3A_388 = tpu.memref_squeeze %dma_wait3A_387 : memref<1x128x16xbf16, #tpu.memory_space<vmem>> -> memref<128x16xbf16, #tpu.memory_space<vmem>>
          %dma_wait3A_389 = arith.constant 0 : i32
          %dma_wait3A_390 = tpu.memref_slice %arg13[%sub3A_382, %dma_wait3A_389] : memref<392x128xi32, #tpu.memory_space<vmem>> -> memref<1x128xi32, #tpu.memory_space<vmem>>
          %dma_wait3A_391 = tpu.memref_squeeze %dma_wait3A_390 : memref<1x128xi32, #tpu.memory_space<vmem>> -> memref<128xi32, #tpu.memory_space<vmem>>
          %dma_wait3A_392 = arith.constant 0 : i32
          %dma_wait3A_393 = arith.constant 0 : i32
          %dma_wait3A_394 = tpu.memref_slice %arg16[%dma_wait3A_392, %dma_wait3A_393] : memref<50176x16xbf16, #tpu.memory_space<vmem_shared>> -> memref<50176x16xbf16, #tpu.memory_space<vmem_shared>>
          %dma_wait3A_395 = tpu.memref_slice %arg18[%dma_wait3A_384] : memref<4x!tpu.dma_semaphore, #tpu.memory_space<semaphore_mem>> -> memref<1x!tpu.dma_semaphore, #tpu.memory_space<semaphore_mem>>
          %dma_wait3A_396 = tpu.memref_squeeze %dma_wait3A_395 : memref<1x!tpu.dma_semaphore, #tpu.memory_space<semaphore_mem>> -> memref<!tpu.dma_semaphore, #tpu.memory_space<semaphore_mem>>
          tpu.wait_indirect_dma semaphore(%dma_wait3A_396 : memref<!tpu.dma_semaphore, #tpu.memory_space<semaphore_mem>>) src(%dma_wait3A_388 : memref<128x16xbf16, #tpu.memory_space<vmem>>) dst(%dma_wait3A_394 : memref<50176x16xbf16, #tpu.memory_space<vmem_shared>>)
        } else {
        }
        %add3A_236 = arith.constant 3 : i32
        %add3A_237 = arith.addi %mul3A_169, %add3A_236 : i32
        %dma_start3A_238 = arith.constant 3 : i32
        %dma_start3A_239 = arith.constant 3 : i32
        %dma_start3A_240 = arith.constant 0 : i32
        %dma_start3A_241 = arith.constant 0 : i32
        %dma_start3A_242 = tpu.memref_slice %arg14[%dma_start3A_238, %dma_start3A_240, %dma_start3A_241] : memref<4x128x16xbf16, #tpu.memory_space<vmem>> -> memref<1x128x16xbf16, #tpu.memory_space<vmem>>
        %dma_start3A_243 = tpu.memref_squeeze %dma_start3A_242 : memref<1x128x16xbf16, #tpu.memory_space<vmem>> -> memref<128x16xbf16, #tpu.memory_space<vmem>>
        %dma_start3A_244 = arith.constant 0 : i32
        %dma_start3A_245 = tpu.memref_slice %arg12[%add3A_237, %dma_start3A_244] : memref<392x128xi32, #tpu.memory_space<vmem>> -> memref<1x128xi32, #tpu.memory_space<vmem>>
        %dma_start3A_246 = tpu.memref_squeeze %dma_start3A_245 : memref<1x128xi32, #tpu.memory_space<vmem>> -> memref<128xi32, #tpu.memory_space<vmem>>
        %dma_start3A_247 = arith.constant 0 : i32
        %dma_start3A_248 = arith.constant 0 : i32
        %dma_start3A_249 = tpu.memref_slice %arg5[%dma_start3A_247, %dma_start3A_248] : memref<50176x16xbf16, #tpu.memory_space<hbm>> -> memref<50176x16xbf16, #tpu.memory_space<hbm>>
        %dma_start3A_250 = tpu.memref_slice %arg17[%dma_start3A_239] : memref<4x!tpu.dma_semaphore, #tpu.memory_space<semaphore_mem>> -> memref<1x!tpu.dma_semaphore, #tpu.memory_space<semaphore_mem>>
        %dma_start3A_251 = tpu.memref_squeeze %dma_start3A_250 : memref<1x!tpu.dma_semaphore, #tpu.memory_space<semaphore_mem>> -> memref<!tpu.dma_semaphore, #tpu.memory_space<semaphore_mem>>
        tpu.enqueue_indirect_dma source(%dma_start3A_249 : memref<50176x16xbf16, #tpu.memory_space<hbm>>) target(%dma_start3A_243 : memref<128x16xbf16, #tpu.memory_space<vmem>>) offsets(%dma_start3A_246 : memref<128xi32, #tpu.memory_space<vmem>>) semaphore(%dma_start3A_251 : memref<!tpu.dma_semaphore, #tpu.memory_space<semaphore_mem>>)
        %add3A_252 = arith.constant 0 : i32
        %add3A_253 = arith.addi %mul3A_169, %add3A_252 : i32
        %dma_wait3A_254 = arith.constant 0 : i32
        %dma_wait3A_255 = arith.constant 0 : i32
        %dma_wait3A_256 = arith.constant 0 : i32
        %dma_wait3A_257 = arith.constant 0 : i32
        %dma_wait3A_258 = tpu.memref_slice %arg14[%dma_wait3A_254, %dma_wait3A_256, %dma_wait3A_257] : memref<4x128x16xbf16, #tpu.memory_space<vmem>> -> memref<1x128x16xbf16, #tpu.memory_space<vmem>>
        %dma_wait3A_259 = tpu.memref_squeeze %dma_wait3A_258 : memref<1x128x16xbf16, #tpu.memory_space<vmem>> -> memref<128x16xbf16, #tpu.memory_space<vmem>>
        %dma_wait3A_260 = arith.constant 0 : i32
        %dma_wait3A_261 = tpu.memref_slice %arg12[%add3A_253, %dma_wait3A_260] : memref<392x128xi32, #tpu.memory_space<vmem>> -> memref<1x128xi32, #tpu.memory_space<vmem>>
        %dma_wait3A_262 = tpu.memref_squeeze %dma_wait3A_261 : memref<1x128xi32, #tpu.memory_space<vmem>> -> memref<128xi32, #tpu.memory_space<vmem>>
        %dma_wait3A_263 = arith.constant 0 : i32
        %dma_wait3A_264 = arith.constant 0 : i32
        %dma_wait3A_265 = tpu.memref_slice %arg5[%dma_wait3A_263, %dma_wait3A_264] : memref<50176x16xbf16, #tpu.memory_space<hbm>> -> memref<50176x16xbf16, #tpu.memory_space<hbm>>
        %dma_wait3A_266 = tpu.memref_slice %arg17[%dma_wait3A_255] : memref<4x!tpu.dma_semaphore, #tpu.memory_space<semaphore_mem>> -> memref<1x!tpu.dma_semaphore, #tpu.memory_space<semaphore_mem>>
        %dma_wait3A_267 = tpu.memref_squeeze %dma_wait3A_266 : memref<1x!tpu.dma_semaphore, #tpu.memory_space<semaphore_mem>> -> memref<!tpu.dma_semaphore, #tpu.memory_space<semaphore_mem>>
        tpu.wait_indirect_dma semaphore(%dma_wait3A_267 : memref<!tpu.dma_semaphore, #tpu.memory_space<semaphore_mem>>) src(%dma_wait3A_265 : memref<50176x16xbf16, #tpu.memory_space<hbm>>) dst(%dma_wait3A_259 : memref<128x16xbf16, #tpu.memory_space<vmem>>)
        %add3A_268 = arith.constant 0 : i32
        %add3A_269 = arith.addi %mul3A_169, %add3A_268 : i32
        %dma_start3A_270 = arith.constant 0 : i32
        %dma_start3A_271 = arith.constant 0 : i32
        %dma_start3A_272 = arith.constant 0 : i32
        %dma_start3A_273 = arith.constant 0 : i32
        %dma_start3A_274 = tpu.memref_slice %arg14[%dma_start3A_270, %dma_start3A_272, %dma_start3A_273] : memref<4x128x16xbf16, #tpu.memory_space<vmem>> -> memref<1x128x16xbf16, #tpu.memory_space<vmem>>
        %dma_start3A_275 = tpu.memref_squeeze %dma_start3A_274 : memref<1x128x16xbf16, #tpu.memory_space<vmem>> -> memref<128x16xbf16, #tpu.memory_space<vmem>>
        %dma_start3A_276 = arith.constant 0 : i32
        %dma_start3A_277 = tpu.memref_slice %arg13[%add3A_269, %dma_start3A_276] : memref<392x128xi32, #tpu.memory_space<vmem>> -> memref<1x128xi32, #tpu.memory_space<vmem>>
        %dma_start3A_278 = tpu.memref_squeeze %dma_start3A_277 : memref<1x128xi32, #tpu.memory_space<vmem>> -> memref<128xi32, #tpu.memory_space<vmem>>
        %dma_start3A_279 = arith.constant 0 : i32
        %dma_start3A_280 = arith.constant 0 : i32
        %dma_start3A_281 = tpu.memref_slice %arg16[%dma_start3A_279, %dma_start3A_280] : memref<50176x16xbf16, #tpu.memory_space<vmem_shared>> -> memref<50176x16xbf16, #tpu.memory_space<vmem_shared>>
        %dma_start3A_282 = tpu.memref_slice %arg18[%dma_start3A_271] : memref<4x!tpu.dma_semaphore, #tpu.memory_space<semaphore_mem>> -> memref<1x!tpu.dma_semaphore, #tpu.memory_space<semaphore_mem>>
        %dma_start3A_283 = tpu.memref_squeeze %dma_start3A_282 : memref<1x!tpu.dma_semaphore, #tpu.memory_space<semaphore_mem>> -> memref<!tpu.dma_semaphore, #tpu.memory_space<semaphore_mem>>
        tpu.enqueue_indirect_dma source(%dma_start3A_275 : memref<128x16xbf16, #tpu.memory_space<vmem>>) target(%dma_start3A_281 : memref<50176x16xbf16, #tpu.memory_space<vmem_shared>>) offsets(%dma_start3A_278 : memref<128xi32, #tpu.memory_space<vmem>>) semaphore(%dma_start3A_283 : memref<!tpu.dma_semaphore, #tpu.memory_space<semaphore_mem>>) {add = true}
        %add3A_284 = arith.constant 1 : i32
        %add3A_285 = arith.addi %mul3A_169, %add3A_284 : i32
        %dma_wait3A_286 = arith.constant 1 : i32
        %dma_wait3A_287 = arith.constant 1 : i32
        %dma_wait3A_288 = arith.constant 0 : i32
        %dma_wait3A_289 = arith.constant 0 : i32
        %dma_wait3A_290 = tpu.memref_slice %arg14[%dma_wait3A_286, %dma_wait3A_288, %dma_wait3A_289] : memref<4x128x16xbf16, #tpu.memory_space<vmem>> -> memref<1x128x16xbf16, #tpu.memory_space<vmem>>
        %dma_wait3A_291 = tpu.memref_squeeze %dma_wait3A_290 : memref<1x128x16xbf16, #tpu.memory_space<vmem>> -> memref<128x16xbf16, #tpu.memory_space<vmem>>
        %dma_wait3A_292 = arith.constant 0 : i32
        %dma_wait3A_293 = tpu.memref_slice %arg12[%add3A_285, %dma_wait3A_292] : memref<392x128xi32, #tpu.memory_space<vmem>> -> memref<1x128xi32, #tpu.memory_space<vmem>>
        %dma_wait3A_294 = tpu.memref_squeeze %dma_wait3A_293 : memref<1x128xi32, #tpu.memory_space<vmem>> -> memref<128xi32, #tpu.memory_space<vmem>>
        %dma_wait3A_295 = arith.constant 0 : i32
        %dma_wait3A_296 = arith.constant 0 : i32
        %dma_wait3A_297 = tpu.memref_slice %arg5[%dma_wait3A_295, %dma_wait3A_296] : memref<50176x16xbf16, #tpu.memory_space<hbm>> -> memref<50176x16xbf16, #tpu.memory_space<hbm>>
        %dma_wait3A_298 = tpu.memref_slice %arg17[%dma_wait3A_287] : memref<4x!tpu.dma_semaphore, #tpu.memory_space<semaphore_mem>> -> memref<1x!tpu.dma_semaphore, #tpu.memory_space<semaphore_mem>>
        %dma_wait3A_299 = tpu.memref_squeeze %dma_wait3A_298 : memref<1x!tpu.dma_semaphore, #tpu.memory_space<semaphore_mem>> -> memref<!tpu.dma_semaphore, #tpu.memory_space<semaphore_mem>>
        tpu.wait_indirect_dma semaphore(%dma_wait3A_299 : memref<!tpu.dma_semaphore, #tpu.memory_space<semaphore_mem>>) src(%dma_wait3A_297 : memref<50176x16xbf16, #tpu.memory_space<hbm>>) dst(%dma_wait3A_291 : memref<128x16xbf16, #tpu.memory_space<vmem>>)
        %add3A_300 = arith.constant 1 : i32
        %add3A_301 = arith.addi %mul3A_169, %add3A_300 : i32
        %dma_start3A_302 = arith.constant 1 : i32
        %dma_start3A_303 = arith.constant 1 : i32
        %dma_start3A_304 = arith.constant 0 : i32
        %dma_start3A_305 = arith.constant 0 : i32
        %dma_start3A_306 = tpu.memref_slice %arg14[%dma_start3A_302, %dma_start3A_304, %dma_start3A_305] : memref<4x128x16xbf16, #tpu.memory_space<vmem>> -> memref<1x128x16xbf16, #tpu.memory_space<vmem>>
        %dma_start3A_307 = tpu.memref_squeeze %dma_start3A_306 : memref<1x128x16xbf16, #tpu.memory_space<vmem>> -> memref<128x16xbf16, #tpu.memory_space<vmem>>
        %dma_start3A_308 = arith.constant 0 : i32
        %dma_start3A_309 = tpu.memref_slice %arg13[%add3A_301, %dma_start3A_308] : memref<392x128xi32, #tpu.memory_space<vmem>> -> memref<1x128xi32, #tpu.memory_space<vmem>>
        %dma_start3A_310 = tpu.memref_squeeze %dma_start3A_309 : memref<1x128xi32, #tpu.memory_space<vmem>> -> memref<128xi32, #tpu.memory_space<vmem>>
        %dma_start3A_311 = arith.constant 0 : i32
        %dma_start3A_312 = arith.constant 0 : i32
        %dma_start3A_313 = tpu.memref_slice %arg16[%dma_start3A_311, %dma_start3A_312] : memref<50176x16xbf16, #tpu.memory_space<vmem_shared>> -> memref<50176x16xbf16, #tpu.memory_space<vmem_shared>>
        %dma_start3A_314 = tpu.memref_slice %arg18[%dma_start3A_303] : memref<4x!tpu.dma_semaphore, #tpu.memory_space<semaphore_mem>> -> memref<1x!tpu.dma_semaphore, #tpu.memory_space<semaphore_mem>>
        %dma_start3A_315 = tpu.memref_squeeze %dma_start3A_314 : memref<1x!tpu.dma_semaphore, #tpu.memory_space<semaphore_mem>> -> memref<!tpu.dma_semaphore, #tpu.memory_space<semaphore_mem>>
        tpu.enqueue_indirect_dma source(%dma_start3A_307 : memref<128x16xbf16, #tpu.memory_space<vmem>>) target(%dma_start3A_313 : memref<50176x16xbf16, #tpu.memory_space<vmem_shared>>) offsets(%dma_start3A_310 : memref<128xi32, #tpu.memory_space<vmem>>) semaphore(%dma_start3A_315 : memref<!tpu.dma_semaphore, #tpu.memory_space<semaphore_mem>>) {add = true}
        %add3A_316 = arith.constant 2 : i32
        %add3A_317 = arith.addi %mul3A_169, %add3A_316 : i32
        %dma_wait3A_318 = arith.constant 2 : i32
        %dma_wait3A_319 = arith.constant 2 : i32
        %dma_wait3A_320 = arith.constant 0 : i32
        %dma_wait3A_321 = arith.constant 0 : i32
        %dma_wait3A_322 = tpu.memref_slice %arg14[%dma_wait3A_318, %dma_wait3A_320, %dma_wait3A_321] : memref<4x128x16xbf16, #tpu.memory_space<vmem>> -> memref<1x128x16xbf16, #tpu.memory_space<vmem>>
        %dma_wait3A_323 = tpu.memref_squeeze %dma_wait3A_322 : memref<1x128x16xbf16, #tpu.memory_space<vmem>> -> memref<128x16xbf16, #tpu.memory_space<vmem>>
        %dma_wait3A_324 = arith.constant 0 : i32
        %dma_wait3A_325 = tpu.memref_slice %arg12[%add3A_317, %dma_wait3A_324] : memref<392x128xi32, #tpu.memory_space<vmem>> -> memref<1x128xi32, #tpu.memory_space<vmem>>
        %dma_wait3A_326 = tpu.memref_squeeze %dma_wait3A_325 : memref<1x128xi32, #tpu.memory_space<vmem>> -> memref<128xi32, #tpu.memory_space<vmem>>
        %dma_wait3A_327 = arith.constant 0 : i32
        %dma_wait3A_328 = arith.constant 0 : i32
        %dma_wait3A_329 = tpu.memref_slice %arg5[%dma_wait3A_327, %dma_wait3A_328] : memref<50176x16xbf16, #tpu.memory_space<hbm>> -> memref<50176x16xbf16, #tpu.memory_space<hbm>>
        %dma_wait3A_330 = tpu.memref_slice %arg17[%dma_wait3A_319] : memref<4x!tpu.dma_semaphore, #tpu.memory_space<semaphore_mem>> -> memref<1x!tpu.dma_semaphore, #tpu.memory_space<semaphore_mem>>
        %dma_wait3A_331 = tpu.memref_squeeze %dma_wait3A_330 : memref<1x!tpu.dma_semaphore, #tpu.memory_space<semaphore_mem>> -> memref<!tpu.dma_semaphore, #tpu.memory_space<semaphore_mem>>
        tpu.wait_indirect_dma semaphore(%dma_wait3A_331 : memref<!tpu.dma_semaphore, #tpu.memory_space<semaphore_mem>>) src(%dma_wait3A_329 : memref<50176x16xbf16, #tpu.memory_space<hbm>>) dst(%dma_wait3A_323 : memref<128x16xbf16, #tpu.memory_space<vmem>>)
        %add3A_332 = arith.constant 2 : i32
        %add3A_333 = arith.addi %mul3A_169, %add3A_332 : i32
        %dma_start3A_334 = arith.constant 2 : i32
        %dma_start3A_335 = arith.constant 2 : i32
        %dma_start3A_336 = arith.constant 0 : i32
        %dma_start3A_337 = arith.constant 0 : i32
        %dma_start3A_338 = tpu.memref_slice %arg14[%dma_start3A_334, %dma_start3A_336, %dma_start3A_337] : memref<4x128x16xbf16, #tpu.memory_space<vmem>> -> memref<1x128x16xbf16, #tpu.memory_space<vmem>>
        %dma_start3A_339 = tpu.memref_squeeze %dma_start3A_338 : memref<1x128x16xbf16, #tpu.memory_space<vmem>> -> memref<128x16xbf16, #tpu.memory_space<vmem>>
        %dma_start3A_340 = arith.constant 0 : i32
        %dma_start3A_341 = tpu.memref_slice %arg13[%add3A_333, %dma_start3A_340] : memref<392x128xi32, #tpu.memory_space<vmem>> -> memref<1x128xi32, #tpu.memory_space<vmem>>
        %dma_start3A_342 = tpu.memref_squeeze %dma_start3A_341 : memref<1x128xi32, #tpu.memory_space<vmem>> -> memref<128xi32, #tpu.memory_space<vmem>>
        %dma_start3A_343 = arith.constant 0 : i32
        %dma_start3A_344 = arith.constant 0 : i32
        %dma_start3A_345 = tpu.memref_slice %arg16[%dma_start3A_343, %dma_start3A_344] : memref<50176x16xbf16, #tpu.memory_space<vmem_shared>> -> memref<50176x16xbf16, #tpu.memory_space<vmem_shared>>
        %dma_start3A_346 = tpu.memref_slice %arg18[%dma_start3A_335] : memref<4x!tpu.dma_semaphore, #tpu.memory_space<semaphore_mem>> -> memref<1x!tpu.dma_semaphore, #tpu.memory_space<semaphore_mem>>
        %dma_start3A_347 = tpu.memref_squeeze %dma_start3A_346 : memref<1x!tpu.dma_semaphore, #tpu.memory_space<semaphore_mem>> -> memref<!tpu.dma_semaphore, #tpu.memory_space<semaphore_mem>>
        tpu.enqueue_indirect_dma source(%dma_start3A_339 : memref<128x16xbf16, #tpu.memory_space<vmem>>) target(%dma_start3A_345 : memref<50176x16xbf16, #tpu.memory_space<vmem_shared>>) offsets(%dma_start3A_342 : memref<128xi32, #tpu.memory_space<vmem>>) semaphore(%dma_start3A_347 : memref<!tpu.dma_semaphore, #tpu.memory_space<semaphore_mem>>) {add = true}
        %add3A_348 = arith.constant 3 : i32
        %add3A_349 = arith.addi %mul3A_169, %add3A_348 : i32
        %dma_wait3A_350 = arith.constant 3 : i32
        %dma_wait3A_351 = arith.constant 3 : i32
        %dma_wait3A_352 = arith.constant 0 : i32
        %dma_wait3A_353 = arith.constant 0 : i32
        %dma_wait3A_354 = tpu.memref_slice %arg14[%dma_wait3A_350, %dma_wait3A_352, %dma_wait3A_353] : memref<4x128x16xbf16, #tpu.memory_space<vmem>> -> memref<1x128x16xbf16, #tpu.memory_space<vmem>>
        %dma_wait3A_355 = tpu.memref_squeeze %dma_wait3A_354 : memref<1x128x16xbf16, #tpu.memory_space<vmem>> -> memref<128x16xbf16, #tpu.memory_space<vmem>>
        %dma_wait3A_356 = arith.constant 0 : i32
        %dma_wait3A_357 = tpu.memref_slice %arg12[%add3A_349, %dma_wait3A_356] : memref<392x128xi32, #tpu.memory_space<vmem>> -> memref<1x128xi32, #tpu.memory_space<vmem>>
        %dma_wait3A_358 = tpu.memref_squeeze %dma_wait3A_357 : memref<1x128xi32, #tpu.memory_space<vmem>> -> memref<128xi32, #tpu.memory_space<vmem>>
        %dma_wait3A_359 = arith.constant 0 : i32
        %dma_wait3A_360 = arith.constant 0 : i32
        %dma_wait3A_361 = tpu.memref_slice %arg5[%dma_wait3A_359, %dma_wait3A_360] : memref<50176x16xbf16, #tpu.memory_space<hbm>> -> memref<50176x16xbf16, #tpu.memory_space<hbm>>
        %dma_wait3A_362 = tpu.memref_slice %arg17[%dma_wait3A_351] : memref<4x!tpu.dma_semaphore, #tpu.memory_space<semaphore_mem>> -> memref<1x!tpu.dma_semaphore, #tpu.memory_space<semaphore_mem>>
        %dma_wait3A_363 = tpu.memref_squeeze %dma_wait3A_362 : memref<1x!tpu.dma_semaphore, #tpu.memory_space<semaphore_mem>> -> memref<!tpu.dma_semaphore, #tpu.memory_space<semaphore_mem>>
        tpu.wait_indirect_dma semaphore(%dma_wait3A_363 : memref<!tpu.dma_semaphore, #tpu.memory_space<semaphore_mem>>) src(%dma_wait3A_361 : memref<50176x16xbf16, #tpu.memory_space<hbm>>) dst(%dma_wait3A_355 : memref<128x16xbf16, #tpu.memory_space<vmem>>)
        %add3A_364 = arith.constant 3 : i32
        %add3A_365 = arith.addi %mul3A_169, %add3A_364 : i32
        %dma_start3A_366 = arith.constant 3 : i32
        %dma_start3A_367 = arith.constant 3 : i32
        %dma_start3A_368 = arith.constant 0 : i32
        %dma_start3A_369 = arith.constant 0 : i32
        %dma_start3A_370 = tpu.memref_slice %arg14[%dma_start3A_366, %dma_start3A_368, %dma_start3A_369] : memref<4x128x16xbf16, #tpu.memory_space<vmem>> -> memref<1x128x16xbf16, #tpu.memory_space<vmem>>
        %dma_start3A_371 = tpu.memref_squeeze %dma_start3A_370 : memref<1x128x16xbf16, #tpu.memory_space<vmem>> -> memref<128x16xbf16, #tpu.memory_space<vmem>>
        %dma_start3A_372 = arith.constant 0 : i32
        %dma_start3A_373 = tpu.memref_slice %arg13[%add3A_365, %dma_start3A_372] : memref<392x128xi32, #tpu.memory_space<vmem>> -> memref<1x128xi32, #tpu.memory_space<vmem>>
        %dma_start3A_374 = tpu.memref_squeeze %dma_start3A_373 : memref<1x128xi32, #tpu.memory_space<vmem>> -> memref<128xi32, #tpu.memory_space<vmem>>
        %dma_start3A_375 = arith.constant 0 : i32
        %dma_start3A_376 = arith.constant 0 : i32
        %dma_start3A_377 = tpu.memref_slice %arg16[%dma_start3A_375, %dma_start3A_376] : memref<50176x16xbf16, #tpu.memory_space<vmem_shared>> -> memref<50176x16xbf16, #tpu.memory_space<vmem_shared>>
        %dma_start3A_378 = tpu.memref_slice %arg18[%dma_start3A_367] : memref<4x!tpu.dma_semaphore, #tpu.memory_space<semaphore_mem>> -> memref<1x!tpu.dma_semaphore, #tpu.memory_space<semaphore_mem>>
        %dma_start3A_379 = tpu.memref_squeeze %dma_start3A_378 : memref<1x!tpu.dma_semaphore, #tpu.memory_space<semaphore_mem>> -> memref<!tpu.dma_semaphore, #tpu.memory_space<semaphore_mem>>
        tpu.enqueue_indirect_dma source(%dma_start3A_371 : memref<128x16xbf16, #tpu.memory_space<vmem>>) target(%dma_start3A_377 : memref<50176x16xbf16, #tpu.memory_space<vmem_shared>>) offsets(%dma_start3A_374 : memref<128xi32, #tpu.memory_space<vmem>>) semaphore(%dma_start3A_379 : memref<!tpu.dma_semaphore, #tpu.memory_space<semaphore_mem>>) {add = true}
      }
      %scan3A_20 = arith.constant 98 : i32
      %dma_wait3A = arith.constant 0 : i32
      %dma_wait3A_21 = arith.constant 388 : i32
      %dma_wait3A_22 = arith.constant 0 : i32
      %dma_wait3A_23 = arith.constant 0 : i32
      %dma_wait3A_24 = arith.constant 0 : i32
      %dma_wait3A_25 = tpu.memref_slice %arg14[%dma_wait3A, %dma_wait3A_23, %dma_wait3A_24] : memref<4x128x16xbf16, #tpu.memory_space<vmem>> -> memref<1x128x16xbf16, #tpu.memory_space<vmem>>
      %dma_wait3A_26 = tpu.memref_squeeze %dma_wait3A_25 : memref<1x128x16xbf16, #tpu.memory_space<vmem>> -> memref<128x16xbf16, #tpu.memory_space<vmem>>
      %dma_wait3A_27 = arith.constant 0 : i32
      %dma_wait3A_28 = tpu.memref_slice %arg13[%dma_wait3A_21, %dma_wait3A_27] : memref<392x128xi32, #tpu.memory_space<vmem>> -> memref<1x128xi32, #tpu.memory_space<vmem>>
      %dma_wait3A_29 = tpu.memref_squeeze %dma_wait3A_28 : memref<1x128xi32, #tpu.memory_space<vmem>> -> memref<128xi32, #tpu.memory_space<vmem>>
      %dma_wait3A_30 = arith.constant 0 : i32
      %dma_wait3A_31 = arith.constant 0 : i32
      %dma_wait3A_32 = tpu.memref_slice %arg16[%dma_wait3A_30, %dma_wait3A_31] : memref<50176x16xbf16, #tpu.memory_space<vmem_shared>> -> memref<50176x16xbf16, #tpu.memory_space<vmem_shared>>
      %dma_wait3A_33 = tpu.memref_slice %arg18[%dma_wait3A_22] : memref<4x!tpu.dma_semaphore, #tpu.memory_space<semaphore_mem>> -> memref<1x!tpu.dma_semaphore, #tpu.memory_space<semaphore_mem>>
      %dma_wait3A_34 = tpu.memref_squeeze %dma_wait3A_33 : memref<1x!tpu.dma_semaphore, #tpu.memory_space<semaphore_mem>> -> memref<!tpu.dma_semaphore, #tpu.memory_space<semaphore_mem>>
      tpu.wait_indirect_dma semaphore(%dma_wait3A_34 : memref<!tpu.dma_semaphore, #tpu.memory_space<semaphore_mem>>) src(%dma_wait3A_26 : memref<128x16xbf16, #tpu.memory_space<vmem>>) dst(%dma_wait3A_32 : memref<50176x16xbf16, #tpu.memory_space<vmem_shared>>)
      %dma_wait3A_35 = arith.constant 1 : i32
      %dma_wait3A_36 = arith.constant 389 : i32
      %dma_wait3A_37 = arith.constant 1 : i32
      %dma_wait3A_38 = arith.constant 0 : i32
      %dma_wait3A_39 = arith.constant 0 : i32
      %dma_wait3A_40 = tpu.memref_slice %arg14[%dma_wait3A_35, %dma_wait3A_38, %dma_wait3A_39] : memref<4x128x16xbf16, #tpu.memory_space<vmem>> -> memref<1x128x16xbf16, #tpu.memory_space<vmem>>
      %dma_wait3A_41 = tpu.memref_squeeze %dma_wait3A_40 : memref<1x128x16xbf16, #tpu.memory_space<vmem>> -> memref<128x16xbf16, #tpu.memory_space<vmem>>
      %dma_wait3A_42 = arith.constant 0 : i32
      %dma_wait3A_43 = tpu.memref_slice %arg13[%dma_wait3A_36, %dma_wait3A_42] : memref<392x128xi32, #tpu.memory_space<vmem>> -> memref<1x128xi32, #tpu.memory_space<vmem>>
      %dma_wait3A_44 = tpu.memref_squeeze %dma_wait3A_43 : memref<1x128xi32, #tpu.memory_space<vmem>> -> memref<128xi32, #tpu.memory_space<vmem>>
      %dma_wait3A_45 = arith.constant 0 : i32
      %dma_wait3A_46 = arith.constant 0 : i32
      %dma_wait3A_47 = tpu.memref_slice %arg16[%dma_wait3A_45, %dma_wait3A_46] : memref<50176x16xbf16, #tpu.memory_space<vmem_shared>> -> memref<50176x16xbf16, #tpu.memory_space<vmem_shared>>
      %dma_wait3A_48 = tpu.memref_slice %arg18[%dma_wait3A_37] : memref<4x!tpu.dma_semaphore, #tpu.memory_space<semaphore_mem>> -> memref<1x!tpu.dma_semaphore, #tpu.memory_space<semaphore_mem>>
      %dma_wait3A_49 = tpu.memref_squeeze %dma_wait3A_48 : memref<1x!tpu.dma_semaphore, #tpu.memory_space<semaphore_mem>> -> memref<!tpu.dma_semaphore, #tpu.memory_space<semaphore_mem>>
      tpu.wait_indirect_dma semaphore(%dma_wait3A_49 : memref<!tpu.dma_semaphore, #tpu.memory_space<semaphore_mem>>) src(%dma_wait3A_41 : memref<128x16xbf16, #tpu.memory_space<vmem>>) dst(%dma_wait3A_47 : memref<50176x16xbf16, #tpu.memory_space<vmem_shared>>)
      %dma_wait3A_50 = arith.constant 2 : i32
      %dma_wait3A_51 = arith.constant 390 : i32
      %dma_wait3A_52 = arith.constant 2 : i32
      %dma_wait3A_53 = arith.constant 0 : i32
      %dma_wait3A_54 = arith.constant 0 : i32
      %dma_wait3A_55 = tpu.memref_slice %arg14[%dma_wait3A_50, %dma_wait3A_53, %dma_wait3A_54] : memref<4x128x16xbf16, #tpu.memory_space<vmem>> -> memref<1x128x16xbf16, #tpu.memory_space<vmem>>
      %dma_wait3A_56 = tpu.memref_squeeze %dma_wait3A_55 : memref<1x128x16xbf16, #tpu.memory_space<vmem>> -> memref<128x16xbf16, #tpu.memory_space<vmem>>
      %dma_wait3A_57 = arith.constant 0 : i32
      %dma_wait3A_58 = tpu.memref_slice %arg13[%dma_wait3A_51, %dma_wait3A_57] : memref<392x128xi32, #tpu.memory_space<vmem>> -> memref<1x128xi32, #tpu.memory_space<vmem>>
      %dma_wait3A_59 = tpu.memref_squeeze %dma_wait3A_58 : memref<1x128xi32, #tpu.memory_space<vmem>> -> memref<128xi32, #tpu.memory_space<vmem>>
      %dma_wait3A_60 = arith.constant 0 : i32
      %dma_wait3A_61 = arith.constant 0 : i32
      %dma_wait3A_62 = tpu.memref_slice %arg16[%dma_wait3A_60, %dma_wait3A_61] : memref<50176x16xbf16, #tpu.memory_space<vmem_shared>> -> memref<50176x16xbf16, #tpu.memory_space<vmem_shared>>
      %dma_wait3A_63 = tpu.memref_slice %arg18[%dma_wait3A_52] : memref<4x!tpu.dma_semaphore, #tpu.memory_space<semaphore_mem>> -> memref<1x!tpu.dma_semaphore, #tpu.memory_space<semaphore_mem>>
      %dma_wait3A_64 = tpu.memref_squeeze %dma_wait3A_63 : memref<1x!tpu.dma_semaphore, #tpu.memory_space<semaphore_mem>> -> memref<!tpu.dma_semaphore, #tpu.memory_space<semaphore_mem>>
      tpu.wait_indirect_dma semaphore(%dma_wait3A_64 : memref<!tpu.dma_semaphore, #tpu.memory_space<semaphore_mem>>) src(%dma_wait3A_56 : memref<128x16xbf16, #tpu.memory_space<vmem>>) dst(%dma_wait3A_62 : memref<50176x16xbf16, #tpu.memory_space<vmem_shared>>)
      %dma_wait3A_65 = arith.constant 3 : i32
      %dma_wait3A_66 = arith.constant 391 : i32
      %dma_wait3A_67 = arith.constant 3 : i32
      %dma_wait3A_68 = arith.constant 0 : i32
      %dma_wait3A_69 = arith.constant 0 : i32
      %dma_wait3A_70 = tpu.memref_slice %arg14[%dma_wait3A_65, %dma_wait3A_68, %dma_wait3A_69] : memref<4x128x16xbf16, #tpu.memory_space<vmem>> -> memref<1x128x16xbf16, #tpu.memory_space<vmem>>
      %dma_wait3A_71 = tpu.memref_squeeze %dma_wait3A_70 : memref<1x128x16xbf16, #tpu.memory_space<vmem>> -> memref<128x16xbf16, #tpu.memory_space<vmem>>
      %dma_wait3A_72 = arith.constant 0 : i32
      %dma_wait3A_73 = tpu.memref_slice %arg13[%dma_wait3A_66, %dma_wait3A_72] : memref<392x128xi32, #tpu.memory_space<vmem>> -> memref<1x128xi32, #tpu.memory_space<vmem>>
      %dma_wait3A_74 = tpu.memref_squeeze %dma_wait3A_73 : memref<1x128xi32, #tpu.memory_space<vmem>> -> memref<128xi32, #tpu.memory_space<vmem>>
      %dma_wait3A_75 = arith.constant 0 : i32
      %dma_wait3A_76 = arith.constant 0 : i32
      %dma_wait3A_77 = tpu.memref_slice %arg16[%dma_wait3A_75, %dma_wait3A_76] : memref<50176x16xbf16, #tpu.memory_space<vmem_shared>> -> memref<50176x16xbf16, #tpu.memory_space<vmem_shared>>
      %dma_wait3A_78 = tpu.memref_slice %arg18[%dma_wait3A_67] : memref<4x!tpu.dma_semaphore, #tpu.memory_space<semaphore_mem>> -> memref<1x!tpu.dma_semaphore, #tpu.memory_space<semaphore_mem>>
      %dma_wait3A_79 = tpu.memref_squeeze %dma_wait3A_78 : memref<1x!tpu.dma_semaphore, #tpu.memory_space<semaphore_mem>> -> memref<!tpu.dma_semaphore, #tpu.memory_space<semaphore_mem>>
      tpu.wait_indirect_dma semaphore(%dma_wait3A_79 : memref<!tpu.dma_semaphore, #tpu.memory_space<semaphore_mem>>) src(%dma_wait3A_71 : memref<128x16xbf16, #tpu.memory_space<vmem>>) dst(%dma_wait3A_77 : memref<50176x16xbf16, #tpu.memory_space<vmem_shared>>)
      %barrier3A_80 = arith.constant 0 : index
      tpu.barrier barrier_id(%barrier3A_80)
      %scan3A_81 = arith.constant 0 : i32
      %scan3A_82 = arith.constant 25 : i32
      %scan3A_83 = arith.addi %scan3A_81, %scan3A_82 : i32
      %scan3A_84 = arith.constant 1 : i32
      scf.for %scan3A_165 = %scan3A_81 to %scan3A_83 step %scan3A_84  : i32 {
        %mul3A = arith.constant 1 : i32
        %mul3A_166 = arith.muli %scan3A_165, %mul3A : i32
        %add3A = arith.constant 0 : i32
        %add3A_167 = arith.addi %add3A, %mul3A_166 : i32
        %mul3A_168 = arith.constant 16 : i32
        %mul3A_169 = arith.muli %add3A_167, %mul3A_168 : i32
        %add3A_170 = arith.addi %mul3A_169, %arg1 : i32
        %lt3A = arith.constant 392 : i32
        %lt3A_171 = arith.cmpi slt, %add3A_170, %lt3A : i32
        %convert_element_type3A_172 = arith.extui %lt3A_171 : i1 to i32
        %cond3A_173 = arith.constant 0 : i32
        %cond3A_174 = arith.cmpi ne, %convert_element_type3A_172, %cond3A_173 : i32
        scf.if %cond3A_174 {
          %mul3A_175 = arith.constant 128 : i32
          %mul3A_176 = arith.muli %add3A_170, %mul3A_175 : i32
          %mul3A_177 = arith.constant 128 : i32
          %mul3A_178 = arith.muli %add3A_170, %mul3A_177 : i32
          "tpu.region"() ({
            %run_scoped3A = tpu.sem_alloc : memref<!tpu.dma_semaphore, #tpu.memory_space<semaphore_mem>>
            %dma_start3A = arith.constant 0 : i32
            %dma_start3A_179 = tpu.memref_slice %arg9[%mul3A_178, %dma_start3A] : memref<50176x16xbf16, #tpu.memory_space<hbm>> -> memref<128x16xbf16, #tpu.memory_space<hbm>>
            %dma_start3A_180 = arith.constant 0 : i32
            %dma_start3A_181 = tpu.memref_slice %arg16[%mul3A_176, %dma_start3A_180] : memref<50176x16xbf16, #tpu.memory_space<vmem_shared>> -> memref<128x16xbf16, #tpu.memory_space<vmem_shared>>
            tpu.enqueue_dma source(%dma_start3A_181 : memref<128x16xbf16, #tpu.memory_space<vmem_shared>>) target(%dma_start3A_179 : memref<128x16xbf16, #tpu.memory_space<hbm>>) target_semaphore(%run_scoped3A : memref<!tpu.dma_semaphore, #tpu.memory_space<semaphore_mem>>)
            %dma_wait3A_182 = arith.constant 0 : i32
            %dma_wait3A_183 = tpu.memref_slice %arg9[%mul3A_178, %dma_wait3A_182] : memref<50176x16xbf16, #tpu.memory_space<hbm>> -> memref<128x16xbf16, #tpu.memory_space<hbm>>
            %dma_wait3A_184 = arith.constant 0 : i32
            %dma_wait3A_185 = tpu.memref_slice %arg16[%mul3A_176, %dma_wait3A_184] : memref<50176x16xbf16, #tpu.memory_space<vmem_shared>> -> memref<128x16xbf16, #tpu.memory_space<vmem_shared>>
            tpu.wait_dma2 semaphore(%run_scoped3A : memref<!tpu.dma_semaphore, #tpu.memory_space<semaphore_mem>>) src(%dma_wait3A_185 : memref<128x16xbf16, #tpu.memory_space<vmem_shared>>) dst(%dma_wait3A_183 : memref<128x16xbf16, #tpu.memory_space<hbm>>)
            tpu.yield
          }) : () -> ()
        } else {
        }
      }
      %scan3A_85 = arith.constant 25 : i32
      %barrier3A_86 = arith.constant 0 : index
      tpu.barrier barrier_id(%barrier3A_86)
      %scan3A_87 = arith.constant 0 : i32
      %scan3A_88 = arith.constant 25 : i32
      %scan3A_89 = arith.addi %scan3A_87, %scan3A_88 : i32
      %scan3A_90 = arith.constant 1 : i32
      scf.for %scan3A_165 = %scan3A_87 to %scan3A_89 step %scan3A_90  : i32 {
        %mul3A = arith.constant 1 : i32
        %mul3A_166 = arith.muli %scan3A_165, %mul3A : i32
        %add3A = arith.constant 0 : i32
        %add3A_167 = arith.addi %add3A, %mul3A_166 : i32
        %mul3A_168 = arith.constant 16 : i32
        %mul3A_169 = arith.muli %add3A_167, %mul3A_168 : i32
        %add3A_170 = arith.addi %mul3A_169, %arg1 : i32
        %lt3A = arith.constant 392 : i32
        %lt3A_171 = arith.cmpi slt, %add3A_170, %lt3A : i32
        %convert_element_type3A_172 = arith.extui %lt3A_171 : i1 to i32
        %cond3A_173 = arith.constant 0 : i32
        %cond3A_174 = arith.cmpi ne, %convert_element_type3A_172, %cond3A_173 : i32
        scf.if %cond3A_174 {
          %mul3A_175 = arith.constant 128 : i32
          %mul3A_176 = arith.muli %add3A_170, %mul3A_175 : i32
          "tpu.region"() ({
            %run_scoped3A = tpu.sem_alloc : memref<!tpu.dma_semaphore, #tpu.memory_space<semaphore_mem>>
            %dma_start3A = arith.constant 0 : i32
            %dma_start3A_177 = tpu.memref_slice %arg16[%mul3A_176, %dma_start3A] : memref<50176x16xbf16, #tpu.memory_space<vmem_shared>> -> memref<128x16xbf16, #tpu.memory_space<vmem_shared>>
            %dma_start3A_178 = arith.constant 0 : i32
            %dma_start3A_179 = tpu.memref_slice %arg16[%mul3A_176, %dma_start3A_178] : memref<50176x16xbf16, #tpu.memory_space<vmem_shared>> -> memref<128x16xbf16, #tpu.memory_space<vmem_shared>>
            tpu.enqueue_dma source(%arg15 : memref<128x16xbf16, #tpu.memory_space<vmem>>) target(%dma_start3A_179 : memref<128x16xbf16, #tpu.memory_space<vmem_shared>>) target_semaphore(%run_scoped3A : memref<!tpu.dma_semaphore, #tpu.memory_space<semaphore_mem>>)
            %dma_wait3A_180 = arith.constant 0 : i32
            %dma_wait3A_181 = tpu.memref_slice %arg16[%mul3A_176, %dma_wait3A_180] : memref<50176x16xbf16, #tpu.memory_space<vmem_shared>> -> memref<128x16xbf16, #tpu.memory_space<vmem_shared>>
            %dma_wait3A_182 = arith.constant 0 : i32
            %dma_wait3A_183 = tpu.memref_slice %arg16[%mul3A_176, %dma_wait3A_182] : memref<50176x16xbf16, #tpu.memory_space<vmem_shared>> -> memref<128x16xbf16, #tpu.memory_space<vmem_shared>>
            tpu.wait_dma2 semaphore(%run_scoped3A : memref<!tpu.dma_semaphore, #tpu.memory_space<semaphore_mem>>) src(%arg15 : memref<128x16xbf16, #tpu.memory_space<vmem>>) dst(%dma_wait3A_183 : memref<128x16xbf16, #tpu.memory_space<vmem_shared>>)
            tpu.yield
          }) : () -> ()
        } else {
        }
      }
      %scan3A_91 = arith.constant 25 : i32
      %barrier3A_92 = arith.constant 0 : index
      tpu.barrier barrier_id(%barrier3A_92)
      %scan3A_93 = arith.constant 0 : i32
      %scan3A_94 = arith.constant 98 : i32
      %scan3A_95 = arith.addi %scan3A_93, %scan3A_94 : i32
      %scan3A_96 = arith.constant 1 : i32
      scf.for %scan3A_165 = %scan3A_93 to %scan3A_95 step %scan3A_96  : i32 {
        %mul3A = arith.constant 1 : i32
        %mul3A_166 = arith.muli %scan3A_165, %mul3A : i32
        %add3A = arith.constant 0 : i32
        %add3A_167 = arith.addi %add3A, %mul3A_166 : i32
        %mul3A_168 = arith.constant 4 : i32
        %mul3A_169 = arith.muli %add3A_167, %mul3A_168 : i32
        %gt3A = arith.constant 0 : i32
        %gt3A_170 = arith.cmpi sgt, %add3A_167, %gt3A : i32
        %convert_element_type3A_171 = arith.extui %gt3A_170 : i1 to i32
        %cond3A_172 = arith.constant 0 : i32
        %cond3A_173 = arith.cmpi ne, %convert_element_type3A_171, %cond3A_172 : i32
        scf.if %cond3A_173 {
          %add3A_380 = arith.constant 0 : i32
          %add3A_381 = arith.addi %mul3A_169, %add3A_380 : i32
          %sub3A = arith.constant 4 : i32
          %sub3A_382 = arith.subi %add3A_381, %sub3A : i32
          %dma_wait3A_383 = arith.constant 0 : i32
          %dma_wait3A_384 = arith.constant 0 : i32
          %dma_wait3A_385 = arith.constant 0 : i32
          %dma_wait3A_386 = arith.constant 0 : i32
          %dma_wait3A_387 = tpu.memref_slice %arg14[%dma_wait3A_383, %dma_wait3A_385, %dma_wait3A_386] : memref<4x128x16xbf16, #tpu.memory_space<vmem>> -> memref<1x128x16xbf16, #tpu.memory_space<vmem>>
          %dma_wait3A_388 = tpu.memref_squeeze %dma_wait3A_387 : memref<1x128x16xbf16, #tpu.memory_space<vmem>> -> memref<128x16xbf16, #tpu.memory_space<vmem>>
          %dma_wait3A_389 = arith.constant 0 : i32
          %dma_wait3A_390 = tpu.memref_slice %arg13[%sub3A_382, %dma_wait3A_389] : memref<392x128xi32, #tpu.memory_space<vmem>> -> memref<1x128xi32, #tpu.memory_space<vmem>>
          %dma_wait3A_391 = tpu.memref_squeeze %dma_wait3A_390 : memref<1x128xi32, #tpu.memory_space<vmem>> -> memref<128xi32, #tpu.memory_space<vmem>>
          %dma_wait3A_392 = arith.constant 0 : i32
          %dma_wait3A_393 = arith.constant 0 : i32
          %dma_wait3A_394 = tpu.memref_slice %arg16[%dma_wait3A_392, %dma_wait3A_393] : memref<50176x16xbf16, #tpu.memory_space<vmem_shared>> -> memref<50176x16xbf16, #tpu.memory_space<vmem_shared>>
          %dma_wait3A_395 = tpu.memref_slice %arg18[%dma_wait3A_384] : memref<4x!tpu.dma_semaphore, #tpu.memory_space<semaphore_mem>> -> memref<1x!tpu.dma_semaphore, #tpu.memory_space<semaphore_mem>>
          %dma_wait3A_396 = tpu.memref_squeeze %dma_wait3A_395 : memref<1x!tpu.dma_semaphore, #tpu.memory_space<semaphore_mem>> -> memref<!tpu.dma_semaphore, #tpu.memory_space<semaphore_mem>>
          tpu.wait_indirect_dma semaphore(%dma_wait3A_396 : memref<!tpu.dma_semaphore, #tpu.memory_space<semaphore_mem>>) src(%dma_wait3A_388 : memref<128x16xbf16, #tpu.memory_space<vmem>>) dst(%dma_wait3A_394 : memref<50176x16xbf16, #tpu.memory_space<vmem_shared>>)
        } else {
        }
        %add3A_174 = arith.constant 0 : i32
        %add3A_175 = arith.addi %mul3A_169, %add3A_174 : i32
        %dma_start3A = arith.constant 0 : i32
        %dma_start3A_176 = arith.constant 0 : i32
        %dma_start3A_177 = arith.constant 0 : i32
        %dma_start3A_178 = arith.constant 0 : i32
        %dma_start3A_179 = tpu.memref_slice %arg14[%dma_start3A, %dma_start3A_177, %dma_start3A_178] : memref<4x128x16xbf16, #tpu.memory_space<vmem>> -> memref<1x128x16xbf16, #tpu.memory_space<vmem>>
        %dma_start3A_180 = tpu.memref_squeeze %dma_start3A_179 : memref<1x128x16xbf16, #tpu.memory_space<vmem>> -> memref<128x16xbf16, #tpu.memory_space<vmem>>
        %dma_start3A_181 = arith.constant 0 : i32
        %dma_start3A_182 = tpu.memref_slice %arg12[%add3A_175, %dma_start3A_181] : memref<392x128xi32, #tpu.memory_space<vmem>> -> memref<1x128xi32, #tpu.memory_space<vmem>>
        %dma_start3A_183 = tpu.memref_squeeze %dma_start3A_182 : memref<1x128xi32, #tpu.memory_space<vmem>> -> memref<128xi32, #tpu.memory_space<vmem>>
        %dma_start3A_184 = arith.constant 0 : i32
        %dma_start3A_185 = arith.constant 0 : i32
        %dma_start3A_186 = tpu.memref_slice %arg7[%dma_start3A_184, %dma_start3A_185] : memref<50176x16xbf16, #tpu.memory_space<hbm>> -> memref<50176x16xbf16, #tpu.memory_space<hbm>>
        %dma_start3A_187 = tpu.memref_slice %arg17[%dma_start3A_176] : memref<4x!tpu.dma_semaphore, #tpu.memory_space<semaphore_mem>> -> memref<1x!tpu.dma_semaphore, #tpu.memory_space<semaphore_mem>>
        %dma_start3A_188 = tpu.memref_squeeze %dma_start3A_187 : memref<1x!tpu.dma_semaphore, #tpu.memory_space<semaphore_mem>> -> memref<!tpu.dma_semaphore, #tpu.memory_space<semaphore_mem>>
        tpu.enqueue_indirect_dma source(%dma_start3A_186 : memref<50176x16xbf16, #tpu.memory_space<hbm>>) target(%dma_start3A_180 : memref<128x16xbf16, #tpu.memory_space<vmem>>) offsets(%dma_start3A_183 : memref<128xi32, #tpu.memory_space<vmem>>) semaphore(%dma_start3A_188 : memref<!tpu.dma_semaphore, #tpu.memory_space<semaphore_mem>>)
        %gt3A_189 = arith.constant 0 : i32
        %gt3A_190 = arith.cmpi sgt, %add3A_167, %gt3A_189 : i32
        %convert_element_type3A_191 = arith.extui %gt3A_190 : i1 to i32
        %cond3A_192 = arith.constant 0 : i32
        %cond3A_193 = arith.cmpi ne, %convert_element_type3A_191, %cond3A_192 : i32
        scf.if %cond3A_193 {
          %add3A_380 = arith.constant 1 : i32
          %add3A_381 = arith.addi %mul3A_169, %add3A_380 : i32
          %sub3A = arith.constant 4 : i32
          %sub3A_382 = arith.subi %add3A_381, %sub3A : i32
          %dma_wait3A_383 = arith.constant 1 : i32
          %dma_wait3A_384 = arith.constant 1 : i32
          %dma_wait3A_385 = arith.constant 0 : i32
          %dma_wait3A_386 = arith.constant 0 : i32
          %dma_wait3A_387 = tpu.memref_slice %arg14[%dma_wait3A_383, %dma_wait3A_385, %dma_wait3A_386] : memref<4x128x16xbf16, #tpu.memory_space<vmem>> -> memref<1x128x16xbf16, #tpu.memory_space<vmem>>
          %dma_wait3A_388 = tpu.memref_squeeze %dma_wait3A_387 : memref<1x128x16xbf16, #tpu.memory_space<vmem>> -> memref<128x16xbf16, #tpu.memory_space<vmem>>
          %dma_wait3A_389 = arith.constant 0 : i32
          %dma_wait3A_390 = tpu.memref_slice %arg13[%sub3A_382, %dma_wait3A_389] : memref<392x128xi32, #tpu.memory_space<vmem>> -> memref<1x128xi32, #tpu.memory_space<vmem>>
          %dma_wait3A_391 = tpu.memref_squeeze %dma_wait3A_390 : memref<1x128xi32, #tpu.memory_space<vmem>> -> memref<128xi32, #tpu.memory_space<vmem>>
          %dma_wait3A_392 = arith.constant 0 : i32
          %dma_wait3A_393 = arith.constant 0 : i32
          %dma_wait3A_394 = tpu.memref_slice %arg16[%dma_wait3A_392, %dma_wait3A_393] : memref<50176x16xbf16, #tpu.memory_space<vmem_shared>> -> memref<50176x16xbf16, #tpu.memory_space<vmem_shared>>
          %dma_wait3A_395 = tpu.memref_slice %arg18[%dma_wait3A_384] : memref<4x!tpu.dma_semaphore, #tpu.memory_space<semaphore_mem>> -> memref<1x!tpu.dma_semaphore, #tpu.memory_space<semaphore_mem>>
          %dma_wait3A_396 = tpu.memref_squeeze %dma_wait3A_395 : memref<1x!tpu.dma_semaphore, #tpu.memory_space<semaphore_mem>> -> memref<!tpu.dma_semaphore, #tpu.memory_space<semaphore_mem>>
          tpu.wait_indirect_dma semaphore(%dma_wait3A_396 : memref<!tpu.dma_semaphore, #tpu.memory_space<semaphore_mem>>) src(%dma_wait3A_388 : memref<128x16xbf16, #tpu.memory_space<vmem>>) dst(%dma_wait3A_394 : memref<50176x16xbf16, #tpu.memory_space<vmem_shared>>)
        } else {
        }
        %add3A_194 = arith.constant 1 : i32
        %add3A_195 = arith.addi %mul3A_169, %add3A_194 : i32
        %dma_start3A_196 = arith.constant 1 : i32
        %dma_start3A_197 = arith.constant 1 : i32
        %dma_start3A_198 = arith.constant 0 : i32
        %dma_start3A_199 = arith.constant 0 : i32
        %dma_start3A_200 = tpu.memref_slice %arg14[%dma_start3A_196, %dma_start3A_198, %dma_start3A_199] : memref<4x128x16xbf16, #tpu.memory_space<vmem>> -> memref<1x128x16xbf16, #tpu.memory_space<vmem>>
        %dma_start3A_201 = tpu.memref_squeeze %dma_start3A_200 : memref<1x128x16xbf16, #tpu.memory_space<vmem>> -> memref<128x16xbf16, #tpu.memory_space<vmem>>
        %dma_start3A_202 = arith.constant 0 : i32
        %dma_start3A_203 = tpu.memref_slice %arg12[%add3A_195, %dma_start3A_202] : memref<392x128xi32, #tpu.memory_space<vmem>> -> memref<1x128xi32, #tpu.memory_space<vmem>>
        %dma_start3A_204 = tpu.memref_squeeze %dma_start3A_203 : memref<1x128xi32, #tpu.memory_space<vmem>> -> memref<128xi32, #tpu.memory_space<vmem>>
        %dma_start3A_205 = arith.constant 0 : i32
        %dma_start3A_206 = arith.constant 0 : i32
        %dma_start3A_207 = tpu.memref_slice %arg7[%dma_start3A_205, %dma_start3A_206] : memref<50176x16xbf16, #tpu.memory_space<hbm>> -> memref<50176x16xbf16, #tpu.memory_space<hbm>>
        %dma_start3A_208 = tpu.memref_slice %arg17[%dma_start3A_197] : memref<4x!tpu.dma_semaphore, #tpu.memory_space<semaphore_mem>> -> memref<1x!tpu.dma_semaphore, #tpu.memory_space<semaphore_mem>>
        %dma_start3A_209 = tpu.memref_squeeze %dma_start3A_208 : memref<1x!tpu.dma_semaphore, #tpu.memory_space<semaphore_mem>> -> memref<!tpu.dma_semaphore, #tpu.memory_space<semaphore_mem>>
        tpu.enqueue_indirect_dma source(%dma_start3A_207 : memref<50176x16xbf16, #tpu.memory_space<hbm>>) target(%dma_start3A_201 : memref<128x16xbf16, #tpu.memory_space<vmem>>) offsets(%dma_start3A_204 : memref<128xi32, #tpu.memory_space<vmem>>) semaphore(%dma_start3A_209 : memref<!tpu.dma_semaphore, #tpu.memory_space<semaphore_mem>>)
        %gt3A_210 = arith.constant 0 : i32
        %gt3A_211 = arith.cmpi sgt, %add3A_167, %gt3A_210 : i32
        %convert_element_type3A_212 = arith.extui %gt3A_211 : i1 to i32
        %cond3A_213 = arith.constant 0 : i32
        %cond3A_214 = arith.cmpi ne, %convert_element_type3A_212, %cond3A_213 : i32
        scf.if %cond3A_214 {
          %add3A_380 = arith.constant 2 : i32
          %add3A_381 = arith.addi %mul3A_169, %add3A_380 : i32
          %sub3A = arith.constant 4 : i32
          %sub3A_382 = arith.subi %add3A_381, %sub3A : i32
          %dma_wait3A_383 = arith.constant 2 : i32
          %dma_wait3A_384 = arith.constant 2 : i32
          %dma_wait3A_385 = arith.constant 0 : i32
          %dma_wait3A_386 = arith.constant 0 : i32
          %dma_wait3A_387 = tpu.memref_slice %arg14[%dma_wait3A_383, %dma_wait3A_385, %dma_wait3A_386] : memref<4x128x16xbf16, #tpu.memory_space<vmem>> -> memref<1x128x16xbf16, #tpu.memory_space<vmem>>
          %dma_wait3A_388 = tpu.memref_squeeze %dma_wait3A_387 : memref<1x128x16xbf16, #tpu.memory_space<vmem>> -> memref<128x16xbf16, #tpu.memory_space<vmem>>
          %dma_wait3A_389 = arith.constant 0 : i32
          %dma_wait3A_390 = tpu.memref_slice %arg13[%sub3A_382, %dma_wait3A_389] : memref<392x128xi32, #tpu.memory_space<vmem>> -> memref<1x128xi32, #tpu.memory_space<vmem>>
          %dma_wait3A_391 = tpu.memref_squeeze %dma_wait3A_390 : memref<1x128xi32, #tpu.memory_space<vmem>> -> memref<128xi32, #tpu.memory_space<vmem>>
          %dma_wait3A_392 = arith.constant 0 : i32
          %dma_wait3A_393 = arith.constant 0 : i32
          %dma_wait3A_394 = tpu.memref_slice %arg16[%dma_wait3A_392, %dma_wait3A_393] : memref<50176x16xbf16, #tpu.memory_space<vmem_shared>> -> memref<50176x16xbf16, #tpu.memory_space<vmem_shared>>
          %dma_wait3A_395 = tpu.memref_slice %arg18[%dma_wait3A_384] : memref<4x!tpu.dma_semaphore, #tpu.memory_space<semaphore_mem>> -> memref<1x!tpu.dma_semaphore, #tpu.memory_space<semaphore_mem>>
          %dma_wait3A_396 = tpu.memref_squeeze %dma_wait3A_395 : memref<1x!tpu.dma_semaphore, #tpu.memory_space<semaphore_mem>> -> memref<!tpu.dma_semaphore, #tpu.memory_space<semaphore_mem>>
          tpu.wait_indirect_dma semaphore(%dma_wait3A_396 : memref<!tpu.dma_semaphore, #tpu.memory_space<semaphore_mem>>) src(%dma_wait3A_388 : memref<128x16xbf16, #tpu.memory_space<vmem>>) dst(%dma_wait3A_394 : memref<50176x16xbf16, #tpu.memory_space<vmem_shared>>)
        } else {
        }
        %add3A_215 = arith.constant 2 : i32
        %add3A_216 = arith.addi %mul3A_169, %add3A_215 : i32
        %dma_start3A_217 = arith.constant 2 : i32
        %dma_start3A_218 = arith.constant 2 : i32
        %dma_start3A_219 = arith.constant 0 : i32
        %dma_start3A_220 = arith.constant 0 : i32
        %dma_start3A_221 = tpu.memref_slice %arg14[%dma_start3A_217, %dma_start3A_219, %dma_start3A_220] : memref<4x128x16xbf16, #tpu.memory_space<vmem>> -> memref<1x128x16xbf16, #tpu.memory_space<vmem>>
        %dma_start3A_222 = tpu.memref_squeeze %dma_start3A_221 : memref<1x128x16xbf16, #tpu.memory_space<vmem>> -> memref<128x16xbf16, #tpu.memory_space<vmem>>
        %dma_start3A_223 = arith.constant 0 : i32
        %dma_start3A_224 = tpu.memref_slice %arg12[%add3A_216, %dma_start3A_223] : memref<392x128xi32, #tpu.memory_space<vmem>> -> memref<1x128xi32, #tpu.memory_space<vmem>>
        %dma_start3A_225 = tpu.memref_squeeze %dma_start3A_224 : memref<1x128xi32, #tpu.memory_space<vmem>> -> memref<128xi32, #tpu.memory_space<vmem>>
        %dma_start3A_226 = arith.constant 0 : i32
        %dma_start3A_227 = arith.constant 0 : i32
        %dma_start3A_228 = tpu.memref_slice %arg7[%dma_start3A_226, %dma_start3A_227] : memref<50176x16xbf16, #tpu.memory_space<hbm>> -> memref<50176x16xbf16, #tpu.memory_space<hbm>>
        %dma_start3A_229 = tpu.memref_slice %arg17[%dma_start3A_218] : memref<4x!tpu.dma_semaphore, #tpu.memory_space<semaphore_mem>> -> memref<1x!tpu.dma_semaphore, #tpu.memory_space<semaphore_mem>>
        %dma_start3A_230 = tpu.memref_squeeze %dma_start3A_229 : memref<1x!tpu.dma_semaphore, #tpu.memory_space<semaphore_mem>> -> memref<!tpu.dma_semaphore, #tpu.memory_space<semaphore_mem>>
        tpu.enqueue_indirect_dma source(%dma_start3A_228 : memref<50176x16xbf16, #tpu.memory_space<hbm>>) target(%dma_start3A_222 : memref<128x16xbf16, #tpu.memory_space<vmem>>) offsets(%dma_start3A_225 : memref<128xi32, #tpu.memory_space<vmem>>) semaphore(%dma_start3A_230 : memref<!tpu.dma_semaphore, #tpu.memory_space<semaphore_mem>>)
        %gt3A_231 = arith.constant 0 : i32
        %gt3A_232 = arith.cmpi sgt, %add3A_167, %gt3A_231 : i32
        %convert_element_type3A_233 = arith.extui %gt3A_232 : i1 to i32
        %cond3A_234 = arith.constant 0 : i32
        %cond3A_235 = arith.cmpi ne, %convert_element_type3A_233, %cond3A_234 : i32
        scf.if %cond3A_235 {
          %add3A_380 = arith.constant 3 : i32
          %add3A_381 = arith.addi %mul3A_169, %add3A_380 : i32
          %sub3A = arith.constant 4 : i32
          %sub3A_382 = arith.subi %add3A_381, %sub3A : i32
          %dma_wait3A_383 = arith.constant 3 : i32
          %dma_wait3A_384 = arith.constant 3 : i32
          %dma_wait3A_385 = arith.constant 0 : i32
          %dma_wait3A_386 = arith.constant 0 : i32
          %dma_wait3A_387 = tpu.memref_slice %arg14[%dma_wait3A_383, %dma_wait3A_385, %dma_wait3A_386] : memref<4x128x16xbf16, #tpu.memory_space<vmem>> -> memref<1x128x16xbf16, #tpu.memory_space<vmem>>
          %dma_wait3A_388 = tpu.memref_squeeze %dma_wait3A_387 : memref<1x128x16xbf16, #tpu.memory_space<vmem>> -> memref<128x16xbf16, #tpu.memory_space<vmem>>
          %dma_wait3A_389 = arith.constant 0 : i32
          %dma_wait3A_390 = tpu.memref_slice %arg13[%sub3A_382, %dma_wait3A_389] : memref<392x128xi32, #tpu.memory_space<vmem>> -> memref<1x128xi32, #tpu.memory_space<vmem>>
          %dma_wait3A_391 = tpu.memref_squeeze %dma_wait3A_390 : memref<1x128xi32, #tpu.memory_space<vmem>> -> memref<128xi32, #tpu.memory_space<vmem>>
          %dma_wait3A_392 = arith.constant 0 : i32
          %dma_wait3A_393 = arith.constant 0 : i32
          %dma_wait3A_394 = tpu.memref_slice %arg16[%dma_wait3A_392, %dma_wait3A_393] : memref<50176x16xbf16, #tpu.memory_space<vmem_shared>> -> memref<50176x16xbf16, #tpu.memory_space<vmem_shared>>
          %dma_wait3A_395 = tpu.memref_slice %arg18[%dma_wait3A_384] : memref<4x!tpu.dma_semaphore, #tpu.memory_space<semaphore_mem>> -> memref<1x!tpu.dma_semaphore, #tpu.memory_space<semaphore_mem>>
          %dma_wait3A_396 = tpu.memref_squeeze %dma_wait3A_395 : memref<1x!tpu.dma_semaphore, #tpu.memory_space<semaphore_mem>> -> memref<!tpu.dma_semaphore, #tpu.memory_space<semaphore_mem>>
          tpu.wait_indirect_dma semaphore(%dma_wait3A_396 : memref<!tpu.dma_semaphore, #tpu.memory_space<semaphore_mem>>) src(%dma_wait3A_388 : memref<128x16xbf16, #tpu.memory_space<vmem>>) dst(%dma_wait3A_394 : memref<50176x16xbf16, #tpu.memory_space<vmem_shared>>)
        } else {
        }
        %add3A_236 = arith.constant 3 : i32
        %add3A_237 = arith.addi %mul3A_169, %add3A_236 : i32
        %dma_start3A_238 = arith.constant 3 : i32
        %dma_start3A_239 = arith.constant 3 : i32
        %dma_start3A_240 = arith.constant 0 : i32
        %dma_start3A_241 = arith.constant 0 : i32
        %dma_start3A_242 = tpu.memref_slice %arg14[%dma_start3A_238, %dma_start3A_240, %dma_start3A_241] : memref<4x128x16xbf16, #tpu.memory_space<vmem>> -> memref<1x128x16xbf16, #tpu.memory_space<vmem>>
        %dma_start3A_243 = tpu.memref_squeeze %dma_start3A_242 : memref<1x128x16xbf16, #tpu.memory_space<vmem>> -> memref<128x16xbf16, #tpu.memory_space<vmem>>
        %dma_start3A_244 = arith.constant 0 : i32
        %dma_start3A_245 = tpu.memref_slice %arg12[%add3A_237, %dma_start3A_244] : memref<392x128xi32, #tpu.memory_space<vmem>> -> memref<1x128xi32, #tpu.memory_space<vmem>>
        %dma_start3A_246 = tpu.memref_squeeze %dma_start3A_245 : memref<1x128xi32, #tpu.memory_space<vmem>> -> memref<128xi32, #tpu.memory_space<vmem>>
        %dma_start3A_247 = arith.constant 0 : i32
        %dma_start3A_248 = arith.constant 0 : i32
        %dma_start3A_249 = tpu.memref_slice %arg7[%dma_start3A_247, %dma_start3A_248] : memref<50176x16xbf16, #tpu.memory_space<hbm>> -> memref<50176x16xbf16, #tpu.memory_space<hbm>>
        %dma_start3A_250 = tpu.memref_slice %arg17[%dma_start3A_239] : memref<4x!tpu.dma_semaphore, #tpu.memory_space<semaphore_mem>> -> memref<1x!tpu.dma_semaphore, #tpu.memory_space<semaphore_mem>>
        %dma_start3A_251 = tpu.memref_squeeze %dma_start3A_250 : memref<1x!tpu.dma_semaphore, #tpu.memory_space<semaphore_mem>> -> memref<!tpu.dma_semaphore, #tpu.memory_space<semaphore_mem>>
        tpu.enqueue_indirect_dma source(%dma_start3A_249 : memref<50176x16xbf16, #tpu.memory_space<hbm>>) target(%dma_start3A_243 : memref<128x16xbf16, #tpu.memory_space<vmem>>) offsets(%dma_start3A_246 : memref<128xi32, #tpu.memory_space<vmem>>) semaphore(%dma_start3A_251 : memref<!tpu.dma_semaphore, #tpu.memory_space<semaphore_mem>>)
        %add3A_252 = arith.constant 0 : i32
        %add3A_253 = arith.addi %mul3A_169, %add3A_252 : i32
        %dma_wait3A_254 = arith.constant 0 : i32
        %dma_wait3A_255 = arith.constant 0 : i32
        %dma_wait3A_256 = arith.constant 0 : i32
        %dma_wait3A_257 = arith.constant 0 : i32
        %dma_wait3A_258 = tpu.memref_slice %arg14[%dma_wait3A_254, %dma_wait3A_256, %dma_wait3A_257] : memref<4x128x16xbf16, #tpu.memory_space<vmem>> -> memref<1x128x16xbf16, #tpu.memory_space<vmem>>
        %dma_wait3A_259 = tpu.memref_squeeze %dma_wait3A_258 : memref<1x128x16xbf16, #tpu.memory_space<vmem>> -> memref<128x16xbf16, #tpu.memory_space<vmem>>
        %dma_wait3A_260 = arith.constant 0 : i32
        %dma_wait3A_261 = tpu.memref_slice %arg12[%add3A_253, %dma_wait3A_260] : memref<392x128xi32, #tpu.memory_space<vmem>> -> memref<1x128xi32, #tpu.memory_space<vmem>>
        %dma_wait3A_262 = tpu.memref_squeeze %dma_wait3A_261 : memref<1x128xi32, #tpu.memory_space<vmem>> -> memref<128xi32, #tpu.memory_space<vmem>>
        %dma_wait3A_263 = arith.constant 0 : i32
        %dma_wait3A_264 = arith.constant 0 : i32
        %dma_wait3A_265 = tpu.memref_slice %arg7[%dma_wait3A_263, %dma_wait3A_264] : memref<50176x16xbf16, #tpu.memory_space<hbm>> -> memref<50176x16xbf16, #tpu.memory_space<hbm>>
        %dma_wait3A_266 = tpu.memref_slice %arg17[%dma_wait3A_255] : memref<4x!tpu.dma_semaphore, #tpu.memory_space<semaphore_mem>> -> memref<1x!tpu.dma_semaphore, #tpu.memory_space<semaphore_mem>>
        %dma_wait3A_267 = tpu.memref_squeeze %dma_wait3A_266 : memref<1x!tpu.dma_semaphore, #tpu.memory_space<semaphore_mem>> -> memref<!tpu.dma_semaphore, #tpu.memory_space<semaphore_mem>>
        tpu.wait_indirect_dma semaphore(%dma_wait3A_267 : memref<!tpu.dma_semaphore, #tpu.memory_space<semaphore_mem>>) src(%dma_wait3A_265 : memref<50176x16xbf16, #tpu.memory_space<hbm>>) dst(%dma_wait3A_259 : memref<128x16xbf16, #tpu.memory_space<vmem>>)
        %add3A_268 = arith.constant 0 : i32
        %add3A_269 = arith.addi %mul3A_169, %add3A_268 : i32
        %dma_start3A_270 = arith.constant 0 : i32
        %dma_start3A_271 = arith.constant 0 : i32
        %dma_start3A_272 = arith.constant 0 : i32
        %dma_start3A_273 = arith.constant 0 : i32
        %dma_start3A_274 = tpu.memref_slice %arg14[%dma_start3A_270, %dma_start3A_272, %dma_start3A_273] : memref<4x128x16xbf16, #tpu.memory_space<vmem>> -> memref<1x128x16xbf16, #tpu.memory_space<vmem>>
        %dma_start3A_275 = tpu.memref_squeeze %dma_start3A_274 : memref<1x128x16xbf16, #tpu.memory_space<vmem>> -> memref<128x16xbf16, #tpu.memory_space<vmem>>
        %dma_start3A_276 = arith.constant 0 : i32
        %dma_start3A_277 = tpu.memref_slice %arg13[%add3A_269, %dma_start3A_276] : memref<392x128xi32, #tpu.memory_space<vmem>> -> memref<1x128xi32, #tpu.memory_space<vmem>>
        %dma_start3A_278 = tpu.memref_squeeze %dma_start3A_277 : memref<1x128xi32, #tpu.memory_space<vmem>> -> memref<128xi32, #tpu.memory_space<vmem>>
        %dma_start3A_279 = arith.constant 0 : i32
        %dma_start3A_280 = arith.constant 0 : i32
        %dma_start3A_281 = tpu.memref_slice %arg16[%dma_start3A_279, %dma_start3A_280] : memref<50176x16xbf16, #tpu.memory_space<vmem_shared>> -> memref<50176x16xbf16, #tpu.memory_space<vmem_shared>>
        %dma_start3A_282 = tpu.memref_slice %arg18[%dma_start3A_271] : memref<4x!tpu.dma_semaphore, #tpu.memory_space<semaphore_mem>> -> memref<1x!tpu.dma_semaphore, #tpu.memory_space<semaphore_mem>>
        %dma_start3A_283 = tpu.memref_squeeze %dma_start3A_282 : memref<1x!tpu.dma_semaphore, #tpu.memory_space<semaphore_mem>> -> memref<!tpu.dma_semaphore, #tpu.memory_space<semaphore_mem>>
        tpu.enqueue_indirect_dma source(%dma_start3A_275 : memref<128x16xbf16, #tpu.memory_space<vmem>>) target(%dma_start3A_281 : memref<50176x16xbf16, #tpu.memory_space<vmem_shared>>) offsets(%dma_start3A_278 : memref<128xi32, #tpu.memory_space<vmem>>) semaphore(%dma_start3A_283 : memref<!tpu.dma_semaphore, #tpu.memory_space<semaphore_mem>>) {add = true}
        %add3A_284 = arith.constant 1 : i32
        %add3A_285 = arith.addi %mul3A_169, %add3A_284 : i32
        %dma_wait3A_286 = arith.constant 1 : i32
        %dma_wait3A_287 = arith.constant 1 : i32
        %dma_wait3A_288 = arith.constant 0 : i32
        %dma_wait3A_289 = arith.constant 0 : i32
        %dma_wait3A_290 = tpu.memref_slice %arg14[%dma_wait3A_286, %dma_wait3A_288, %dma_wait3A_289] : memref<4x128x16xbf16, #tpu.memory_space<vmem>> -> memref<1x128x16xbf16, #tpu.memory_space<vmem>>
        %dma_wait3A_291 = tpu.memref_squeeze %dma_wait3A_290 : memref<1x128x16xbf16, #tpu.memory_space<vmem>> -> memref<128x16xbf16, #tpu.memory_space<vmem>>
        %dma_wait3A_292 = arith.constant 0 : i32
        %dma_wait3A_293 = tpu.memref_slice %arg12[%add3A_285, %dma_wait3A_292] : memref<392x128xi32, #tpu.memory_space<vmem>> -> memref<1x128xi32, #tpu.memory_space<vmem>>
        %dma_wait3A_294 = tpu.memref_squeeze %dma_wait3A_293 : memref<1x128xi32, #tpu.memory_space<vmem>> -> memref<128xi32, #tpu.memory_space<vmem>>
        %dma_wait3A_295 = arith.constant 0 : i32
        %dma_wait3A_296 = arith.constant 0 : i32
        %dma_wait3A_297 = tpu.memref_slice %arg7[%dma_wait3A_295, %dma_wait3A_296] : memref<50176x16xbf16, #tpu.memory_space<hbm>> -> memref<50176x16xbf16, #tpu.memory_space<hbm>>
        %dma_wait3A_298 = tpu.memref_slice %arg17[%dma_wait3A_287] : memref<4x!tpu.dma_semaphore, #tpu.memory_space<semaphore_mem>> -> memref<1x!tpu.dma_semaphore, #tpu.memory_space<semaphore_mem>>
        %dma_wait3A_299 = tpu.memref_squeeze %dma_wait3A_298 : memref<1x!tpu.dma_semaphore, #tpu.memory_space<semaphore_mem>> -> memref<!tpu.dma_semaphore, #tpu.memory_space<semaphore_mem>>
        tpu.wait_indirect_dma semaphore(%dma_wait3A_299 : memref<!tpu.dma_semaphore, #tpu.memory_space<semaphore_mem>>) src(%dma_wait3A_297 : memref<50176x16xbf16, #tpu.memory_space<hbm>>) dst(%dma_wait3A_291 : memref<128x16xbf16, #tpu.memory_space<vmem>>)
        %add3A_300 = arith.constant 1 : i32
        %add3A_301 = arith.addi %mul3A_169, %add3A_300 : i32
        %dma_start3A_302 = arith.constant 1 : i32
        %dma_start3A_303 = arith.constant 1 : i32
        %dma_start3A_304 = arith.constant 0 : i32
        %dma_start3A_305 = arith.constant 0 : i32
        %dma_start3A_306 = tpu.memref_slice %arg14[%dma_start3A_302, %dma_start3A_304, %dma_start3A_305] : memref<4x128x16xbf16, #tpu.memory_space<vmem>> -> memref<1x128x16xbf16, #tpu.memory_space<vmem>>
        %dma_start3A_307 = tpu.memref_squeeze %dma_start3A_306 : memref<1x128x16xbf16, #tpu.memory_space<vmem>> -> memref<128x16xbf16, #tpu.memory_space<vmem>>
        %dma_start3A_308 = arith.constant 0 : i32
        %dma_start3A_309 = tpu.memref_slice %arg13[%add3A_301, %dma_start3A_308] : memref<392x128xi32, #tpu.memory_space<vmem>> -> memref<1x128xi32, #tpu.memory_space<vmem>>
        %dma_start3A_310 = tpu.memref_squeeze %dma_start3A_309 : memref<1x128xi32, #tpu.memory_space<vmem>> -> memref<128xi32, #tpu.memory_space<vmem>>
        %dma_start3A_311 = arith.constant 0 : i32
        %dma_start3A_312 = arith.constant 0 : i32
        %dma_start3A_313 = tpu.memref_slice %arg16[%dma_start3A_311, %dma_start3A_312] : memref<50176x16xbf16, #tpu.memory_space<vmem_shared>> -> memref<50176x16xbf16, #tpu.memory_space<vmem_shared>>
        %dma_start3A_314 = tpu.memref_slice %arg18[%dma_start3A_303] : memref<4x!tpu.dma_semaphore, #tpu.memory_space<semaphore_mem>> -> memref<1x!tpu.dma_semaphore, #tpu.memory_space<semaphore_mem>>
        %dma_start3A_315 = tpu.memref_squeeze %dma_start3A_314 : memref<1x!tpu.dma_semaphore, #tpu.memory_space<semaphore_mem>> -> memref<!tpu.dma_semaphore, #tpu.memory_space<semaphore_mem>>
        tpu.enqueue_indirect_dma source(%dma_start3A_307 : memref<128x16xbf16, #tpu.memory_space<vmem>>) target(%dma_start3A_313 : memref<50176x16xbf16, #tpu.memory_space<vmem_shared>>) offsets(%dma_start3A_310 : memref<128xi32, #tpu.memory_space<vmem>>) semaphore(%dma_start3A_315 : memref<!tpu.dma_semaphore, #tpu.memory_space<semaphore_mem>>) {add = true}
        %add3A_316 = arith.constant 2 : i32
        %add3A_317 = arith.addi %mul3A_169, %add3A_316 : i32
        %dma_wait3A_318 = arith.constant 2 : i32
        %dma_wait3A_319 = arith.constant 2 : i32
        %dma_wait3A_320 = arith.constant 0 : i32
        %dma_wait3A_321 = arith.constant 0 : i32
        %dma_wait3A_322 = tpu.memref_slice %arg14[%dma_wait3A_318, %dma_wait3A_320, %dma_wait3A_321] : memref<4x128x16xbf16, #tpu.memory_space<vmem>> -> memref<1x128x16xbf16, #tpu.memory_space<vmem>>
        %dma_wait3A_323 = tpu.memref_squeeze %dma_wait3A_322 : memref<1x128x16xbf16, #tpu.memory_space<vmem>> -> memref<128x16xbf16, #tpu.memory_space<vmem>>
        %dma_wait3A_324 = arith.constant 0 : i32
        %dma_wait3A_325 = tpu.memref_slice %arg12[%add3A_317, %dma_wait3A_324] : memref<392x128xi32, #tpu.memory_space<vmem>> -> memref<1x128xi32, #tpu.memory_space<vmem>>
        %dma_wait3A_326 = tpu.memref_squeeze %dma_wait3A_325 : memref<1x128xi32, #tpu.memory_space<vmem>> -> memref<128xi32, #tpu.memory_space<vmem>>
        %dma_wait3A_327 = arith.constant 0 : i32
        %dma_wait3A_328 = arith.constant 0 : i32
        %dma_wait3A_329 = tpu.memref_slice %arg7[%dma_wait3A_327, %dma_wait3A_328] : memref<50176x16xbf16, #tpu.memory_space<hbm>> -> memref<50176x16xbf16, #tpu.memory_space<hbm>>
        %dma_wait3A_330 = tpu.memref_slice %arg17[%dma_wait3A_319] : memref<4x!tpu.dma_semaphore, #tpu.memory_space<semaphore_mem>> -> memref<1x!tpu.dma_semaphore, #tpu.memory_space<semaphore_mem>>
        %dma_wait3A_331 = tpu.memref_squeeze %dma_wait3A_330 : memref<1x!tpu.dma_semaphore, #tpu.memory_space<semaphore_mem>> -> memref<!tpu.dma_semaphore, #tpu.memory_space<semaphore_mem>>
        tpu.wait_indirect_dma semaphore(%dma_wait3A_331 : memref<!tpu.dma_semaphore, #tpu.memory_space<semaphore_mem>>) src(%dma_wait3A_329 : memref<50176x16xbf16, #tpu.memory_space<hbm>>) dst(%dma_wait3A_323 : memref<128x16xbf16, #tpu.memory_space<vmem>>)
        %add3A_332 = arith.constant 2 : i32
        %add3A_333 = arith.addi %mul3A_169, %add3A_332 : i32
        %dma_start3A_334 = arith.constant 2 : i32
        %dma_start3A_335 = arith.constant 2 : i32
        %dma_start3A_336 = arith.constant 0 : i32
        %dma_start3A_337 = arith.constant 0 : i32
        %dma_start3A_338 = tpu.memref_slice %arg14[%dma_start3A_334, %dma_start3A_336, %dma_start3A_337] : memref<4x128x16xbf16, #tpu.memory_space<vmem>> -> memref<1x128x16xbf16, #tpu.memory_space<vmem>>
        %dma_start3A_339 = tpu.memref_squeeze %dma_start3A_338 : memref<1x128x16xbf16, #tpu.memory_space<vmem>> -> memref<128x16xbf16, #tpu.memory_space<vmem>>
        %dma_start3A_340 = arith.constant 0 : i32
        %dma_start3A_341 = tpu.memref_slice %arg13[%add3A_333, %dma_start3A_340] : memref<392x128xi32, #tpu.memory_space<vmem>> -> memref<1x128xi32, #tpu.memory_space<vmem>>
        %dma_start3A_342 = tpu.memref_squeeze %dma_start3A_341 : memref<1x128xi32, #tpu.memory_space<vmem>> -> memref<128xi32, #tpu.memory_space<vmem>>
        %dma_start3A_343 = arith.constant 0 : i32
        %dma_start3A_344 = arith.constant 0 : i32
        %dma_start3A_345 = tpu.memref_slice %arg16[%dma_start3A_343, %dma_start3A_344] : memref<50176x16xbf16, #tpu.memory_space<vmem_shared>> -> memref<50176x16xbf16, #tpu.memory_space<vmem_shared>>
        %dma_start3A_346 = tpu.memref_slice %arg18[%dma_start3A_335] : memref<4x!tpu.dma_semaphore, #tpu.memory_space<semaphore_mem>> -> memref<1x!tpu.dma_semaphore, #tpu.memory_space<semaphore_mem>>
        %dma_start3A_347 = tpu.memref_squeeze %dma_start3A_346 : memref<1x!tpu.dma_semaphore, #tpu.memory_space<semaphore_mem>> -> memref<!tpu.dma_semaphore, #tpu.memory_space<semaphore_mem>>
        tpu.enqueue_indirect_dma source(%dma_start3A_339 : memref<128x16xbf16, #tpu.memory_space<vmem>>) target(%dma_start3A_345 : memref<50176x16xbf16, #tpu.memory_space<vmem_shared>>) offsets(%dma_start3A_342 : memref<128xi32, #tpu.memory_space<vmem>>) semaphore(%dma_start3A_347 : memref<!tpu.dma_semaphore, #tpu.memory_space<semaphore_mem>>) {add = true}
        %add3A_348 = arith.constant 3 : i32
        %add3A_349 = arith.addi %mul3A_169, %add3A_348 : i32
        %dma_wait3A_350 = arith.constant 3 : i32
        %dma_wait3A_351 = arith.constant 3 : i32
        %dma_wait3A_352 = arith.constant 0 : i32
        %dma_wait3A_353 = arith.constant 0 : i32
        %dma_wait3A_354 = tpu.memref_slice %arg14[%dma_wait3A_350, %dma_wait3A_352, %dma_wait3A_353] : memref<4x128x16xbf16, #tpu.memory_space<vmem>> -> memref<1x128x16xbf16, #tpu.memory_space<vmem>>
        %dma_wait3A_355 = tpu.memref_squeeze %dma_wait3A_354 : memref<1x128x16xbf16, #tpu.memory_space<vmem>> -> memref<128x16xbf16, #tpu.memory_space<vmem>>
        %dma_wait3A_356 = arith.constant 0 : i32
        %dma_wait3A_357 = tpu.memref_slice %arg12[%add3A_349, %dma_wait3A_356] : memref<392x128xi32, #tpu.memory_space<vmem>> -> memref<1x128xi32, #tpu.memory_space<vmem>>
        %dma_wait3A_358 = tpu.memref_squeeze %dma_wait3A_357 : memref<1x128xi32, #tpu.memory_space<vmem>> -> memref<128xi32, #tpu.memory_space<vmem>>
        %dma_wait3A_359 = arith.constant 0 : i32
        %dma_wait3A_360 = arith.constant 0 : i32
        %dma_wait3A_361 = tpu.memref_slice %arg7[%dma_wait3A_359, %dma_wait3A_360] : memref<50176x16xbf16, #tpu.memory_space<hbm>> -> memref<50176x16xbf16, #tpu.memory_space<hbm>>
        %dma_wait3A_362 = tpu.memref_slice %arg17[%dma_wait3A_351] : memref<4x!tpu.dma_semaphore, #tpu.memory_space<semaphore_mem>> -> memref<1x!tpu.dma_semaphore, #tpu.memory_space<semaphore_mem>>
        %dma_wait3A_363 = tpu.memref_squeeze %dma_wait3A_362 : memref<1x!tpu.dma_semaphore, #tpu.memory_space<semaphore_mem>> -> memref<!tpu.dma_semaphore, #tpu.memory_space<semaphore_mem>>
        tpu.wait_indirect_dma semaphore(%dma_wait3A_363 : memref<!tpu.dma_semaphore, #tpu.memory_space<semaphore_mem>>) src(%dma_wait3A_361 : memref<50176x16xbf16, #tpu.memory_space<hbm>>) dst(%dma_wait3A_355 : memref<128x16xbf16, #tpu.memory_space<vmem>>)
        %add3A_364 = arith.constant 3 : i32
        %add3A_365 = arith.addi %mul3A_169, %add3A_364 : i32
        %dma_start3A_366 = arith.constant 3 : i32
        %dma_start3A_367 = arith.constant 3 : i32
        %dma_start3A_368 = arith.constant 0 : i32
        %dma_start3A_369 = arith.constant 0 : i32
        %dma_start3A_370 = tpu.memref_slice %arg14[%dma_start3A_366, %dma_start3A_368, %dma_start3A_369] : memref<4x128x16xbf16, #tpu.memory_space<vmem>> -> memref<1x128x16xbf16, #tpu.memory_space<vmem>>
        %dma_start3A_371 = tpu.memref_squeeze %dma_start3A_370 : memref<1x128x16xbf16, #tpu.memory_space<vmem>> -> memref<128x16xbf16, #tpu.memory_space<vmem>>
        %dma_start3A_372 = arith.constant 0 : i32
        %dma_start3A_373 = tpu.memref_slice %arg13[%add3A_365, %dma_start3A_372] : memref<392x128xi32, #tpu.memory_space<vmem>> -> memref<1x128xi32, #tpu.memory_space<vmem>>
        %dma_start3A_374 = tpu.memref_squeeze %dma_start3A_373 : memref<1x128xi32, #tpu.memory_space<vmem>> -> memref<128xi32, #tpu.memory_space<vmem>>
        %dma_start3A_375 = arith.constant 0 : i32
        %dma_start3A_376 = arith.constant 0 : i32
        %dma_start3A_377 = tpu.memref_slice %arg16[%dma_start3A_375, %dma_start3A_376] : memref<50176x16xbf16, #tpu.memory_space<vmem_shared>> -> memref<50176x16xbf16, #tpu.memory_space<vmem_shared>>
        %dma_start3A_378 = tpu.memref_slice %arg18[%dma_start3A_367] : memref<4x!tpu.dma_semaphore, #tpu.memory_space<semaphore_mem>> -> memref<1x!tpu.dma_semaphore, #tpu.memory_space<semaphore_mem>>
        %dma_start3A_379 = tpu.memref_squeeze %dma_start3A_378 : memref<1x!tpu.dma_semaphore, #tpu.memory_space<semaphore_mem>> -> memref<!tpu.dma_semaphore, #tpu.memory_space<semaphore_mem>>
        tpu.enqueue_indirect_dma source(%dma_start3A_371 : memref<128x16xbf16, #tpu.memory_space<vmem>>) target(%dma_start3A_377 : memref<50176x16xbf16, #tpu.memory_space<vmem_shared>>) offsets(%dma_start3A_374 : memref<128xi32, #tpu.memory_space<vmem>>) semaphore(%dma_start3A_379 : memref<!tpu.dma_semaphore, #tpu.memory_space<semaphore_mem>>) {add = true}
      }
      %scan3A_97 = arith.constant 98 : i32
      %dma_wait3A_98 = arith.constant 0 : i32
      %dma_wait3A_99 = arith.constant 388 : i32
      %dma_wait3A_100 = arith.constant 0 : i32
      %dma_wait3A_101 = arith.constant 0 : i32
      %dma_wait3A_102 = arith.constant 0 : i32
      %dma_wait3A_103 = tpu.memref_slice %arg14[%dma_wait3A_98, %dma_wait3A_101, %dma_wait3A_102] : memref<4x128x16xbf16, #tpu.memory_space<vmem>> -> memref<1x128x16xbf16, #tpu.memory_space<vmem>>
      %dma_wait3A_104 = tpu.memref_squeeze %dma_wait3A_103 : memref<1x128x16xbf16, #tpu.memory_space<vmem>> -> memref<128x16xbf16, #tpu.memory_space<vmem>>
      %dma_wait3A_105 = arith.constant 0 : i32
      %dma_wait3A_106 = tpu.memref_slice %arg13[%dma_wait3A_99, %dma_wait3A_105] : memref<392x128xi32, #tpu.memory_space<vmem>> -> memref<1x128xi32, #tpu.memory_space<vmem>>
      %dma_wait3A_107 = tpu.memref_squeeze %dma_wait3A_106 : memref<1x128xi32, #tpu.memory_space<vmem>> -> memref<128xi32, #tpu.memory_space<vmem>>
      %dma_wait3A_108 = arith.constant 0 : i32
      %dma_wait3A_109 = arith.constant 0 : i32
      %dma_wait3A_110 = tpu.memref_slice %arg16[%dma_wait3A_108, %dma_wait3A_109] : memref<50176x16xbf16, #tpu.memory_space<vmem_shared>> -> memref<50176x16xbf16, #tpu.memory_space<vmem_shared>>
      %dma_wait3A_111 = tpu.memref_slice %arg18[%dma_wait3A_100] : memref<4x!tpu.dma_semaphore, #tpu.memory_space<semaphore_mem>> -> memref<1x!tpu.dma_semaphore, #tpu.memory_space<semaphore_mem>>
      %dma_wait3A_112 = tpu.memref_squeeze %dma_wait3A_111 : memref<1x!tpu.dma_semaphore, #tpu.memory_space<semaphore_mem>> -> memref<!tpu.dma_semaphore, #tpu.memory_space<semaphore_mem>>
      tpu.wait_indirect_dma semaphore(%dma_wait3A_112 : memref<!tpu.dma_semaphore, #tpu.memory_space<semaphore_mem>>) src(%dma_wait3A_104 : memref<128x16xbf16, #tpu.memory_space<vmem>>) dst(%dma_wait3A_110 : memref<50176x16xbf16, #tpu.memory_space<vmem_shared>>)
      %dma_wait3A_113 = arith.constant 1 : i32
      %dma_wait3A_114 = arith.constant 389 : i32
      %dma_wait3A_115 = arith.constant 1 : i32
      %dma_wait3A_116 = arith.constant 0 : i32
      %dma_wait3A_117 = arith.constant 0 : i32
      %dma_wait3A_118 = tpu.memref_slice %arg14[%dma_wait3A_113, %dma_wait3A_116, %dma_wait3A_117] : memref<4x128x16xbf16, #tpu.memory_space<vmem>> -> memref<1x128x16xbf16, #tpu.memory_space<vmem>>
      %dma_wait3A_119 = tpu.memref_squeeze %dma_wait3A_118 : memref<1x128x16xbf16, #tpu.memory_space<vmem>> -> memref<128x16xbf16, #tpu.memory_space<vmem>>
      %dma_wait3A_120 = arith.constant 0 : i32
      %dma_wait3A_121 = tpu.memref_slice %arg13[%dma_wait3A_114, %dma_wait3A_120] : memref<392x128xi32, #tpu.memory_space<vmem>> -> memref<1x128xi32, #tpu.memory_space<vmem>>
      %dma_wait3A_122 = tpu.memref_squeeze %dma_wait3A_121 : memref<1x128xi32, #tpu.memory_space<vmem>> -> memref<128xi32, #tpu.memory_space<vmem>>
      %dma_wait3A_123 = arith.constant 0 : i32
      %dma_wait3A_124 = arith.constant 0 : i32
      %dma_wait3A_125 = tpu.memref_slice %arg16[%dma_wait3A_123, %dma_wait3A_124] : memref<50176x16xbf16, #tpu.memory_space<vmem_shared>> -> memref<50176x16xbf16, #tpu.memory_space<vmem_shared>>
      %dma_wait3A_126 = tpu.memref_slice %arg18[%dma_wait3A_115] : memref<4x!tpu.dma_semaphore, #tpu.memory_space<semaphore_mem>> -> memref<1x!tpu.dma_semaphore, #tpu.memory_space<semaphore_mem>>
      %dma_wait3A_127 = tpu.memref_squeeze %dma_wait3A_126 : memref<1x!tpu.dma_semaphore, #tpu.memory_space<semaphore_mem>> -> memref<!tpu.dma_semaphore, #tpu.memory_space<semaphore_mem>>
      tpu.wait_indirect_dma semaphore(%dma_wait3A_127 : memref<!tpu.dma_semaphore, #tpu.memory_space<semaphore_mem>>) src(%dma_wait3A_119 : memref<128x16xbf16, #tpu.memory_space<vmem>>) dst(%dma_wait3A_125 : memref<50176x16xbf16, #tpu.memory_space<vmem_shared>>)
      %dma_wait3A_128 = arith.constant 2 : i32
      %dma_wait3A_129 = arith.constant 390 : i32
      %dma_wait3A_130 = arith.constant 2 : i32
      %dma_wait3A_131 = arith.constant 0 : i32
      %dma_wait3A_132 = arith.constant 0 : i32
      %dma_wait3A_133 = tpu.memref_slice %arg14[%dma_wait3A_128, %dma_wait3A_131, %dma_wait3A_132] : memref<4x128x16xbf16, #tpu.memory_space<vmem>> -> memref<1x128x16xbf16, #tpu.memory_space<vmem>>
      %dma_wait3A_134 = tpu.memref_squeeze %dma_wait3A_133 : memref<1x128x16xbf16, #tpu.memory_space<vmem>> -> memref<128x16xbf16, #tpu.memory_space<vmem>>
      %dma_wait3A_135 = arith.constant 0 : i32
      %dma_wait3A_136 = tpu.memref_slice %arg13[%dma_wait3A_129, %dma_wait3A_135] : memref<392x128xi32, #tpu.memory_space<vmem>> -> memref<1x128xi32, #tpu.memory_space<vmem>>
      %dma_wait3A_137 = tpu.memref_squeeze %dma_wait3A_136 : memref<1x128xi32, #tpu.memory_space<vmem>> -> memref<128xi32, #tpu.memory_space<vmem>>
      %dma_wait3A_138 = arith.constant 0 : i32
      %dma_wait3A_139 = arith.constant 0 : i32
      %dma_wait3A_140 = tpu.memref_slice %arg16[%dma_wait3A_138, %dma_wait3A_139] : memref<50176x16xbf16, #tpu.memory_space<vmem_shared>> -> memref<50176x16xbf16, #tpu.memory_space<vmem_shared>>
      %dma_wait3A_141 = tpu.memref_slice %arg18[%dma_wait3A_130] : memref<4x!tpu.dma_semaphore, #tpu.memory_space<semaphore_mem>> -> memref<1x!tpu.dma_semaphore, #tpu.memory_space<semaphore_mem>>
      %dma_wait3A_142 = tpu.memref_squeeze %dma_wait3A_141 : memref<1x!tpu.dma_semaphore, #tpu.memory_space<semaphore_mem>> -> memref<!tpu.dma_semaphore, #tpu.memory_space<semaphore_mem>>
      tpu.wait_indirect_dma semaphore(%dma_wait3A_142 : memref<!tpu.dma_semaphore, #tpu.memory_space<semaphore_mem>>) src(%dma_wait3A_134 : memref<128x16xbf16, #tpu.memory_space<vmem>>) dst(%dma_wait3A_140 : memref<50176x16xbf16, #tpu.memory_space<vmem_shared>>)
      %dma_wait3A_143 = arith.constant 3 : i32
      %dma_wait3A_144 = arith.constant 391 : i32
      %dma_wait3A_145 = arith.constant 3 : i32
      %dma_wait3A_146 = arith.constant 0 : i32
      %dma_wait3A_147 = arith.constant 0 : i32
      %dma_wait3A_148 = tpu.memref_slice %arg14[%dma_wait3A_143, %dma_wait3A_146, %dma_wait3A_147] : memref<4x128x16xbf16, #tpu.memory_space<vmem>> -> memref<1x128x16xbf16, #tpu.memory_space<vmem>>
      %dma_wait3A_149 = tpu.memref_squeeze %dma_wait3A_148 : memref<1x128x16xbf16, #tpu.memory_space<vmem>> -> memref<128x16xbf16, #tpu.memory_space<vmem>>
      %dma_wait3A_150 = arith.constant 0 : i32
      %dma_wait3A_151 = tpu.memref_slice %arg13[%dma_wait3A_144, %dma_wait3A_150] : memref<392x128xi32, #tpu.memory_space<vmem>> -> memref<1x128xi32, #tpu.memory_space<vmem>>
      %dma_wait3A_152 = tpu.memref_squeeze %dma_wait3A_151 : memref<1x128xi32, #tpu.memory_space<vmem>> -> memref<128xi32, #tpu.memory_space<vmem>>
      %dma_wait3A_153 = arith.constant 0 : i32
      %dma_wait3A_154 = arith.constant 0 : i32
      %dma_wait3A_155 = tpu.memref_slice %arg16[%dma_wait3A_153, %dma_wait3A_154] : memref<50176x16xbf16, #tpu.memory_space<vmem_shared>> -> memref<50176x16xbf16, #tpu.memory_space<vmem_shared>>
      %dma_wait3A_156 = tpu.memref_slice %arg18[%dma_wait3A_145] : memref<4x!tpu.dma_semaphore, #tpu.memory_space<semaphore_mem>> -> memref<1x!tpu.dma_semaphore, #tpu.memory_space<semaphore_mem>>
      %dma_wait3A_157 = tpu.memref_squeeze %dma_wait3A_156 : memref<1x!tpu.dma_semaphore, #tpu.memory_space<semaphore_mem>> -> memref<!tpu.dma_semaphore, #tpu.memory_space<semaphore_mem>>
      tpu.wait_indirect_dma semaphore(%dma_wait3A_157 : memref<!tpu.dma_semaphore, #tpu.memory_space<semaphore_mem>>) src(%dma_wait3A_149 : memref<128x16xbf16, #tpu.memory_space<vmem>>) dst(%dma_wait3A_155 : memref<50176x16xbf16, #tpu.memory_space<vmem_shared>>)
      %barrier3A_158 = arith.constant 0 : index
      tpu.barrier barrier_id(%barrier3A_158)
      %scan3A_159 = arith.constant 0 : i32
      %scan3A_160 = arith.constant 25 : i32
      %scan3A_161 = arith.addi %scan3A_159, %scan3A_160 : i32
      %scan3A_162 = arith.constant 1 : i32
      scf.for %scan3A_165 = %scan3A_159 to %scan3A_161 step %scan3A_162  : i32 {
        %mul3A = arith.constant 1 : i32
        %mul3A_166 = arith.muli %scan3A_165, %mul3A : i32
        %add3A = arith.constant 0 : i32
        %add3A_167 = arith.addi %add3A, %mul3A_166 : i32
        %mul3A_168 = arith.constant 16 : i32
        %mul3A_169 = arith.muli %add3A_167, %mul3A_168 : i32
        %add3A_170 = arith.addi %mul3A_169, %arg1 : i32
        %lt3A = arith.constant 392 : i32
        %lt3A_171 = arith.cmpi slt, %add3A_170, %lt3A : i32
        %convert_element_type3A_172 = arith.extui %lt3A_171 : i1 to i32
        %cond3A_173 = arith.constant 0 : i32
        %cond3A_174 = arith.cmpi ne, %convert_element_type3A_172, %cond3A_173 : i32
        scf.if %cond3A_174 {
          %mul3A_175 = arith.constant 128 : i32
          %mul3A_176 = arith.muli %add3A_170, %mul3A_175 : i32
          %mul3A_177 = arith.constant 128 : i32
          %mul3A_178 = arith.muli %add3A_170, %mul3A_177 : i32
          "tpu.region"() ({
            %run_scoped3A = tpu.sem_alloc : memref<!tpu.dma_semaphore, #tpu.memory_space<semaphore_mem>>
            %dma_start3A = arith.constant 0 : i32
            %dma_start3A_179 = tpu.memref_slice %arg11[%mul3A_178, %dma_start3A] : memref<50176x16xbf16, #tpu.memory_space<hbm>> -> memref<128x16xbf16, #tpu.memory_space<hbm>>
            %dma_start3A_180 = arith.constant 0 : i32
            %dma_start3A_181 = tpu.memref_slice %arg16[%mul3A_176, %dma_start3A_180] : memref<50176x16xbf16, #tpu.memory_space<vmem_shared>> -> memref<128x16xbf16, #tpu.memory_space<vmem_shared>>
            tpu.enqueue_dma source(%dma_start3A_181 : memref<128x16xbf16, #tpu.memory_space<vmem_shared>>) target(%dma_start3A_179 : memref<128x16xbf16, #tpu.memory_space<hbm>>) target_semaphore(%run_scoped3A : memref<!tpu.dma_semaphore, #tpu.memory_space<semaphore_mem>>)
            %dma_wait3A_182 = arith.constant 0 : i32
            %dma_wait3A_183 = tpu.memref_slice %arg11[%mul3A_178, %dma_wait3A_182] : memref<50176x16xbf16, #tpu.memory_space<hbm>> -> memref<128x16xbf16, #tpu.memory_space<hbm>>
            %dma_wait3A_184 = arith.constant 0 : i32
            %dma_wait3A_185 = tpu.memref_slice %arg16[%mul3A_176, %dma_wait3A_184] : memref<50176x16xbf16, #tpu.memory_space<vmem_shared>> -> memref<128x16xbf16, #tpu.memory_space<vmem_shared>>
            tpu.wait_dma2 semaphore(%run_scoped3A : memref<!tpu.dma_semaphore, #tpu.memory_space<semaphore_mem>>) src(%dma_wait3A_185 : memref<128x16xbf16, #tpu.memory_space<vmem_shared>>) dst(%dma_wait3A_183 : memref<128x16xbf16, #tpu.memory_space<hbm>>)
            tpu.yield
          }) : () -> ()
        } else {
        }
      }
      %scan3A_163 = arith.constant 25 : i32
      %barrier3A_164 = arith.constant 0 : index
      tpu.barrier barrier_id(%barrier3A_164)
    } else {
    }
    return
  }
}

module attributes {stable_mosaic.version = 14 : i64} {
  func.func @_h1_tc(%arg0: i32, %arg1: memref<8x128xf32, #tpu.memory_space<vmem>>, %arg2: memref<2x8x128xf32, #tpu.memory_space<vmem>>, %arg3: memref<8x128xf32, #tpu.memory_space<vmem>>, %arg4: memref<1x64xf32, #tpu.memory_space<vmem>>, %arg5: memref<1x64xf32, #tpu.memory_space<vmem>>, %arg6: memref<1024x64xf32, #tpu.memory_space<vmem>>, %arg7: memref<1024x16xbf16, #tpu.memory_space<vmem>>, %arg8: memref<1024x16xbf16, #tpu.memory_space<vmem>>, %arg9: memref<1024x16xbf16, #tpu.memory_space<vmem>>, %arg10: memref<1024x16xbf16, #tpu.memory_space<vmem>>) attributes {dimension_semantics = [#tpu.dimension_semantics<arbitrary>], iteration_bounds = array<i64: 49>, scalar_prefetch = 0 : i64, scratch_operands = 0 : i64, tpu.core_type = #tpu.core_type<tc>, window_params = [{transform_indices = @transform_0, window_bounds = array<i64: 8, 128>}, {transform_indices = @transform_1, window_bounds = array<i64: 2, 8, 128>}, {transform_indices = @transform_2, window_bounds = array<i64: 8, 128>}, {pipeline_mode = #tpu.pipeline_mode<synchronous>, transform_indices = @transform_3, window_bounds = array<i64: 1, 64>}, {pipeline_mode = #tpu.pipeline_mode<synchronous>, transform_indices = @transform_4, window_bounds = array<i64: 1, 64>}, {transform_indices = @transform_5, window_bounds = array<i64: 1024, 64>}, {transform_indices = @transform_6, window_bounds = array<i64: 1024, 16>}, {transform_indices = @transform_7, window_bounds = array<i64: 1024, 16>}, {transform_indices = @transform_8, window_bounds = array<i64: 1024, 16>}, {transform_indices = @transform_9, window_bounds = array<i64: 1024, 16>}]} {
    %get3A = arith.constant 0 : index
    %get3A_0 = arith.constant 0 : index
    %get3A_1 = vector.load %arg3[%get3A, %get3A_0] : memref<8x128xf32, #tpu.memory_space<vmem>>, vector<8x128xf32>
    %get3A_2 = arith.constant 0 : index
    %get3A_3 = arith.constant 0 : index
    %get3A_4 = arith.constant 0 : index
    %get3A_5 = vector.load %arg2[%get3A_2, %get3A_3, %get3A_4] : memref<2x8x128xf32, #tpu.memory_space<vmem>>, vector<1x8x128xf32>
    %get3A_6 = vector.shape_cast %get3A_5 : vector<1x8x128xf32> to vector<8x128xf32>
    %get3A_7 = arith.constant 1 : index
    %get3A_8 = arith.constant 0 : index
    %get3A_9 = arith.constant 0 : index
    %get3A_10 = vector.load %arg2[%get3A_7, %get3A_8, %get3A_9] : memref<2x8x128xf32, #tpu.memory_space<vmem>>, vector<1x8x128xf32>
    %get3A_11 = vector.shape_cast %get3A_10 : vector<1x8x128xf32> to vector<8x128xf32>
    %add3A = arith.addf %get3A_6, %get3A_11 : vector<8x128xf32>
    %get3A_12 = arith.constant 0 : index
    %get3A_13 = arith.constant 0 : index
    %get3A_14 = vector.load %arg1[%get3A_12, %get3A_13] : memref<8x128xf32, #tpu.memory_space<vmem>>, vector<8x128xf32>
    %mul3A = arith.mulf %get3A_14, %get3A_1 : vector<8x128xf32>
    %add3A_15 = arith.addf %add3A, %mul3A : vector<8x128xf32>
    %mul3A_16 = arith.mulf %get3A_1, %add3A_15 : vector<8x128xf32>
    %transpose3A = tpu.transpose %mul3A_16, [1, 0] : vector<8x128xf32> -> vector<128x8xf32>
    %get3A_17 = arith.constant 0 : index
    %get3A_18 = arith.constant 0 : index
    %get3A_19 = vector.load %arg1[%get3A_17, %get3A_18] : memref<8x128xf32, #tpu.memory_space<vmem>>, vector<8x128xf32>
    %transpose3A_20 = tpu.transpose %get3A_19, [1, 0] : vector<8x128xf32> -> vector<128x8xf32>
    %transpose3A_21 = tpu.transpose %get3A_1, [1, 0] : vector<8x128xf32> -> vector<128x8xf32>
    %get3A_22 = arith.constant 0 : index
    %get3A_23 = arith.constant 0 : index
    %get3A_24 = vector.load %arg4[%get3A_22, %get3A_23] : memref<1x64xf32, #tpu.memory_space<vmem>>, vector<1x64xf32>
    %get3A_25 = arith.constant 0 : index
    %get3A_26 = arith.constant 0 : index
    %get3A_27 = vector.load %arg5[%get3A_25, %get3A_26] : memref<1x64xf32, #tpu.memory_space<vmem>>, vector<1x64xf32>
    %slice3A = vector.extract_strided_slice %transpose3A {offsets = [0, 0], sizes = [128, 1], strides = [1, 1]} : vector<128x8xf32> to vector<128x1xf32>
    %mul3A_28 = vector.broadcast %slice3A : vector<128x1xf32> to vector<128x64xf32>
    %mul3A_29 = vector.broadcast %get3A_24 : vector<1x64xf32> to vector<128x64xf32>
    %mul3A_30 = arith.mulf %mul3A_28, %mul3A_29 : vector<128x64xf32>
    %add3A_31 = vector.broadcast %get3A_27 : vector<1x64xf32> to vector<128x64xf32>
    %add3A_32 = arith.addf %mul3A_30, %add3A_31 : vector<128x64xf32>
    %slice3A_33 = vector.extract_strided_slice %transpose3A_20 {offsets = [0, 0], sizes = [128, 1], strides = [1, 1]} : vector<128x8xf32> to vector<128x1xf32>
    %logistic3A = arith.negf %add3A_32 : vector<128x64xf32>
    %logistic3A_34 = math.exp %logistic3A : vector<128x64xf32>
    %logistic3A_35 = arith.constant 1.000000e+00 : f32
    %logistic3A_36 = vector.broadcast %logistic3A_35 : f32 to vector<128x64xf32>
    %logistic3A_37 = arith.addf %logistic3A_36, %logistic3A_34 : vector<128x64xf32>
    %logistic3A_38 = arith.divf %logistic3A_36, %logistic3A_37 : vector<128x64xf32>
    %mul3A_39 = arith.mulf %add3A_32, %logistic3A_38 : vector<128x64xf32>
    %add3A_40 = vector.broadcast %slice3A_33 : vector<128x1xf32> to vector<128x64xf32>
    %add3A_41 = arith.addf %add3A_40, %mul3A_39 : vector<128x64xf32>
    %slice3A_42 = vector.extract_strided_slice %transpose3A_21 {offsets = [0, 0], sizes = [128, 1], strides = [1, 1]} : vector<128x8xf32> to vector<128x1xf32>
    %mul3A_43 = vector.broadcast %slice3A_42 : vector<128x1xf32> to vector<128x64xf32>
    %mul3A_44 = arith.mulf %add3A_41, %mul3A_43 : vector<128x64xf32>
    %swap3A = arith.constant 0 : index
    %swap3A_45 = arith.constant 0 : index
    %swap3A_46 = vector.load %arg6[%swap3A, %swap3A_45] : memref<1024x64xf32, #tpu.memory_space<vmem>>, vector<128x64xf32>
    tpu.vector_store %arg6[%swap3A, %swap3A_45], %add3A_41 {strides = array<i32>} : memref<1024x64xf32, #tpu.memory_space<vmem>>, vector<128x64xf32>,
    %convert_element_type3A = arith.truncf %mul3A_44 : vector<128x64xf32> to vector<128x64xbf16>
    %slice3A_47 = vector.extract_strided_slice %convert_element_type3A {offsets = [0, 0], sizes = [128, 16], strides = [1, 1]} : vector<128x64xbf16> to vector<128x16xbf16>
    %swap3A_48 = arith.constant 0 : index
    %swap3A_49 = arith.constant 0 : index
    %swap3A_50 = vector.load %arg7[%swap3A_48, %swap3A_49] : memref<1024x16xbf16, #tpu.memory_space<vmem>>, vector<128x16xbf16>
    tpu.vector_store %arg7[%swap3A_48, %swap3A_49], %slice3A_47 {strides = array<i32>} : memref<1024x16xbf16, #tpu.memory_space<vmem>>, vector<128x16xbf16>,
    %slice3A_51 = vector.extract_strided_slice %convert_element_type3A {offsets = [0, 16], sizes = [128, 16], strides = [1, 1]} : vector<128x64xbf16> to vector<128x16xbf16>
    %swap3A_52 = arith.constant 0 : index
    %swap3A_53 = arith.constant 0 : index
    %swap3A_54 = vector.load %arg8[%swap3A_52, %swap3A_53] : memref<1024x16xbf16, #tpu.memory_space<vmem>>, vector<128x16xbf16>
    tpu.vector_store %arg8[%swap3A_52, %swap3A_53], %slice3A_51 {strides = array<i32>} : memref<1024x16xbf16, #tpu.memory_space<vmem>>, vector<128x16xbf16>,
    %slice3A_55 = vector.extract_strided_slice %convert_element_type3A {offsets = [0, 32], sizes = [128, 16], strides = [1, 1]} : vector<128x64xbf16> to vector<128x16xbf16>
    %swap3A_56 = arith.constant 0 : index
    %swap3A_57 = arith.constant 0 : index
    %swap3A_58 = vector.load %arg9[%swap3A_56, %swap3A_57] : memref<1024x16xbf16, #tpu.memory_space<vmem>>, vector<128x16xbf16>
    tpu.vector_store %arg9[%swap3A_56, %swap3A_57], %slice3A_55 {strides = array<i32>} : memref<1024x16xbf16, #tpu.memory_space<vmem>>, vector<128x16xbf16>,
    %slice3A_59 = vector.extract_strided_slice %convert_element_type3A {offsets = [0, 48], sizes = [128, 16], strides = [1, 1]} : vector<128x64xbf16> to vector<128x16xbf16>
    %swap3A_60 = arith.constant 0 : index
    %swap3A_61 = arith.constant 0 : index
    %swap3A_62 = vector.load %arg10[%swap3A_60, %swap3A_61] : memref<1024x16xbf16, #tpu.memory_space<vmem>>, vector<128x16xbf16>
    tpu.vector_store %arg10[%swap3A_60, %swap3A_61], %slice3A_59 {strides = array<i32>} : memref<1024x16xbf16, #tpu.memory_space<vmem>>, vector<128x16xbf16>,
    %slice3A_63 = vector.extract_strided_slice %transpose3A {offsets = [0, 1], sizes = [128, 1], strides = [1, 1]} : vector<128x8xf32> to vector<128x1xf32>
    %mul3A_64 = vector.broadcast %slice3A_63 : vector<128x1xf32> to vector<128x64xf32>
    %mul3A_65 = vector.broadcast %get3A_24 : vector<1x64xf32> to vector<128x64xf32>
    %mul3A_66 = arith.mulf %mul3A_64, %mul3A_65 : vector<128x64xf32>
    %add3A_67 = vector.broadcast %get3A_27 : vector<1x64xf32> to vector<128x64xf32>
    %add3A_68 = arith.addf %mul3A_66, %add3A_67 : vector<128x64xf32>
    %slice3A_69 = vector.extract_strided_slice %transpose3A_20 {offsets = [0, 1], sizes = [128, 1], strides = [1, 1]} : vector<128x8xf32> to vector<128x1xf32>
    %logistic3A_70 = arith.negf %add3A_68 : vector<128x64xf32>
    %logistic3A_71 = math.exp %logistic3A_70 : vector<128x64xf32>
    %logistic3A_72 = arith.constant 1.000000e+00 : f32
    %logistic3A_73 = vector.broadcast %logistic3A_72 : f32 to vector<128x64xf32>
    %logistic3A_74 = arith.addf %logistic3A_73, %logistic3A_71 : vector<128x64xf32>
    %logistic3A_75 = arith.divf %logistic3A_73, %logistic3A_74 : vector<128x64xf32>
    %mul3A_76 = arith.mulf %add3A_68, %logistic3A_75 : vector<128x64xf32>
    %add3A_77 = vector.broadcast %slice3A_69 : vector<128x1xf32> to vector<128x64xf32>
    %add3A_78 = arith.addf %add3A_77, %mul3A_76 : vector<128x64xf32>
    %slice3A_79 = vector.extract_strided_slice %transpose3A_21 {offsets = [0, 1], sizes = [128, 1], strides = [1, 1]} : vector<128x8xf32> to vector<128x1xf32>
    %mul3A_80 = vector.broadcast %slice3A_79 : vector<128x1xf32> to vector<128x64xf32>
    %mul3A_81 = arith.mulf %add3A_78, %mul3A_80 : vector<128x64xf32>
    %swap3A_82 = arith.constant 128 : index
    %swap3A_83 = arith.constant 0 : index
    %swap3A_84 = vector.load %arg6[%swap3A_82, %swap3A_83] : memref<1024x64xf32, #tpu.memory_space<vmem>>, vector<128x64xf32>
    tpu.vector_store %arg6[%swap3A_82, %swap3A_83], %add3A_78 {strides = array<i32>} : memref<1024x64xf32, #tpu.memory_space<vmem>>, vector<128x64xf32>,
    %convert_element_type3A_85 = arith.truncf %mul3A_81 : vector<128x64xf32> to vector<128x64xbf16>
    %slice3A_86 = vector.extract_strided_slice %convert_element_type3A_85 {offsets = [0, 0], sizes = [128, 16], strides = [1, 1]} : vector<128x64xbf16> to vector<128x16xbf16>
    %swap3A_87 = arith.constant 128 : index
    %swap3A_88 = arith.constant 0 : index
    %swap3A_89 = vector.load %arg7[%swap3A_87, %swap3A_88] : memref<1024x16xbf16, #tpu.memory_space<vmem>>, vector<128x16xbf16>
    tpu.vector_store %arg7[%swap3A_87, %swap3A_88], %slice3A_86 {strides = array<i32>} : memref<1024x16xbf16, #tpu.memory_space<vmem>>, vector<128x16xbf16>,
    %slice3A_90 = vector.extract_strided_slice %convert_element_type3A_85 {offsets = [0, 16], sizes = [128, 16], strides = [1, 1]} : vector<128x64xbf16> to vector<128x16xbf16>
    %swap3A_91 = arith.constant 128 : index
    %swap3A_92 = arith.constant 0 : index
    %swap3A_93 = vector.load %arg8[%swap3A_91, %swap3A_92] : memref<1024x16xbf16, #tpu.memory_space<vmem>>, vector<128x16xbf16>
    tpu.vector_store %arg8[%swap3A_91, %swap3A_92], %slice3A_90 {strides = array<i32>} : memref<1024x16xbf16, #tpu.memory_space<vmem>>, vector<128x16xbf16>,
    %slice3A_94 = vector.extract_strided_slice %convert_element_type3A_85 {offsets = [0, 32], sizes = [128, 16], strides = [1, 1]} : vector<128x64xbf16> to vector<128x16xbf16>
    %swap3A_95 = arith.constant 128 : index
    %swap3A_96 = arith.constant 0 : index
    %swap3A_97 = vector.load %arg9[%swap3A_95, %swap3A_96] : memref<1024x16xbf16, #tpu.memory_space<vmem>>, vector<128x16xbf16>
    tpu.vector_store %arg9[%swap3A_95, %swap3A_96], %slice3A_94 {strides = array<i32>} : memref<1024x16xbf16, #tpu.memory_space<vmem>>, vector<128x16xbf16>,
    %slice3A_98 = vector.extract_strided_slice %convert_element_type3A_85 {offsets = [0, 48], sizes = [128, 16], strides = [1, 1]} : vector<128x64xbf16> to vector<128x16xbf16>
    %swap3A_99 = arith.constant 128 : index
    %swap3A_100 = arith.constant 0 : index
    %swap3A_101 = vector.load %arg10[%swap3A_99, %swap3A_100] : memref<1024x16xbf16, #tpu.memory_space<vmem>>, vector<128x16xbf16>
    tpu.vector_store %arg10[%swap3A_99, %swap3A_100], %slice3A_98 {strides = array<i32>} : memref<1024x16xbf16, #tpu.memory_space<vmem>>, vector<128x16xbf16>,
    %slice3A_102 = vector.extract_strided_slice %transpose3A {offsets = [0, 2], sizes = [128, 1], strides = [1, 1]} : vector<128x8xf32> to vector<128x1xf32>
    %mul3A_103 = vector.broadcast %slice3A_102 : vector<128x1xf32> to vector<128x64xf32>
    %mul3A_104 = vector.broadcast %get3A_24 : vector<1x64xf32> to vector<128x64xf32>
    %mul3A_105 = arith.mulf %mul3A_103, %mul3A_104 : vector<128x64xf32>
    %add3A_106 = vector.broadcast %get3A_27 : vector<1x64xf32> to vector<128x64xf32>
    %add3A_107 = arith.addf %mul3A_105, %add3A_106 : vector<128x64xf32>
    %slice3A_108 = vector.extract_strided_slice %transpose3A_20 {offsets = [0, 2], sizes = [128, 1], strides = [1, 1]} : vector<128x8xf32> to vector<128x1xf32>
    %logistic3A_109 = arith.negf %add3A_107 : vector<128x64xf32>
    %logistic3A_110 = math.exp %logistic3A_109 : vector<128x64xf32>
    %logistic3A_111 = arith.constant 1.000000e+00 : f32
    %logistic3A_112 = vector.broadcast %logistic3A_111 : f32 to vector<128x64xf32>
    %logistic3A_113 = arith.addf %logistic3A_112, %logistic3A_110 : vector<128x64xf32>
    %logistic3A_114 = arith.divf %logistic3A_112, %logistic3A_113 : vector<128x64xf32>
    %mul3A_115 = arith.mulf %add3A_107, %logistic3A_114 : vector<128x64xf32>
    %add3A_116 = vector.broadcast %slice3A_108 : vector<128x1xf32> to vector<128x64xf32>
    %add3A_117 = arith.addf %add3A_116, %mul3A_115 : vector<128x64xf32>
    %slice3A_118 = vector.extract_strided_slice %transpose3A_21 {offsets = [0, 2], sizes = [128, 1], strides = [1, 1]} : vector<128x8xf32> to vector<128x1xf32>
    %mul3A_119 = vector.broadcast %slice3A_118 : vector<128x1xf32> to vector<128x64xf32>
    %mul3A_120 = arith.mulf %add3A_117, %mul3A_119 : vector<128x64xf32>
    %swap3A_121 = arith.constant 256 : index
    %swap3A_122 = arith.constant 0 : index
    %swap3A_123 = vector.load %arg6[%swap3A_121, %swap3A_122] : memref<1024x64xf32, #tpu.memory_space<vmem>>, vector<128x64xf32>
    tpu.vector_store %arg6[%swap3A_121, %swap3A_122], %add3A_117 {strides = array<i32>} : memref<1024x64xf32, #tpu.memory_space<vmem>>, vector<128x64xf32>,
    %convert_element_type3A_124 = arith.truncf %mul3A_120 : vector<128x64xf32> to vector<128x64xbf16>
    %slice3A_125 = vector.extract_strided_slice %convert_element_type3A_124 {offsets = [0, 0], sizes = [128, 16], strides = [1, 1]} : vector<128x64xbf16> to vector<128x16xbf16>
    %swap3A_126 = arith.constant 256 : index
    %swap3A_127 = arith.constant 0 : index
    %swap3A_128 = vector.load %arg7[%swap3A_126, %swap3A_127] : memref<1024x16xbf16, #tpu.memory_space<vmem>>, vector<128x16xbf16>
    tpu.vector_store %arg7[%swap3A_126, %swap3A_127], %slice3A_125 {strides = array<i32>} : memref<1024x16xbf16, #tpu.memory_space<vmem>>, vector<128x16xbf16>,
    %slice3A_129 = vector.extract_strided_slice %convert_element_type3A_124 {offsets = [0, 16], sizes = [128, 16], strides = [1, 1]} : vector<128x64xbf16> to vector<128x16xbf16>
    %swap3A_130 = arith.constant 256 : index
    %swap3A_131 = arith.constant 0 : index
    %swap3A_132 = vector.load %arg8[%swap3A_130, %swap3A_131] : memref<1024x16xbf16, #tpu.memory_space<vmem>>, vector<128x16xbf16>
    tpu.vector_store %arg8[%swap3A_130, %swap3A_131], %slice3A_129 {strides = array<i32>} : memref<1024x16xbf16, #tpu.memory_space<vmem>>, vector<128x16xbf16>,
    %slice3A_133 = vector.extract_strided_slice %convert_element_type3A_124 {offsets = [0, 32], sizes = [128, 16], strides = [1, 1]} : vector<128x64xbf16> to vector<128x16xbf16>
    %swap3A_134 = arith.constant 256 : index
    %swap3A_135 = arith.constant 0 : index
    %swap3A_136 = vector.load %arg9[%swap3A_134, %swap3A_135] : memref<1024x16xbf16, #tpu.memory_space<vmem>>, vector<128x16xbf16>
    tpu.vector_store %arg9[%swap3A_134, %swap3A_135], %slice3A_133 {strides = array<i32>} : memref<1024x16xbf16, #tpu.memory_space<vmem>>, vector<128x16xbf16>,
    %slice3A_137 = vector.extract_strided_slice %convert_element_type3A_124 {offsets = [0, 48], sizes = [128, 16], strides = [1, 1]} : vector<128x64xbf16> to vector<128x16xbf16>
    %swap3A_138 = arith.constant 256 : index
    %swap3A_139 = arith.constant 0 : index
    %swap3A_140 = vector.load %arg10[%swap3A_138, %swap3A_139] : memref<1024x16xbf16, #tpu.memory_space<vmem>>, vector<128x16xbf16>
    tpu.vector_store %arg10[%swap3A_138, %swap3A_139], %slice3A_137 {strides = array<i32>} : memref<1024x16xbf16, #tpu.memory_space<vmem>>, vector<128x16xbf16>,
    %slice3A_141 = vector.extract_strided_slice %transpose3A {offsets = [0, 3], sizes = [128, 1], strides = [1, 1]} : vector<128x8xf32> to vector<128x1xf32>
    %mul3A_142 = vector.broadcast %slice3A_141 : vector<128x1xf32> to vector<128x64xf32>
    %mul3A_143 = vector.broadcast %get3A_24 : vector<1x64xf32> to vector<128x64xf32>
    %mul3A_144 = arith.mulf %mul3A_142, %mul3A_143 : vector<128x64xf32>
    %add3A_145 = vector.broadcast %get3A_27 : vector<1x64xf32> to vector<128x64xf32>
    %add3A_146 = arith.addf %mul3A_144, %add3A_145 : vector<128x64xf32>
    %slice3A_147 = vector.extract_strided_slice %transpose3A_20 {offsets = [0, 3], sizes = [128, 1], strides = [1, 1]} : vector<128x8xf32> to vector<128x1xf32>
    %logistic3A_148 = arith.negf %add3A_146 : vector<128x64xf32>
    %logistic3A_149 = math.exp %logistic3A_148 : vector<128x64xf32>
    %logistic3A_150 = arith.constant 1.000000e+00 : f32
    %logistic3A_151 = vector.broadcast %logistic3A_150 : f32 to vector<128x64xf32>
    %logistic3A_152 = arith.addf %logistic3A_151, %logistic3A_149 : vector<128x64xf32>
    %logistic3A_153 = arith.divf %logistic3A_151, %logistic3A_152 : vector<128x64xf32>
    %mul3A_154 = arith.mulf %add3A_146, %logistic3A_153 : vector<128x64xf32>
    %add3A_155 = vector.broadcast %slice3A_147 : vector<128x1xf32> to vector<128x64xf32>
    %add3A_156 = arith.addf %add3A_155, %mul3A_154 : vector<128x64xf32>
    %slice3A_157 = vector.extract_strided_slice %transpose3A_21 {offsets = [0, 3], sizes = [128, 1], strides = [1, 1]} : vector<128x8xf32> to vector<128x1xf32>
    %mul3A_158 = vector.broadcast %slice3A_157 : vector<128x1xf32> to vector<128x64xf32>
    %mul3A_159 = arith.mulf %add3A_156, %mul3A_158 : vector<128x64xf32>
    %swap3A_160 = arith.constant 384 : index
    %swap3A_161 = arith.constant 0 : index
    %swap3A_162 = vector.load %arg6[%swap3A_160, %swap3A_161] : memref<1024x64xf32, #tpu.memory_space<vmem>>, vector<128x64xf32>
    tpu.vector_store %arg6[%swap3A_160, %swap3A_161], %add3A_156 {strides = array<i32>} : memref<1024x64xf32, #tpu.memory_space<vmem>>, vector<128x64xf32>,
    %convert_element_type3A_163 = arith.truncf %mul3A_159 : vector<128x64xf32> to vector<128x64xbf16>
    %slice3A_164 = vector.extract_strided_slice %convert_element_type3A_163 {offsets = [0, 0], sizes = [128, 16], strides = [1, 1]} : vector<128x64xbf16> to vector<128x16xbf16>
    %swap3A_165 = arith.constant 384 : index
    %swap3A_166 = arith.constant 0 : index
    %swap3A_167 = vector.load %arg7[%swap3A_165, %swap3A_166] : memref<1024x16xbf16, #tpu.memory_space<vmem>>, vector<128x16xbf16>
    tpu.vector_store %arg7[%swap3A_165, %swap3A_166], %slice3A_164 {strides = array<i32>} : memref<1024x16xbf16, #tpu.memory_space<vmem>>, vector<128x16xbf16>,
    %slice3A_168 = vector.extract_strided_slice %convert_element_type3A_163 {offsets = [0, 16], sizes = [128, 16], strides = [1, 1]} : vector<128x64xbf16> to vector<128x16xbf16>
    %swap3A_169 = arith.constant 384 : index
    %swap3A_170 = arith.constant 0 : index
    %swap3A_171 = vector.load %arg8[%swap3A_169, %swap3A_170] : memref<1024x16xbf16, #tpu.memory_space<vmem>>, vector<128x16xbf16>
    tpu.vector_store %arg8[%swap3A_169, %swap3A_170], %slice3A_168 {strides = array<i32>} : memref<1024x16xbf16, #tpu.memory_space<vmem>>, vector<128x16xbf16>,
    %slice3A_172 = vector.extract_strided_slice %convert_element_type3A_163 {offsets = [0, 32], sizes = [128, 16], strides = [1, 1]} : vector<128x64xbf16> to vector<128x16xbf16>
    %swap3A_173 = arith.constant 384 : index
    %swap3A_174 = arith.constant 0 : index
    %swap3A_175 = vector.load %arg9[%swap3A_173, %swap3A_174] : memref<1024x16xbf16, #tpu.memory_space<vmem>>, vector<128x16xbf16>
    tpu.vector_store %arg9[%swap3A_173, %swap3A_174], %slice3A_172 {strides = array<i32>} : memref<1024x16xbf16, #tpu.memory_space<vmem>>, vector<128x16xbf16>,
    %slice3A_176 = vector.extract_strided_slice %convert_element_type3A_163 {offsets = [0, 48], sizes = [128, 16], strides = [1, 1]} : vector<128x64xbf16> to vector<128x16xbf16>
    %swap3A_177 = arith.constant 384 : index
    %swap3A_178 = arith.constant 0 : index
    %swap3A_179 = vector.load %arg10[%swap3A_177, %swap3A_178] : memref<1024x16xbf16, #tpu.memory_space<vmem>>, vector<128x16xbf16>
    tpu.vector_store %arg10[%swap3A_177, %swap3A_178], %slice3A_176 {strides = array<i32>} : memref<1024x16xbf16, #tpu.memory_space<vmem>>, vector<128x16xbf16>,
    %slice3A_180 = vector.extract_strided_slice %transpose3A {offsets = [0, 4], sizes = [128, 1], strides = [1, 1]} : vector<128x8xf32> to vector<128x1xf32>
    %mul3A_181 = vector.broadcast %slice3A_180 : vector<128x1xf32> to vector<128x64xf32>
    %mul3A_182 = vector.broadcast %get3A_24 : vector<1x64xf32> to vector<128x64xf32>
    %mul3A_183 = arith.mulf %mul3A_181, %mul3A_182 : vector<128x64xf32>
    %add3A_184 = vector.broadcast %get3A_27 : vector<1x64xf32> to vector<128x64xf32>
    %add3A_185 = arith.addf %mul3A_183, %add3A_184 : vector<128x64xf32>
    %slice3A_186 = vector.extract_strided_slice %transpose3A_20 {offsets = [0, 4], sizes = [128, 1], strides = [1, 1]} : vector<128x8xf32> to vector<128x1xf32>
    %logistic3A_187 = arith.negf %add3A_185 : vector<128x64xf32>
    %logistic3A_188 = math.exp %logistic3A_187 : vector<128x64xf32>
    %logistic3A_189 = arith.constant 1.000000e+00 : f32
    %logistic3A_190 = vector.broadcast %logistic3A_189 : f32 to vector<128x64xf32>
    %logistic3A_191 = arith.addf %logistic3A_190, %logistic3A_188 : vector<128x64xf32>
    %logistic3A_192 = arith.divf %logistic3A_190, %logistic3A_191 : vector<128x64xf32>
    %mul3A_193 = arith.mulf %add3A_185, %logistic3A_192 : vector<128x64xf32>
    %add3A_194 = vector.broadcast %slice3A_186 : vector<128x1xf32> to vector<128x64xf32>
    %add3A_195 = arith.addf %add3A_194, %mul3A_193 : vector<128x64xf32>
    %slice3A_196 = vector.extract_strided_slice %transpose3A_21 {offsets = [0, 4], sizes = [128, 1], strides = [1, 1]} : vector<128x8xf32> to vector<128x1xf32>
    %mul3A_197 = vector.broadcast %slice3A_196 : vector<128x1xf32> to vector<128x64xf32>
    %mul3A_198 = arith.mulf %add3A_195, %mul3A_197 : vector<128x64xf32>
    %swap3A_199 = arith.constant 512 : index
    %swap3A_200 = arith.constant 0 : index
    %swap3A_201 = vector.load %arg6[%swap3A_199, %swap3A_200] : memref<1024x64xf32, #tpu.memory_space<vmem>>, vector<128x64xf32>
    tpu.vector_store %arg6[%swap3A_199, %swap3A_200], %add3A_195 {strides = array<i32>} : memref<1024x64xf32, #tpu.memory_space<vmem>>, vector<128x64xf32>,
    %convert_element_type3A_202 = arith.truncf %mul3A_198 : vector<128x64xf32> to vector<128x64xbf16>
    %slice3A_203 = vector.extract_strided_slice %convert_element_type3A_202 {offsets = [0, 0], sizes = [128, 16], strides = [1, 1]} : vector<128x64xbf16> to vector<128x16xbf16>
    %swap3A_204 = arith.constant 512 : index
    %swap3A_205 = arith.constant 0 : index
    %swap3A_206 = vector.load %arg7[%swap3A_204, %swap3A_205] : memref<1024x16xbf16, #tpu.memory_space<vmem>>, vector<128x16xbf16>
    tpu.vector_store %arg7[%swap3A_204, %swap3A_205], %slice3A_203 {strides = array<i32>} : memref<1024x16xbf16, #tpu.memory_space<vmem>>, vector<128x16xbf16>,
    %slice3A_207 = vector.extract_strided_slice %convert_element_type3A_202 {offsets = [0, 16], sizes = [128, 16], strides = [1, 1]} : vector<128x64xbf16> to vector<128x16xbf16>
    %swap3A_208 = arith.constant 512 : index
    %swap3A_209 = arith.constant 0 : index
    %swap3A_210 = vector.load %arg8[%swap3A_208, %swap3A_209] : memref<1024x16xbf16, #tpu.memory_space<vmem>>, vector<128x16xbf16>
    tpu.vector_store %arg8[%swap3A_208, %swap3A_209], %slice3A_207 {strides = array<i32>} : memref<1024x16xbf16, #tpu.memory_space<vmem>>, vector<128x16xbf16>,
    %slice3A_211 = vector.extract_strided_slice %convert_element_type3A_202 {offsets = [0, 32], sizes = [128, 16], strides = [1, 1]} : vector<128x64xbf16> to vector<128x16xbf16>
    %swap3A_212 = arith.constant 512 : index
    %swap3A_213 = arith.constant 0 : index
    %swap3A_214 = vector.load %arg9[%swap3A_212, %swap3A_213] : memref<1024x16xbf16, #tpu.memory_space<vmem>>, vector<128x16xbf16>
    tpu.vector_store %arg9[%swap3A_212, %swap3A_213], %slice3A_211 {strides = array<i32>} : memref<1024x16xbf16, #tpu.memory_space<vmem>>, vector<128x16xbf16>,
    %slice3A_215 = vector.extract_strided_slice %convert_element_type3A_202 {offsets = [0, 48], sizes = [128, 16], strides = [1, 1]} : vector<128x64xbf16> to vector<128x16xbf16>
    %swap3A_216 = arith.constant 512 : index
    %swap3A_217 = arith.constant 0 : index
    %swap3A_218 = vector.load %arg10[%swap3A_216, %swap3A_217] : memref<1024x16xbf16, #tpu.memory_space<vmem>>, vector<128x16xbf16>
    tpu.vector_store %arg10[%swap3A_216, %swap3A_217], %slice3A_215 {strides = array<i32>} : memref<1024x16xbf16, #tpu.memory_space<vmem>>, vector<128x16xbf16>,
    %slice3A_219 = vector.extract_strided_slice %transpose3A {offsets = [0, 5], sizes = [128, 1], strides = [1, 1]} : vector<128x8xf32> to vector<128x1xf32>
    %mul3A_220 = vector.broadcast %slice3A_219 : vector<128x1xf32> to vector<128x64xf32>
    %mul3A_221 = vector.broadcast %get3A_24 : vector<1x64xf32> to vector<128x64xf32>
    %mul3A_222 = arith.mulf %mul3A_220, %mul3A_221 : vector<128x64xf32>
    %add3A_223 = vector.broadcast %get3A_27 : vector<1x64xf32> to vector<128x64xf32>
    %add3A_224 = arith.addf %mul3A_222, %add3A_223 : vector<128x64xf32>
    %slice3A_225 = vector.extract_strided_slice %transpose3A_20 {offsets = [0, 5], sizes = [128, 1], strides = [1, 1]} : vector<128x8xf32> to vector<128x1xf32>
    %logistic3A_226 = arith.negf %add3A_224 : vector<128x64xf32>
    %logistic3A_227 = math.exp %logistic3A_226 : vector<128x64xf32>
    %logistic3A_228 = arith.constant 1.000000e+00 : f32
    %logistic3A_229 = vector.broadcast %logistic3A_228 : f32 to vector<128x64xf32>
    %logistic3A_230 = arith.addf %logistic3A_229, %logistic3A_227 : vector<128x64xf32>
    %logistic3A_231 = arith.divf %logistic3A_229, %logistic3A_230 : vector<128x64xf32>
    %mul3A_232 = arith.mulf %add3A_224, %logistic3A_231 : vector<128x64xf32>
    %add3A_233 = vector.broadcast %slice3A_225 : vector<128x1xf32> to vector<128x64xf32>
    %add3A_234 = arith.addf %add3A_233, %mul3A_232 : vector<128x64xf32>
    %slice3A_235 = vector.extract_strided_slice %transpose3A_21 {offsets = [0, 5], sizes = [128, 1], strides = [1, 1]} : vector<128x8xf32> to vector<128x1xf32>
    %mul3A_236 = vector.broadcast %slice3A_235 : vector<128x1xf32> to vector<128x64xf32>
    %mul3A_237 = arith.mulf %add3A_234, %mul3A_236 : vector<128x64xf32>
    %swap3A_238 = arith.constant 640 : index
    %swap3A_239 = arith.constant 0 : index
    %swap3A_240 = vector.load %arg6[%swap3A_238, %swap3A_239] : memref<1024x64xf32, #tpu.memory_space<vmem>>, vector<128x64xf32>
    tpu.vector_store %arg6[%swap3A_238, %swap3A_239], %add3A_234 {strides = array<i32>} : memref<1024x64xf32, #tpu.memory_space<vmem>>, vector<128x64xf32>,
    %convert_element_type3A_241 = arith.truncf %mul3A_237 : vector<128x64xf32> to vector<128x64xbf16>
    %slice3A_242 = vector.extract_strided_slice %convert_element_type3A_241 {offsets = [0, 0], sizes = [128, 16], strides = [1, 1]} : vector<128x64xbf16> to vector<128x16xbf16>
    %swap3A_243 = arith.constant 640 : index
    %swap3A_244 = arith.constant 0 : index
    %swap3A_245 = vector.load %arg7[%swap3A_243, %swap3A_244] : memref<1024x16xbf16, #tpu.memory_space<vmem>>, vector<128x16xbf16>
    tpu.vector_store %arg7[%swap3A_243, %swap3A_244], %slice3A_242 {strides = array<i32>} : memref<1024x16xbf16, #tpu.memory_space<vmem>>, vector<128x16xbf16>,
    %slice3A_246 = vector.extract_strided_slice %convert_element_type3A_241 {offsets = [0, 16], sizes = [128, 16], strides = [1, 1]} : vector<128x64xbf16> to vector<128x16xbf16>
    %swap3A_247 = arith.constant 640 : index
    %swap3A_248 = arith.constant 0 : index
    %swap3A_249 = vector.load %arg8[%swap3A_247, %swap3A_248] : memref<1024x16xbf16, #tpu.memory_space<vmem>>, vector<128x16xbf16>
    tpu.vector_store %arg8[%swap3A_247, %swap3A_248], %slice3A_246 {strides = array<i32>} : memref<1024x16xbf16, #tpu.memory_space<vmem>>, vector<128x16xbf16>,
    %slice3A_250 = vector.extract_strided_slice %convert_element_type3A_241 {offsets = [0, 32], sizes = [128, 16], strides = [1, 1]} : vector<128x64xbf16> to vector<128x16xbf16>
    %swap3A_251 = arith.constant 640 : index
    %swap3A_252 = arith.constant 0 : index
    %swap3A_253 = vector.load %arg9[%swap3A_251, %swap3A_252] : memref<1024x16xbf16, #tpu.memory_space<vmem>>, vector<128x16xbf16>
    tpu.vector_store %arg9[%swap3A_251, %swap3A_252], %slice3A_250 {strides = array<i32>} : memref<1024x16xbf16, #tpu.memory_space<vmem>>, vector<128x16xbf16>,
    %slice3A_254 = vector.extract_strided_slice %convert_element_type3A_241 {offsets = [0, 48], sizes = [128, 16], strides = [1, 1]} : vector<128x64xbf16> to vector<128x16xbf16>
    %swap3A_255 = arith.constant 640 : index
    %swap3A_256 = arith.constant 0 : index
    %swap3A_257 = vector.load %arg10[%swap3A_255, %swap3A_256] : memref<1024x16xbf16, #tpu.memory_space<vmem>>, vector<128x16xbf16>
    tpu.vector_store %arg10[%swap3A_255, %swap3A_256], %slice3A_254 {strides = array<i32>} : memref<1024x16xbf16, #tpu.memory_space<vmem>>, vector<128x16xbf16>,
    %slice3A_258 = vector.extract_strided_slice %transpose3A {offsets = [0, 6], sizes = [128, 1], strides = [1, 1]} : vector<128x8xf32> to vector<128x1xf32>
    %mul3A_259 = vector.broadcast %slice3A_258 : vector<128x1xf32> to vector<128x64xf32>
    %mul3A_260 = vector.broadcast %get3A_24 : vector<1x64xf32> to vector<128x64xf32>
    %mul3A_261 = arith.mulf %mul3A_259, %mul3A_260 : vector<128x64xf32>
    %add3A_262 = vector.broadcast %get3A_27 : vector<1x64xf32> to vector<128x64xf32>
    %add3A_263 = arith.addf %mul3A_261, %add3A_262 : vector<128x64xf32>
    %slice3A_264 = vector.extract_strided_slice %transpose3A_20 {offsets = [0, 6], sizes = [128, 1], strides = [1, 1]} : vector<128x8xf32> to vector<128x1xf32>
    %logistic3A_265 = arith.negf %add3A_263 : vector<128x64xf32>
    %logistic3A_266 = math.exp %logistic3A_265 : vector<128x64xf32>
    %logistic3A_267 = arith.constant 1.000000e+00 : f32
    %logistic3A_268 = vector.broadcast %logistic3A_267 : f32 to vector<128x64xf32>
    %logistic3A_269 = arith.addf %logistic3A_268, %logistic3A_266 : vector<128x64xf32>
    %logistic3A_270 = arith.divf %logistic3A_268, %logistic3A_269 : vector<128x64xf32>
    %mul3A_271 = arith.mulf %add3A_263, %logistic3A_270 : vector<128x64xf32>
    %add3A_272 = vector.broadcast %slice3A_264 : vector<128x1xf32> to vector<128x64xf32>
    %add3A_273 = arith.addf %add3A_272, %mul3A_271 : vector<128x64xf32>
    %slice3A_274 = vector.extract_strided_slice %transpose3A_21 {offsets = [0, 6], sizes = [128, 1], strides = [1, 1]} : vector<128x8xf32> to vector<128x1xf32>
    %mul3A_275 = vector.broadcast %slice3A_274 : vector<128x1xf32> to vector<128x64xf32>
    %mul3A_276 = arith.mulf %add3A_273, %mul3A_275 : vector<128x64xf32>
    %swap3A_277 = arith.constant 768 : index
    %swap3A_278 = arith.constant 0 : index
    %swap3A_279 = vector.load %arg6[%swap3A_277, %swap3A_278] : memref<1024x64xf32, #tpu.memory_space<vmem>>, vector<128x64xf32>
    tpu.vector_store %arg6[%swap3A_277, %swap3A_278], %add3A_273 {strides = array<i32>} : memref<1024x64xf32, #tpu.memory_space<vmem>>, vector<128x64xf32>,
    %convert_element_type3A_280 = arith.truncf %mul3A_276 : vector<128x64xf32> to vector<128x64xbf16>
    %slice3A_281 = vector.extract_strided_slice %convert_element_type3A_280 {offsets = [0, 0], sizes = [128, 16], strides = [1, 1]} : vector<128x64xbf16> to vector<128x16xbf16>
    %swap3A_282 = arith.constant 768 : index
    %swap3A_283 = arith.constant 0 : index
    %swap3A_284 = vector.load %arg7[%swap3A_282, %swap3A_283] : memref<1024x16xbf16, #tpu.memory_space<vmem>>, vector<128x16xbf16>
    tpu.vector_store %arg7[%swap3A_282, %swap3A_283], %slice3A_281 {strides = array<i32>} : memref<1024x16xbf16, #tpu.memory_space<vmem>>, vector<128x16xbf16>,
    %slice3A_285 = vector.extract_strided_slice %convert_element_type3A_280 {offsets = [0, 16], sizes = [128, 16], strides = [1, 1]} : vector<128x64xbf16> to vector<128x16xbf16>
    %swap3A_286 = arith.constant 768 : index
    %swap3A_287 = arith.constant 0 : index
    %swap3A_288 = vector.load %arg8[%swap3A_286, %swap3A_287] : memref<1024x16xbf16, #tpu.memory_space<vmem>>, vector<128x16xbf16>
    tpu.vector_store %arg8[%swap3A_286, %swap3A_287], %slice3A_285 {strides = array<i32>} : memref<1024x16xbf16, #tpu.memory_space<vmem>>, vector<128x16xbf16>,
    %slice3A_289 = vector.extract_strided_slice %convert_element_type3A_280 {offsets = [0, 32], sizes = [128, 16], strides = [1, 1]} : vector<128x64xbf16> to vector<128x16xbf16>
    %swap3A_290 = arith.constant 768 : index
    %swap3A_291 = arith.constant 0 : index
    %swap3A_292 = vector.load %arg9[%swap3A_290, %swap3A_291] : memref<1024x16xbf16, #tpu.memory_space<vmem>>, vector<128x16xbf16>
    tpu.vector_store %arg9[%swap3A_290, %swap3A_291], %slice3A_289 {strides = array<i32>} : memref<1024x16xbf16, #tpu.memory_space<vmem>>, vector<128x16xbf16>,
    %slice3A_293 = vector.extract_strided_slice %convert_element_type3A_280 {offsets = [0, 48], sizes = [128, 16], strides = [1, 1]} : vector<128x64xbf16> to vector<128x16xbf16>
    %swap3A_294 = arith.constant 768 : index
    %swap3A_295 = arith.constant 0 : index
    %swap3A_296 = vector.load %arg10[%swap3A_294, %swap3A_295] : memref<1024x16xbf16, #tpu.memory_space<vmem>>, vector<128x16xbf16>
    tpu.vector_store %arg10[%swap3A_294, %swap3A_295], %slice3A_293 {strides = array<i32>} : memref<1024x16xbf16, #tpu.memory_space<vmem>>, vector<128x16xbf16>,
    %slice3A_297 = vector.extract_strided_slice %transpose3A {offsets = [0, 7], sizes = [128, 1], strides = [1, 1]} : vector<128x8xf32> to vector<128x1xf32>
    %mul3A_298 = vector.broadcast %slice3A_297 : vector<128x1xf32> to vector<128x64xf32>
    %mul3A_299 = vector.broadcast %get3A_24 : vector<1x64xf32> to vector<128x64xf32>
    %mul3A_300 = arith.mulf %mul3A_298, %mul3A_299 : vector<128x64xf32>
    %add3A_301 = vector.broadcast %get3A_27 : vector<1x64xf32> to vector<128x64xf32>
    %add3A_302 = arith.addf %mul3A_300, %add3A_301 : vector<128x64xf32>
    %slice3A_303 = vector.extract_strided_slice %transpose3A_20 {offsets = [0, 7], sizes = [128, 1], strides = [1, 1]} : vector<128x8xf32> to vector<128x1xf32>
    %logistic3A_304 = arith.negf %add3A_302 : vector<128x64xf32>
    %logistic3A_305 = math.exp %logistic3A_304 : vector<128x64xf32>
    %logistic3A_306 = arith.constant 1.000000e+00 : f32
    %logistic3A_307 = vector.broadcast %logistic3A_306 : f32 to vector<128x64xf32>
    %logistic3A_308 = arith.addf %logistic3A_307, %logistic3A_305 : vector<128x64xf32>
    %logistic3A_309 = arith.divf %logistic3A_307, %logistic3A_308 : vector<128x64xf32>
    %mul3A_310 = arith.mulf %add3A_302, %logistic3A_309 : vector<128x64xf32>
    %add3A_311 = vector.broadcast %slice3A_303 : vector<128x1xf32> to vector<128x64xf32>
    %add3A_312 = arith.addf %add3A_311, %mul3A_310 : vector<128x64xf32>
    %slice3A_313 = vector.extract_strided_slice %transpose3A_21 {offsets = [0, 7], sizes = [128, 1], strides = [1, 1]} : vector<128x8xf32> to vector<128x1xf32>
    %mul3A_314 = vector.broadcast %slice3A_313 : vector<128x1xf32> to vector<128x64xf32>
    %mul3A_315 = arith.mulf %add3A_312, %mul3A_314 : vector<128x64xf32>
    %swap3A_316 = arith.constant 896 : index
    %swap3A_317 = arith.constant 0 : index
    %swap3A_318 = vector.load %arg6[%swap3A_316, %swap3A_317] : memref<1024x64xf32, #tpu.memory_space<vmem>>, vector<128x64xf32>
    tpu.vector_store %arg6[%swap3A_316, %swap3A_317], %add3A_312 {strides = array<i32>} : memref<1024x64xf32, #tpu.memory_space<vmem>>, vector<128x64xf32>,
    %convert_element_type3A_319 = arith.truncf %mul3A_315 : vector<128x64xf32> to vector<128x64xbf16>
    %slice3A_320 = vector.extract_strided_slice %convert_element_type3A_319 {offsets = [0, 0], sizes = [128, 16], strides = [1, 1]} : vector<128x64xbf16> to vector<128x16xbf16>
    %swap3A_321 = arith.constant 896 : index
    %swap3A_322 = arith.constant 0 : index
    %swap3A_323 = vector.load %arg7[%swap3A_321, %swap3A_322] : memref<1024x16xbf16, #tpu.memory_space<vmem>>, vector<128x16xbf16>
    tpu.vector_store %arg7[%swap3A_321, %swap3A_322], %slice3A_320 {strides = array<i32>} : memref<1024x16xbf16, #tpu.memory_space<vmem>>, vector<128x16xbf16>,
    %slice3A_324 = vector.extract_strided_slice %convert_element_type3A_319 {offsets = [0, 16], sizes = [128, 16], strides = [1, 1]} : vector<128x64xbf16> to vector<128x16xbf16>
    %swap3A_325 = arith.constant 896 : index
    %swap3A_326 = arith.constant 0 : index
    %swap3A_327 = vector.load %arg8[%swap3A_325, %swap3A_326] : memref<1024x16xbf16, #tpu.memory_space<vmem>>, vector<128x16xbf16>
    tpu.vector_store %arg8[%swap3A_325, %swap3A_326], %slice3A_324 {strides = array<i32>} : memref<1024x16xbf16, #tpu.memory_space<vmem>>, vector<128x16xbf16>,
    %slice3A_328 = vector.extract_strided_slice %convert_element_type3A_319 {offsets = [0, 32], sizes = [128, 16], strides = [1, 1]} : vector<128x64xbf16> to vector<128x16xbf16>
    %swap3A_329 = arith.constant 896 : index
    %swap3A_330 = arith.constant 0 : index
    %swap3A_331 = vector.load %arg9[%swap3A_329, %swap3A_330] : memref<1024x16xbf16, #tpu.memory_space<vmem>>, vector<128x16xbf16>
    tpu.vector_store %arg9[%swap3A_329, %swap3A_330], %slice3A_328 {strides = array<i32>} : memref<1024x16xbf16, #tpu.memory_space<vmem>>, vector<128x16xbf16>,
    %slice3A_332 = vector.extract_strided_slice %convert_element_type3A_319 {offsets = [0, 48], sizes = [128, 16], strides = [1, 1]} : vector<128x64xbf16> to vector<128x16xbf16>
    %swap3A_333 = arith.constant 896 : index
    %swap3A_334 = arith.constant 0 : index
    %swap3A_335 = vector.load %arg10[%swap3A_333, %swap3A_334] : memref<1024x16xbf16, #tpu.memory_space<vmem>>, vector<128x16xbf16>
    tpu.vector_store %arg10[%swap3A_333, %swap3A_334], %slice3A_332 {strides = array<i32>} : memref<1024x16xbf16, #tpu.memory_space<vmem>>, vector<128x16xbf16>,
    return
  }
  func.func @transform_0(%arg0: i32) -> (i32, i32) {
    %c0_i32 = arith.constant 0 : i32
    %c0_i32_0 = arith.constant 0 : i32
    return %arg0, %c0_i32 : i32, i32
  }
  func.func @transform_1(%arg0: i32) -> (i32, i32, i32) {
    %c0_i32 = arith.constant 0 : i32
    %c0_i32_0 = arith.constant 0 : i32
    %c0_i32_1 = arith.constant 0 : i32
    return %c0_i32, %arg0, %c0_i32_0 : i32, i32, i32
  }
  func.func @transform_2(%arg0: i32) -> (i32, i32) {
    %c0_i32 = arith.constant 0 : i32
    %c0_i32_0 = arith.constant 0 : i32
    return %arg0, %c0_i32 : i32, i32
  }
  func.func @transform_3(%arg0: i32) -> (i32, i32) {
    %c0_i32 = arith.constant 0 : i32
    %c0_i32_0 = arith.constant 0 : i32
    %c0_i32_1 = arith.constant 0 : i32
    return %c0_i32, %c0_i32_0 : i32, i32
  }
  func.func @transform_4(%arg0: i32) -> (i32, i32) {
    %c0_i32 = arith.constant 0 : i32
    %c0_i32_0 = arith.constant 0 : i32
    %c0_i32_1 = arith.constant 0 : i32
    return %c0_i32, %c0_i32_0 : i32, i32
  }
  func.func @transform_5(%arg0: i32) -> (i32, i32) {
    %c0_i32 = arith.constant 0 : i32
    %c0_i32_0 = arith.constant 0 : i32
    return %arg0, %c0_i32 : i32, i32
  }
  func.func @transform_6(%arg0: i32) -> (i32, i32) {
    %c0_i32 = arith.constant 0 : i32
    %c0_i32_0 = arith.constant 0 : i32
    return %arg0, %c0_i32 : i32, i32
  }
  func.func @transform_7(%arg0: i32) -> (i32, i32) {
    %c0_i32 = arith.constant 0 : i32
    %c0_i32_0 = arith.constant 0 : i32
    return %arg0, %c0_i32 : i32, i32
  }
  func.func @transform_8(%arg0: i32) -> (i32, i32) {
    %c0_i32 = arith.constant 0 : i32
    %c0_i32_0 = arith.constant 0 : i32
    return %arg0, %c0_i32 : i32, i32
  }
  func.func @transform_9(%arg0: i32) -> (i32, i32) {
    %c0_i32 = arith.constant 0 : i32
    %c0_i32_0 = arith.constant 0 : i32
    return %arg0, %c0_i32 : i32, i32
  }
}

module attributes {stable_mosaic.version = 14 : i64} {
  func.func @_fin_tc(%arg0: i32, %arg1: memref<1024x16xbf16, #tpu.memory_space<vmem>>, %arg2: memref<1024x16xbf16, #tpu.memory_space<vmem>>, %arg3: memref<1024x16xbf16, #tpu.memory_space<vmem>>, %arg4: memref<1024x16xbf16, #tpu.memory_space<vmem>>, %arg5: memref<1024x64xf32, #tpu.memory_space<vmem>>, %arg6: memref<8x128xf32, #tpu.memory_space<vmem>>, %arg7: memref<8x128xi32, #tpu.memory_space<vmem>>, %arg8: memref<64x64xf32, #tpu.memory_space<vmem>>, %arg9: memref<1x64xf32, #tpu.memory_space<vmem>>, %arg10: memref<64x1xf32, #tpu.memory_space<vmem>>, %arg11: memref<1x1xf32, #tpu.memory_space<vmem>>, %arg12: memref<8x1xf32, #tpu.memory_space<vmem>>, %arg13: memref<1024x64xf32, #tpu.memory_space<vmem>>, %arg14: memref<1024x8xf32, #tpu.memory_space<vmem>>, %arg15: memref<8x64xf32, #tpu.memory_space<vmem>>, %arg16: memref<1x8xf32, #tpu.memory_space<vmem>>) attributes {dimension_semantics = [#tpu.dimension_semantics<arbitrary>], iteration_bounds = array<i64: 49>, scalar_prefetch = 0 : i64, scratch_operands = 4 : i64, tpu.core_type = #tpu.core_type<tc>, window_params = [{transform_indices = @transform_0, window_bounds = array<i64: 1024, 16>}, {transform_indices = @transform_1, window_bounds = array<i64: 1024, 16>}, {transform_indices = @transform_2, window_bounds = array<i64: 1024, 16>}, {transform_indices = @transform_3, window_bounds = array<i64: 1024, 16>}, {transform_indices = @transform_4, window_bounds = array<i64: 1024, 64>}, {transform_indices = @transform_5, window_bounds = array<i64: 8, 128>}, {transform_indices = @transform_6, window_bounds = array<i64: 8, 128>}, {pipeline_mode = #tpu.pipeline_mode<synchronous>, transform_indices = @transform_7, window_bounds = array<i64: 64, 64>}, {pipeline_mode = #tpu.pipeline_mode<synchronous>, transform_indices = @transform_8, window_bounds = array<i64: 1, 64>}, {pipeline_mode = #tpu.pipeline_mode<synchronous>, transform_indices = @transform_9, window_bounds = array<i64: 64, 1>}, {pipeline_mode = #tpu.pipeline_mode<synchronous>, transform_indices = @transform_10, window_bounds = array<i64: 1, 1>}, {pipeline_mode = #tpu.pipeline_mode<synchronous>, transform_indices = @transform_11, window_bounds = array<i64: 8, 1>}]} {
    %eq3A = arith.constant 0 : i32
    %eq3A_0 = arith.cmpi eq, %arg0, %eq3A : i32
    %convert_element_type3A = arith.extui %eq3A_0 : i1 to i32
    %cond3A = arith.constant 0 : i32
    %cond3A_1 = arith.cmpi ne, %convert_element_type3A, %cond3A : i32
    scf.if %cond3A_1 {
      %broadcast_in_dim3A_314 = arith.constant 0.000000e+00 : f32
      %broadcast_in_dim3A_315 = vector.broadcast %broadcast_in_dim3A_314 : f32 to vector<8x64xf32>
      %swap3A_316 = arith.constant 0 : index
      %swap3A_317 = arith.constant 0 : index
      %swap3A_318 = vector.load %arg15[%swap3A_316, %swap3A_317] : memref<8x64xf32, #tpu.memory_space<vmem>>, vector<8x64xf32>
      tpu.vector_store %arg15[%swap3A_316, %swap3A_317], %broadcast_in_dim3A_315 {strides = array<i32>} : memref<8x64xf32, #tpu.memory_space<vmem>>, vector<8x64xf32>,
      %broadcast_in_dim3A_319 = arith.constant 0.000000e+00 : f32
      %broadcast_in_dim3A_320 = vector.broadcast %broadcast_in_dim3A_319 : f32 to vector<1x8xf32>
      %swap3A_321 = arith.constant 0 : index
      %swap3A_322 = arith.constant 0 : index
      %swap3A_323 = vector.load %arg16[%swap3A_321, %swap3A_322] : memref<1x8xf32, #tpu.memory_space<vmem>>, vector<1x8xf32>
      tpu.vector_store %arg16[%swap3A_321, %swap3A_322], %broadcast_in_dim3A_320 {strides = array<i32>} : memref<1x8xf32, #tpu.memory_space<vmem>>, vector<1x8xf32>,
    } else {
    }
    %get3A = arith.constant 0 : index
    %get3A_2 = arith.constant 0 : index
    %get3A_3 = vector.load %arg6[%get3A, %get3A_2] : memref<8x128xf32, #tpu.memory_space<vmem>>, vector<8x128xf32>
    %transpose3A = tpu.transpose %get3A_3, [1, 0] : vector<8x128xf32> -> vector<128x8xf32>
    %get3A_4 = arith.constant 0 : index
    %get3A_5 = arith.constant 0 : index
    %get3A_6 = vector.load %arg7[%get3A_4, %get3A_5] : memref<8x128xi32, #tpu.memory_space<vmem>>, vector<8x128xi32>
    %transpose3A_7 = tpu.transpose %get3A_6, [1, 0] : vector<8x128xi32> -> vector<128x8xi32>
    %get3A_8 = arith.constant 0 : index
    %get3A_9 = arith.constant 0 : index
    %get3A_10 = vector.load %arg5[%get3A_8, %get3A_9] : memref<1024x64xf32, #tpu.memory_space<vmem>>, vector<1024x64xf32>
    %iota3A = tpu.iota {dimensions = array<i32: 1>} : vector<128x8xi32>
    %slice3A = vector.extract_strided_slice %transpose3A {offsets = [0, 0], sizes = [128, 1], strides = [1, 1]} : vector<128x8xf32> to vector<128x1xf32>
    %get3A_11 = arith.constant 0 : index
    %get3A_12 = arith.constant 0 : index
    %get3A_13 = vector.load %arg1[%get3A_11, %get3A_12] : memref<1024x16xbf16, #tpu.memory_space<vmem>>, vector<128x16xbf16>
    %get3A_14 = arith.constant 0 : index
    %get3A_15 = arith.constant 0 : index
    %get3A_16 = vector.load %arg2[%get3A_14, %get3A_15] : memref<1024x16xbf16, #tpu.memory_space<vmem>>, vector<128x16xbf16>
    %get3A_17 = arith.constant 0 : index
    %get3A_18 = arith.constant 0 : index
    %get3A_19 = vector.load %arg3[%get3A_17, %get3A_18] : memref<1024x16xbf16, #tpu.memory_space<vmem>>, vector<128x16xbf16>
    %get3A_20 = arith.constant 0 : index
    %get3A_21 = arith.constant 0 : index
    %get3A_22 = vector.load %arg4[%get3A_20, %get3A_21] : memref<1024x16xbf16, #tpu.memory_space<vmem>>, vector<128x16xbf16>
    %concatenate3A = tpu.concatenate %get3A_13, %get3A_16, %get3A_19, %get3A_22 in 1 : vector<128x16xbf16>, vector<128x16xbf16>, vector<128x16xbf16>, vector<128x16xbf16> -> vector<128x64xbf16>
    %convert_element_type3A_23 = arith.extf %concatenate3A : vector<128x64xbf16> to vector<128x64xf32>
    %slice3A_24 = vector.extract_strided_slice %get3A_10 {offsets = [0, 0], sizes = [128, 64], strides = [1, 1]} : vector<1024x64xf32> to vector<128x64xf32>
    %mul3A = vector.broadcast %slice3A : vector<128x1xf32> to vector<128x64xf32>
    %mul3A_25 = arith.mulf %mul3A, %convert_element_type3A_23 : vector<128x64xf32>
    %mul3A_26 = arith.mulf %slice3A, %slice3A : vector<128x1xf32>
    %mul3A_27 = vector.broadcast %mul3A_26 : vector<128x1xf32> to vector<128x64xf32>
    %mul3A_28 = arith.mulf %mul3A_27, %slice3A_24 : vector<128x64xf32>
    %add3A = arith.addf %mul3A_25, %mul3A_28 : vector<128x64xf32>
    %swap3A = arith.constant 0 : index
    %swap3A_29 = arith.constant 0 : index
    %swap3A_30 = vector.load %arg13[%swap3A, %swap3A_29] : memref<1024x64xf32, #tpu.memory_space<vmem>>, vector<128x64xf32>
    tpu.vector_store %arg13[%swap3A, %swap3A_29], %add3A {strides = array<i32>} : memref<1024x64xf32, #tpu.memory_space<vmem>>, vector<128x64xf32>,
    %slice3A_31 = vector.extract_strided_slice %transpose3A_7 {offsets = [0, 0], sizes = [128, 1], strides = [1, 1]} : vector<128x8xi32> to vector<128x1xi32>
    %eq3A_32 = vector.broadcast %slice3A_31 : vector<128x1xi32> to vector<128x8xi32>
    %eq3A_33 = arith.cmpi eq, %eq3A_32, %iota3A : vector<128x8xi32>
    %convert_element_type3A_34 = arith.extui %eq3A_33 : vector<128x8xi1> to vector<128x8xi32>
    %convert_element_type3A_35 = arith.sitofp %convert_element_type3A_34 : vector<128x8xi32> to vector<128x8xf32>
    %swap3A_36 = arith.constant 0 : index
    %swap3A_37 = arith.constant 0 : index
    %swap3A_38 = vector.load %arg14[%swap3A_36, %swap3A_37] : memref<1024x8xf32, #tpu.memory_space<vmem>>, vector<128x8xf32>
    tpu.vector_store %arg14[%swap3A_36, %swap3A_37], %convert_element_type3A_35 {strides = array<i32>} : memref<1024x8xf32, #tpu.memory_space<vmem>>, vector<128x8xf32>,
    %slice3A_39 = vector.extract_strided_slice %transpose3A {offsets = [0, 1], sizes = [128, 1], strides = [1, 1]} : vector<128x8xf32> to vector<128x1xf32>
    %get3A_40 = arith.constant 128 : index
    %get3A_41 = arith.constant 0 : index
    %get3A_42 = vector.load %arg1[%get3A_40, %get3A_41] : memref<1024x16xbf16, #tpu.memory_space<vmem>>, vector<128x16xbf16>
    %get3A_43 = arith.constant 128 : index
    %get3A_44 = arith.constant 0 : index
    %get3A_45 = vector.load %arg2[%get3A_43, %get3A_44] : memref<1024x16xbf16, #tpu.memory_space<vmem>>, vector<128x16xbf16>
    %get3A_46 = arith.constant 128 : index
    %get3A_47 = arith.constant 0 : index
    %get3A_48 = vector.load %arg3[%get3A_46, %get3A_47] : memref<1024x16xbf16, #tpu.memory_space<vmem>>, vector<128x16xbf16>
    %get3A_49 = arith.constant 128 : index
    %get3A_50 = arith.constant 0 : index
    %get3A_51 = vector.load %arg4[%get3A_49, %get3A_50] : memref<1024x16xbf16, #tpu.memory_space<vmem>>, vector<128x16xbf16>
    %concatenate3A_52 = tpu.concatenate %get3A_42, %get3A_45, %get3A_48, %get3A_51 in 1 : vector<128x16xbf16>, vector<128x16xbf16>, vector<128x16xbf16>, vector<128x16xbf16> -> vector<128x64xbf16>
    %convert_element_type3A_53 = arith.extf %concatenate3A_52 : vector<128x64xbf16> to vector<128x64xf32>
    %slice3A_54 = vector.extract_strided_slice %get3A_10 {offsets = [128, 0], sizes = [128, 64], strides = [1, 1]} : vector<1024x64xf32> to vector<128x64xf32>
    %mul3A_55 = vector.broadcast %slice3A_39 : vector<128x1xf32> to vector<128x64xf32>
    %mul3A_56 = arith.mulf %mul3A_55, %convert_element_type3A_53 : vector<128x64xf32>
    %mul3A_57 = arith.mulf %slice3A_39, %slice3A_39 : vector<128x1xf32>
    %mul3A_58 = vector.broadcast %mul3A_57 : vector<128x1xf32> to vector<128x64xf32>
    %mul3A_59 = arith.mulf %mul3A_58, %slice3A_54 : vector<128x64xf32>
    %add3A_60 = arith.addf %mul3A_56, %mul3A_59 : vector<128x64xf32>
    %swap3A_61 = arith.constant 128 : index
    %swap3A_62 = arith.constant 0 : index
    %swap3A_63 = vector.load %arg13[%swap3A_61, %swap3A_62] : memref<1024x64xf32, #tpu.memory_space<vmem>>, vector<128x64xf32>
    tpu.vector_store %arg13[%swap3A_61, %swap3A_62], %add3A_60 {strides = array<i32>} : memref<1024x64xf32, #tpu.memory_space<vmem>>, vector<128x64xf32>,
    %slice3A_64 = vector.extract_strided_slice %transpose3A_7 {offsets = [0, 1], sizes = [128, 1], strides = [1, 1]} : vector<128x8xi32> to vector<128x1xi32>
    %eq3A_65 = vector.broadcast %slice3A_64 : vector<128x1xi32> to vector<128x8xi32>
    %eq3A_66 = arith.cmpi eq, %eq3A_65, %iota3A : vector<128x8xi32>
    %convert_element_type3A_67 = arith.extui %eq3A_66 : vector<128x8xi1> to vector<128x8xi32>
    %convert_element_type3A_68 = arith.sitofp %convert_element_type3A_67 : vector<128x8xi32> to vector<128x8xf32>
    %swap3A_69 = arith.constant 128 : index
    %swap3A_70 = arith.constant 0 : index
    %swap3A_71 = vector.load %arg14[%swap3A_69, %swap3A_70] : memref<1024x8xf32, #tpu.memory_space<vmem>>, vector<128x8xf32>
    tpu.vector_store %arg14[%swap3A_69, %swap3A_70], %convert_element_type3A_68 {strides = array<i32>} : memref<1024x8xf32, #tpu.memory_space<vmem>>, vector<128x8xf32>,
    %slice3A_72 = vector.extract_strided_slice %transpose3A {offsets = [0, 2], sizes = [128, 1], strides = [1, 1]} : vector<128x8xf32> to vector<128x1xf32>
    %get3A_73 = arith.constant 256 : index
    %get3A_74 = arith.constant 0 : index
    %get3A_75 = vector.load %arg1[%get3A_73, %get3A_74] : memref<1024x16xbf16, #tpu.memory_space<vmem>>, vector<128x16xbf16>
    %get3A_76 = arith.constant 256 : index
    %get3A_77 = arith.constant 0 : index
    %get3A_78 = vector.load %arg2[%get3A_76, %get3A_77] : memref<1024x16xbf16, #tpu.memory_space<vmem>>, vector<128x16xbf16>
    %get3A_79 = arith.constant 256 : index
    %get3A_80 = arith.constant 0 : index
    %get3A_81 = vector.load %arg3[%get3A_79, %get3A_80] : memref<1024x16xbf16, #tpu.memory_space<vmem>>, vector<128x16xbf16>
    %get3A_82 = arith.constant 256 : index
    %get3A_83 = arith.constant 0 : index
    %get3A_84 = vector.load %arg4[%get3A_82, %get3A_83] : memref<1024x16xbf16, #tpu.memory_space<vmem>>, vector<128x16xbf16>
    %concatenate3A_85 = tpu.concatenate %get3A_75, %get3A_78, %get3A_81, %get3A_84 in 1 : vector<128x16xbf16>, vector<128x16xbf16>, vector<128x16xbf16>, vector<128x16xbf16> -> vector<128x64xbf16>
    %convert_element_type3A_86 = arith.extf %concatenate3A_85 : vector<128x64xbf16> to vector<128x64xf32>
    %slice3A_87 = vector.extract_strided_slice %get3A_10 {offsets = [256, 0], sizes = [128, 64], strides = [1, 1]} : vector<1024x64xf32> to vector<128x64xf32>
    %mul3A_88 = vector.broadcast %slice3A_72 : vector<128x1xf32> to vector<128x64xf32>
    %mul3A_89 = arith.mulf %mul3A_88, %convert_element_type3A_86 : vector<128x64xf32>
    %mul3A_90 = arith.mulf %slice3A_72, %slice3A_72 : vector<128x1xf32>
    %mul3A_91 = vector.broadcast %mul3A_90 : vector<128x1xf32> to vector<128x64xf32>
    %mul3A_92 = arith.mulf %mul3A_91, %slice3A_87 : vector<128x64xf32>
    %add3A_93 = arith.addf %mul3A_89, %mul3A_92 : vector<128x64xf32>
    %swap3A_94 = arith.constant 256 : index
    %swap3A_95 = arith.constant 0 : index
    %swap3A_96 = vector.load %arg13[%swap3A_94, %swap3A_95] : memref<1024x64xf32, #tpu.memory_space<vmem>>, vector<128x64xf32>
    tpu.vector_store %arg13[%swap3A_94, %swap3A_95], %add3A_93 {strides = array<i32>} : memref<1024x64xf32, #tpu.memory_space<vmem>>, vector<128x64xf32>,
    %slice3A_97 = vector.extract_strided_slice %transpose3A_7 {offsets = [0, 2], sizes = [128, 1], strides = [1, 1]} : vector<128x8xi32> to vector<128x1xi32>
    %eq3A_98 = vector.broadcast %slice3A_97 : vector<128x1xi32> to vector<128x8xi32>
    %eq3A_99 = arith.cmpi eq, %eq3A_98, %iota3A : vector<128x8xi32>
    %convert_element_type3A_100 = arith.extui %eq3A_99 : vector<128x8xi1> to vector<128x8xi32>
    %convert_element_type3A_101 = arith.sitofp %convert_element_type3A_100 : vector<128x8xi32> to vector<128x8xf32>
    %swap3A_102 = arith.constant 256 : index
    %swap3A_103 = arith.constant 0 : index
    %swap3A_104 = vector.load %arg14[%swap3A_102, %swap3A_103] : memref<1024x8xf32, #tpu.memory_space<vmem>>, vector<128x8xf32>
    tpu.vector_store %arg14[%swap3A_102, %swap3A_103], %convert_element_type3A_101 {strides = array<i32>} : memref<1024x8xf32, #tpu.memory_space<vmem>>, vector<128x8xf32>,
    %slice3A_105 = vector.extract_strided_slice %transpose3A {offsets = [0, 3], sizes = [128, 1], strides = [1, 1]} : vector<128x8xf32> to vector<128x1xf32>
    %get3A_106 = arith.constant 384 : index
    %get3A_107 = arith.constant 0 : index
    %get3A_108 = vector.load %arg1[%get3A_106, %get3A_107] : memref<1024x16xbf16, #tpu.memory_space<vmem>>, vector<128x16xbf16>
    %get3A_109 = arith.constant 384 : index
    %get3A_110 = arith.constant 0 : index
    %get3A_111 = vector.load %arg2[%get3A_109, %get3A_110] : memref<1024x16xbf16, #tpu.memory_space<vmem>>, vector<128x16xbf16>
    %get3A_112 = arith.constant 384 : index
    %get3A_113 = arith.constant 0 : index
    %get3A_114 = vector.load %arg3[%get3A_112, %get3A_113] : memref<1024x16xbf16, #tpu.memory_space<vmem>>, vector<128x16xbf16>
    %get3A_115 = arith.constant 384 : index
    %get3A_116 = arith.constant 0 : index
    %get3A_117 = vector.load %arg4[%get3A_115, %get3A_116] : memref<1024x16xbf16, #tpu.memory_space<vmem>>, vector<128x16xbf16>
    %concatenate3A_118 = tpu.concatenate %get3A_108, %get3A_111, %get3A_114, %get3A_117 in 1 : vector<128x16xbf16>, vector<128x16xbf16>, vector<128x16xbf16>, vector<128x16xbf16> -> vector<128x64xbf16>
    %convert_element_type3A_119 = arith.extf %concatenate3A_118 : vector<128x64xbf16> to vector<128x64xf32>
    %slice3A_120 = vector.extract_strided_slice %get3A_10 {offsets = [384, 0], sizes = [128, 64], strides = [1, 1]} : vector<1024x64xf32> to vector<128x64xf32>
    %mul3A_121 = vector.broadcast %slice3A_105 : vector<128x1xf32> to vector<128x64xf32>
    %mul3A_122 = arith.mulf %mul3A_121, %convert_element_type3A_119 : vector<128x64xf32>
    %mul3A_123 = arith.mulf %slice3A_105, %slice3A_105 : vector<128x1xf32>
    %mul3A_124 = vector.broadcast %mul3A_123 : vector<128x1xf32> to vector<128x64xf32>
    %mul3A_125 = arith.mulf %mul3A_124, %slice3A_120 : vector<128x64xf32>
    %add3A_126 = arith.addf %mul3A_122, %mul3A_125 : vector<128x64xf32>
    %swap3A_127 = arith.constant 384 : index
    %swap3A_128 = arith.constant 0 : index
    %swap3A_129 = vector.load %arg13[%swap3A_127, %swap3A_128] : memref<1024x64xf32, #tpu.memory_space<vmem>>, vector<128x64xf32>
    tpu.vector_store %arg13[%swap3A_127, %swap3A_128], %add3A_126 {strides = array<i32>} : memref<1024x64xf32, #tpu.memory_space<vmem>>, vector<128x64xf32>,
    %slice3A_130 = vector.extract_strided_slice %transpose3A_7 {offsets = [0, 3], sizes = [128, 1], strides = [1, 1]} : vector<128x8xi32> to vector<128x1xi32>
    %eq3A_131 = vector.broadcast %slice3A_130 : vector<128x1xi32> to vector<128x8xi32>
    %eq3A_132 = arith.cmpi eq, %eq3A_131, %iota3A : vector<128x8xi32>
    %convert_element_type3A_133 = arith.extui %eq3A_132 : vector<128x8xi1> to vector<128x8xi32>
    %convert_element_type3A_134 = arith.sitofp %convert_element_type3A_133 : vector<128x8xi32> to vector<128x8xf32>
    %swap3A_135 = arith.constant 384 : index
    %swap3A_136 = arith.constant 0 : index
    %swap3A_137 = vector.load %arg14[%swap3A_135, %swap3A_136] : memref<1024x8xf32, #tpu.memory_space<vmem>>, vector<128x8xf32>
    tpu.vector_store %arg14[%swap3A_135, %swap3A_136], %convert_element_type3A_134 {strides = array<i32>} : memref<1024x8xf32, #tpu.memory_space<vmem>>, vector<128x8xf32>,
    %slice3A_138 = vector.extract_strided_slice %transpose3A {offsets = [0, 4], sizes = [128, 1], strides = [1, 1]} : vector<128x8xf32> to vector<128x1xf32>
    %get3A_139 = arith.constant 512 : index
    %get3A_140 = arith.constant 0 : index
    %get3A_141 = vector.load %arg1[%get3A_139, %get3A_140] : memref<1024x16xbf16, #tpu.memory_space<vmem>>, vector<128x16xbf16>
    %get3A_142 = arith.constant 512 : index
    %get3A_143 = arith.constant 0 : index
    %get3A_144 = vector.load %arg2[%get3A_142, %get3A_143] : memref<1024x16xbf16, #tpu.memory_space<vmem>>, vector<128x16xbf16>
    %get3A_145 = arith.constant 512 : index
    %get3A_146 = arith.constant 0 : index
    %get3A_147 = vector.load %arg3[%get3A_145, %get3A_146] : memref<1024x16xbf16, #tpu.memory_space<vmem>>, vector<128x16xbf16>
    %get3A_148 = arith.constant 512 : index
    %get3A_149 = arith.constant 0 : index
    %get3A_150 = vector.load %arg4[%get3A_148, %get3A_149] : memref<1024x16xbf16, #tpu.memory_space<vmem>>, vector<128x16xbf16>
    %concatenate3A_151 = tpu.concatenate %get3A_141, %get3A_144, %get3A_147, %get3A_150 in 1 : vector<128x16xbf16>, vector<128x16xbf16>, vector<128x16xbf16>, vector<128x16xbf16> -> vector<128x64xbf16>
    %convert_element_type3A_152 = arith.extf %concatenate3A_151 : vector<128x64xbf16> to vector<128x64xf32>
    %slice3A_153 = vector.extract_strided_slice %get3A_10 {offsets = [512, 0], sizes = [128, 64], strides = [1, 1]} : vector<1024x64xf32> to vector<128x64xf32>
    %mul3A_154 = vector.broadcast %slice3A_138 : vector<128x1xf32> to vector<128x64xf32>
    %mul3A_155 = arith.mulf %mul3A_154, %convert_element_type3A_152 : vector<128x64xf32>
    %mul3A_156 = arith.mulf %slice3A_138, %slice3A_138 : vector<128x1xf32>
    %mul3A_157 = vector.broadcast %mul3A_156 : vector<128x1xf32> to vector<128x64xf32>
    %mul3A_158 = arith.mulf %mul3A_157, %slice3A_153 : vector<128x64xf32>
    %add3A_159 = arith.addf %mul3A_155, %mul3A_158 : vector<128x64xf32>
    %swap3A_160 = arith.constant 512 : index
    %swap3A_161 = arith.constant 0 : index
    %swap3A_162 = vector.load %arg13[%swap3A_160, %swap3A_161] : memref<1024x64xf32, #tpu.memory_space<vmem>>, vector<128x64xf32>
    tpu.vector_store %arg13[%swap3A_160, %swap3A_161], %add3A_159 {strides = array<i32>} : memref<1024x64xf32, #tpu.memory_space<vmem>>, vector<128x64xf32>,
    %slice3A_163 = vector.extract_strided_slice %transpose3A_7 {offsets = [0, 4], sizes = [128, 1], strides = [1, 1]} : vector<128x8xi32> to vector<128x1xi32>
    %eq3A_164 = vector.broadcast %slice3A_163 : vector<128x1xi32> to vector<128x8xi32>
    %eq3A_165 = arith.cmpi eq, %eq3A_164, %iota3A : vector<128x8xi32>
    %convert_element_type3A_166 = arith.extui %eq3A_165 : vector<128x8xi1> to vector<128x8xi32>
    %convert_element_type3A_167 = arith.sitofp %convert_element_type3A_166 : vector<128x8xi32> to vector<128x8xf32>
    %swap3A_168 = arith.constant 512 : index
    %swap3A_169 = arith.constant 0 : index
    %swap3A_170 = vector.load %arg14[%swap3A_168, %swap3A_169] : memref<1024x8xf32, #tpu.memory_space<vmem>>, vector<128x8xf32>
    tpu.vector_store %arg14[%swap3A_168, %swap3A_169], %convert_element_type3A_167 {strides = array<i32>} : memref<1024x8xf32, #tpu.memory_space<vmem>>, vector<128x8xf32>,
    %slice3A_171 = vector.extract_strided_slice %transpose3A {offsets = [0, 5], sizes = [128, 1], strides = [1, 1]} : vector<128x8xf32> to vector<128x1xf32>
    %get3A_172 = arith.constant 640 : index
    %get3A_173 = arith.constant 0 : index
    %get3A_174 = vector.load %arg1[%get3A_172, %get3A_173] : memref<1024x16xbf16, #tpu.memory_space<vmem>>, vector<128x16xbf16>
    %get3A_175 = arith.constant 640 : index
    %get3A_176 = arith.constant 0 : index
    %get3A_177 = vector.load %arg2[%get3A_175, %get3A_176] : memref<1024x16xbf16, #tpu.memory_space<vmem>>, vector<128x16xbf16>
    %get3A_178 = arith.constant 640 : index
    %get3A_179 = arith.constant 0 : index
    %get3A_180 = vector.load %arg3[%get3A_178, %get3A_179] : memref<1024x16xbf16, #tpu.memory_space<vmem>>, vector<128x16xbf16>
    %get3A_181 = arith.constant 640 : index
    %get3A_182 = arith.constant 0 : index
    %get3A_183 = vector.load %arg4[%get3A_181, %get3A_182] : memref<1024x16xbf16, #tpu.memory_space<vmem>>, vector<128x16xbf16>
    %concatenate3A_184 = tpu.concatenate %get3A_174, %get3A_177, %get3A_180, %get3A_183 in 1 : vector<128x16xbf16>, vector<128x16xbf16>, vector<128x16xbf16>, vector<128x16xbf16> -> vector<128x64xbf16>
    %convert_element_type3A_185 = arith.extf %concatenate3A_184 : vector<128x64xbf16> to vector<128x64xf32>
    %slice3A_186 = vector.extract_strided_slice %get3A_10 {offsets = [640, 0], sizes = [128, 64], strides = [1, 1]} : vector<1024x64xf32> to vector<128x64xf32>
    %mul3A_187 = vector.broadcast %slice3A_171 : vector<128x1xf32> to vector<128x64xf32>
    %mul3A_188 = arith.mulf %mul3A_187, %convert_element_type3A_185 : vector<128x64xf32>
    %mul3A_189 = arith.mulf %slice3A_171, %slice3A_171 : vector<128x1xf32>
    %mul3A_190 = vector.broadcast %mul3A_189 : vector<128x1xf32> to vector<128x64xf32>
    %mul3A_191 = arith.mulf %mul3A_190, %slice3A_186 : vector<128x64xf32>
    %add3A_192 = arith.addf %mul3A_188, %mul3A_191 : vector<128x64xf32>
    %swap3A_193 = arith.constant 640 : index
    %swap3A_194 = arith.constant 0 : index
    %swap3A_195 = vector.load %arg13[%swap3A_193, %swap3A_194] : memref<1024x64xf32, #tpu.memory_space<vmem>>, vector<128x64xf32>
    tpu.vector_store %arg13[%swap3A_193, %swap3A_194], %add3A_192 {strides = array<i32>} : memref<1024x64xf32, #tpu.memory_space<vmem>>, vector<128x64xf32>,
    %slice3A_196 = vector.extract_strided_slice %transpose3A_7 {offsets = [0, 5], sizes = [128, 1], strides = [1, 1]} : vector<128x8xi32> to vector<128x1xi32>
    %eq3A_197 = vector.broadcast %slice3A_196 : vector<128x1xi32> to vector<128x8xi32>
    %eq3A_198 = arith.cmpi eq, %eq3A_197, %iota3A : vector<128x8xi32>
    %convert_element_type3A_199 = arith.extui %eq3A_198 : vector<128x8xi1> to vector<128x8xi32>
    %convert_element_type3A_200 = arith.sitofp %convert_element_type3A_199 : vector<128x8xi32> to vector<128x8xf32>
    %swap3A_201 = arith.constant 640 : index
    %swap3A_202 = arith.constant 0 : index
    %swap3A_203 = vector.load %arg14[%swap3A_201, %swap3A_202] : memref<1024x8xf32, #tpu.memory_space<vmem>>, vector<128x8xf32>
    tpu.vector_store %arg14[%swap3A_201, %swap3A_202], %convert_element_type3A_200 {strides = array<i32>} : memref<1024x8xf32, #tpu.memory_space<vmem>>, vector<128x8xf32>,
    %slice3A_204 = vector.extract_strided_slice %transpose3A {offsets = [0, 6], sizes = [128, 1], strides = [1, 1]} : vector<128x8xf32> to vector<128x1xf32>
    %get3A_205 = arith.constant 768 : index
    %get3A_206 = arith.constant 0 : index
    %get3A_207 = vector.load %arg1[%get3A_205, %get3A_206] : memref<1024x16xbf16, #tpu.memory_space<vmem>>, vector<128x16xbf16>
    %get3A_208 = arith.constant 768 : index
    %get3A_209 = arith.constant 0 : index
    %get3A_210 = vector.load %arg2[%get3A_208, %get3A_209] : memref<1024x16xbf16, #tpu.memory_space<vmem>>, vector<128x16xbf16>
    %get3A_211 = arith.constant 768 : index
    %get3A_212 = arith.constant 0 : index
    %get3A_213 = vector.load %arg3[%get3A_211, %get3A_212] : memref<1024x16xbf16, #tpu.memory_space<vmem>>, vector<128x16xbf16>
    %get3A_214 = arith.constant 768 : index
    %get3A_215 = arith.constant 0 : index
    %get3A_216 = vector.load %arg4[%get3A_214, %get3A_215] : memref<1024x16xbf16, #tpu.memory_space<vmem>>, vector<128x16xbf16>
    %concatenate3A_217 = tpu.concatenate %get3A_207, %get3A_210, %get3A_213, %get3A_216 in 1 : vector<128x16xbf16>, vector<128x16xbf16>, vector<128x16xbf16>, vector<128x16xbf16> -> vector<128x64xbf16>
    %convert_element_type3A_218 = arith.extf %concatenate3A_217 : vector<128x64xbf16> to vector<128x64xf32>
    %slice3A_219 = vector.extract_strided_slice %get3A_10 {offsets = [768, 0], sizes = [128, 64], strides = [1, 1]} : vector<1024x64xf32> to vector<128x64xf32>
    %mul3A_220 = vector.broadcast %slice3A_204 : vector<128x1xf32> to vector<128x64xf32>
    %mul3A_221 = arith.mulf %mul3A_220, %convert_element_type3A_218 : vector<128x64xf32>
    %mul3A_222 = arith.mulf %slice3A_204, %slice3A_204 : vector<128x1xf32>
    %mul3A_223 = vector.broadcast %mul3A_222 : vector<128x1xf32> to vector<128x64xf32>
    %mul3A_224 = arith.mulf %mul3A_223, %slice3A_219 : vector<128x64xf32>
    %add3A_225 = arith.addf %mul3A_221, %mul3A_224 : vector<128x64xf32>
    %swap3A_226 = arith.constant 768 : index
    %swap3A_227 = arith.constant 0 : index
    %swap3A_228 = vector.load %arg13[%swap3A_226, %swap3A_227] : memref<1024x64xf32, #tpu.memory_space<vmem>>, vector<128x64xf32>
    tpu.vector_store %arg13[%swap3A_226, %swap3A_227], %add3A_225 {strides = array<i32>} : memref<1024x64xf32, #tpu.memory_space<vmem>>, vector<128x64xf32>,
    %slice3A_229 = vector.extract_strided_slice %transpose3A_7 {offsets = [0, 6], sizes = [128, 1], strides = [1, 1]} : vector<128x8xi32> to vector<128x1xi32>
    %eq3A_230 = vector.broadcast %slice3A_229 : vector<128x1xi32> to vector<128x8xi32>
    %eq3A_231 = arith.cmpi eq, %eq3A_230, %iota3A : vector<128x8xi32>
    %convert_element_type3A_232 = arith.extui %eq3A_231 : vector<128x8xi1> to vector<128x8xi32>
    %convert_element_type3A_233 = arith.sitofp %convert_element_type3A_232 : vector<128x8xi32> to vector<128x8xf32>
    %swap3A_234 = arith.constant 768 : index
    %swap3A_235 = arith.constant 0 : index
    %swap3A_236 = vector.load %arg14[%swap3A_234, %swap3A_235] : memref<1024x8xf32, #tpu.memory_space<vmem>>, vector<128x8xf32>
    tpu.vector_store %arg14[%swap3A_234, %swap3A_235], %convert_element_type3A_233 {strides = array<i32>} : memref<1024x8xf32, #tpu.memory_space<vmem>>, vector<128x8xf32>,
    %slice3A_237 = vector.extract_strided_slice %transpose3A {offsets = [0, 7], sizes = [128, 1], strides = [1, 1]} : vector<128x8xf32> to vector<128x1xf32>
    %get3A_238 = arith.constant 896 : index
    %get3A_239 = arith.constant 0 : index
    %get3A_240 = vector.load %arg1[%get3A_238, %get3A_239] : memref<1024x16xbf16, #tpu.memory_space<vmem>>, vector<128x16xbf16>
    %get3A_241 = arith.constant 896 : index
    %get3A_242 = arith.constant 0 : index
    %get3A_243 = vector.load %arg2[%get3A_241, %get3A_242] : memref<1024x16xbf16, #tpu.memory_space<vmem>>, vector<128x16xbf16>
    %get3A_244 = arith.constant 896 : index
    %get3A_245 = arith.constant 0 : index
    %get3A_246 = vector.load %arg3[%get3A_244, %get3A_245] : memref<1024x16xbf16, #tpu.memory_space<vmem>>, vector<128x16xbf16>
    %get3A_247 = arith.constant 896 : index
    %get3A_248 = arith.constant 0 : index
    %get3A_249 = vector.load %arg4[%get3A_247, %get3A_248] : memref<1024x16xbf16, #tpu.memory_space<vmem>>, vector<128x16xbf16>
    %concatenate3A_250 = tpu.concatenate %get3A_240, %get3A_243, %get3A_246, %get3A_249 in 1 : vector<128x16xbf16>, vector<128x16xbf16>, vector<128x16xbf16>, vector<128x16xbf16> -> vector<128x64xbf16>
    %convert_element_type3A_251 = arith.extf %concatenate3A_250 : vector<128x64xbf16> to vector<128x64xf32>
    %slice3A_252 = vector.extract_strided_slice %get3A_10 {offsets = [896, 0], sizes = [128, 64], strides = [1, 1]} : vector<1024x64xf32> to vector<128x64xf32>
    %mul3A_253 = vector.broadcast %slice3A_237 : vector<128x1xf32> to vector<128x64xf32>
    %mul3A_254 = arith.mulf %mul3A_253, %convert_element_type3A_251 : vector<128x64xf32>
    %mul3A_255 = arith.mulf %slice3A_237, %slice3A_237 : vector<128x1xf32>
    %mul3A_256 = vector.broadcast %mul3A_255 : vector<128x1xf32> to vector<128x64xf32>
    %mul3A_257 = arith.mulf %mul3A_256, %slice3A_252 : vector<128x64xf32>
    %add3A_258 = arith.addf %mul3A_254, %mul3A_257 : vector<128x64xf32>
    %swap3A_259 = arith.constant 896 : index
    %swap3A_260 = arith.constant 0 : index
    %swap3A_261 = vector.load %arg13[%swap3A_259, %swap3A_260] : memref<1024x64xf32, #tpu.memory_space<vmem>>, vector<128x64xf32>
    tpu.vector_store %arg13[%swap3A_259, %swap3A_260], %add3A_258 {strides = array<i32>} : memref<1024x64xf32, #tpu.memory_space<vmem>>, vector<128x64xf32>,
    %slice3A_262 = vector.extract_strided_slice %transpose3A_7 {offsets = [0, 7], sizes = [128, 1], strides = [1, 1]} : vector<128x8xi32> to vector<128x1xi32>
    %eq3A_263 = vector.broadcast %slice3A_262 : vector<128x1xi32> to vector<128x8xi32>
    %eq3A_264 = arith.cmpi eq, %eq3A_263, %iota3A : vector<128x8xi32>
    %convert_element_type3A_265 = arith.extui %eq3A_264 : vector<128x8xi1> to vector<128x8xi32>
    %convert_element_type3A_266 = arith.sitofp %convert_element_type3A_265 : vector<128x8xi32> to vector<128x8xf32>
    %swap3A_267 = arith.constant 896 : index
    %swap3A_268 = arith.constant 0 : index
    %swap3A_269 = vector.load %arg14[%swap3A_267, %swap3A_268] : memref<1024x8xf32, #tpu.memory_space<vmem>>, vector<128x8xf32>
    tpu.vector_store %arg14[%swap3A_267, %swap3A_268], %convert_element_type3A_266 {strides = array<i32>} : memref<1024x8xf32, #tpu.memory_space<vmem>>, vector<128x8xf32>,
    %get3A_270 = arith.constant 0 : index
    %get3A_271 = arith.constant 0 : index
    %get3A_272 = vector.load %arg13[%get3A_270, %get3A_271] : memref<1024x64xf32, #tpu.memory_space<vmem>>, vector<1024x64xf32>
    %get3A_273 = arith.constant 0 : index
    %get3A_274 = arith.constant 0 : index
    %get3A_275 = vector.load %arg8[%get3A_273, %get3A_274] : memref<64x64xf32, #tpu.memory_space<vmem>>, vector<64x64xf32>
    %dot_general3A = arith.constant dense<0.000000e+00> : vector<1024x64xf32>
    %dot_general3A_276 = tpu.matmul %get3A_272, %get3A_275, %dot_general3A {dimension_numbers = #tpu.dot_dimension_numbers<[1], [0], [0], [1], [0, 0, 1, 1], [], []>, transpose_lhs_hint = false} : vector<1024x64xf32>, vector<64x64xf32>, vector<1024x64xf32> -> vector<1024x64xf32>
    %get3A_277 = arith.constant 0 : index
    %get3A_278 = arith.constant 0 : index
    %get3A_279 = vector.load %arg9[%get3A_277, %get3A_278] : memref<1x64xf32, #tpu.memory_space<vmem>>, vector<1x64xf32>
    %add3A_280 = vector.broadcast %get3A_279 : vector<1x64xf32> to vector<1024x64xf32>
    %add3A_281 = arith.addf %dot_general3A_276, %add3A_280 : vector<1024x64xf32>
    %logistic3A = arith.negf %add3A_281 : vector<1024x64xf32>
    %logistic3A_282 = math.exp %logistic3A : vector<1024x64xf32>
    %logistic3A_283 = arith.constant 1.000000e+00 : f32
    %logistic3A_284 = vector.broadcast %logistic3A_283 : f32 to vector<1024x64xf32>
    %logistic3A_285 = arith.addf %logistic3A_284, %logistic3A_282 : vector<1024x64xf32>
    %logistic3A_286 = arith.divf %logistic3A_284, %logistic3A_285 : vector<1024x64xf32>
    %mul3A_287 = arith.mulf %add3A_281, %logistic3A_286 : vector<1024x64xf32>
    %add3A_288 = arith.addf %get3A_10, %mul3A_287 : vector<1024x64xf32>
    %get3A_289 = arith.constant 0 : index
    %get3A_290 = arith.constant 0 : index
    %get3A_291 = vector.load %arg14[%get3A_289, %get3A_290] : memref<1024x8xf32, #tpu.memory_space<vmem>>, vector<1024x8xf32>
    %get3A_292 = arith.constant 0 : index
    %get3A_293 = arith.constant 0 : index
    %get3A_294 = vector.load %arg15[%get3A_292, %get3A_293] : memref<8x64xf32, #tpu.memory_space<vmem>>, vector<8x64xf32>
    %dot_general3A_295 = arith.constant dense<0.000000e+00> : vector<8x64xf32>
    %dot_general3A_296 = tpu.matmul %get3A_291, %add3A_288, %dot_general3A_295 {dimension_numbers = #tpu.dot_dimension_numbers<[0], [0], [1], [1], [0, 1, 1, 1], [], []>, transpose_lhs_hint = false} : vector<1024x8xf32>, vector<1024x64xf32>, vector<8x64xf32> -> vector<8x64xf32>
    %add3A_297 = arith.addf %get3A_294, %dot_general3A_296 : vector<8x64xf32>
    %swap3A_298 = arith.constant 0 : index
    %swap3A_299 = arith.constant 0 : index
    %swap3A_300 = vector.load %arg15[%swap3A_298, %swap3A_299] : memref<8x64xf32, #tpu.memory_space<vmem>>, vector<8x64xf32>
    tpu.vector_store %arg15[%swap3A_298, %swap3A_299], %add3A_297 {strides = array<i32>} : memref<8x64xf32, #tpu.memory_space<vmem>>, vector<8x64xf32>,
    %get3A_301 = arith.constant 0 : index
    %get3A_302 = arith.constant 0 : index
    %get3A_303 = vector.load %arg16[%get3A_301, %get3A_302] : memref<1x8xf32, #tpu.memory_space<vmem>>, vector<1x8xf32>
    %reduce_sum3A = arith.constant dense<0.000000e+00> : vector<8xf32>
    %reduce_sum3A_304 = vector.multi_reduction <add>, %get3A_291, %reduce_sum3A [0] : vector<1024x8xf32> to vector<8xf32>
    %broadcast_in_dim3A = vector.shape_cast %reduce_sum3A_304 : vector<8xf32> to vector<1x8xf32>
    %add3A_305 = arith.addf %get3A_303, %broadcast_in_dim3A : vector<1x8xf32>
    %swap3A_306 = arith.constant 0 : index
    %swap3A_307 = arith.constant 0 : index
    %swap3A_308 = vector.load %arg16[%swap3A_306, %swap3A_307] : memref<1x8xf32, #tpu.memory_space<vmem>>, vector<1x8xf32>
    tpu.vector_store %arg16[%swap3A_306, %swap3A_307], %add3A_305 {strides = array<i32>} : memref<1x8xf32, #tpu.memory_space<vmem>>, vector<1x8xf32>,
    %eq3A_309 = arith.constant 48 : i32
    %eq3A_310 = arith.cmpi eq, %arg0, %eq3A_309 : i32
    %convert_element_type3A_311 = arith.extui %eq3A_310 : i1 to i32
    %cond3A_312 = arith.constant 0 : i32
    %cond3A_313 = arith.cmpi ne, %convert_element_type3A_311, %cond3A_312 : i32
    scf.if %cond3A_313 {
      %get3A_314 = arith.constant 0 : index
      %get3A_315 = arith.constant 0 : index
      %get3A_316 = vector.load %arg16[%get3A_314, %get3A_315] : memref<1x8xf32, #tpu.memory_space<vmem>>, vector<1x8xf32>
      %max3A = arith.constant 1.000000e+00 : f32
      %max3A_317 = vector.broadcast %max3A : f32 to vector<1x8xf32>
      %max3A_318 = arith.maximumf %get3A_316, %max3A_317 : vector<1x8xf32>
      %get3A_319 = arith.constant 0 : index
      %get3A_320 = arith.constant 0 : index
      %get3A_321 = vector.load %arg15[%get3A_319, %get3A_320] : memref<8x64xf32, #tpu.memory_space<vmem>>, vector<8x64xf32>
      %transpose3A_322 = tpu.transpose %max3A_318, [1, 0] : vector<1x8xf32> -> vector<8x1xf32>
      %div3A = vector.broadcast %transpose3A_322 : vector<8x1xf32> to vector<8x64xf32>
      %div3A_323 = arith.divf %get3A_321, %div3A : vector<8x64xf32>
      %get3A_324 = arith.constant 0 : index
      %get3A_325 = arith.constant 0 : index
      %get3A_326 = vector.load %arg10[%get3A_324, %get3A_325] : memref<64x1xf32, #tpu.memory_space<vmem>>, vector<64x1xf32>
      %dot_general3A_327 = arith.constant dense<0.000000e+00> : vector<8x1xf32>
      %dot_general3A_328 = tpu.matmul %div3A_323, %get3A_326, %dot_general3A_327 {dimension_numbers = #tpu.dot_dimension_numbers<[1], [0], [0], [1], [0, 0, 1, 1], [], []>, transpose_lhs_hint = false} : vector<8x64xf32>, vector<64x1xf32>, vector<8x1xf32> -> vector<8x1xf32>
      %get3A_329 = arith.constant 0 : index
      %get3A_330 = arith.constant 0 : index
      %get3A_331 = vector.load %arg11[%get3A_329, %get3A_330] : memref<1x1xf32, #tpu.memory_space<vmem>>, vector<1x1xf32>
      %add3A_332 = vector.broadcast %get3A_331 : vector<1x1xf32> to vector<8x1xf32>
      %add3A_333 = arith.addf %dot_general3A_328, %add3A_332 : vector<8x1xf32>
      %logistic3A_334 = arith.negf %add3A_333 : vector<8x1xf32>
      %logistic3A_335 = math.exp %logistic3A_334 : vector<8x1xf32>
      %logistic3A_336 = arith.constant 1.000000e+00 : f32
      %logistic3A_337 = vector.broadcast %logistic3A_336 : f32 to vector<8x1xf32>
      %logistic3A_338 = arith.addf %logistic3A_337, %logistic3A_335 : vector<8x1xf32>
      %logistic3A_339 = arith.divf %logistic3A_337, %logistic3A_338 : vector<8x1xf32>
      %swap3A_340 = arith.constant 0 : index
      %swap3A_341 = arith.constant 0 : index
      %swap3A_342 = vector.load %arg12[%swap3A_340, %swap3A_341] : memref<8x1xf32, #tpu.memory_space<vmem>>, vector<8x1xf32>
      tpu.vector_store %arg12[%swap3A_340, %swap3A_341], %logistic3A_339 {strides = array<i32>} : memref<8x1xf32, #tpu.memory_space<vmem>>, vector<8x1xf32>,
    } else {
    }
    return
  }
  func.func @transform_0(%arg0: i32) -> (i32, i32) {
    %c0_i32 = arith.constant 0 : i32
    %c0_i32_0 = arith.constant 0 : i32
    return %arg0, %c0_i32 : i32, i32
  }
  func.func @transform_1(%arg0: i32) -> (i32, i32) {
    %c0_i32 = arith.constant 0 : i32
    %c0_i32_0 = arith.constant 0 : i32
    return %arg0, %c0_i32 : i32, i32
  }
  func.func @transform_2(%arg0: i32) -> (i32, i32) {
    %c0_i32 = arith.constant 0 : i32
    %c0_i32_0 = arith.constant 0 : i32
    return %arg0, %c0_i32 : i32, i32
  }
  func.func @transform_3(%arg0: i32) -> (i32, i32) {
    %c0_i32 = arith.constant 0 : i32
    %c0_i32_0 = arith.constant 0 : i32
    return %arg0, %c0_i32 : i32, i32
  }
  func.func @transform_4(%arg0: i32) -> (i32, i32) {
    %c0_i32 = arith.constant 0 : i32
    %c0_i32_0 = arith.constant 0 : i32
    return %arg0, %c0_i32 : i32, i32
  }
  func.func @transform_5(%arg0: i32) -> (i32, i32) {
    %c0_i32 = arith.constant 0 : i32
    %c0_i32_0 = arith.constant 0 : i32
    return %arg0, %c0_i32 : i32, i32
  }
  func.func @transform_6(%arg0: i32) -> (i32, i32) {
    %c0_i32 = arith.constant 0 : i32
    %c0_i32_0 = arith.constant 0 : i32
    return %arg0, %c0_i32 : i32, i32
  }
  func.func @transform_7(%arg0: i32) -> (i32, i32) {
    %c0_i32 = arith.constant 0 : i32
    %c0_i32_0 = arith.constant 0 : i32
    %c0_i32_1 = arith.constant 0 : i32
    return %c0_i32, %c0_i32_0 : i32, i32
  }
  func.func @transform_8(%arg0: i32) -> (i32, i32) {
    %c0_i32 = arith.constant 0 : i32
    %c0_i32_0 = arith.constant 0 : i32
    %c0_i32_1 = arith.constant 0 : i32
    return %c0_i32, %c0_i32_0 : i32, i32
  }
  func.func @transform_9(%arg0: i32) -> (i32, i32) {
    %c0_i32 = arith.constant 0 : i32
    %c0_i32_0 = arith.constant 0 : i32
    %c0_i32_1 = arith.constant 0 : i32
    return %c0_i32, %c0_i32_0 : i32, i32
  }
  func.func @transform_10(%arg0: i32) -> (i32, i32) {
    %c0_i32 = arith.constant 0 : i32
    %c0_i32_0 = arith.constant 0 : i32
    %c0_i32_1 = arith.constant 0 : i32
    return %c0_i32, %c0_i32_0 : i32, i32
  }
  func.func @transform_11(%arg0: i32) -> (i32, i32) {
    %c0_i32 = arith.constant 0 : i32
    %c0_i32_0 = arith.constant 0 : i32
    %c0_i32_1 = arith.constant 0 : i32
    return %c0_i32, %c0_i32_0 : i32, i32
  }
}

</mosaic_0001>

<sc_bundles>
// kernel: kernel.6.cloned.1.call-start
scs
__scs_entry_jumppad:
0x0: {  	(pc) =	sbr.rel $0x88, $3  }
0x1: {  	(tag) =	ssettag $0x0;
	lr =	simm.s32 $0x1  }
0x2: {  	[smem:$0x3F98] =	sst lr;
	_ =	strace $0xD0000000  }
0x3: {  	_ = 	snop  }
0x4: {  	_ = 	snop  }
0x5: {  	_ = 	snop  }
0x6: {  	_ = 	snop  }
0x7: {  	_ = 	snop  }
__scs_overlays_trampoline_lowered:
0x8: {  	[smem:$0x3FA7] =	sst s0  }
0x9: {  	[smem:$0x3FA8] =	sst s1  }
0xa: {  	[smem:$0x3FA9] =	sst s2  }
0xb: {  	[smem:$0x3FAA] =	sst s3  }
0xc: {  	[smem:$0x3FAB] =	sst s4  }
0xd: {  	[smem:$0x3FAC] =	sst s5  }
0xe: {  	[smem:$0x3FAD] =	sst s6  }
0xf: {  	[smem:$0x3FAE] =	sst s7  }
0x10: {  	[smem:$0x3FAF] =	sst s8  }
0x11: {  	[smem:$0x3FB0] =	sst s9;
	s0 =	simm.s32 @!p0 $0x0  }
0x12: {  	s1 =	sld [smem:$0x3F96];
	s0 =	simm.s32 @p0 $0x1  }
0x13: {  	[smem:$0x3FB1] =	sst s0;
	s0 =	simm.s32 @!p1 $0x0  }
0x14: {  	s2 =	sld [smem:$0x3F95];
	s0 =	simm.s32 @p1 $0x1  }
0x15: {  	[smem:$0x3FB2] =	sst s0;
	s0 =	simm.s32 @!p2 $0x0  }
0x16: {  	s3 =	sld [smem:$0x3FDB];
	s0 =	simm.s32 @p2 $0x1  }
0x17: {  	s4 =	simm.s32 $0x1BF5;
	[smem:$0x3FB4] =	sst s0  }
0x18: {  	s0 =	sld [smem:$0x3F97];
	_ =	swait.ge [sflag:s4], $0x0  }
0x19: {  	s7 =	sld [smem:$0x3F98]  }
0x1a: {  	s8 =	sadd.s32 $0xFFFFE003, lr  }
0x1b: {  	s9 =	sadd.s32 $0xFFFFFEF7, lr;
	s5 =	simm.s32 $0xFFFFFFFF;
	p2 =	slt.u32 s8, $0xFFFFF086  }
0x1c: {  	p1 =	slt.u32 s9, $0xF7A;
	s5 =	simm.s32 @!p2 $0x0  }
0x1d: {  	s5 =	simm.s32 @p1 $0x1;
	p0 =	seq.s32 s7, s2  }
0x1e: {  	s7 =	smul.u32 @!p0 $0xF7A, s2;
	p2 =	seq.s32 @!p0 s5, $0x0  }
0x1f: {  	s9 =	smul.u32 $0xF7A, s1;
	s8 =	simm.s32 @!p0 $0x1BF5;
	p2 =	por !p2, p0  }
0x20: {  	[sflag:s8] =	ssyncset.s32 @!p0 $0xFFFFF086;
	s6 =	sadd.s32 @!p0 s3, s7;
	s7 =	simm.s32 @!p0 $0x108  }
0x21: {  	s3 =	sadd.s32 s3, s9;
	s6 =	sadd.s32 @!p0 $0x88, s6;
	s7 =	simm.s32 @p2 $0x1082  }
0x22: {  	[simem:s7], [sflag:s8] =	dma.local @!p0 [hbm:s6], $0xF7A  }
0x23: {  	s9 =	sor.u32 $0xD0000000, s2;
	s6 =	simm.s32 $0x108;
	_ =	swait.ge @!p0 [sflag:s8], $0x0  }
0x24: {  	s3 =	sadd.s32 $0x88, s3;
	s6 =	simm.s32 @!p1 $0x1082;
	[sflag:s4] =	ssyncset.s32 $0xFFFFF086  }
0x25: {  	[simem:s6], [sflag:s4] =	dma.local [hbm:s3], $0xF7A  }
0x26: {  	[smem:$0x3F98] =	sst s1;
	(tag) =	ssettag s2;
	_ =	strace s9  }
0x27: {  	s1 =	sld [smem:$0x3FA8]  }
0x28: {  	s2 =	sld [smem:$0x3FA9]  }
0x29: {  	s4 =	sld [smem:$0x3FAB]  }
0x2a: {  	p0 =	seq.s32 s5, $0x0;
	s5 =	sld [smem:$0x3FAC]  }
0x2b: {  	s6 =	sld [smem:$0x3FAD]  }
0x2c: {  	s7 =	sld [smem:$0x3FAE]  }
0x2d: {  	s3 =	simm.s32 $0x108;
	s8 =	sld [smem:$0x3FAF]  }
0x2e: {  	s3 =	simm.s32 @!p0 $0x1082;
	s9 =	sld [smem:$0x3FB0]  }
0x2f: {  	lr =	sadd.s32 s0, s3;
	s0 =	sld [smem:$0x3FA7]  }
0x30: {  	s3 =	sld [smem:$0x3FAA]  }
0x31: {  	[smem:$0x3FB3] =	sst s10  }
0x32: {  	s10 =	sld [smem:$0x3FB1];
	_ =	sdelay $0x3  }
0x33: {  	p0 =	seq.s32 s10, $0x1;
	s10 =	sld [smem:$0x3FB3];
	_ =	sdelay $0x3  }
0x34: {  	[smem:$0x3FB3] =	sst s10  }
0x35: {  	s10 =	sld [smem:$0x3FB2];
	_ =	sdelay $0x3  }
0x36: {  	p1 =	seq.s32 s10, $0x1;
	s10 =	sld [smem:$0x3FB3];
	_ =	sdelay $0x3  }
0x37: {  	[smem:$0x3FB3] =	sst s10  }
0x38: {  	s10 =	sld [smem:$0x3FB4]  }
0x39: {  	_ = 	snop;
	(pc) =	sbr.ind lr, $3  }
0x3a: {  	_ = 	snop  }
0x3b: {  	_ = 	snop  }
0x3c: {  	p2 =	seq.s32 s10, $0x1;
	s10 =	sld [smem:$0x3FB3]  }
0x3d: {  	_ =	shalt  }
0x3e: {  	_ =	shalt  }
0x3f: {  	_ =	shalt  }
0x40: {  	_ =	shalt  }
0x41: {  	_ =	shalt  }
0x42: {  	_ =	shalt  }
0x43: {  	_ =	shalt  }
0x44: {  	_ =	shalt  }
0x45: {  	_ =	shalt  }
0x46: {  	_ =	shalt  }
0x47: {  	_ =	shalt  }
0x48: {  	_ =	shalt  }
0x49: {  	_ =	shalt  }
0x4a: {  	_ =	shalt  }
0x4b: {  	_ =	shalt  }
0x4c: {  	_ =	shalt  }
0x4d: {  	_ =	shalt  }
0x4e: {  	_ =	shalt  }
0x4f: {  	_ =	shalt  }
0x50: {  	_ =	shalt  }
0x51: {  	_ =	shalt  }
0x52: {  	_ =	shalt  }
0x53: {  	_ =	shalt  }
0x54: {  	_ =	shalt  }
0x55: {  	_ =	shalt  }
0x56: {  	_ =	shalt  }
0x57: {  	_ =	shalt  }
0x58: {  	_ =	shalt  }
0x59: {  	_ =	shalt  }
0x5a: {  	_ =	shalt  }
0x5b: {  	_ =	shalt  }
0x5c: {  	_ =	shalt  }
0x5d: {  	_ =	shalt  }
0x5e: {  	_ =	shalt  }
0x5f: {  	_ =	shalt  }
0x60: {  	_ =	shalt  }
0x61: {  	_ =	shalt  }
0x62: {  	_ =	shalt  }
0x63: {  	_ =	shalt  }
0x64: {  	_ =	shalt  }
0x65: {  	_ =	shalt  }
0x66: {  	_ =	shalt  }
0x67: {  	_ =	shalt  }
0x68: {  	_ =	shalt  }
0x69: {  	_ =	shalt  }
0x6a: {  	_ =	shalt  }
0x6b: {  	_ =	shalt  }
0x6c: {  	_ =	shalt  }
0x6d: {  	_ =	shalt  }
0x6e: {  	_ =	shalt  }
0x6f: {  	_ =	shalt  }
0x70: {  	_ =	shalt  }
0x71: {  	_ =	shalt  }
0x72: {  	_ =	shalt  }
0x73: {  	_ =	shalt  }
0x74: {  	_ =	shalt  }
0x75: {  	_ =	shalt  }
0x76: {  	_ =	shalt  }
0x77: {  	_ =	shalt  }
0x78: {  	_ =	shalt  }
0x79: {  	_ =	shalt  }
0x7a: {  	_ =	shalt  }
0x7b: {  	_ =	shalt  }
0x7c: {  	_ =	shalt  }
0x7d: {  	_ =	shalt  }
0x7e: {  	_ =	shalt  }
0x7f: {  	_ =	shalt  }
0x80: {  	_ =	shalt  }
0x81: {  	_ =	shalt  }
0x82: {  	_ =	shalt  }
0x83: {  	_ =	shalt  }
0x84: {  	_ =	shalt  }
0x85: {  	_ =	shalt  }
0x86: {  	_ =	shalt  }
0x87: {  	_ =	shalt  }
.Lfunc_end0:
.L_simem_size_0:
called_computation_lowered:
.L_overlay_start_0:
0x88: {  	s2 =	sld [smem:$0x3FD9]  }
0x89: {  	s3 =	sld [smem:$0x3FFE];
	_ =	sdelay $0x1  }
0x8a: {  	s1 =	srdreg.scid  }
0x8b: {  	s0 =	sand.u32 $0x1, s1  }
0x8c: {  	s16 =	sshll.u32 s0, $0xA;
	s2 =	sadd.s32 s3, s2  }
0x8d: {  	s2 =	sadd.s32 s2, s16  }
0x8e: {  	[smem:$0x3FBF] =	sst s2  }
0x8f: {  	_ = 	snop  }
0x90: {  	(tm) =	ssettm $0x1  }
0x91: {  	s17 =	sld [smem:$0x3FFB];
	_ =	sdelay $0x3  }
0x92: {  	_ =	strace s17  }
0x93: {  	s2 =	sld [smem:$0x3FFC];
	_ =	sdelay $0x3  }
0x94: {  	_ =	strace s2  }
0x95: {  	s2 =	sld [smem:$0x3FFD];
	_ =	sdelay $0x3  }
0x96: {  	_ =	strace s2  }
0x97: {  	_ =	strace $0x8FFFFFFF  }
0x98: {  	s18 =	sld [smem:$0x3FDB];
	_ =	sdelay $0x1  }
0x99: {  	s19 =	simm.s32 $_scs_section_size  }
0x9a: {  	s4 =	simm.s32 $_size__tile_overlayer_lowered;
	s5 =	simm.s32 $_tile_overlayer_lowered  }
0x9b: {  	s22 =	simm.s32 $0x1BFF;
	s21 =	sshll.u32 s5, $0x1;
	s2 =	sadd.s32 s19, s18  }
0x9c: {  	s6 =	simm.s32 $0x0;
	s20 =	sshll.u32 s4, $0x1;
	s4 =	sadd.s32 s21, s2  }
0x9d: {  	[timem:s6], [sflag:s22] =	dma.local [hbm:s4], s20  }
0x9e: {  	_ =	swait.ge [sflag:s22], s20  }
0x9f: {  	s3 =	ssub.s32 $0x0, s20;
	[sflag:s22] =	ssyncset.done $0x0  }
0xa0: {  	[sflag:s22] =	ssyncadd.s32 s3;
	_ =	sdelay $0x1  }
0xa1: {  	s23 =	simm.s32 $0x1B8B  }
0xa2: {  	_ =	swait.ge [sflag:s23], $0x1  }
0xa3: {  	[sflag:s23] =	ssyncset.done $0x0  }
0xa4: {  	s25 =	simm.s32 $0x1B8E;
	s24 =	sld [smem:$0x3FFE];
	[sflag:s23] =	ssyncadd.s32 $0xFFFFFFFF  }
0xa5: {  	s26 =	simm.s32 $execute0_lowered;
	[smem:$0x3FD2] =	sst s25  }
0xa6: {  	s4 =	sshll.u32 s26, $0x1;
	_ =	strace $0x80000046;
	[dreg:$0x1] =	wrdreg $0xFFFFFFFF  }
0xa7: {  	s28 =	simm.s32 $_size_execute0_lowered;
	s2 =	sadd.s32 s2, s4;
	[dreg:$0x0] =	wrdreg $0x0  }
0xa8: {  	s4 =	sshll.u32 s28, $0x1;
	[dreg:$0x2] =	wrdreg s2  }
0xa9: {  	[dreg:$0x3] =	wrdreg s4  }
0xaa: {  	[dreg:$0x4] =	wrdreg $0xC0  }
0xab: {  	_ =	task [dreg:s6], $0x5FFFF  }
0xac: {  	[dreg:$0x1] =	wrdreg $0xFFFFFFFF  }
0xad: {  	[dreg:$0x0] =	wrdreg $0x60  }
0xae: {  	[dreg:$0x2] =	wrdreg s24  }
0xaf: {  	[dreg:$0x3] =	wrdreg $0x15CC00  }
0xb0: {  	[dreg:$0x4] =	wrdreg $0x150800  }
0xb1: {  	[dreg:$0x5] =	wrdreg $0x9  }
0xb2: {  	_ =	task.clear_ibuf [dreg:s6], $0x6FFFF;
	_ =	strace $0x90000046  }
0xb3: {  	s29 =	simm.s32 $0x9;
	_ =	strace $0x80000048  }
0xb4: {  	_ =	swait.ge [sflag:s29], $0x1  }
0xb5: {  	[sflag:s29] =	ssyncadd.s32 $0xFFFFFFFF  }
0xb6: {  	_ =	strace $0x90000048  }
0xb7: {  	_ =	sfence  }
0xb8: {  	s30 =	sld [smem:$0x0];
	_ =	sdelay $0x2  }
0xb9: {  	s31 =	sshll.u32 s1, $0xD;
	s1 =	sshrl.u32 s1, $0x2  }
0xba: {  	s3 =	sand.u32 $0x4000, s31;
	s1 =	sadd.s32 s1, s30  }
0xbb: {  	s0 =	sor.u32 s3, s0;
	s1 =	sshll.u32 s1, $0x11  }
0xbc: {  	s0 =	sor.u32 s1, s0  }
0xbd: {  	s0 =	sadd.s32 $0x8F2B, s0  }
0xbe: {  	[sflag:s0] =	ssyncadd.remote.s32 $0x1  }
0xbf: {  	_ =	sfence.sel $0xFFFF  }
0xc0: {  	[dreg:$0x0] =	wrdreg $0xFFFFFFFF;
	(pc) =	sbr.abs _section_cstart, $3  }
0xc1: {  	[dreg:$0x1] =	wrdreg $0xFFFFFFFF  }
0xc2: {  	_ =	task.clear_ibuf [dreg:s6], $0x2FFFF;
	_ =	strace $0x9FFFFFFF  }
0xc3: {  	(tm) =	ssettm $0x7FFFFFFF  }
tec
execute0_lowered:
.L_overlay_start_1:
0x0: {  	(tag) =	ssettag $0x1  }
0x1: {  	s1 =	srdreg.scid  }
0x2: {  	s0 =	stileid.u32;
	s5 =	rddreg [dreg:$0x0]  }
0x3: {  	s2 =	rddreg [dreg:$0x1];
	s29 =	simm.s32 $0x12900;
	s31 =	simm.s32 $0x12980  }
0x4: {  	s18 =	simm.s32 $0x3;
	s28 =	simm.s32 $0x5;
	s30 =	simm.s32 $0x6  }
0x5: {  	s1 =	sand.u32 $0x1, s1;
	s3 =	sshll.u32 s0, $0x1;
	s8 =	smul.u32 $0x1880, s0  }
0x6: {  	s9 =	sshll.u32 s0, $0x7;
	s10 =	smul.u32 $0xC40, s0;
	s4 =	sor.u32 s1, s3  }
0x7: {  	s3 =	rddreg [dreg:$0x2];
	s7 =	smul.u32 $0xC400, s1;
	s12 =	ssub.s32 $0x2, s1  }
0x8: {  	s13 =	smul.u32 $0x18800, s1;
	s16 =	sadd.s32 s9, s2;
	p0 =	sne.s32 s1, $0x0  }
0x9: {  	s1 =	simm.s32 $0x2;
	s6 =	smul.u32 $0xC80, s4;
	s4 =	simm.s32 $0x0  }
0xa: {  	s8 =	sadd.s32 s8, s5;
	s11 =	sshrl.u32 s10, $0x3;
	s19 =	sshrl.u32 s12, $0x1  }
0xb: {  	s20 =	sadd.s32 s10, s2;
	s22 =	sadd.s32 s10, s3;
	[smem:$0x7FF] =	sst s4  }
0xc: {  	s7 =	sadd.s32 s9, s7;
	s12 =	ssub.s32 s12, s19;
	s8 =	sadd.s32 $0x36400, s8  }
0xd: {  	s23 =	sshrl.u32 s13, $0x2;
	_ =	strace $0x80000047;
	[dreg:$0x4] =	wrdreg s8  }
0xe: {  	s19 =	simm.s32 $0x9;
	s6 =	sadd.s32 s6, s5;
	[dreg:$0x5] =	wrdreg s20  }
0xf: {  	s7 =	sshrl.u32 s7, $0x3;
	[dreg:$0x7] =	wrdreg s22;
	s25 =	smax.u32 s12, $0x1  }
0x10: {  	s26 =	sadd.s32 $0x6480, s23;
	s14 =	sadd.s32 $0x6500, s23;
	s15 =	sadd.s32 $0x6580, s23  }
0x11: {  	s20 =	simm.s32 $0x80;
	s22 =	simm.s32 $0x1;
	s7 =	sadd.s32 s7, s5  }
0x12: {  	s5 =	sadd.s32 s11, s5;
	s24 =	sadd.s32 $0x1BA00, s6;
	[dreg:$0xa] =	wrdreg s25  }
0x13: {  	s11 =	sadd.s32 $0x6400, s23;
	[dreg:$0xb] =	wrdreg s26;
	s25 =	simm.s32 $0x12800  }
0x14: {  	s26 =	simm.s32 $0x12880;
	s23 =	simm.s32 $0x4;
	s6 =	simm.s32 $0x8  }
0x15: {  	s21 =	sadd.s32 $0x34A00, s5;
	s5 =	sadd.s32 $0x51E00, s5;
	[dreg:$0x9] =	wrdreg s24  }
0x16: {  	s17 =	sadd.s32 $0x4EC00, s7;
	s24 =	simm.s32 $0x13780;
	[dreg:$0x6] =	wrdreg s21  }
0x17: {  	v0 =	vimm.f32 $1.000000000e+00;
	v1 =	vimm.f32 $0.0e+00;
	[dreg:$0x8] =	wrdreg s5;
	s21 =	simm.s32 $0x12A80;
	s5 =	simm.s32 $0x7  }
.LBB2_1:
0x18: {  	[tilespmem:$0x12A80] =	vst v0  }
0x19: {  	[tilespmem:$0x12A90] =	vst v0  }
0x1a: {  	[tilespmem:$0x12AA0] =	vst v0  }
0x1b: {  	[tilespmem:$0x12AB0] =	vst v0  }
0x1c: {  	[tilespmem:$0x12AC0] =	vst v0  }
0x1d: {  	[tilespmem:$0x12AD0] =	vst v0  }
0x1e: {  	[tilespmem:$0x12AE0] =	vst v0  }
0x1f: {  	[tilespmem:$0x12AF0] =	vst v0  }
0x20: {  	[tilespmem:$0x12A00] =	vst v1  }
0x21: {  	[tilespmem:$0x12A10] =	vst v1  }
0x22: {  	[tilespmem:$0x12A20] =	vst v1  }
0x23: {  	[tilespmem:$0x12A30] =	vst v1  }
0x24: {  	[tilespmem:$0x12A40] =	vst v1  }
0x25: {  	[tilespmem:$0x12A50] =	vst v1;
	s7 =	sadd.s32 $0x0, s0  }
0x26: {  	[tilespmem:$0x12A60] =	vst v1;
	p1 =	sgt.u32 s7, $0x187  }
0x27: {  	[tilespmem:$0x12A70] =	vst v1;
	s7 =	simm.s32 @!p1 $0x12A00;
	s10 =	simm.s32 @!p1 $0x9  }
0x28: {  	[spmem:s16] =	stream.linear.scatter @!p1 [tilespmem:s7], [sflag:$0x9], $0x80, $0x38;
	[tilespmem:$0x16900] =	vst v63  }
0x29: {  	s8 =	simm.s32 $0x10;
	_ =	swait.ge @!p1 [sflag:s10], $0x80  }
0x2a: {  	s9 =	simm.s32 $0x20;
	s7 =	sadd.s32 $0x800, s16;
	[sflag:s10] =	ssyncset.done @!p1 $0x0  }
.LBB2_2:
0x2b: {  	s12 =	sadd.s32 s8, s0;
	s8 =	smov.u32 s9;
	s9 =	sadd.s32 $0x10, s9  }
0x2c: {  	[sflag:s10] =	ssyncadd.s32 @!p1 $0xFFFFFF80;
	p2 =	sne.s32 s9, $0x190  }
.Ltmp0:
0x2d: {  	p1 =	sgt.u32 s12, $0x187;
	(pc) =	sbr.rel @p2 .LBB2_2-.Ltmp0, $4  }
0x2e: {  	s12 =	simm.s32 @!p1 $0x12A00;
	s10 =	simm.s32 @!p1 $0x9  }
0x2f: {  	[spmem:s7] =	stream.linear.scatter @!p1 [tilespmem:s12], [sflag:$0x9], $0x80, $0x38;
	[tilespmem:$0x16900] =	vst v63  }
0x30: {  	_ =	swait.ge @!p1 [sflag:s10], $0x80  }
0x31: {  	s7 =	sadd.s32 $0x800, s7;
	[sflag:s10] =	ssyncset.done @!p1 $0x0  }
0x32: {  	s8 =	sadd.s32 s8, s0  }
0x33: {  	p2 =	sgt.u32 s8, $0x187  }
0x34: {  	[sflag:s10] =	ssyncadd.s32 @!p1 $0xFFFFFF80;
	s8 =	simm.s32 @!p2 $0x12A00;
	s9 =	simm.s32 @!p2 $0x9  }
0x35: {  	[spmem:s7] =	stream.linear.scatter @!p2 [tilespmem:s8], [sflag:$0x9], $0x80, $0x38;
	[tilespmem:$0x16900] =	vst v63  }
0x36: {  	_ =	swait.ge @!p2 [sflag:s9], $0x80  }
0x37: {  	[sflag:s9] =	ssyncset.done @!p2 $0x0  }
0x38: {  	[sflag:s9] =	ssyncadd.s32 @!p2 $0xFFFFFF80  }
0x39: {  	[bflag:$0x0] =	sbarrier.arrive $0xFFFF  }
0x3a: {  	s10 =	simm.s32 $0x6400;
	s8 =	simm.s32 $0x0;
	s9 =	rddreg [dreg:$0x4]  }
0x3b: {  	[tilespmem:s10], [sflag:$0x9] =	stream.linear.gather [hbm4b:s9+s8], $0xC400, $0x38;
	[tilespmem:$0x16900] =	vst v63  }
0x3c: {  	_ =	swait.ge [sflag:s19], $0xC400  }
0x3d: {  	[sflag:s19] =	ssyncset.done $0x0  }
0x3e: {  	s12 =	simm.s32 $0x6400;
	[sflag:s19] =	ssyncadd.s32 $0xFFFF3C00  }
0x3f: {  	[spmem:s2] =	stream.indirect.scatter.add.f32 [tilespmem:s21], [sflag:$0x1], $0x1, s12, s20, $0xb8;
	[tilespmem:$0x16900] =	vst v63  }
0x40: {  	s13 =	simm.s32 $0x6480  }
0x41: {  	[spmem:s2] =	stream.indirect.scatter.add.f32 [tilespmem:s21], [sflag:$0x1], $0x1, s13, s20, $0xb8;
	[tilespmem:$0x16900] =	vst v63  }
0x42: {  	s8 =	simm.s32 $0x6500  }
0x43: {  	[spmem:s2] =	stream.indirect.scatter.add.f32 [tilespmem:s21], [sflag:$0x1], $0x1, s8, s20, $0xb8;
	[tilespmem:$0x16900] =	vst v63  }
0x44: {  	s9 =	simm.s32 $0x6580  }
0x45: {  	[spmem:s2] =	stream.indirect.scatter.add.f32 [tilespmem:s21], [sflag:$0x1], $0x1, s9, s20, $0xb8;
	[tilespmem:$0x16900] =	vst v63  }
0x46: {  	s10 =	simm.s32 $0x6600  }
0x47: {  	[spmem:s2] =	stream.indirect.scatter.add.f32 [tilespmem:s21], [sflag:$0x1], $0x1, s10, s20, $0xb8;
	[tilespmem:$0x16900] =	vst v63  }
0x48: {  	s12 =	simm.s32 $0x6680  }
0x49: {  	[spmem:s2] =	stream.indirect.scatter.add.f32 [tilespmem:s21], [sflag:$0x1], $0x1, s12, s20, $0xb8;
	[tilespmem:$0x16900] =	vst v63  }
0x4a: {  	s13 =	simm.s32 $0x6700  }
0x4b: {  	[spmem:s2] =	stream.indirect.scatter.add.f32 [tilespmem:s21], [sflag:$0x1], $0x1, s13, s20, $0xb8;
	[tilespmem:$0x16900] =	vst v63  }
0x4c: {  	_ =	swait.ge [sflag:s22], $0x80  }
0x4d: {  	[sflag:s22] =	ssyncset.done $0x0  }
0x4e: {  	[sflag:s22] =	ssyncadd.s32 $0xFFFFFF80  }
0x4f: {  	_ =	swait.ge [sflag:s22], $0x80  }
0x50: {  	[sflag:s22] =	ssyncset.done $0x0  }
0x51: {  	[sflag:s22] =	ssyncadd.s32 $0xFFFFFF80  }
0x52: {  	_ =	swait.ge [sflag:s22], $0x80  }
0x53: {  	[sflag:s22] =	ssyncset.done $0x0  }
0x54: {  	[sflag:s22] =	ssyncadd.s32 $0xFFFFFF80  }
0x55: {  	_ =	swait.ge [sflag:s22], $0x80  }
0x56: {  	[sflag:s22] =	ssyncset.done $0x0  }
0x57: {  	[sflag:s22] =	ssyncadd.s32 $0xFFFFFF80  }
0x58: {  	_ =	swait.ge [sflag:s22], $0x80  }
0x59: {  	[sflag:s22] =	ssyncset.done $0x0  }
0x5a: {  	[sflag:s22] =	ssyncadd.s32 $0xFFFFFF80  }
0x5b: {  	_ =	swait.ge [sflag:s22], $0x80  }
0x5c: {  	[sflag:s22] =	ssyncset.done $0x0  }
0x5d: {  	[sflag:s22] =	ssyncadd.s32 $0xFFFFFF80  }
0x5e: {  	_ =	swait.ge [sflag:s22], $0x80  }
0x5f: {  	s9 =	simm.s32 $0x380;
	s10 =	simm.s32 $0x1C00;
	[sflag:s22] =	ssyncset.done $0x0  }
.LBB2_4:
0x60: {  	s12 =	sadd.s32 $0x6400, s9  }
0x61: {  	[sflag:s22] =	ssyncadd.s32 $0xFFFFFF80;
	s8 =	smov.u32 s10;
	s7 =	sadd.s32 $0xE00, s10  }
0x62: {  	[spmem:s2] =	stream.indirect.scatter.add.f32 [tilespmem:s21], [sflag:$0x1], $0x1, s12, s20, $0xb8;
	[tilespmem:$0x16900] =	vst v63  }
0x63: {  	p1 =	sne.s32 s10, $0x30200;
	s10 =	sadd.s32 $0x6480, s9  }
0x64: {  	[spmem:s2] =	stream.indirect.scatter.add.f32 [tilespmem:s21], [sflag:$0x1], $0x1, s10, s20, $0xb8;
	[tilespmem:$0x16900] =	vst v63  }
0x65: {  	s10 =	sadd.s32 $0x6500, s9  }
0x66: {  	[spmem:s2] =	stream.indirect.scatter.add.f32 [tilespmem:s21], [sflag:$0x1], $0x1, s10, s20, $0xb8;
	[tilespmem:$0x16900] =	vst v63  }
0x67: {  	s10 =	sadd.s32 $0x6580, s9  }
0x68: {  	[spmem:s2] =	stream.indirect.scatter.add.f32 [tilespmem:s21], [sflag:$0x1], $0x1, s10, s20, $0xb8;
	[tilespmem:$0x16900] =	vst v63  }
0x69: {  	s10 =	sadd.s32 $0x6600, s9  }
0x6a: {  	[spmem:s2] =	stream.indirect.scatter.add.f32 [tilespmem:s21], [sflag:$0x1], $0x1, s10, s20, $0xb8;
	[tilespmem:$0x16900] =	vst v63  }
0x6b: {  	s10 =	sadd.s32 $0x6680, s9  }
0x6c: {  	[spmem:s2] =	stream.indirect.scatter.add.f32 [tilespmem:s21], [sflag:$0x1], $0x1, s10, s20, $0xb8;
	[tilespmem:$0x16900] =	vst v63  }
0x6d: {  	s9 =	sadd.s32 $0x6700, s9  }
0x6e: {  	[spmem:s2] =	stream.indirect.scatter.add.f32 [tilespmem:s21], [sflag:$0x1], $0x1, s9, s20, $0xb8;
	[tilespmem:$0x16900] =	vst v63  }
0x6f: {  	_ =	swait.ge [sflag:s22], $0x80  }
0x70: {  	[sflag:s22] =	ssyncset.done $0x0  }
0x71: {  	[sflag:s22] =	ssyncadd.s32 $0xFFFFFF80  }
0x72: {  	_ =	swait.ge [sflag:s22], $0x80  }
0x73: {  	[sflag:s22] =	ssyncset.done $0x0  }
0x74: {  	[sflag:s22] =	ssyncadd.s32 $0xFFFFFF80  }
0x75: {  	_ =	swait.ge [sflag:s22], $0x80  }
0x76: {  	[sflag:s22] =	ssyncset.done $0x0  }
0x77: {  	[sflag:s22] =	ssyncadd.s32 $0xFFFFFF80  }
0x78: {  	_ =	swait.ge [sflag:s22], $0x80  }
0x79: {  	[sflag:s22] =	ssyncset.done $0x0  }
0x7a: {  	[sflag:s22] =	ssyncadd.s32 $0xFFFFFF80  }
0x7b: {  	_ =	swait.ge [sflag:s22], $0x80  }
0x7c: {  	[sflag:s22] =	ssyncset.done $0x0  }
0x7d: {  	[sflag:s22] =	ssyncadd.s32 $0xFFFFFF80  }
.Ltmp1:
0x7e: {  	_ =	swait.ge [sflag:s22], $0x80;
	(pc) =	sbr.rel @p1 .LBB2_4-.Ltmp1, $4  }
0x7f: {  	[sflag:s22] =	ssyncset.done $0x0  }
0x80: {  	[sflag:s22] =	ssyncadd.s32 $0xFFFFFF80  }
0x81: {  	_ =	swait.ge [sflag:s22], $0x80  }
0x82: {  	s10 =	smov.u32 s7;
	s9 =	sshra.s32 s8, $0x2;
	[sflag:s22] =	ssyncset.done $0x0  }
0x83: {  	s7 =	sadd.s32 $0x6400, s9;
	[sflag:s22] =	ssyncadd.s32 $0xFFFFFF80  }
0x84: {  	[spmem:s2] =	stream.indirect.scatter.add.f32 [tilespmem:s21], [sflag:$0x1], $0x1, s7, s20, $0xb8;
	[tilespmem:$0x16900] =	vst v63  }
0x85: {  	s8 =	sadd.s32 $0x6480, s9  }
0x86: {  	[spmem:s2] =	stream.indirect.scatter.add.f32 [tilespmem:s21], [sflag:$0x1], $0x1, s8, s20, $0xb8;
	[tilespmem:$0x16900] =	vst v63  }
0x87: {  	s10 =	sadd.s32 $0x6500, s9  }
0x88: {  	[spmem:s2] =	stream.indirect.scatter.add.f32 [tilespmem:s21], [sflag:$0x1], $0x1, s10, s20, $0xb8;
	[tilespmem:$0x16900] =	vst v63  }
0x89: {  	s12 =	sadd.s32 $0x6580, s9  }
0x8a: {  	[spmem:s2] =	stream.indirect.scatter.add.f32 [tilespmem:s21], [sflag:$0x1], $0x1, s12, s20, $0xb8;
	[tilespmem:$0x16900] =	vst v63  }
0x8b: {  	s13 =	sadd.s32 $0x6600, s9  }
0x8c: {  	[spmem:s2] =	stream.indirect.scatter.add.f32 [tilespmem:s21], [sflag:$0x1], $0x1, s13, s20, $0xb8;
	[tilespmem:$0x16900] =	vst v63  }
0x8d: {  	s8 =	sadd.s32 $0x6680, s9  }
0x8e: {  	[spmem:s2] =	stream.indirect.scatter.add.f32 [tilespmem:s21], [sflag:$0x1], $0x1, s8, s20, $0xb8;
	[tilespmem:$0x16900] =	vst v63  }
0x8f: {  	s9 =	sadd.s32 $0x6700, s9  }
0x90: {  	[spmem:s2] =	stream.indirect.scatter.add.f32 [tilespmem:s21], [sflag:$0x1], $0x1, s9, s20, $0xb8;
	[tilespmem:$0x16900] =	vst v63  }
0x91: {  	_ =	swait.ge [sflag:s22], $0x80  }
0x92: {  	[sflag:s22] =	ssyncset.done $0x0  }
0x93: {  	[sflag:s22] =	ssyncadd.s32 $0xFFFFFF80  }
0x94: {  	_ =	swait.ge [sflag:s22], $0x80  }
0x95: {  	[sflag:s22] =	ssyncset.done $0x0  }
0x96: {  	[sflag:s22] =	ssyncadd.s32 $0xFFFFFF80  }
0x97: {  	_ =	swait.ge [sflag:s22], $0x80  }
0x98: {  	[sflag:s22] =	ssyncset.done $0x0  }
0x99: {  	[sflag:s22] =	ssyncadd.s32 $0xFFFFFF80  }
0x9a: {  	_ =	swait.ge [sflag:s22], $0x80  }
0x9b: {  	[sflag:s22] =	ssyncset.done $0x0  }
0x9c: {  	[sflag:s22] =	ssyncadd.s32 $0xFFFFFF80  }
0x9d: {  	_ =	swait.ge [sflag:s22], $0x80  }
0x9e: {  	[sflag:s22] =	ssyncset.done $0x0  }
0x9f: {  	[sflag:s22] =	ssyncadd.s32 $0xFFFFFF80  }
0xa0: {  	_ =	swait.ge [sflag:s22], $0x80  }
0xa1: {  	[sflag:s22] =	ssyncset.done $0x0  }
0xa2: {  	[sflag:s22] =	ssyncadd.s32 $0xFFFFFF80  }
0xa3: {  	_ =	swait.ge [sflag:s22], $0x80  }
0xa4: {  	[sflag:s22] =	ssyncset.done $0x0  }
0xa5: {  	[sflag:s22] =	ssyncadd.s32 $0xFFFFFF80  }
0xa6: {  	[bflag:$0x0] =	sbarrier.arrive $0xFFFF  }
0xa7: {  	s8 =	simm.s32 $0x12B00;
	s10 =	rddreg [dreg:$0x5]  }
0xa8: {  	[tilespmem:s8], [sflag:$0x9] =	stream.linear.gather [spmem:s10], $0xC40, $0x38;
	[tilespmem:$0x16900] =	vst v63  }
0xa9: {  	_ =	swait.ge [sflag:s19], $0xC40  }
0xaa: {  	[sflag:s19] =	ssyncset.done $0x0  }
0xab: {  	s12 =	simm.s32 $0x0;
	s13 =	rddreg [dreg:$0x6];
	[sflag:s19] =	ssyncadd.s32 $0xFFFFF3C0  }
0xac: {  	[tilespmem:s24], [sflag:$0x9] =	stream.linear.gather [hbm4b:s13+s12], $0xC40, $0x38;
	[tilespmem:$0x16900] =	vst v63  }
0xad: {  	_ =	swait.ge [sflag:s19], $0xC40  }
0xae: {  	[sflag:s19] =	ssyncset.done $0x0  }
0xaf: {  	s12 =	simm.s32 $0x0;
	[sflag:s19] =	ssyncadd.s32 $0xFFFFF3C0  }
0xb0: {  	v2 =	vld [tilespmem:s12+$0x12B00];
	_ =	sdelay $0x4  }
0xb1: {  	v2 =	vadd.f32 $1.000000000e+00, v2  }
0xb2: {  	s9 =	simm.s32 $0x10  }
0xb3: {  	v3 =	vshra.s32 v2, $0x1;
	v4 =	vmul.f32 $5.000000000e-01, v2;
	v2 =	vld [tilespmem:s9+$0x12B00]  }
0xb4: {  	v5 =	vsub.s32 $0x5F3759DF, v3  }
0xb5: {  	v3 =	vmul.f32 v5, v4;
	_ =	sdelay $0x1  }
0xb6: {  	v3 =	vmul.f32 v5, v3  }
0xb7: {  	v2 =	vadd.f32 $1.000000000e+00, v2  }
0xb8: {  	v6 =	vsub.f32 $1.500000000e+00, v3  }
0xb9: {  	s8 =	simm.s32 $0x20;
	v7 =	vshra.s32 v2, $0x1;
	v3 =	vmul.f32 $5.000000000e-01, v2  }
0xba: {  	v2 =	vld [tilespmem:s8+$0x12B00];
	v5 =	vmul.f32 v5, v6;
	v6 =	vsub.s32 $0x5F3759DF, v7  }
0xbb: {  	v7 =	vmul.f32 v6, v3  }
0xbc: {  	v8 =	vmul.f32 v5, v4  }
0xbd: {  	v7 =	vmul.f32 v6, v7  }
0xbe: {  	v8 =	vmul.f32 v8, v5  }
0xbf: {  	v2 =	vadd.f32 $1.000000000e+00, v2;
	v7 =	vsub.f32 $1.500000000e+00, v7  }
0xc0: {  	s7 =	simm.s32 $0x30;
	v8 =	vsub.f32 $1.500000000e+00, v8  }
0xc1: {  	v9 =	vshra.s32 v2, $0x1;
	v2 =	vmul.f32 $5.000000000e-01, v2;
	v10 =	vmul.f32 v6, v7;
	v6 =	vld [tilespmem:s7+$0x12B00]  }
0xc2: {  	v7 =	vsub.s32 $0x5F3759DF, v9;
	v11 =	vmul.f32 v8, v5  }
0xc3: {  	v5 =	vmul.f32 v7, v2;
	v8 =	vmul.f32 v10, v3  }
0xc4: {  	v4 =	vmul.f32 v11, v4  }
0xc5: {  	v5 =	vmul.f32 v7, v5;
	v8 =	vmul.f32 v8, v10  }
0xc6: {  	v4 =	vmul.f32 v4, v11;
	v6 =	vadd.f32 $1.000000000e+00, v6  }
0xc7: {  	v5 =	vsub.f32 $1.500000000e+00, v5;
	v12 =	vsub.f32 $1.500000000e+00, v8;
	v8 =	vld [tilespmem:s12+$0x13780]  }
0xc8: {  	v13 =	vsub.f32 $1.500000000e+00, v4  }
0xc9: {  	s10 =	simm.s32 $0x40;
	v14 =	vshra.s32 v6, $0x1;
	v4 =	vmul.f32 $5.000000000e-01, v6;
	v9 =	vmul.f32 v7, v5  }
0xca: {  	s13 =	simm.s32 $0x140;
	v7 =	vld [tilespmem:s10+$0x12B00];
	v6 =	vsub.s32 $0x5F3759DF, v14;
	v5 =	vmul.f32 v12, v10;
	v10 =	vmul.f32 v13, v11  }
.LBB2_6:
0xcb: {  	p1 =	sne.s32 s13, $0x30C0;
	v11 =	vmul.f32 v6, v4;
	v12 =	vmul.f32 v9, v2;
	v13 =	vmov v9  }
0xcc: {  	v9 =	vmul.f32 v5, v3;
	[tilespmem:s12+$0x14400] =	vst v10;
	v8 =	vmul.f32 v10, v8;
	v3 =	vmovc v2;
	v2 =	vmov v4  }
0xcd: {  	v4 =	vmul.f32 v6, v11  }
.Ltmp2:
0xce: {  	v10 =	vmul.f32 v12, v13;
	v9 =	vmul.f32 v9, v5;
	[tilespmem:s12+$0x13780] =	vst v8;
	s12 =	smov.u32 s9;
	s9 =	smov.u32 s8;
	(pc) =	sbr.rel @p1 .LBB2_6-.Ltmp2, $4  }
0xcf: {  	s8 =	smov.u32 s7;
	s7 =	smov.u32 s10;
	v7 =	vadd.f32 $1.000000000e+00, v7;
	v11 =	vsub.f32 $1.500000000e+00, v4;
	v8 =	vld [tilespmem:s12+$0x13780]  }
0xd0: {  	v12 =	vsub.f32 $1.500000000e+00, v10;
	v10 =	vsub.f32 $1.500000000e+00, v9  }
0xd1: {  	s10 =	sshra.s32 s13, $0x2;
	v14 =	vshra.s32 v7, $0x1;
	v4 =	vmul.f32 $5.000000000e-01, v7;
	v9 =	vmul.f32 v6, v11  }
0xd2: {  	s13 =	sadd.s32 $0x40, s13;
	v7 =	vld [tilespmem:s10+$0x12B00];
	v6 =	vsub.s32 $0x5F3759DF, v14;
	v10 =	vmul.f32 v10, v5;
	v5 =	vmul.f32 v12, v13  }
0xd3: {  	v11 =	vmul.f32 v6, v4;
	v12 =	vmul.f32 v9, v2  }
0xd4: {  	v3 =	vmul.f32 v5, v3;
	v8 =	vmul.f32 v10, v8  }
0xd5: {  	[tilespmem:s12+$0x14400] =	vst v10;
	v47 =	vmul.f32 v6, v11  }
0xd6: {  	v48 =	vmul.f32 v12, v9;
	v3 =	vmul.f32 v3, v5;
	[tilespmem:s12+$0x13780] =	vst v8  }
0xd7: {  	v7 =	vadd.f32 $1.000000000e+00, v7;
	v49 =	vsub.f32 $1.500000000e+00, v47;
	v50 =	vld [tilespmem:s9+$0x13780]  }
0xd8: {  	v11 =	vsub.f32 $1.500000000e+00, v48;
	v3 =	vsub.f32 $1.500000000e+00, v3  }
0xd9: {  	v51 =	vshra.s32 v7, $0x1;
	v7 =	vmul.f32 $5.000000000e-01, v7;
	v52 =	vmul.f32 v6, v49  }
0xda: {  	v54 =	vmul.f32 v11, v9;
	v53 =	vsub.s32 $0x5F3759DF, v51;
	v3 =	vmul.f32 v3, v5  }
0xdb: {  	v55 =	vmul.f32 v53, v7;
	v56 =	vmul.f32 v52, v4  }
0xdc: {  	v2 =	vmul.f32 v54, v2;
	v10 =	vmul.f32 v3, v50  }
0xdd: {  	[tilespmem:s9+$0x14400] =	vst v3;
	v3 =	vmul.f32 v53, v55  }
0xde: {  	v57 =	vmul.f32 v56, v52;
	v2 =	vmul.f32 v2, v54;
	[tilespmem:s9+$0x13780] =	vst v10  }
0xdf: {  	v3 =	vsub.f32 $1.500000000e+00, v3;
	v10 =	vld [tilespmem:s8+$0x13780]  }
0xe0: {  	v5 =	vsub.f32 $1.500000000e+00, v57;
	v2 =	vsub.f32 $1.500000000e+00, v2  }
0xe1: {  	v3 =	vmul.f32 v53, v3  }
0xe2: {  	v5 =	vmul.f32 v5, v52;
	v2 =	vmul.f32 v2, v54  }
0xe3: {  	v58 =	vmul.f32 v3, v7  }
0xe4: {  	v59 =	vmul.f32 v5, v4;
	v60 =	vmul.f32 v2, v10  }
0xe5: {  	[tilespmem:s8+$0x14400] =	vst v2  }
0xe6: {  	v2 =	vmul.f32 v58, v3;
	v4 =	vmul.f32 v59, v5;
	[tilespmem:s8+$0x13780] =	vst v60  }
0xe7: {  	v61 =	vld [tilespmem:s7+$0x13780]  }
0xe8: {  	v2 =	vsub.f32 $1.500000000e+00, v2;
	v4 =	vsub.f32 $1.500000000e+00, v4;
	_ =	sdelay $0x1  }
0xe9: {  	v2 =	vmul.f32 v2, v3;
	v3 =	vmul.f32 v4, v5;
	_ =	sdelay $0x1  }
0xea: {  	v62 =	vmul.f32 v2, v7;
	v5 =	vmul.f32 v3, v61  }
0xeb: {  	[tilespmem:s7+$0x14400] =	vst v3  }
0xec: {  	v3 =	vmul.f32 v62, v2;
	[tilespmem:s7+$0x13780] =	vst v5  }
0xed: {  	v63 =	vld [tilespmem:s10+$0x13780]  }
0xee: {  	v3 =	vsub.f32 $1.500000000e+00, v3;
	_ =	sdelay $0x1  }
0xef: {  	v2 =	vmul.f32 v3, v2;
	_ =	sdelay $0x1  }
0xf0: {  	v3 =	vmul.f32 v2, v63  }
0xf1: {  	[tilespmem:s10+$0x14400] =	vst v2  }
0xf2: {  	s13 =	rddreg [dreg:$0x7];
	[tilespmem:s10+$0x13780] =	vst v3  }
0xf3: {  	[spmem:s13] =	stream.linear.scatter [tilespmem:s24], [sflag:$0x9], $0xC40, $0x38;
	[tilespmem:$0x16900] =	vst v63  }
0xf4: {  	_ =	swait.ge [sflag:s19], $0xC40  }
0xf5: {  	s8 =	simm.s32 @!p0 $0x14400;
	[sflag:s19] =	ssyncset.done $0x0  }
0xf6: {  	s7 =	simm.s32 @!p0 $0x0;
	s9 =	rddreg [dreg:$0x8];
	[sflag:s19] =	ssyncadd.s32 $0xFFFFF3C0  }
0xf7: {  	[hbm4b:s9+s7] =	stream.linear.scatter @!p0 [tilespmem:s8], [sflag:$0x9], $0xC40, $0x38;
	[tilespmem:$0x16900] =	vst v63  }
0xf8: {  	s7 =	simm.s32 @!p0 $0x9  }
0xf9: {  	_ =	swait.ge @!p0 [sflag:s7], $0xC40  }
0xfa: {  	s24 =	sadd.s32 $0x0, s0;
	[sflag:s7] =	ssyncset.done @!p0 $0x0  }
0xfb: {  	p1 =	sgt.u32 s24, $0x187;
	[sflag:s7] =	ssyncadd.s32 @!p0 $0xFFFFF3C0  }
0xfc: {  	s10 =	simm.s32 @!p1 $0x9;
	s7 =	simm.s32 @!p1 $0x12A00;
	[bflag:$0x0] =	sbarrier.arrive $0xFFFF  }
0xfd: {  	[spmem:s16] =	stream.linear.scatter @!p1 [tilespmem:s7], [sflag:$0x9], $0x80, $0x38;
	[tilespmem:$0x16900] =	vst v63  }
0xfe: {  	s8 =	simm.s32 $0x10;
	_ =	swait.ge @!p1 [sflag:s10], $0x80  }
0xff: {  	s9 =	simm.s32 $0x20;
	s7 =	sadd.s32 $0x800, s16;
	[sflag:s10] =	ssyncset.done @!p1 $0x0  }
.LBB2_8:
0x100: {  	s12 =	sadd.s32 s8, s0;
	s8 =	smov.u32 s9;
	s9 =	sadd.s32 $0x10, s9  }
0x101: {  	[sflag:s10] =	ssyncadd.s32 @!p1 $0xFFFFFF80;
	p2 =	sne.s32 s9, $0x190  }
.Ltmp3:
0x102: {  	p1 =	sgt.u32 s12, $0x187;
	(pc) =	sbr.rel @p2 .LBB2_8-.Ltmp3, $4  }
0x103: {  	s12 =	simm.s32 @!p1 $0x12A00;
	s10 =	simm.s32 @!p1 $0x9  }
0x104: {  	[spmem:s7] =	stream.linear.scatter @!p1 [tilespmem:s12], [sflag:$0x9], $0x80, $0x38;
	[tilespmem:$0x16900] =	vst v63  }
0x105: {  	_ =	swait.ge @!p1 [sflag:s10], $0x80  }
0x106: {  	s7 =	sadd.s32 $0x800, s7;
	[sflag:s10] =	ssyncset.done @!p1 $0x0  }
0x107: {  	s8 =	sadd.s32 s8, s0  }
0x108: {  	p2 =	sgt.u32 s8, $0x187  }
0x109: {  	[sflag:s10] =	ssyncadd.s32 @!p1 $0xFFFFFF80;
	s8 =	simm.s32 @!p2 $0x12A00  }
0x10a: {  	[spmem:s7] =	stream.linear.scatter @!p2 [tilespmem:s8], [sflag:$0x9], $0x80, $0x38;
	[tilespmem:$0x16900] =	vst v63  }
0x10b: {  	s7 =	simm.s32 @!p2 $0x9  }
0x10c: {  	_ =	swait.ge @!p2 [sflag:s7], $0x80  }
0x10d: {  	[sflag:s7] =	ssyncset.done @!p2 $0x0  }
0x10e: {  	[sflag:s7] =	ssyncadd.s32 @!p2 $0xFFFFFF80  }
0x10f: {  	[bflag:$0x0] =	sbarrier.arrive $0xFFFF  }
0x110: {  	s13 =	simm.s32 $0x0;
	s24 =	rddreg [dreg:$0x9]  }
0x111: {  	[tilespmem:s13], [sflag:$0x9] =	stream.linear.gather [hbm4b:s24+s13], $0x6200, $0x38;
	[tilespmem:$0x16900] =	vst v63  }
0x112: {  	_ =	swait.ge [sflag:s19], $0x6200  }
0x113: {  	[sflag:s19] =	ssyncset.done $0x0  }
0x114: {  	[sflag:s19] =	ssyncadd.s32 $0xFFFF9E00  }
0x115: {  	[tilespmem:s25], [sflag:$0x1] =	stream.indirect.gather [spmem:s3], $0x1, s13, s20, $0xb8;
	[tilespmem:$0x16900] =	vst v63  }
0x116: {  	_ = 	snop  }
0x117: {  	[tilespmem:s26], [sflag:$0x2] =	stream.indirect.gather [spmem:s3], $0x1, s20, s20, $0xb8;
	[tilespmem:$0x16900] =	vst v63  }
0x118: {  	s9 =	simm.s32 $0x100  }
0x119: {  	[tilespmem:s29], [sflag:$0x3] =	stream.indirect.gather [spmem:s3], $0x1, s9, s20, $0xb8;
	[tilespmem:$0x16900] =	vst v63  }
0x11a: {  	s10 =	simm.s32 $0x180  }
0x11b: {  	[tilespmem:s31], [sflag:$0x4] =	stream.indirect.gather [spmem:s3], $0x1, s10, s20, $0xb8;
	[tilespmem:$0x16900] =	vst v63  }
0x11c: {  	_ =	swait.ge [sflag:s22], $0x80  }
0x11d: {  	[sflag:s22] =	ssyncset.done $0x0  }
0x11e: {  	[sflag:s22] =	ssyncadd.s32 $0xFFFFFF80  }
0x11f: {  	[spmem:s2] =	stream.indirect.scatter.add.f32 [tilespmem:s25], [sflag:$0x5], $0x1, s11, s20, $0xb8;
	[tilespmem:$0x16900] =	vst v63  }
0x120: {  	_ =	swait.ge [sflag:s1], $0x80  }
0x121: {  	[sflag:s1] =	ssyncset.done $0x0  }
0x122: {  	s12 =	rddreg [dreg:$0xb];
	[sflag:s1] =	ssyncadd.s32 $0xFFFFFF80  }
0x123: {  	[spmem:s2] =	stream.indirect.scatter.add.f32 [tilespmem:s26], [sflag:$0x6], $0x1, s12, s20, $0xb8;
	[tilespmem:$0x16900] =	vst v63  }
0x124: {  	_ =	swait.ge [sflag:s18], $0x80  }
0x125: {  	[sflag:s18] =	ssyncset.done $0x0  }
0x126: {  	[sflag:s18] =	ssyncadd.s32 $0xFFFFFF80  }
0x127: {  	[spmem:s2] =	stream.indirect.scatter.add.f32 [tilespmem:s29], [sflag:$0x7], $0x1, s14, s20, $0xb8;
	[tilespmem:$0x16900] =	vst v63  }
0x128: {  	_ =	swait.ge [sflag:s23], $0x80  }
0x129: {  	[sflag:s23] =	ssyncset.done $0x0  }
0x12a: {  	[sflag:s23] =	ssyncadd.s32 $0xFFFFFF80  }
0x12b: {  	[spmem:s2] =	stream.indirect.scatter.add.f32 [tilespmem:s31], [sflag:$0x8], $0x1, s15, s20, $0xb8;
	[tilespmem:$0x16900] =	vst v63  }
0x12c: {  	_ =	swait.ge [sflag:s28], $0x80  }
0x12d: {  	[sflag:s28] =	ssyncset.done $0x0  }
0x12e: {  	s13 =	simm.s32 $0x200;
	[sflag:s28] =	ssyncadd.s32 $0xFFFFFF80  }
0x12f: {  	[tilespmem:s25], [sflag:$0x1] =	stream.indirect.gather [spmem:s3], $0x1, s13, s20, $0xb8;
	[tilespmem:$0x16900] =	vst v63  }
0x130: {  	_ =	swait.ge [sflag:s30], $0x80  }
0x131: {  	[sflag:s30] =	ssyncset.done $0x0  }
0x132: {  	s24 =	simm.s32 $0x280;
	[sflag:s30] =	ssyncadd.s32 $0xFFFFFF80  }
0x133: {  	[tilespmem:s26], [sflag:$0x2] =	stream.indirect.gather [spmem:s3], $0x1, s24, s20, $0xb8;
	[tilespmem:$0x16900] =	vst v63  }
0x134: {  	_ =	swait.ge [sflag:s5], $0x80  }
0x135: {  	[sflag:s5] =	ssyncset.done $0x0  }
0x136: {  	s8 =	simm.s32 $0x300;
	[sflag:s5] =	ssyncadd.s32 $0xFFFFFF80  }
0x137: {  	[tilespmem:s29], [sflag:$0x3] =	stream.indirect.gather [spmem:s3], $0x1, s8, s20, $0xb8;
	[tilespmem:$0x16900] =	vst v63  }
0x138: {  	_ =	swait.ge [sflag:s6], $0x80  }
0x139: {  	[sflag:s6] =	ssyncset.done $0x0  }
0x13a: {  	s9 =	simm.s32 $0x380;
	[sflag:s6] =	ssyncadd.s32 $0xFFFFFF80  }
0x13b: {  	[tilespmem:s31], [sflag:$0x4] =	stream.indirect.gather [spmem:s3], $0x1, s9, s20, $0xb8;
	[tilespmem:$0x16900] =	vst v63  }
0x13c: {  	_ =	swait.ge [sflag:s22], $0x80  }
0x13d: {  	s10 =	sadd.s32 $0x0, s11;
	[sflag:s22] =	ssyncset.done $0x0  }
0x13e: {  	s12 =	sadd.s32 $0x200, s10;
	[sflag:s22] =	ssyncadd.s32 $0xFFFFFF80  }
0x13f: {  	[spmem:s2] =	stream.indirect.scatter.add.f32 [tilespmem:s25], [sflag:$0x5], $0x1, s12, s20, $0xb8;
	[tilespmem:$0x16900] =	vst v63  }
0x140: {  	_ =	swait.ge [sflag:s1], $0x80  }
0x141: {  	[sflag:s1] =	ssyncset.done $0x0  }
0x142: {  	s13 =	sadd.s32 $0x280, s10;
	[sflag:s1] =	ssyncadd.s32 $0xFFFFFF80  }
0x143: {  	[spmem:s2] =	stream.indirect.scatter.add.f32 [tilespmem:s26], [sflag:$0x6], $0x1, s13, s20, $0xb8;
	[tilespmem:$0x16900] =	vst v63  }
0x144: {  	_ =	swait.ge [sflag:s18], $0x80  }
0x145: {  	[sflag:s18] =	ssyncset.done $0x0  }
0x146: {  	s24 =	sadd.s32 $0x300, s10;
	[sflag:s18] =	ssyncadd.s32 $0xFFFFFF80  }
0x147: {  	[spmem:s2] =	stream.indirect.scatter.add.f32 [tilespmem:s29], [sflag:$0x7], $0x1, s24, s20, $0xb8;
	[tilespmem:$0x16900] =	vst v63  }
0x148: {  	_ =	swait.ge [sflag:s23], $0x80  }
0x149: {  	[sflag:s23] =	ssyncset.done $0x0  }
0x14a: {  	s7 =	simm.s32 $0x800;
	s8 =	sadd.s32 $0x380, s10;
	[sflag:s23] =	ssyncadd.s32 $0xFFFFFF80  }
.LBB2_10:
0x14b: {  	[spmem:s2] =	stream.indirect.scatter.add.f32 [tilespmem:s31], [sflag:$0x8], $0x1, s8, s20, $0xb8;
	[tilespmem:$0x16900] =	vst v63  }
0x14c: {  	s8 =	smov.u32 s7  }
0x14d: {  	p1 =	sne.s32 s7, $0x17800;
	s7 =	sadd.s32 $0x800, s7;
	_ =	swait.ge [sflag:s28], $0x80  }
0x14e: {  	s9 =	sshra.s32 s8, $0x2;
	[sflag:s28] =	ssyncset.done $0x0  }
0x14f: {  	s10 =	sadd.s32 $0x200, s9;
	s8 =	sadd.s32 s9, s11;
	[sflag:s28] =	ssyncadd.s32 $0xFFFFFF80  }
0x150: {  	[tilespmem:s25], [sflag:$0x1] =	stream.indirect.gather [spmem:s3], $0x1, s10, s20, $0xb8;
	[tilespmem:$0x16900] =	vst v63  }
0x151: {  	_ =	swait.ge [sflag:s30], $0x80  }
0x152: {  	[sflag:s30] =	ssyncset.done $0x0  }
0x153: {  	s10 =	sadd.s32 $0x280, s9;
	[sflag:s30] =	ssyncadd.s32 $0xFFFFFF80  }
0x154: {  	[tilespmem:s26], [sflag:$0x2] =	stream.indirect.gather [spmem:s3], $0x1, s10, s20, $0xb8;
	[tilespmem:$0x16900] =	vst v63  }
0x155: {  	_ =	swait.ge [sflag:s5], $0x80  }
0x156: {  	[sflag:s5] =	ssyncset.done $0x0  }
0x157: {  	s10 =	sadd.s32 $0x300, s9;
	[sflag:s5] =	ssyncadd.s32 $0xFFFFFF80  }
0x158: {  	[tilespmem:s29], [sflag:$0x3] =	stream.indirect.gather [spmem:s3], $0x1, s10, s20, $0xb8;
	[tilespmem:$0x16900] =	vst v63  }
0x159: {  	_ =	swait.ge [sflag:s6], $0x80  }
0x15a: {  	[sflag:s6] =	ssyncset.done $0x0  }
0x15b: {  	s9 =	sadd.s32 $0x380, s9;
	[sflag:s6] =	ssyncadd.s32 $0xFFFFFF80  }
0x15c: {  	[tilespmem:s31], [sflag:$0x4] =	stream.indirect.gather [spmem:s3], $0x1, s9, s20, $0xb8;
	[tilespmem:$0x16900] =	vst v63  }
0x15d: {  	_ =	swait.ge [sflag:s22], $0x80  }
0x15e: {  	[sflag:s22] =	ssyncset.done $0x0  }
0x15f: {  	s9 =	sadd.s32 $0x200, s8;
	[sflag:s22] =	ssyncadd.s32 $0xFFFFFF80  }
0x160: {  	[spmem:s2] =	stream.indirect.scatter.add.f32 [tilespmem:s25], [sflag:$0x5], $0x1, s9, s20, $0xb8;
	[tilespmem:$0x16900] =	vst v63  }
0x161: {  	_ =	swait.ge [sflag:s1], $0x80  }
0x162: {  	[sflag:s1] =	ssyncset.done $0x0  }
0x163: {  	s9 =	sadd.s32 $0x280, s8;
	[sflag:s1] =	ssyncadd.s32 $0xFFFFFF80  }
0x164: {  	[spmem:s2] =	stream.indirect.scatter.add.f32 [tilespmem:s26], [sflag:$0x6], $0x1, s9, s20, $0xb8;
	[tilespmem:$0x16900] =	vst v63  }
0x165: {  	_ =	swait.ge [sflag:s18], $0x80  }
0x166: {  	[sflag:s18] =	ssyncset.done $0x0  }
.Ltmp4:
0x167: {  	s9 =	sadd.s32 $0x300, s8;
	[sflag:s18] =	ssyncadd.s32 $0xFFFFFF80;
	(pc) =	sbr.rel @p1 .LBB2_10-.Ltmp4, $4  }
0x168: {  	[spmem:s2] =	stream.indirect.scatter.add.f32 [tilespmem:s29], [sflag:$0x7], $0x1, s9, s20, $0xb8;
	[tilespmem:$0x16900] =	vst v63  }
0x169: {  	_ =	swait.ge [sflag:s23], $0x80  }
0x16a: {  	[sflag:s23] =	ssyncset.done $0x0  }
0x16b: {  	s8 =	sadd.s32 $0x380, s8;
	[sflag:s23] =	ssyncadd.s32 $0xFFFFFF80  }
0x16c: {  	[spmem:s2] =	stream.indirect.scatter.add.f32 [tilespmem:s31], [sflag:$0x8], $0x1, s8, s20, $0xb8;
	[tilespmem:$0x16900] =	vst v63  }
0x16d: {  	_ =	swait.ge [sflag:s28], $0x80  }
0x16e: {  	[sflag:s28] =	ssyncset.done $0x0  }
0x16f: {  	[sflag:s28] =	ssyncadd.s32 $0xFFFFFF80  }
0x170: {  	_ =	swait.ge [sflag:s30], $0x80  }
0x171: {  	[sflag:s30] =	ssyncset.done $0x0  }
0x172: {  	[sflag:s30] =	ssyncadd.s32 $0xFFFFFF80  }
0x173: {  	_ =	swait.ge [sflag:s5], $0x80  }
0x174: {  	[sflag:s5] =	ssyncset.done $0x0  }
0x175: {  	[sflag:s5] =	ssyncadd.s32 $0xFFFFFF80  }
0x176: {  	s7 =	sadd.s32 $0x0, s0;
	_ =	swait.ge [sflag:s6], $0x80  }
0x177: {  	p1 =	sgt.u32 s7, $0x187;
	[sflag:s6] =	ssyncset.done $0x0  }
0x178: {  	s7 =	sshll.u32 @!p1 s0, $0x6;
	s8 =	sshrl.u32 @!p1 s16, $0x3;
	[sflag:s6] =	ssyncadd.s32 $0xFFFFFF80  }
0x179: {  	s10 =	simm.s32 @!p1 $0x9;
	s7 =	sor.u32 @!p1 $0x1C09, s7;
	[bflag:$0x0] =	sbarrier.arrive $0xFFFF  }
0x17a: {  	[hbm:s17], [sflag:s7] =	dma.local @!p1 [spmem:s8], $0x10  }
0x17b: {  	s9 =	simm.s32 $0x20;
	s12 =	sadd.s32 $0x10, s0;
	_ =	swait.ge @!p1 [sflag:s10], $0x10  }
0x17c: {  	s7 =	sadd.s32 $0x800, s16;
	s8 =	sadd.s32 $0x100, s17;
	[sflag:s10] =	ssyncset.done @!p1 $0x0  }
.LBB2_12:
0x17d: {  	[sflag:s10] =	ssyncadd.s32 @!p1 $0xFFFFFFF0  }
0x17e: {  	p1 =	sgt.u32 s12, $0x187;
	s12 =	smov.u32 s9;
	s9 =	sadd.s32 $0x10, s9  }
0x17f: {  	p2 =	sne.s32 s9, $0x190  }
.Ltmp5:
0x180: {  	s10 =	sshll.u32 @!p1 s0, $0x6;
	s13 =	sshrl.u32 @!p1 s7, $0x3;
	(pc) =	sbr.rel @p2 .LBB2_12-.Ltmp5, $4  }
0x181: {  	s24 =	sor.u32 @!p1 $0x1C09, s10;
	s10 =	simm.s32 @!p1 $0x9  }
0x182: {  	[hbm:s8], [sflag:s24] =	dma.local @!p1 [spmem:s13], $0x10  }
0x183: {  	s7 =	sadd.s32 $0x800, s7;
	_ =	swait.ge @!p1 [sflag:s10], $0x10  }
0x184: {  	s12 =	sadd.s32 s12, s0;
	s8 =	sadd.s32 $0x100, s8;
	[sflag:s10] =	ssyncset.done @!p1 $0x0  }
0x185: {  	p2 =	sgt.u32 s12, $0x187  }
0x186: {  	[sflag:s10] =	ssyncadd.s32 @!p1 $0xFFFFFFF0;
	s9 =	sshll.u32 @!p2 s0, $0x6  }
0x187: {  	s7 =	sshrl.u32 @!p2 s7, $0x3;
	s10 =	simm.s32 @!p2 $0x9;
	s9 =	sor.u32 @!p2 $0x1C09, s9  }
0x188: {  	[hbm:s8], [sflag:s9] =	dma.local @!p2 [spmem:s7], $0x10  }
0x189: {  	_ =	swait.ge @!p2 [sflag:s10], $0x10  }
0x18a: {  	s4 =	sadd.s32 $0x1, s4;
	s24 =	rddreg [dreg:$0xa]  }
0x18b: {  	p1 =	sne.s32 s4, s24  }
.Ltmp6:
0x18c: {  	_ = 	snop;
	(pc) =	sbr.rel @p1 .LBB2_1-.Ltmp6, $3  }
0x18d: {  	_ =	sdelay $0x1  }
0x18e: {  	[sflag:s10] =	ssyncset.done @!p2 $0x0  }
0x18f: {  	[sflag:s10] =	ssyncadd.s32 @!p2 $0xFFFFFFF0;
	s24 =	simm.s32 $0x13780  }
0x190: {  	_ =	sfence.sel $0x180000  }
0x191: {  	[bflag:$0x0] =	sbarrier.arrive $0xFFFF  }
0x192: {  	_ =	strace $0x90000047  }
0x193: {  	[bflag:$0x2] =	sbarrier.arrive $0xFFFF  }
0x194: {  	p0 =	sne.s32 s0, $0x0;
	s0 =	rddreg [dreg:$0x3]  }
0x195: {  	s0 =	sadd.s32 @!p0 $0x100000, s0  }
0x196: {  	[sflag:s0] =	ssyncadd.tile.s32 @!p0 $0x1;
	_ =	shalt  }
.Lfunc_end2:
_tile_overlayer_lowered:
.L_overlay_start_2:
0x197: {  	(tag) =	ssettag $0x2  }
0x198: {  	s0 =	rddreg [dreg:$0x0];
	s2 =	stileid.u32  }
0x199: {  	s1 =	rddreg [dreg:$0x1];
	p0 =	sne.s32 s2, $0x0  }
0x19a: {  	s3 =	rddreg [dreg:$0x2];
	[bflag:$0x3] =	sbarrier.arrive $0xFFFF;
	s2 =	simm.s32 @!p0 $0x1C09  }
0x19b: {  	[timem:s3], [sflag:s2] =	dma.local @!p0 [hbm:s0], s1  }
0x19c: {  	s0 =	simm.s32 @!p0 $0x9  }
0x19d: {  	_ =	swait.ge @!p0 [sflag:s0], s1  }
0x19e: {  	s1 =	ssub.s32 @!p0 $0x0, s1;
	[sflag:s0] =	ssyncset.done @!p0 $0x0  }
0x19f: {  	[sflag:s0] =	ssyncadd.s32 @!p0 s1  }
0x1a0: {  	[bflag:$0x3] =	sbarrier.arrive $0xFFFF  }
0x1a1: {  	_ =	shalt  }

// kernel: kernel.9.cloned.1.call-start
scs
__scs_entry_jumppad:
0x0: {  	(pc) =	sbr.rel $0x88, $3  }
0x1: {  	(tag) =	ssettag $0x0;
	lr =	simm.s32 $0x1  }
0x2: {  	[smem:$0x3F98] =	sst lr;
	_ =	strace $0xD0000000  }
0x3: {  	_ = 	snop  }
0x4: {  	_ = 	snop  }
0x5: {  	_ = 	snop  }
0x6: {  	_ = 	snop  }
0x7: {  	_ = 	snop  }
__scs_overlays_trampoline_lowered:
0x8: {  	[smem:$0x3FA7] =	sst s0  }
0x9: {  	[smem:$0x3FA8] =	sst s1  }
0xa: {  	[smem:$0x3FA9] =	sst s2  }
0xb: {  	[smem:$0x3FAA] =	sst s3  }
0xc: {  	[smem:$0x3FAB] =	sst s4  }
0xd: {  	[smem:$0x3FAC] =	sst s5  }
0xe: {  	[smem:$0x3FAD] =	sst s6  }
0xf: {  	[smem:$0x3FAE] =	sst s7  }
0x10: {  	[smem:$0x3FAF] =	sst s8  }
0x11: {  	[smem:$0x3FB0] =	sst s9;
	s0 =	simm.s32 @!p0 $0x0  }
0x12: {  	s1 =	sld [smem:$0x3F96];
	s0 =	simm.s32 @p0 $0x1  }
0x13: {  	[smem:$0x3FB1] =	sst s0;
	s0 =	simm.s32 @!p1 $0x0  }
0x14: {  	s2 =	sld [smem:$0x3F95];
	s0 =	simm.s32 @p1 $0x1  }
0x15: {  	[smem:$0x3FB2] =	sst s0;
	s0 =	simm.s32 @!p2 $0x0  }
0x16: {  	s3 =	sld [smem:$0x3FDB];
	s0 =	simm.s32 @p2 $0x1  }
0x17: {  	s4 =	simm.s32 $0x1BF5;
	[smem:$0x3FB4] =	sst s0  }
0x18: {  	s0 =	sld [smem:$0x3F97];
	_ =	swait.ge [sflag:s4], $0x0  }
0x19: {  	s7 =	sld [smem:$0x3F98]  }
0x1a: {  	s8 =	sadd.s32 $0xFFFFE003, lr  }
0x1b: {  	s9 =	sadd.s32 $0xFFFFFEF7, lr;
	s5 =	simm.s32 $0xFFFFFFFF;
	p2 =	slt.u32 s8, $0xFFFFF086  }
0x1c: {  	p1 =	slt.u32 s9, $0xF7A;
	s5 =	simm.s32 @!p2 $0x0  }
0x1d: {  	s5 =	simm.s32 @p1 $0x1;
	p0 =	seq.s32 s7, s2  }
0x1e: {  	s7 =	smul.u32 @!p0 $0xF7A, s2;
	p2 =	seq.s32 @!p0 s5, $0x0  }
0x1f: {  	s9 =	smul.u32 $0xF7A, s1;
	s8 =	simm.s32 @!p0 $0x1BF5;
	p2 =	por !p2, p0  }
0x20: {  	[sflag:s8] =	ssyncset.s32 @!p0 $0xFFFFF086;
	s6 =	sadd.s32 @!p0 s3, s7;
	s7 =	simm.s32 @!p0 $0x108  }
0x21: {  	s3 =	sadd.s32 s3, s9;
	s6 =	sadd.s32 @!p0 $0x88, s6;
	s7 =	simm.s32 @p2 $0x1082  }
0x22: {  	[simem:s7], [sflag:s8] =	dma.local @!p0 [hbm:s6], $0xF7A  }
0x23: {  	s9 =	sor.u32 $0xD0000000, s2;
	s6 =	simm.s32 $0x108;
	_ =	swait.ge @!p0 [sflag:s8], $0x0  }
0x24: {  	s3 =	sadd.s32 $0x88, s3;
	s6 =	simm.s32 @!p1 $0x1082;
	[sflag:s4] =	ssyncset.s32 $0xFFFFF086  }
0x25: {  	[simem:s6], [sflag:s4] =	dma.local [hbm:s3], $0xF7A  }
0x26: {  	[smem:$0x3F98] =	sst s1;
	(tag) =	ssettag s2;
	_ =	strace s9  }
0x27: {  	s1 =	sld [smem:$0x3FA8]  }
0x28: {  	s2 =	sld [smem:$0x3FA9]  }
0x29: {  	s4 =	sld [smem:$0x3FAB]  }
0x2a: {  	p0 =	seq.s32 s5, $0x0;
	s5 =	sld [smem:$0x3FAC]  }
0x2b: {  	s6 =	sld [smem:$0x3FAD]  }
0x2c: {  	s7 =	sld [smem:$0x3FAE]  }
0x2d: {  	s3 =	simm.s32 $0x108;
	s8 =	sld [smem:$0x3FAF]  }
0x2e: {  	s3 =	simm.s32 @!p0 $0x1082;
	s9 =	sld [smem:$0x3FB0]  }
0x2f: {  	lr =	sadd.s32 s0, s3;
	s0 =	sld [smem:$0x3FA7]  }
0x30: {  	s3 =	sld [smem:$0x3FAA]  }
0x31: {  	[smem:$0x3FB3] =	sst s10  }
0x32: {  	s10 =	sld [smem:$0x3FB1];
	_ =	sdelay $0x3  }
0x33: {  	p0 =	seq.s32 s10, $0x1;
	s10 =	sld [smem:$0x3FB3];
	_ =	sdelay $0x3  }
0x34: {  	[smem:$0x3FB3] =	sst s10  }
0x35: {  	s10 =	sld [smem:$0x3FB2];
	_ =	sdelay $0x3  }
0x36: {  	p1 =	seq.s32 s10, $0x1;
	s10 =	sld [smem:$0x3FB3];
	_ =	sdelay $0x3  }
0x37: {  	[smem:$0x3FB3] =	sst s10  }
0x38: {  	s10 =	sld [smem:$0x3FB4]  }
0x39: {  	_ = 	snop;
	(pc) =	sbr.ind lr, $3  }
0x3a: {  	_ = 	snop  }
0x3b: {  	_ = 	snop  }
0x3c: {  	p2 =	seq.s32 s10, $0x1;
	s10 =	sld [smem:$0x3FB3]  }
0x3d: {  	_ =	shalt  }
0x3e: {  	_ =	shalt  }
0x3f: {  	_ =	shalt  }
0x40: {  	_ =	shalt  }
0x41: {  	_ =	shalt  }
0x42: {  	_ =	shalt  }
0x43: {  	_ =	shalt  }
0x44: {  	_ =	shalt  }
0x45: {  	_ =	shalt  }
0x46: {  	_ =	shalt  }
0x47: {  	_ =	shalt  }
0x48: {  	_ =	shalt  }
0x49: {  	_ =	shalt  }
0x4a: {  	_ =	shalt  }
0x4b: {  	_ =	shalt  }
0x4c: {  	_ =	shalt  }
0x4d: {  	_ =	shalt  }
0x4e: {  	_ =	shalt  }
0x4f: {  	_ =	shalt  }
0x50: {  	_ =	shalt  }
0x51: {  	_ =	shalt  }
0x52: {  	_ =	shalt  }
0x53: {  	_ =	shalt  }
0x54: {  	_ =	shalt  }
0x55: {  	_ =	shalt  }
0x56: {  	_ =	shalt  }
0x57: {  	_ =	shalt  }
0x58: {  	_ =	shalt  }
0x59: {  	_ =	shalt  }
0x5a: {  	_ =	shalt  }
0x5b: {  	_ =	shalt  }
0x5c: {  	_ =	shalt  }
0x5d: {  	_ =	shalt  }
0x5e: {  	_ =	shalt  }
0x5f: {  	_ =	shalt  }
0x60: {  	_ =	shalt  }
0x61: {  	_ =	shalt  }
0x62: {  	_ =	shalt  }
0x63: {  	_ =	shalt  }
0x64: {  	_ =	shalt  }
0x65: {  	_ =	shalt  }
0x66: {  	_ =	shalt  }
0x67: {  	_ =	shalt  }
0x68: {  	_ =	shalt  }
0x69: {  	_ =	shalt  }
0x6a: {  	_ =	shalt  }
0x6b: {  	_ =	shalt  }
0x6c: {  	_ =	shalt  }
0x6d: {  	_ =	shalt  }
0x6e: {  	_ =	shalt  }
0x6f: {  	_ =	shalt  }
0x70: {  	_ =	shalt  }
0x71: {  	_ =	shalt  }
0x72: {  	_ =	shalt  }
0x73: {  	_ =	shalt  }
0x74: {  	_ =	shalt  }
0x75: {  	_ =	shalt  }
0x76: {  	_ =	shalt  }
0x77: {  	_ =	shalt  }
0x78: {  	_ =	shalt  }
0x79: {  	_ =	shalt  }
0x7a: {  	_ =	shalt  }
0x7b: {  	_ =	shalt  }
0x7c: {  	_ =	shalt  }
0x7d: {  	_ =	shalt  }
0x7e: {  	_ =	shalt  }
0x7f: {  	_ =	shalt  }
0x80: {  	_ =	shalt  }
0x81: {  	_ =	shalt  }
0x82: {  	_ =	shalt  }
0x83: {  	_ =	shalt  }
0x84: {  	_ =	shalt  }
0x85: {  	_ =	shalt  }
0x86: {  	_ =	shalt  }
0x87: {  	_ =	shalt  }
.Lfunc_end0:
.L_simem_size_0:
called_computation.1_lowered:
.L_overlay_start_0:
0x88: {  	s2 =	sld [smem:$0x3FD9]  }
0x89: {  	s3 =	sld [smem:$0x3FFE];
	_ =	sdelay $0x1  }
0x8a: {  	s1 =	srdreg.scid  }
0x8b: {  	s0 =	sand.u32 $0x1, s1  }
0x8c: {  	s16 =	sshll.u32 s0, $0xA;
	s2 =	sadd.s32 s3, s2  }
0x8d: {  	s2 =	sadd.s32 s2, s16  }
0x8e: {  	[smem:$0x3FBF] =	sst s2  }
0x8f: {  	_ = 	snop  }
0x90: {  	(tm) =	ssettm $0x1  }
0x91: {  	s17 =	sld [smem:$0x3FFB];
	_ =	sdelay $0x3  }
0x92: {  	_ =	strace s17  }
0x93: {  	s2 =	sld [smem:$0x3FFC];
	_ =	sdelay $0x3  }
0x94: {  	_ =	strace s2  }
0x95: {  	s2 =	sld [smem:$0x3FFD];
	_ =	sdelay $0x3  }
0x96: {  	_ =	strace s2  }
0x97: {  	_ =	strace $0x8FFFFFFF  }
0x98: {  	s18 =	sld [smem:$0x3FDB];
	_ =	sdelay $0x1  }
0x99: {  	s19 =	simm.s32 $_scs_section_size  }
0x9a: {  	s4 =	simm.s32 $_size__tile_overlayer_lowered;
	s5 =	simm.s32 $_tile_overlayer_lowered  }
0x9b: {  	s22 =	simm.s32 $0x1BFF;
	s21 =	sshll.u32 s5, $0x1;
	s2 =	sadd.s32 s19, s18  }
0x9c: {  	s6 =	simm.s32 $0x0;
	s20 =	sshll.u32 s4, $0x1;
	s4 =	sadd.s32 s21, s2  }
0x9d: {  	[timem:s6], [sflag:s22] =	dma.local [hbm:s4], s20  }
0x9e: {  	_ =	swait.ge [sflag:s22], s20  }
0x9f: {  	s3 =	ssub.s32 $0x0, s20;
	[sflag:s22] =	ssyncset.done $0x0  }
0xa0: {  	[sflag:s22] =	ssyncadd.s32 s3;
	_ =	sdelay $0x1  }
0xa1: {  	s23 =	simm.s32 $0x1B8B  }
0xa2: {  	_ =	swait.ge [sflag:s23], $0x1  }
0xa3: {  	[sflag:s23] =	ssyncset.done $0x0  }
0xa4: {  	s25 =	simm.s32 $0x1B8E;
	s24 =	sld [smem:$0x3FFE];
	[sflag:s23] =	ssyncadd.s32 $0xFFFFFFFF  }
0xa5: {  	s26 =	simm.s32 $execute0_lowered;
	[smem:$0x3FD2] =	sst s25  }
0xa6: {  	s4 =	sshll.u32 s26, $0x1;
	_ =	strace $0x80000049;
	[dreg:$0x1] =	wrdreg $0xFFFFFFFF  }
0xa7: {  	s28 =	simm.s32 $_size_execute0_lowered;
	s2 =	sadd.s32 s2, s4;
	[dreg:$0x0] =	wrdreg $0x0  }
0xa8: {  	s4 =	sshll.u32 s28, $0x1;
	[dreg:$0x2] =	wrdreg s2  }
0xa9: {  	[dreg:$0x3] =	wrdreg s4  }
0xaa: {  	[dreg:$0x4] =	wrdreg $0xC0  }
0xab: {  	_ =	task [dreg:s6], $0x5FFFF  }
0xac: {  	[dreg:$0x1] =	wrdreg $0xFFFFFFFF  }
0xad: {  	[dreg:$0x0] =	wrdreg $0x60  }
0xae: {  	[dreg:$0x2] =	wrdreg s24  }
0xaf: {  	[dreg:$0x3] =	wrdreg $0x19C000  }
0xb0: {  	[dreg:$0x4] =	wrdreg $0x9  }
0xb1: {  	_ =	task.clear_ibuf [dreg:s6], $0x5FFFF;
	_ =	strace $0x90000049  }
0xb2: {  	s29 =	simm.s32 $0x9;
	_ =	strace $0x8000004B  }
0xb3: {  	_ =	swait.ge [sflag:s29], $0x1  }
0xb4: {  	[sflag:s29] =	ssyncadd.s32 $0xFFFFFFFF  }
0xb5: {  	_ =	strace $0x9000004B  }
0xb6: {  	_ =	sfence  }
0xb7: {  	s30 =	sld [smem:$0x0];
	_ =	sdelay $0x2  }
0xb8: {  	s31 =	sshll.u32 s1, $0xD;
	s1 =	sshrl.u32 s1, $0x2  }
0xb9: {  	s3 =	sand.u32 $0x4000, s31;
	s1 =	sadd.s32 s1, s30  }
0xba: {  	s0 =	sor.u32 s3, s0;
	s1 =	sshll.u32 s1, $0x11  }
0xbb: {  	s0 =	sor.u32 s1, s0  }
0xbc: {  	s0 =	sadd.s32 $0x8F2B, s0  }
0xbd: {  	[sflag:s0] =	ssyncadd.remote.s32 $0x1  }
0xbe: {  	_ =	sfence.sel $0xFFFF  }
0xbf: {  	[dreg:$0x0] =	wrdreg $0xFFFFFFFF;
	(pc) =	sbr.abs _section_cstart, $3  }
0xc0: {  	[dreg:$0x1] =	wrdreg $0xFFFFFFFF  }
0xc1: {  	_ =	task.clear_ibuf [dreg:s6], $0x2FFFF;
	_ =	strace $0x9FFFFFFF  }
0xc2: {  	(tm) =	ssettm $0x7FFFFFFF  }
0xc3: {  	_ =	shalt  }
tec
execute0_lowered:
.L_overlay_start_1:
0x0: {  	(tag) =	ssettag $0x1  }
0x1: {  	s0 =	rddreg [dreg:$0x0]  }
0x2: {  	s2 =	rddreg [dreg:$0x1];
	s1 =	stileid.u32  }
0x3: {  	s3 =	simm.s32 $0x0;
	s5 =	srdreg.scid;
	s16 =	simm.s32 $0xC400  }
0x4: {  	s17 =	simm.s32 $0x9;
	s18 =	simm.s32 $0x80;
	s19 =	simm.s32 $0x18800  }
0x5: {  	s20 =	simm.s32 $0x18C00;
	s22 =	simm.s32 $0x19000;
	s29 =	simm.s32 $0x3  }
0x6: {  	s31 =	simm.s32 $0x4;
	s21 =	simm.s32 $0x5;
	s4 =	smul.u32 $0x1880, s1  }
0x7: {  	[smem:$0x7FF] =	sst s3;
	s9 =	sand.u32 $0x1, s5;
	s5 =	sadd.s32 $0x53800, s0  }
0x8: {  	s6 =	sadd.s32 $0x27E00, s0;
	s11 =	sshll.u32 s1, $0x7;
	s7 =	sadd.s32 $0x1BA00, s0  }
0x9: {  	s24 =	sshll.u32 s1, $0xA;
	_ =	strace $0x8000004A;
	s10 =	ssub.s32 $0x2, s9  }
0xa: {  	p0 =	seq.s32 s9, $0x1;
	s9 =	simm.s32 $0x8;
	s8 =	sadd.s32 s4, s0  }
0xb: {  	s4 =	sadd.s32 $0x5FC00, s0;
	s12 =	sshrl.u32 s10, $0x1;
	s0 =	sadd.s32 s11, s0  }
0xc: {  	s11 =	sadd.s32 s24, s2;
	s24 =	simm.s32 $0x19400;
	s23 =	sadd.s32 $0x36400, s8  }
0xd: {  	s10 =	ssub.s32 s10, s12;
	s8 =	sadd.s32 $0x3200, s8;
	[dreg:$0x3] =	wrdreg s23  }
.Ltmp0:
0xe: {  	s26 =	sadd.s32 $0x78400, s0;
	[dreg:$0x4] =	wrdreg s8;
	(pc) =	sbr.rel .LBB2_1-.Ltmp0, $4  }
0xf: {  	s28 =	sadd.s32 $0x84800, s0;
	s30 =	sadd.s32 $0x90C00, s0;
	[dreg:$0x6] =	wrdreg s26  }
0x10: {  	s15 =	sadd.s32 $0x6C000, s0;
	s25 =	smax.u32 s10, $0x1;
	[dreg:$0x7] =	wrdreg s28  }
0x11: {  	[dreg:$0x8] =	wrdreg s30;
	s26 =	simm.s32 $0x2;
	s8 =	simm.s32 $0x6  }
0x12: {  	v0 =	vimm.bf16 $0.0e+00;
	s23 =	simm.s32 $0x7;
	[dreg:$0x5] =	wrdreg s25;
	s25 =	simm.s32 $0x1  }
.LBB2_16:
0x13: {  	p2 =	sgt.u32 s13, $0x187  }
0x14: {  	[sflag:s30] =	ssyncadd.s32 @!p1 $0xFFFFFF80;
	s0 =	sshll.u32 @!p2 s1, $0x6  }
0x15: {  	s10 =	sshrl.u32 @!p2 s10, $0x3;
	s12 =	simm.s32 @!p2 $0x9;
	s0 =	sor.u32 @!p2 $0x1C09, s0  }
0x16: {  	[hbm:s28], [sflag:s0] =	dma.local @!p2 [spmem:s10], $0x80  }
0x17: {  	_ =	swait.ge @!p2 [sflag:s12], $0x80  }
0x18: {  	[sflag:s12] =	ssyncset.done @!p2 $0x0  }
0x19: {  	[sflag:s12] =	ssyncadd.s32 @!p2 $0xFFFFFF80  }
.LBB2_30:
0x1a: {  	s3 =	sadd.s32 $0x1, s3;
	s0 =	rddreg [dreg:$0x5]  }
0x1b: {  	p1 =	sne.s32 s3, s0  }
.Ltmp1:
0x1c: {  	_ = 	snop;
	(pc) =	sbr.rel @!p1 .LBB2_31-.Ltmp1, $2  }
0x1d: {  	_ =	sdelay $0x1  }
0x1e: {  	[bflag:$0x0] =	sbarrier.arrive $0xFFFF;
	_ =	sdelay $0x1  }
.LBB2_1:
0x1f: {  	s10 =	simm.s32 $0x40;
	s12 =	simm.s32 $0x0  }
.LBB2_2:
0x20: {  	p1 =	sne.s32 s10, $0xFC0;
	[tilespmem:s12+$0x19800] =	vst.msk $0xff, v0;
	s13 =	smov.u32 s10;
	s10 =	sadd.s32 $0x40, s10  }
.Ltmp2:
0x21: {  	[tilespmem:s12+$0x19808] =	vst.msk $0xff, v0;
	(pc) =	sbr.rel @p1 .LBB2_2-.Ltmp2, $2  }
0x22: {  	_ =	sdelay $0x2  }
0x23: {  	s12 =	sshra.s32 s13, $0x2  }
0x24: {  	[tilespmem:s12+$0x19800] =	vst.msk $0xff, v0  }
0x25: {  	[tilespmem:s12+$0x19808] =	vst.msk $0xff, v0;
	s10 =	simm.s32 $0x0;
	s0 =	rddreg [dreg:$0x3]  }
0x26: {  	[tilespmem:s16], [sflag:$0x9] =	stream.linear.gather [hbm4b:s0+s10], $0xC400, $0x38;
	[tilespmem:$0x1FE00] =	vst v63  }
0x27: {  	_ =	swait.ge [sflag:s17], $0xC400  }
0x28: {  	[sflag:s17] =	ssyncset.done $0x0  }
.Ltmp3:
0x29: {  	s30 =	rddreg [dreg:$0x4];
	[sflag:s17] =	ssyncadd.s32 $0xFFFF3C00;
	(pc) =	sbr.rel @!p0 .LBB2_4-.Ltmp3, $4  }
0x2a: {  	[tilespmem:s10], [sflag:$0x9] =	stream.linear.gather [hbm4b:s30+s10], $0xC400, $0x38;
	[tilespmem:$0x1FE00] =	vst v63  }
0x2b: {  	_ =	swait.ge [sflag:s17], $0xC400  }
0x2c: {  	[sflag:s17] =	ssyncset.done $0x0  }
0x2d: {  	[sflag:s17] =	ssyncadd.s32 $0xFFFF3C00  }
0x2e: {  	s0 =	sadd.s32 $0x0, s1  }
0x2f: {  	p1 =	sgt.u32 s0, $0x187  }
0x30: {  	s0 =	simm.s32 @!p1 $0x19800;
	s30 =	simm.s32 @!p1 $0x9  }
0x31: {  	[spmem:s11] =	stream.linear.scatter @!p1 [tilespmem:s0], [sflag:$0x9], $0x400, $0x38;
	[tilespmem:$0x1FE00] =	vst v63  }
0x32: {  	s12 =	simm.s32 $0x10;
	_ =	swait.ge @!p1 [sflag:s30], $0x400  }
0x33: {  	s28 =	simm.s32 $0x20;
	s10 =	sadd.s32 $0x4000, s11;
	[sflag:s30] =	ssyncset.done @!p1 $0x0  }
.LBB2_18:
0x34: {  	s0 =	sadd.s32 s12, s1;
	s12 =	smov.u32 s28;
	s28 =	sadd.s32 $0x10, s28  }
0x35: {  	[sflag:s30] =	ssyncadd.s32 @!p1 $0xFFFFFC00;
	p2 =	sne.s32 s28, $0x190  }
.Ltmp4:
0x36: {  	p1 =	sgt.u32 s0, $0x187;
	(pc) =	sbr.rel @p2 .LBB2_18-.Ltmp4, $4  }
0x37: {  	s0 =	simm.s32 @!p1 $0x19800;
	s30 =	simm.s32 @!p1 $0x9  }
0x38: {  	[spmem:s10] =	stream.linear.scatter @!p1 [tilespmem:s0], [sflag:$0x9], $0x400, $0x38;
	[tilespmem:$0x1FE00] =	vst v63  }
0x39: {  	_ =	swait.ge @!p1 [sflag:s30], $0x400  }
0x3a: {  	s10 =	sadd.s32 $0x4000, s10;
	[sflag:s30] =	ssyncset.done @!p1 $0x0  }
0x3b: {  	s0 =	sadd.s32 s12, s1  }
0x3c: {  	p2 =	sgt.u32 s0, $0x187  }
0x3d: {  	[sflag:s30] =	ssyncadd.s32 @!p1 $0xFFFFFC00;
	s0 =	simm.s32 @!p2 $0x19800;
	s12 =	simm.s32 @!p2 $0x9  }
0x3e: {  	[spmem:s10] =	stream.linear.scatter @!p2 [tilespmem:s0], [sflag:$0x9], $0x400, $0x38;
	[tilespmem:$0x1FE00] =	vst v63  }
0x3f: {  	_ =	swait.ge @!p2 [sflag:s12], $0x400  }
0x40: {  	[sflag:s12] =	ssyncset.done @!p2 $0x0  }
0x41: {  	[sflag:s12] =	ssyncadd.s32 @!p2 $0xFFFFFC00  }
0x42: {  	s30 =	simm.s32 $0x0;
	[bflag:$0x0] =	sbarrier.arrive $0xFFFF  }
0x43: {  	[tilespmem:s19], [sflag:$0x1] =	stream.indirect.gather [hbm4b:s5+s18], $0x8, s30, s18, $0xb8;
	[tilespmem:$0x1FE00] =	vst v63  }
0x44: {  	_ = 	snop  }
0x45: {  	[tilespmem:s20], [sflag:$0x2] =	stream.indirect.gather [hbm4b:s5+s18], $0x8, s18, s18, $0xb8;
	[tilespmem:$0x1FE00] =	vst v63  }
0x46: {  	s10 =	simm.s32 $0x100  }
0x47: {  	[tilespmem:s22], [sflag:$0x3] =	stream.indirect.gather [hbm4b:s5+s18], $0x8, s10, s18, $0xb8;
	[tilespmem:$0x1FE00] =	vst v63  }
0x48: {  	s12 =	simm.s32 $0x180  }
0x49: {  	[tilespmem:s24], [sflag:$0x4] =	stream.indirect.gather [hbm4b:s5+s18], $0x8, s12, s18, $0xb8;
	[tilespmem:$0x1FE00] =	vst v63  }
0x4a: {  	_ =	swait.ge [sflag:s25], $0x400  }
0x4b: {  	[sflag:s25] =	ssyncset.done $0x0  }
0x4c: {  	[sflag:s25] =	ssyncadd.s32 $0xFFFFFC00  }
0x4d: {  	[spmem:s2] =	stream.indirect.scatter.add.bf16 [tilespmem:s19], [sflag:$0x5], $0x8, s16, s18, $0xb8;
	[tilespmem:$0x1FE00] =	vst v63  }
0x4e: {  	_ =	swait.ge [sflag:s26], $0x400  }
0x4f: {  	[sflag:s26] =	ssyncset.done $0x0  }
0x50: {  	s13 =	simm.s32 $0xC480;
	[sflag:s26] =	ssyncadd.s32 $0xFFFFFC00  }
0x51: {  	[spmem:s2] =	stream.indirect.scatter.add.bf16 [tilespmem:s20], [sflag:$0x6], $0x8, s13, s18, $0xb8;
	[tilespmem:$0x1FE00] =	vst v63  }
0x52: {  	_ =	swait.ge [sflag:s29], $0x400  }
0x53: {  	[sflag:s29] =	ssyncset.done $0x0  }
0x54: {  	s14 =	simm.s32 $0xC500;
	[sflag:s29] =	ssyncadd.s32 $0xFFFFFC00  }
0x55: {  	[spmem:s2] =	stream.indirect.scatter.add.bf16 [tilespmem:s22], [sflag:$0x7], $0x8, s14, s18, $0xb8;
	[tilespmem:$0x1FE00] =	vst v63  }
0x56: {  	_ =	swait.ge [sflag:s31], $0x400  }
0x57: {  	[sflag:s31] =	ssyncset.done $0x0  }
0x58: {  	s28 =	simm.s32 $0xC580;
	[sflag:s31] =	ssyncadd.s32 $0xFFFFFC00  }
0x59: {  	[spmem:s2] =	stream.indirect.scatter.add.bf16 [tilespmem:s24], [sflag:$0x8], $0x8, s28, s18, $0xb8;
	[tilespmem:$0x1FE00] =	vst v63  }
0x5a: {  	_ =	swait.ge [sflag:s21], $0x400  }
0x5b: {  	[sflag:s21] =	ssyncset.done $0x0  }
0x5c: {  	s30 =	simm.s32 $0x200;
	[sflag:s21] =	ssyncadd.s32 $0xFFFFFC00  }
0x5d: {  	[tilespmem:s19], [sflag:$0x1] =	stream.indirect.gather [hbm4b:s5+s18], $0x8, s30, s18, $0xb8;
	[tilespmem:$0x1FE00] =	vst v63  }
0x5e: {  	_ =	swait.ge [sflag:s8], $0x400  }
0x5f: {  	[sflag:s8] =	ssyncset.done $0x0  }
0x60: {  	s10 =	simm.s32 $0x280;
	[sflag:s8] =	ssyncadd.s32 $0xFFFFFC00  }
0x61: {  	[tilespmem:s20], [sflag:$0x2] =	stream.indirect.gather [hbm4b:s5+s18], $0x8, s10, s18, $0xb8;
	[tilespmem:$0x1FE00] =	vst v63  }
0x62: {  	_ =	swait.ge [sflag:s23], $0x400  }
0x63: {  	[sflag:s23] =	ssyncset.done $0x0  }
0x64: {  	s12 =	simm.s32 $0x300;
	[sflag:s23] =	ssyncadd.s32 $0xFFFFFC00  }
0x65: {  	[tilespmem:s22], [sflag:$0x3] =	stream.indirect.gather [hbm4b:s5+s18], $0x8, s12, s18, $0xb8;
	[tilespmem:$0x1FE00] =	vst v63  }
0x66: {  	_ =	swait.ge [sflag:s9], $0x400  }
0x67: {  	[sflag:s9] =	ssyncset.done $0x0  }
0x68: {  	s13 =	simm.s32 $0x380;
	[sflag:s9] =	ssyncadd.s32 $0xFFFFFC00  }
0x69: {  	[tilespmem:s24], [sflag:$0x4] =	stream.indirect.gather [hbm4b:s5+s18], $0x8, s13, s18, $0xb8;
	[tilespmem:$0x1FE00] =	vst v63  }
0x6a: {  	_ =	swait.ge [sflag:s25], $0x400  }
0x6b: {  	[sflag:s25] =	ssyncset.done $0x0  }
0x6c: {  	s14 =	simm.s32 $0xC600;
	[sflag:s25] =	ssyncadd.s32 $0xFFFFFC00  }
0x6d: {  	[spmem:s2] =	stream.indirect.scatter.add.bf16 [tilespmem:s19], [sflag:$0x5], $0x8, s14, s18, $0xb8;
	[tilespmem:$0x1FE00] =	vst v63  }
0x6e: {  	_ =	swait.ge [sflag:s26], $0x400  }
0x6f: {  	[sflag:s26] =	ssyncset.done $0x0  }
0x70: {  	s28 =	simm.s32 $0xC680;
	[sflag:s26] =	ssyncadd.s32 $0xFFFFFC00  }
0x71: {  	[spmem:s2] =	stream.indirect.scatter.add.bf16 [tilespmem:s20], [sflag:$0x6], $0x8, s28, s18, $0xb8;
	[tilespmem:$0x1FE00] =	vst v63  }
0x72: {  	_ =	swait.ge [sflag:s29], $0x400  }
0x73: {  	[sflag:s29] =	ssyncset.done $0x0  }
0x74: {  	s30 =	simm.s32 $0xC700;
	[sflag:s29] =	ssyncadd.s32 $0xFFFFFC00  }
0x75: {  	[spmem:s2] =	stream.indirect.scatter.add.bf16 [tilespmem:s22], [sflag:$0x7], $0x8, s30, s18, $0xb8;
	[tilespmem:$0x1FE00] =	vst v63  }
0x76: {  	_ =	swait.ge [sflag:s31], $0x400  }
0x77: {  	[sflag:s31] =	ssyncset.done $0x0  }
0x78: {  	s10 =	simm.s32 $0x800;
	s12 =	simm.s32 $0xC780;
	[sflag:s31] =	ssyncadd.s32 $0xFFFFFC00  }
.LBB2_20:
0x79: {  	[spmem:s2] =	stream.indirect.scatter.add.bf16 [tilespmem:s24], [sflag:$0x8], $0x8, s12, s18, $0xb8;
	[tilespmem:$0x1FE00] =	vst v63  }
0x7a: {  	s0 =	smov.u32 s10  }
0x7b: {  	p1 =	sne.s32 s10, $0x30000;
	s10 =	sadd.s32 $0x800, s10;
	_ =	swait.ge [sflag:s21], $0x400  }
0x7c: {  	s28 =	sshra.s32 s0, $0x2;
	[sflag:s21] =	ssyncset.done $0x0  }
0x7d: {  	s0 =	sadd.s32 $0x200, s28;
	[sflag:s21] =	ssyncadd.s32 $0xFFFFFC00  }
0x7e: {  	[tilespmem:s19], [sflag:$0x1] =	stream.indirect.gather [hbm4b:s5+s18], $0x8, s0, s18, $0xb8;
	[tilespmem:$0x1FE00] =	vst v63  }
0x7f: {  	_ =	swait.ge [sflag:s8], $0x400  }
0x80: {  	[sflag:s8] =	ssyncset.done $0x0  }
0x81: {  	s0 =	sadd.s32 $0x280, s28;
	[sflag:s8] =	ssyncadd.s32 $0xFFFFFC00  }
0x82: {  	[tilespmem:s20], [sflag:$0x2] =	stream.indirect.gather [hbm4b:s5+s18], $0x8, s0, s18, $0xb8;
	[tilespmem:$0x1FE00] =	vst v63  }
0x83: {  	_ =	swait.ge [sflag:s23], $0x400  }
0x84: {  	[sflag:s23] =	ssyncset.done $0x0  }
0x85: {  	s0 =	sadd.s32 $0x300, s28;
	[sflag:s23] =	ssyncadd.s32 $0xFFFFFC00  }
0x86: {  	[tilespmem:s22], [sflag:$0x3] =	stream.indirect.gather [hbm4b:s5+s18], $0x8, s0, s18, $0xb8;
	[tilespmem:$0x1FE00] =	vst v63  }
0x87: {  	_ =	swait.ge [sflag:s9], $0x400  }
0x88: {  	[sflag:s9] =	ssyncset.done $0x0  }
0x89: {  	s0 =	sadd.s32 $0x380, s28;
	[sflag:s9] =	ssyncadd.s32 $0xFFFFFC00  }
0x8a: {  	[tilespmem:s24], [sflag:$0x4] =	stream.indirect.gather [hbm4b:s5+s18], $0x8, s0, s18, $0xb8;
	[tilespmem:$0x1FE00] =	vst v63  }
0x8b: {  	_ =	swait.ge [sflag:s25], $0x400  }
0x8c: {  	[sflag:s25] =	ssyncset.done $0x0  }
0x8d: {  	s0 =	sadd.s32 $0xC600, s28;
	[sflag:s25] =	ssyncadd.s32 $0xFFFFFC00  }
0x8e: {  	[spmem:s2] =	stream.indirect.scatter.add.bf16 [tilespmem:s19], [sflag:$0x5], $0x8, s0, s18, $0xb8;
	[tilespmem:$0x1FE00] =	vst v63  }
0x8f: {  	_ =	swait.ge [sflag:s26], $0x400  }
0x90: {  	[sflag:s26] =	ssyncset.done $0x0  }
0x91: {  	s0 =	sadd.s32 $0xC680, s28;
	[sflag:s26] =	ssyncadd.s32 $0xFFFFFC00  }
0x92: {  	[spmem:s2] =	stream.indirect.scatter.add.bf16 [tilespmem:s20], [sflag:$0x6], $0x8, s0, s18, $0xb8;
	[tilespmem:$0x1FE00] =	vst v63  }
0x93: {  	_ =	swait.ge [sflag:s29], $0x400  }
0x94: {  	[sflag:s29] =	ssyncset.done $0x0  }
.Ltmp5:
0x95: {  	s0 =	sadd.s32 $0xC700, s28;
	[sflag:s29] =	ssyncadd.s32 $0xFFFFFC00;
	(pc) =	sbr.rel @p1 .LBB2_20-.Ltmp5, $4  }
0x96: {  	[spmem:s2] =	stream.indirect.scatter.add.bf16 [tilespmem:s22], [sflag:$0x7], $0x8, s0, s18, $0xb8;
	[tilespmem:$0x1FE00] =	vst v63  }
0x97: {  	_ =	swait.ge [sflag:s31], $0x400  }
0x98: {  	[sflag:s31] =	ssyncset.done $0x0  }
0x99: {  	s12 =	sadd.s32 $0xC780, s28;
	[sflag:s31] =	ssyncadd.s32 $0xFFFFFC00  }
0x9a: {  	[spmem:s2] =	stream.indirect.scatter.add.bf16 [tilespmem:s24], [sflag:$0x8], $0x8, s12, s18, $0xb8;
	[tilespmem:$0x1FE00] =	vst v63  }
0x9b: {  	_ =	swait.ge [sflag:s21], $0x400  }
0x9c: {  	[sflag:s21] =	ssyncset.done $0x0  }
0x9d: {  	[sflag:s21] =	ssyncadd.s32 $0xFFFFFC00  }
0x9e: {  	_ =	swait.ge [sflag:s8], $0x400  }
0x9f: {  	[sflag:s8] =	ssyncset.done $0x0  }
0xa0: {  	[sflag:s8] =	ssyncadd.s32 $0xFFFFFC00  }
0xa1: {  	_ =	swait.ge [sflag:s23], $0x400  }
0xa2: {  	[sflag:s23] =	ssyncset.done $0x0  }
0xa3: {  	[sflag:s23] =	ssyncadd.s32 $0xFFFFFC00  }
0xa4: {  	_ =	swait.ge [sflag:s9], $0x400  }
0xa5: {  	s0 =	sadd.s32 $0x0, s1;
	[sflag:s9] =	ssyncset.done $0x0  }
0xa6: {  	p1 =	sgt.u32 s0, $0x187;
	[sflag:s9] =	ssyncadd.s32 $0xFFFFFC00  }
0xa7: {  	s0 =	sshll.u32 @!p1 s1, $0x6;
	s10 =	sshrl.u32 @!p1 s11, $0x3;
	[bflag:$0x0] =	sbarrier.arrive $0xFFFF  }
0xa8: {  	s30 =	simm.s32 @!p1 $0x9;
	s0 =	sor.u32 @!p1 $0x1C09, s0;
	s14 =	rddreg [dreg:$0x8]  }
0xa9: {  	[hbm:s14], [sflag:s0] =	dma.local @!p1 [spmem:s10], $0x80  }
0xaa: {  	s12 =	simm.s32 $0x20;
	s13 =	sadd.s32 $0x10, s1;
	_ =	swait.ge @!p1 [sflag:s30], $0x80  }
0xab: {  	s10 =	sadd.s32 $0x4000, s11;
	s28 =	sadd.s32 $0x800, s14;
	[sflag:s30] =	ssyncset.done @!p1 $0x0  }
.LBB2_22:
0xac: {  	s0 =	smov.u32 s12;
	s12 =	sadd.s32 $0x10, s12  }
0xad: {  	[sflag:s30] =	ssyncadd.s32 @!p1 $0xFFFFFF80;
	p1 =	sgt.u32 s13, $0x187;
	p2 =	sne.s32 s12, $0x190  }
.Ltmp6:
0xae: {  	s13 =	sshll.u32 @!p1 s1, $0x6;
	s14 =	sshrl.u32 @!p1 s10, $0x3;
	(pc) =	sbr.rel @p2 .LBB2_22-.Ltmp6, $4  }
0xaf: {  	s30 =	simm.s32 @!p1 $0x9;
	s13 =	sor.u32 @!p1 $0x1C09, s13  }
0xb0: {  	[hbm:s28], [sflag:s13] =	dma.local @!p1 [spmem:s14], $0x80  }
0xb1: {  	s10 =	sadd.s32 $0x4000, s10;
	_ =	swait.ge @!p1 [sflag:s30], $0x80  }
0xb2: {  	s13 =	sadd.s32 s0, s1;
	s28 =	sadd.s32 $0x800, s28;
	[sflag:s30] =	ssyncset.done @!p1 $0x0  }
0xb3: {  	p2 =	sgt.u32 s13, $0x187  }
0xb4: {  	[sflag:s30] =	ssyncadd.s32 @!p1 $0xFFFFFF80;
	s0 =	sshll.u32 @!p2 s1, $0x6  }
0xb5: {  	s10 =	sshrl.u32 @!p2 s10, $0x3;
	s12 =	simm.s32 @!p2 $0x9;
	s0 =	sor.u32 @!p2 $0x1C09, s0  }
0xb6: {  	[hbm:s28], [sflag:s0] =	dma.local @!p2 [spmem:s10], $0x80  }
0xb7: {  	_ =	swait.ge @!p2 [sflag:s12], $0x80  }
0xb8: {  	s14 =	sadd.s32 $0x0, s1;
	[sflag:s12] =	ssyncset.done @!p2 $0x0  }
0xb9: {  	p1 =	sgt.u32 s14, $0x187;
	[sflag:s12] =	ssyncadd.s32 @!p2 $0xFFFFFF80  }
0xba: {  	s30 =	simm.s32 @!p1 $0x9;
	s0 =	simm.s32 @!p1 $0x19800;
	[bflag:$0x0] =	sbarrier.arrive $0xFFFF  }
0xbb: {  	[spmem:s11] =	stream.linear.scatter @!p1 [tilespmem:s0], [sflag:$0x9], $0x400, $0x38;
	[tilespmem:$0x1FE00] =	vst v63  }
0xbc: {  	s28 =	simm.s32 $0x20;
	_ =	swait.ge @!p1 [sflag:s30], $0x400  }
0xbd: {  	s10 =	sadd.s32 $0x4000, s11;
	s12 =	simm.s32 $0x10;
	[sflag:s30] =	ssyncset.done @!p1 $0x0  }
.LBB2_24:
0xbe: {  	s0 =	sadd.s32 s12, s1;
	s12 =	smov.u32 s28;
	s28 =	sadd.s32 $0x10, s28  }
0xbf: {  	[sflag:s30] =	ssyncadd.s32 @!p1 $0xFFFFFC00;
	p2 =	sne.s32 s28, $0x190  }
.Ltmp7:
0xc0: {  	p1 =	sgt.u32 s0, $0x187;
	(pc) =	sbr.rel @p2 .LBB2_24-.Ltmp7, $4  }
0xc1: {  	s0 =	simm.s32 @!p1 $0x19800;
	s30 =	simm.s32 @!p1 $0x9  }
0xc2: {  	[spmem:s10] =	stream.linear.scatter @!p1 [tilespmem:s0], [sflag:$0x9], $0x400, $0x38;
	[tilespmem:$0x1FE00] =	vst v63  }
0xc3: {  	_ =	swait.ge @!p1 [sflag:s30], $0x400  }
0xc4: {  	s10 =	sadd.s32 $0x4000, s10;
	[sflag:s30] =	ssyncset.done @!p1 $0x0  }
0xc5: {  	s0 =	sadd.s32 s12, s1  }
0xc6: {  	p2 =	sgt.u32 s0, $0x187  }
0xc7: {  	[sflag:s30] =	ssyncadd.s32 @!p1 $0xFFFFFC00;
	s0 =	simm.s32 @!p2 $0x19800;
	s12 =	simm.s32 @!p2 $0x9  }
0xc8: {  	[spmem:s10] =	stream.linear.scatter @!p2 [tilespmem:s0], [sflag:$0x9], $0x400, $0x38;
	[tilespmem:$0x1FE00] =	vst v63  }
0xc9: {  	_ =	swait.ge @!p2 [sflag:s12], $0x400  }
0xca: {  	[sflag:s12] =	ssyncset.done @!p2 $0x0  }
0xcb: {  	[sflag:s12] =	ssyncadd.s32 @!p2 $0xFFFFFC00  }
0xcc: {  	s30 =	simm.s32 $0x0;
	[bflag:$0x0] =	sbarrier.arrive $0xFFFF  }
0xcd: {  	[tilespmem:s19], [sflag:$0x1] =	stream.indirect.gather [hbm4b:s7+s18], $0x8, s30, s18, $0xb8;
	[tilespmem:$0x1FE00] =	vst v63  }
0xce: {  	_ = 	snop  }
0xcf: {  	[tilespmem:s20], [sflag:$0x2] =	stream.indirect.gather [hbm4b:s7+s18], $0x8, s18, s18, $0xb8;
	[tilespmem:$0x1FE00] =	vst v63  }
0xd0: {  	s10 =	simm.s32 $0x100  }
0xd1: {  	[tilespmem:s22], [sflag:$0x3] =	stream.indirect.gather [hbm4b:s7+s18], $0x8, s10, s18, $0xb8;
	[tilespmem:$0x1FE00] =	vst v63  }
0xd2: {  	s12 =	simm.s32 $0x180  }
0xd3: {  	[tilespmem:s24], [sflag:$0x4] =	stream.indirect.gather [hbm4b:s7+s18], $0x8, s12, s18, $0xb8;
	[tilespmem:$0x1FE00] =	vst v63  }
0xd4: {  	_ =	swait.ge [sflag:s25], $0x400  }
0xd5: {  	[sflag:s25] =	ssyncset.done $0x0  }
0xd6: {  	[sflag:s25] =	ssyncadd.s32 $0xFFFFFC00  }
0xd7: {  	[spmem:s2] =	stream.indirect.scatter.add.bf16 [tilespmem:s19], [sflag:$0x5], $0x8, s16, s18, $0xb8;
	[tilespmem:$0x1FE00] =	vst v63  }
0xd8: {  	_ =	swait.ge [sflag:s26], $0x400  }
0xd9: {  	[sflag:s26] =	ssyncset.done $0x0  }
0xda: {  	s13 =	simm.s32 $0xC480;
	[sflag:s26] =	ssyncadd.s32 $0xFFFFFC00  }
0xdb: {  	[spmem:s2] =	stream.indirect.scatter.add.bf16 [tilespmem:s20], [sflag:$0x6], $0x8, s13, s18, $0xb8;
	[tilespmem:$0x1FE00] =	vst v63  }
0xdc: {  	_ =	swait.ge [sflag:s29], $0x400  }
0xdd: {  	[sflag:s29] =	ssyncset.done $0x0  }
0xde: {  	s14 =	simm.s32 $0xC500;
	[sflag:s29] =	ssyncadd.s32 $0xFFFFFC00  }
0xdf: {  	[spmem:s2] =	stream.indirect.scatter.add.bf16 [tilespmem:s22], [sflag:$0x7], $0x8, s14, s18, $0xb8;
	[tilespmem:$0x1FE00] =	vst v63  }
0xe0: {  	_ =	swait.ge [sflag:s31], $0x400  }
0xe1: {  	[sflag:s31] =	ssyncset.done $0x0  }
0xe2: {  	s28 =	simm.s32 $0xC580;
	[sflag:s31] =	ssyncadd.s32 $0xFFFFFC00  }
0xe3: {  	[spmem:s2] =	stream.indirect.scatter.add.bf16 [tilespmem:s24], [sflag:$0x8], $0x8, s28, s18, $0xb8;
	[tilespmem:$0x1FE00] =	vst v63  }
0xe4: {  	_ =	swait.ge [sflag:s21], $0x400  }
0xe5: {  	[sflag:s21] =	ssyncset.done $0x0  }
0xe6: {  	s30 =	simm.s32 $0x200;
	[sflag:s21] =	ssyncadd.s32 $0xFFFFFC00  }
0xe7: {  	[tilespmem:s19], [sflag:$0x1] =	stream.indirect.gather [hbm4b:s7+s18], $0x8, s30, s18, $0xb8;
	[tilespmem:$0x1FE00] =	vst v63  }
0xe8: {  	_ =	swait.ge [sflag:s8], $0x400  }
0xe9: {  	[sflag:s8] =	ssyncset.done $0x0  }
0xea: {  	s10 =	simm.s32 $0x280;
	[sflag:s8] =	ssyncadd.s32 $0xFFFFFC00  }
0xeb: {  	[tilespmem:s20], [sflag:$0x2] =	stream.indirect.gather [hbm4b:s7+s18], $0x8, s10, s18, $0xb8;
	[tilespmem:$0x1FE00] =	vst v63  }
0xec: {  	_ =	swait.ge [sflag:s23], $0x400  }
0xed: {  	[sflag:s23] =	ssyncset.done $0x0  }
0xee: {  	s12 =	simm.s32 $0x300;
	[sflag:s23] =	ssyncadd.s32 $0xFFFFFC00  }
0xef: {  	[tilespmem:s22], [sflag:$0x3] =	stream.indirect.gather [hbm4b:s7+s18], $0x8, s12, s18, $0xb8;
	[tilespmem:$0x1FE00] =	vst v63  }
0xf0: {  	_ =	swait.ge [sflag:s9], $0x400  }
0xf1: {  	[sflag:s9] =	ssyncset.done $0x0  }
0xf2: {  	s13 =	simm.s32 $0x380;
	[sflag:s9] =	ssyncadd.s32 $0xFFFFFC00  }
0xf3: {  	[tilespmem:s24], [sflag:$0x4] =	stream.indirect.gather [hbm4b:s7+s18], $0x8, s13, s18, $0xb8;
	[tilespmem:$0x1FE00] =	vst v63  }
0xf4: {  	_ =	swait.ge [sflag:s25], $0x400  }
0xf5: {  	[sflag:s25] =	ssyncset.done $0x0  }
0xf6: {  	s14 =	simm.s32 $0xC600;
	[sflag:s25] =	ssyncadd.s32 $0xFFFFFC00  }
0xf7: {  	[spmem:s2] =	stream.indirect.scatter.add.bf16 [tilespmem:s19], [sflag:$0x5], $0x8, s14, s18, $0xb8;
	[tilespmem:$0x1FE00] =	vst v63  }
0xf8: {  	_ =	swait.ge [sflag:s26], $0x400  }
0xf9: {  	[sflag:s26] =	ssyncset.done $0x0  }
0xfa: {  	s28 =	simm.s32 $0xC680;
	[sflag:s26] =	ssyncadd.s32 $0xFFFFFC00  }
0xfb: {  	[spmem:s2] =	stream.indirect.scatter.add.bf16 [tilespmem:s20], [sflag:$0x6], $0x8, s28, s18, $0xb8;
	[tilespmem:$0x1FE00] =	vst v63  }
0xfc: {  	_ =	swait.ge [sflag:s29], $0x400  }
0xfd: {  	[sflag:s29] =	ssyncset.done $0x0  }
0xfe: {  	s30 =	simm.s32 $0xC700;
	[sflag:s29] =	ssyncadd.s32 $0xFFFFFC00  }
0xff: {  	[spmem:s2] =	stream.indirect.scatter.add.bf16 [tilespmem:s22], [sflag:$0x7], $0x8, s30, s18, $0xb8;
	[tilespmem:$0x1FE00] =	vst v63  }
0x100: {  	_ =	swait.ge [sflag:s31], $0x400  }
0x101: {  	[sflag:s31] =	ssyncset.done $0x0  }
0x102: {  	s10 =	simm.s32 $0x800;
	s12 =	simm.s32 $0xC780;
	[sflag:s31] =	ssyncadd.s32 $0xFFFFFC00  }
.LBB2_26:
0x103: {  	[spmem:s2] =	stream.indirect.scatter.add.bf16 [tilespmem:s24], [sflag:$0x8], $0x8, s12, s18, $0xb8;
	[tilespmem:$0x1FE00] =	vst v63  }
0x104: {  	s0 =	smov.u32 s10  }
0x105: {  	p1 =	sne.s32 s10, $0x30000;
	s10 =	sadd.s32 $0x800, s10;
	_ =	swait.ge [sflag:s21], $0x400  }
0x106: {  	s28 =	sshra.s32 s0, $0x2;
	[sflag:s21] =	ssyncset.done $0x0  }
0x107: {  	s0 =	sadd.s32 $0x200, s28;
	[sflag:s21] =	ssyncadd.s32 $0xFFFFFC00  }
0x108: {  	[tilespmem:s19], [sflag:$0x1] =	stream.indirect.gather [hbm4b:s7+s18], $0x8, s0, s18, $0xb8;
	[tilespmem:$0x1FE00] =	vst v63  }
0x109: {  	_ =	swait.ge [sflag:s8], $0x400  }
0x10a: {  	[sflag:s8] =	ssyncset.done $0x0  }
0x10b: {  	s0 =	sadd.s32 $0x280, s28;
	[sflag:s8] =	ssyncadd.s32 $0xFFFFFC00  }
0x10c: {  	[tilespmem:s20], [sflag:$0x2] =	stream.indirect.gather [hbm4b:s7+s18], $0x8, s0, s18, $0xb8;
	[tilespmem:$0x1FE00] =	vst v63  }
0x10d: {  	_ =	swait.ge [sflag:s23], $0x400  }
0x10e: {  	[sflag:s23] =	ssyncset.done $0x0  }
0x10f: {  	s0 =	sadd.s32 $0x300, s28;
	[sflag:s23] =	ssyncadd.s32 $0xFFFFFC00  }
0x110: {  	[tilespmem:s22], [sflag:$0x3] =	stream.indirect.gather [hbm4b:s7+s18], $0x8, s0, s18, $0xb8;
	[tilespmem:$0x1FE00] =	vst v63  }
0x111: {  	_ =	swait.ge [sflag:s9], $0x400  }
0x112: {  	[sflag:s9] =	ssyncset.done $0x0  }
0x113: {  	s0 =	sadd.s32 $0x380, s28;
	[sflag:s9] =	ssyncadd.s32 $0xFFFFFC00  }
0x114: {  	[tilespmem:s24], [sflag:$0x4] =	stream.indirect.gather [hbm4b:s7+s18], $0x8, s0, s18, $0xb8;
	[tilespmem:$0x1FE00] =	vst v63  }
0x115: {  	_ =	swait.ge [sflag:s25], $0x400  }
0x116: {  	[sflag:s25] =	ssyncset.done $0x0  }
0x117: {  	s0 =	sadd.s32 $0xC600, s28;
	[sflag:s25] =	ssyncadd.s32 $0xFFFFFC00  }
0x118: {  	[spmem:s2] =	stream.indirect.scatter.add.bf16 [tilespmem:s19], [sflag:$0x5], $0x8, s0, s18, $0xb8;
	[tilespmem:$0x1FE00] =	vst v63  }
0x119: {  	_ =	swait.ge [sflag:s26], $0x400  }
0x11a: {  	[sflag:s26] =	ssyncset.done $0x0  }
0x11b: {  	s0 =	sadd.s32 $0xC680, s28;
	[sflag:s26] =	ssyncadd.s32 $0xFFFFFC00  }
0x11c: {  	[spmem:s2] =	stream.indirect.scatter.add.bf16 [tilespmem:s20], [sflag:$0x6], $0x8, s0, s18, $0xb8;
	[tilespmem:$0x1FE00] =	vst v63  }
0x11d: {  	_ =	swait.ge [sflag:s29], $0x400  }
0x11e: {  	[sflag:s29] =	ssyncset.done $0x0  }
.Ltmp8:
0x11f: {  	s0 =	sadd.s32 $0xC700, s28;
	[sflag:s29] =	ssyncadd.s32 $0xFFFFFC00;
	(pc) =	sbr.rel @p1 .LBB2_26-.Ltmp8, $4  }
0x120: {  	[spmem:s2] =	stream.indirect.scatter.add.bf16 [tilespmem:s22], [sflag:$0x7], $0x8, s0, s18, $0xb8;
	[tilespmem:$0x1FE00] =	vst v63  }
0x121: {  	_ =	swait.ge [sflag:s31], $0x400  }
0x122: {  	[sflag:s31] =	ssyncset.done $0x0  }
0x123: {  	s12 =	sadd.s32 $0xC780, s28;
	[sflag:s31] =	ssyncadd.s32 $0xFFFFFC00  }
0x124: {  	[spmem:s2] =	stream.indirect.scatter.add.bf16 [tilespmem:s24], [sflag:$0x8], $0x8, s12, s18, $0xb8;
	[tilespmem:$0x1FE00] =	vst v63  }
0x125: {  	_ =	swait.ge [sflag:s21], $0x400  }
0x126: {  	[sflag:s21] =	ssyncset.done $0x0  }
0x127: {  	[sflag:s21] =	ssyncadd.s32 $0xFFFFFC00  }
0x128: {  	_ =	swait.ge [sflag:s8], $0x400  }
0x129: {  	[sflag:s8] =	ssyncset.done $0x0  }
0x12a: {  	[sflag:s8] =	ssyncadd.s32 $0xFFFFFC00  }
0x12b: {  	_ =	swait.ge [sflag:s23], $0x400  }
0x12c: {  	[sflag:s23] =	ssyncset.done $0x0  }
0x12d: {  	[sflag:s23] =	ssyncadd.s32 $0xFFFFFC00  }
0x12e: {  	s0 =	sadd.s32 $0x0, s1;
	_ =	swait.ge [sflag:s9], $0x400  }
0x12f: {  	p1 =	sgt.u32 s0, $0x187;
	[sflag:s9] =	ssyncset.done $0x0  }
0x130: {  	s0 =	sshll.u32 @!p1 s1, $0x6;
	s10 =	sshrl.u32 @!p1 s11, $0x3;
	[sflag:s9] =	ssyncadd.s32 $0xFFFFFC00  }
0x131: {  	s30 =	simm.s32 @!p1 $0x9;
	s0 =	sor.u32 @!p1 $0x1C09, s0;
	[bflag:$0x0] =	sbarrier.arrive $0xFFFF  }
0x132: {  	[hbm:s15], [sflag:s0] =	dma.local @!p1 [spmem:s10], $0x80  }
0x133: {  	s12 =	simm.s32 $0x20;
	s13 =	sadd.s32 $0x10, s1;
	_ =	swait.ge @!p1 [sflag:s30], $0x80  }
0x134: {  	s28 =	sadd.s32 $0x800, s15;
	s10 =	sadd.s32 $0x4000, s11;
	[sflag:s30] =	ssyncset.done @!p1 $0x0  }
.LBB2_28:
0x135: {  	s0 =	smov.u32 s12;
	s12 =	sadd.s32 $0x10, s12  }
0x136: {  	[sflag:s30] =	ssyncadd.s32 @!p1 $0xFFFFFF80;
	p1 =	sgt.u32 s13, $0x187;
	p2 =	sne.s32 s12, $0x190  }
.Ltmp9:
0x137: {  	s13 =	sshll.u32 @!p1 s1, $0x6;
	s14 =	sshrl.u32 @!p1 s10, $0x3;
	(pc) =	sbr.rel @p2 .LBB2_28-.Ltmp9, $4  }
0x138: {  	s30 =	simm.s32 @!p1 $0x9;
	s13 =	sor.u32 @!p1 $0x1C09, s13  }
0x139: {  	[hbm:s28], [sflag:s13] =	dma.local @!p1 [spmem:s14], $0x80  }
0x13a: {  	s10 =	sadd.s32 $0x4000, s10;
	_ =	swait.ge @!p1 [sflag:s30], $0x80  }
0x13b: {  	s13 =	sadd.s32 s0, s1;
	s28 =	sadd.s32 $0x800, s28;
	[sflag:s30] =	ssyncset.done @!p1 $0x0  }
0x13c: {  	p2 =	sgt.u32 s13, $0x187  }
0x13d: {  	[sflag:s30] =	ssyncadd.s32 @!p1 $0xFFFFFF80;
	s0 =	sshll.u32 @!p2 s1, $0x6;
	s10 =	sshrl.u32 @!p2 s10, $0x3  }
.Ltmp10:
0x13e: {  	s12 =	simm.s32 @!p2 $0x9;
	s0 =	sor.u32 @!p2 $0x1C09, s0;
	(pc) =	sbr.rel .LBB2_30-.Ltmp10, $4  }
0x13f: {  	[hbm:s28], [sflag:s0] =	dma.local @!p2 [spmem:s10], $0x80  }
0x140: {  	_ =	swait.ge @!p2 [sflag:s12], $0x80  }
0x141: {  	[sflag:s12] =	ssyncset.done @!p2 $0x0  }
0x142: {  	[sflag:s12] =	ssyncadd.s32 @!p2 $0xFFFFFF80  }
.LBB2_4:
0x143: {  	s10 =	sadd.s32 $0x0, s1  }
0x144: {  	p1 =	sgt.u32 s10, $0x187  }
0x145: {  	s10 =	simm.s32 @!p1 $0x19800;
	s30 =	simm.s32 @!p1 $0x9  }
0x146: {  	[spmem:s11] =	stream.linear.scatter @!p1 [tilespmem:s10], [sflag:$0x9], $0x400, $0x38;
	[tilespmem:$0x1FE00] =	vst v63  }
0x147: {  	s12 =	simm.s32 $0x10;
	_ =	swait.ge @!p1 [sflag:s30], $0x400  }
0x148: {  	s28 =	simm.s32 $0x20;
	s10 =	sadd.s32 $0x4000, s11;
	[sflag:s30] =	ssyncset.done @!p1 $0x0  }
.LBB2_5:
0x149: {  	s13 =	sadd.s32 s12, s1;
	s12 =	smov.u32 s28;
	s28 =	sadd.s32 $0x10, s28  }
0x14a: {  	[sflag:s30] =	ssyncadd.s32 @!p1 $0xFFFFFC00;
	p2 =	sne.s32 s28, $0x190  }
.Ltmp11:
0x14b: {  	p1 =	sgt.u32 s13, $0x187;
	(pc) =	sbr.rel @p2 .LBB2_5-.Ltmp11, $4  }
0x14c: {  	s13 =	simm.s32 @!p1 $0x19800;
	s30 =	simm.s32 @!p1 $0x9  }
0x14d: {  	[spmem:s10] =	stream.linear.scatter @!p1 [tilespmem:s13], [sflag:$0x9], $0x400, $0x38;
	[tilespmem:$0x1FE00] =	vst v63  }
0x14e: {  	_ =	swait.ge @!p1 [sflag:s30], $0x400  }
0x14f: {  	s10 =	sadd.s32 $0x4000, s10;
	[sflag:s30] =	ssyncset.done @!p1 $0x0  }
0x150: {  	s12 =	sadd.s32 s12, s1  }
0x151: {  	p2 =	sgt.u32 s12, $0x187  }
0x152: {  	[sflag:s30] =	ssyncadd.s32 @!p1 $0xFFFFFC00;
	s12 =	simm.s32 @!p2 $0x19800;
	s13 =	simm.s32 @!p2 $0x9  }
0x153: {  	[spmem:s10] =	stream.linear.scatter @!p2 [tilespmem:s12], [sflag:$0x9], $0x400, $0x38;
	[tilespmem:$0x1FE00] =	vst v63  }
0x154: {  	_ =	swait.ge @!p2 [sflag:s13], $0x400  }
0x155: {  	[sflag:s13] =	ssyncset.done @!p2 $0x0  }
0x156: {  	[sflag:s13] =	ssyncadd.s32 @!p2 $0xFFFFFC00  }
0x157: {  	s0 =	simm.s32 $0x0;
	[bflag:$0x0] =	sbarrier.arrive $0xFFFF  }
0x158: {  	[tilespmem:s19], [sflag:$0x1] =	stream.indirect.gather [hbm4b:s4+s18], $0x8, s0, s18, $0xb8;
	[tilespmem:$0x1FE00] =	vst v63  }
0x159: {  	_ = 	snop  }
0x15a: {  	[tilespmem:s20], [sflag:$0x2] =	stream.indirect.gather [hbm4b:s4+s18], $0x8, s18, s18, $0xb8;
	[tilespmem:$0x1FE00] =	vst v63  }
0x15b: {  	s0 =	simm.s32 $0x100  }
0x15c: {  	[tilespmem:s22], [sflag:$0x3] =	stream.indirect.gather [hbm4b:s4+s18], $0x8, s0, s18, $0xb8;
	[tilespmem:$0x1FE00] =	vst v63  }
0x15d: {  	s12 =	simm.s32 $0x180  }
0x15e: {  	[tilespmem:s24], [sflag:$0x4] =	stream.indirect.gather [hbm4b:s4+s18], $0x8, s12, s18, $0xb8;
	[tilespmem:$0x1FE00] =	vst v63  }
0x15f: {  	_ =	swait.ge [sflag:s25], $0x400  }
0x160: {  	[sflag:s25] =	ssyncset.done $0x0  }
0x161: {  	[sflag:s25] =	ssyncadd.s32 $0xFFFFFC00  }
0x162: {  	[spmem:s2] =	stream.indirect.scatter.add.bf16 [tilespmem:s19], [sflag:$0x5], $0x8, s16, s18, $0xb8;
	[tilespmem:$0x1FE00] =	vst v63  }
0x163: {  	_ =	swait.ge [sflag:s26], $0x400  }
0x164: {  	[sflag:s26] =	ssyncset.done $0x0  }
0x165: {  	s13 =	simm.s32 $0xC480;
	[sflag:s26] =	ssyncadd.s32 $0xFFFFFC00  }
0x166: {  	[spmem:s2] =	stream.indirect.scatter.add.bf16 [tilespmem:s20], [sflag:$0x6], $0x8, s13, s18, $0xb8;
	[tilespmem:$0x1FE00] =	vst v63  }
0x167: {  	_ =	swait.ge [sflag:s29], $0x400  }
0x168: {  	[sflag:s29] =	ssyncset.done $0x0  }
0x169: {  	s14 =	simm.s32 $0xC500;
	[sflag:s29] =	ssyncadd.s32 $0xFFFFFC00  }
0x16a: {  	[spmem:s2] =	stream.indirect.scatter.add.bf16 [tilespmem:s22], [sflag:$0x7], $0x8, s14, s18, $0xb8;
	[tilespmem:$0x1FE00] =	vst v63  }
0x16b: {  	_ =	swait.ge [sflag:s31], $0x400  }
0x16c: {  	[sflag:s31] =	ssyncset.done $0x0  }
0x16d: {  	s28 =	simm.s32 $0xC580;
	[sflag:s31] =	ssyncadd.s32 $0xFFFFFC00  }
0x16e: {  	[spmem:s2] =	stream.indirect.scatter.add.bf16 [tilespmem:s24], [sflag:$0x8], $0x8, s28, s18, $0xb8;
	[tilespmem:$0x1FE00] =	vst v63  }
0x16f: {  	_ =	swait.ge [sflag:s21], $0x400  }
0x170: {  	[sflag:s21] =	ssyncset.done $0x0  }
0x171: {  	s30 =	simm.s32 $0x200;
	[sflag:s21] =	ssyncadd.s32 $0xFFFFFC00  }
0x172: {  	[tilespmem:s19], [sflag:$0x1] =	stream.indirect.gather [hbm4b:s4+s18], $0x8, s30, s18, $0xb8;
	[tilespmem:$0x1FE00] =	vst v63  }
0x173: {  	_ =	swait.ge [sflag:s8], $0x400  }
0x174: {  	[sflag:s8] =	ssyncset.done $0x0  }
0x175: {  	s0 =	simm.s32 $0x280;
	[sflag:s8] =	ssyncadd.s32 $0xFFFFFC00  }
0x176: {  	[tilespmem:s20], [sflag:$0x2] =	stream.indirect.gather [hbm4b:s4+s18], $0x8, s0, s18, $0xb8;
	[tilespmem:$0x1FE00] =	vst v63  }
0x177: {  	_ =	swait.ge [sflag:s23], $0x400  }
0x178: {  	[sflag:s23] =	ssyncset.done $0x0  }
0x179: {  	s12 =	simm.s32 $0x300;
	[sflag:s23] =	ssyncadd.s32 $0xFFFFFC00  }
0x17a: {  	[tilespmem:s22], [sflag:$0x3] =	stream.indirect.gather [hbm4b:s4+s18], $0x8, s12, s18, $0xb8;
	[tilespmem:$0x1FE00] =	vst v63  }
0x17b: {  	_ =	swait.ge [sflag:s9], $0x400  }
0x17c: {  	[sflag:s9] =	ssyncset.done $0x0  }
0x17d: {  	s13 =	simm.s32 $0x380;
	[sflag:s9] =	ssyncadd.s32 $0xFFFFFC00  }
0x17e: {  	[tilespmem:s24], [sflag:$0x4] =	stream.indirect.gather [hbm4b:s4+s18], $0x8, s13, s18, $0xb8;
	[tilespmem:$0x1FE00] =	vst v63  }
0x17f: {  	_ =	swait.ge [sflag:s25], $0x400  }
0x180: {  	[sflag:s25] =	ssyncset.done $0x0  }
0x181: {  	s14 =	simm.s32 $0xC600;
	[sflag:s25] =	ssyncadd.s32 $0xFFFFFC00  }
0x182: {  	[spmem:s2] =	stream.indirect.scatter.add.bf16 [tilespmem:s19], [sflag:$0x5], $0x8, s14, s18, $0xb8;
	[tilespmem:$0x1FE00] =	vst v63  }
0x183: {  	_ =	swait.ge [sflag:s26], $0x400  }
0x184: {  	[sflag:s26] =	ssyncset.done $0x0  }
0x185: {  	s28 =	simm.s32 $0xC680;
	[sflag:s26] =	ssyncadd.s32 $0xFFFFFC00  }
0x186: {  	[spmem:s2] =	stream.indirect.scatter.add.bf16 [tilespmem:s20], [sflag:$0x6], $0x8, s28, s18, $0xb8;
	[tilespmem:$0x1FE00] =	vst v63  }
0x187: {  	_ =	swait.ge [sflag:s29], $0x400  }
0x188: {  	[sflag:s29] =	ssyncset.done $0x0  }
0x189: {  	s30 =	simm.s32 $0xC700;
	[sflag:s29] =	ssyncadd.s32 $0xFFFFFC00  }
0x18a: {  	[spmem:s2] =	stream.indirect.scatter.add.bf16 [tilespmem:s22], [sflag:$0x7], $0x8, s30, s18, $0xb8;
	[tilespmem:$0x1FE00] =	vst v63  }
0x18b: {  	_ =	swait.ge [sflag:s31], $0x400  }
0x18c: {  	[sflag:s31] =	ssyncset.done $0x0  }
0x18d: {  	s10 =	simm.s32 $0x800;
	s12 =	simm.s32 $0xC780;
	[sflag:s31] =	ssyncadd.s32 $0xFFFFFC00  }
.LBB2_7:
0x18e: {  	[spmem:s2] =	stream.indirect.scatter.add.bf16 [tilespmem:s24], [sflag:$0x8], $0x8, s12, s18, $0xb8;
	[tilespmem:$0x1FE00] =	vst v63  }
0x18f: {  	s12 =	smov.u32 s10  }
0x190: {  	p1 =	sne.s32 s10, $0x30000;
	s10 =	sadd.s32 $0x800, s10;
	_ =	swait.ge [sflag:s21], $0x400  }
0x191: {  	s28 =	sshra.s32 s12, $0x2;
	[sflag:s21] =	ssyncset.done $0x0  }
0x192: {  	s12 =	sadd.s32 $0x200, s28;
	[sflag:s21] =	ssyncadd.s32 $0xFFFFFC00  }
0x193: {  	[tilespmem:s19], [sflag:$0x1] =	stream.indirect.gather [hbm4b:s4+s18], $0x8, s12, s18, $0xb8;
	[tilespmem:$0x1FE00] =	vst v63  }
0x194: {  	_ =	swait.ge [sflag:s8], $0x400  }
0x195: {  	[sflag:s8] =	ssyncset.done $0x0  }
0x196: {  	s12 =	sadd.s32 $0x280, s28;
	[sflag:s8] =	ssyncadd.s32 $0xFFFFFC00  }
0x197: {  	[tilespmem:s20], [sflag:$0x2] =	stream.indirect.gather [hbm4b:s4+s18], $0x8, s12, s18, $0xb8;
	[tilespmem:$0x1FE00] =	vst v63  }
0x198: {  	_ =	swait.ge [sflag:s23], $0x400  }
0x199: {  	[sflag:s23] =	ssyncset.done $0x0  }
0x19a: {  	s12 =	sadd.s32 $0x300, s28;
	[sflag:s23] =	ssyncadd.s32 $0xFFFFFC00  }
0x19b: {  	[tilespmem:s22], [sflag:$0x3] =	stream.indirect.gather [hbm4b:s4+s18], $0x8, s12, s18, $0xb8;
	[tilespmem:$0x1FE00] =	vst v63  }
0x19c: {  	_ =	swait.ge [sflag:s9], $0x400  }
0x19d: {  	[sflag:s9] =	ssyncset.done $0x0  }
0x19e: {  	s12 =	sadd.s32 $0x380, s28;
	[sflag:s9] =	ssyncadd.s32 $0xFFFFFC00  }
0x19f: {  	[tilespmem:s24], [sflag:$0x4] =	stream.indirect.gather [hbm4b:s4+s18], $0x8, s12, s18, $0xb8;
	[tilespmem:$0x1FE00] =	vst v63  }
0x1a0: {  	_ =	swait.ge [sflag:s25], $0x400  }
0x1a1: {  	[sflag:s25] =	ssyncset.done $0x0  }
0x1a2: {  	s12 =	sadd.s32 $0xC600, s28;
	[sflag:s25] =	ssyncadd.s32 $0xFFFFFC00  }
0x1a3: {  	[spmem:s2] =	stream.indirect.scatter.add.bf16 [tilespmem:s19], [sflag:$0x5], $0x8, s12, s18, $0xb8;
	[tilespmem:$0x1FE00] =	vst v63  }
0x1a4: {  	_ =	swait.ge [sflag:s26], $0x400  }
0x1a5: {  	[sflag:s26] =	ssyncset.done $0x0  }
0x1a6: {  	s12 =	sadd.s32 $0xC680, s28;
	[sflag:s26] =	ssyncadd.s32 $0xFFFFFC00  }
0x1a7: {  	[spmem:s2] =	stream.indirect.scatter.add.bf16 [tilespmem:s20], [sflag:$0x6], $0x8, s12, s18, $0xb8;
	[tilespmem:$0x1FE00] =	vst v63  }
0x1a8: {  	_ =	swait.ge [sflag:s29], $0x400  }
0x1a9: {  	[sflag:s29] =	ssyncset.done $0x0  }
.Ltmp12:
0x1aa: {  	s12 =	sadd.s32 $0xC700, s28;
	[sflag:s29] =	ssyncadd.s32 $0xFFFFFC00;
	(pc) =	sbr.rel @p1 .LBB2_7-.Ltmp12, $4  }
0x1ab: {  	[spmem:s2] =	stream.indirect.scatter.add.bf16 [tilespmem:s22], [sflag:$0x7], $0x8, s12, s18, $0xb8;
	[tilespmem:$0x1FE00] =	vst v63  }
0x1ac: {  	_ =	swait.ge [sflag:s31], $0x400  }
0x1ad: {  	[sflag:s31] =	ssyncset.done $0x0  }
0x1ae: {  	s12 =	sadd.s32 $0xC780, s28;
	[sflag:s31] =	ssyncadd.s32 $0xFFFFFC00  }
0x1af: {  	[spmem:s2] =	stream.indirect.scatter.add.bf16 [tilespmem:s24], [sflag:$0x8], $0x8, s12, s18, $0xb8;
	[tilespmem:$0x1FE00] =	vst v63  }
0x1b0: {  	_ =	swait.ge [sflag:s21], $0x400  }
0x1b1: {  	[sflag:s21] =	ssyncset.done $0x0  }
0x1b2: {  	[sflag:s21] =	ssyncadd.s32 $0xFFFFFC00  }
0x1b3: {  	_ =	swait.ge [sflag:s8], $0x400  }
0x1b4: {  	[sflag:s8] =	ssyncset.done $0x0  }
0x1b5: {  	[sflag:s8] =	ssyncadd.s32 $0xFFFFFC00  }
0x1b6: {  	_ =	swait.ge [sflag:s23], $0x400  }
0x1b7: {  	[sflag:s23] =	ssyncset.done $0x0  }
0x1b8: {  	[sflag:s23] =	ssyncadd.s32 $0xFFFFFC00  }
0x1b9: {  	_ =	swait.ge [sflag:s9], $0x400  }
0x1ba: {  	s10 =	sadd.s32 $0x0, s1;
	[sflag:s9] =	ssyncset.done $0x0  }
0x1bb: {  	p1 =	sgt.u32 s10, $0x187;
	[sflag:s9] =	ssyncadd.s32 $0xFFFFFC00  }
0x1bc: {  	s10 =	sshll.u32 @!p1 s1, $0x6;
	s12 =	sshrl.u32 @!p1 s11, $0x3;
	[bflag:$0x0] =	sbarrier.arrive $0xFFFF  }
0x1bd: {  	s30 =	simm.s32 @!p1 $0x9;
	s10 =	sor.u32 @!p1 $0x1C09, s10;
	s0 =	rddreg [dreg:$0x6]  }
0x1be: {  	[hbm:s0], [sflag:s10] =	dma.local @!p1 [spmem:s12], $0x80  }
0x1bf: {  	s13 =	sadd.s32 $0x10, s1;
	s12 =	simm.s32 $0x20;
	_ =	swait.ge @!p1 [sflag:s30], $0x80  }
0x1c0: {  	s10 =	sadd.s32 $0x4000, s11;
	s28 =	sadd.s32 $0x800, s0;
	[sflag:s30] =	ssyncset.done @!p1 $0x0  }
.LBB2_9:
0x1c1: {  	[sflag:s30] =	ssyncadd.s32 @!p1 $0xFFFFFF80  }
0x1c2: {  	p1 =	sgt.u32 s13, $0x187;
	s13 =	smov.u32 s12;
	s12 =	sadd.s32 $0x10, s12  }
0x1c3: {  	p2 =	sne.s32 s12, $0x190  }
.Ltmp13:
0x1c4: {  	s30 =	sshll.u32 @!p1 s1, $0x6;
	s14 =	sshrl.u32 @!p1 s10, $0x3;
	(pc) =	sbr.rel @p2 .LBB2_9-.Ltmp13, $4  }
0x1c5: {  	s0 =	sor.u32 @!p1 $0x1C09, s30;
	s30 =	simm.s32 @!p1 $0x9  }
0x1c6: {  	[hbm:s28], [sflag:s0] =	dma.local @!p1 [spmem:s14], $0x80  }
0x1c7: {  	s10 =	sadd.s32 $0x4000, s10;
	_ =	swait.ge @!p1 [sflag:s30], $0x80  }
0x1c8: {  	s13 =	sadd.s32 s13, s1;
	s28 =	sadd.s32 $0x800, s28;
	[sflag:s30] =	ssyncset.done @!p1 $0x0  }
0x1c9: {  	p2 =	sgt.u32 s13, $0x187  }
0x1ca: {  	[sflag:s30] =	ssyncadd.s32 @!p1 $0xFFFFFF80;
	s0 =	sshll.u32 @!p2 s1, $0x6  }
0x1cb: {  	s10 =	sshrl.u32 @!p2 s10, $0x3;
	s12 =	simm.s32 @!p2 $0x9;
	s0 =	sor.u32 @!p2 $0x1C09, s0  }
0x1cc: {  	[hbm:s28], [sflag:s0] =	dma.local @!p2 [spmem:s10], $0x80  }
0x1cd: {  	_ =	swait.ge @!p2 [sflag:s12], $0x80  }
0x1ce: {  	s14 =	sadd.s32 $0x0, s1;
	[sflag:s12] =	ssyncset.done @!p2 $0x0  }
0x1cf: {  	p1 =	sgt.u32 s14, $0x187;
	[sflag:s12] =	ssyncadd.s32 @!p2 $0xFFFFFF80  }
0x1d0: {  	s30 =	simm.s32 @!p1 $0x9;
	s0 =	simm.s32 @!p1 $0x19800;
	[bflag:$0x0] =	sbarrier.arrive $0xFFFF  }
0x1d1: {  	[spmem:s11] =	stream.linear.scatter @!p1 [tilespmem:s0], [sflag:$0x9], $0x400, $0x38;
	[tilespmem:$0x1FE00] =	vst v63  }
0x1d2: {  	s28 =	simm.s32 $0x20;
	_ =	swait.ge @!p1 [sflag:s30], $0x400  }
0x1d3: {  	s10 =	sadd.s32 $0x4000, s11;
	s12 =	simm.s32 $0x10;
	[sflag:s30] =	ssyncset.done @!p1 $0x0  }
.LBB2_11:
0x1d4: {  	s0 =	sadd.s32 s12, s1;
	s12 =	smov.u32 s28;
	s28 =	sadd.s32 $0x10, s28  }
0x1d5: {  	[sflag:s30] =	ssyncadd.s32 @!p1 $0xFFFFFC00;
	p2 =	sne.s32 s28, $0x190  }
.Ltmp14:
0x1d6: {  	p1 =	sgt.u32 s0, $0x187;
	(pc) =	sbr.rel @p2 .LBB2_11-.Ltmp14, $4  }
0x1d7: {  	s0 =	simm.s32 @!p1 $0x19800;
	s30 =	simm.s32 @!p1 $0x9  }
0x1d8: {  	[spmem:s10] =	stream.linear.scatter @!p1 [tilespmem:s0], [sflag:$0x9], $0x400, $0x38;
	[tilespmem:$0x1FE00] =	vst v63  }
0x1d9: {  	_ =	swait.ge @!p1 [sflag:s30], $0x400  }
0x1da: {  	s10 =	sadd.s32 $0x4000, s10;
	[sflag:s30] =	ssyncset.done @!p1 $0x0  }
0x1db: {  	s0 =	sadd.s32 s12, s1  }
0x1dc: {  	p2 =	sgt.u32 s0, $0x187  }
0x1dd: {  	[sflag:s30] =	ssyncadd.s32 @!p1 $0xFFFFFC00;
	s0 =	simm.s32 @!p2 $0x19800;
	s12 =	simm.s32 @!p2 $0x9  }
0x1de: {  	[spmem:s10] =	stream.linear.scatter @!p2 [tilespmem:s0], [sflag:$0x9], $0x400, $0x38;
	[tilespmem:$0x1FE00] =	vst v63  }
0x1df: {  	_ =	swait.ge @!p2 [sflag:s12], $0x400  }
0x1e0: {  	[sflag:s12] =	ssyncset.done @!p2 $0x0  }
0x1e1: {  	[sflag:s12] =	ssyncadd.s32 @!p2 $0xFFFFFC00  }
0x1e2: {  	s30 =	simm.s32 $0x0;
	[bflag:$0x0] =	sbarrier.arrive $0xFFFF  }
0x1e3: {  	[tilespmem:s19], [sflag:$0x1] =	stream.indirect.gather [hbm4b:s6+s18], $0x8, s30, s18, $0xb8;
	[tilespmem:$0x1FE00] =	vst v63  }
0x1e4: {  	_ = 	snop  }
0x1e5: {  	[tilespmem:s20], [sflag:$0x2] =	stream.indirect.gather [hbm4b:s6+s18], $0x8, s18, s18, $0xb8;
	[tilespmem:$0x1FE00] =	vst v63  }
0x1e6: {  	s10 =	simm.s32 $0x100  }
0x1e7: {  	[tilespmem:s22], [sflag:$0x3] =	stream.indirect.gather [hbm4b:s6+s18], $0x8, s10, s18, $0xb8;
	[tilespmem:$0x1FE00] =	vst v63  }
0x1e8: {  	s12 =	simm.s32 $0x180  }
0x1e9: {  	[tilespmem:s24], [sflag:$0x4] =	stream.indirect.gather [hbm4b:s6+s18], $0x8, s12, s18, $0xb8;
	[tilespmem:$0x1FE00] =	vst v63  }
0x1ea: {  	_ =	swait.ge [sflag:s25], $0x400  }
0x1eb: {  	[sflag:s25] =	ssyncset.done $0x0  }
0x1ec: {  	[sflag:s25] =	ssyncadd.s32 $0xFFFFFC00  }
0x1ed: {  	[spmem:s2] =	stream.indirect.scatter.add.bf16 [tilespmem:s19], [sflag:$0x5], $0x8, s16, s18, $0xb8;
	[tilespmem:$0x1FE00] =	vst v63  }
0x1ee: {  	_ =	swait.ge [sflag:s26], $0x400  }
0x1ef: {  	[sflag:s26] =	ssyncset.done $0x0  }
0x1f0: {  	s13 =	simm.s32 $0xC480;
	[sflag:s26] =	ssyncadd.s32 $0xFFFFFC00  }
0x1f1: {  	[spmem:s2] =	stream.indirect.scatter.add.bf16 [tilespmem:s20], [sflag:$0x6], $0x8, s13, s18, $0xb8;
	[tilespmem:$0x1FE00] =	vst v63  }
0x1f2: {  	_ =	swait.ge [sflag:s29], $0x400  }
0x1f3: {  	[sflag:s29] =	ssyncset.done $0x0  }
0x1f4: {  	s14 =	simm.s32 $0xC500;
	[sflag:s29] =	ssyncadd.s32 $0xFFFFFC00  }
0x1f5: {  	[spmem:s2] =	stream.indirect.scatter.add.bf16 [tilespmem:s22], [sflag:$0x7], $0x8, s14, s18, $0xb8;
	[tilespmem:$0x1FE00] =	vst v63  }
0x1f6: {  	_ =	swait.ge [sflag:s31], $0x400  }
0x1f7: {  	[sflag:s31] =	ssyncset.done $0x0  }
0x1f8: {  	s28 =	simm.s32 $0xC580;
	[sflag:s31] =	ssyncadd.s32 $0xFFFFFC00  }
0x1f9: {  	[spmem:s2] =	stream.indirect.scatter.add.bf16 [tilespmem:s24], [sflag:$0x8], $0x8, s28, s18, $0xb8;
	[tilespmem:$0x1FE00] =	vst v63  }
0x1fa: {  	_ =	swait.ge [sflag:s21], $0x400  }
0x1fb: {  	[sflag:s21] =	ssyncset.done $0x0  }
0x1fc: {  	s30 =	simm.s32 $0x200;
	[sflag:s21] =	ssyncadd.s32 $0xFFFFFC00  }
0x1fd: {  	[tilespmem:s19], [sflag:$0x1] =	stream.indirect.gather [hbm4b:s6+s18], $0x8, s30, s18, $0xb8;
	[tilespmem:$0x1FE00] =	vst v63  }
0x1fe: {  	_ =	swait.ge [sflag:s8], $0x400  }
0x1ff: {  	[sflag:s8] =	ssyncset.done $0x0  }
0x200: {  	s10 =	simm.s32 $0x280;
	[sflag:s8] =	ssyncadd.s32 $0xFFFFFC00  }
0x201: {  	[tilespmem:s20], [sflag:$0x2] =	stream.indirect.gather [hbm4b:s6+s18], $0x8, s10, s18, $0xb8;
	[tilespmem:$0x1FE00] =	vst v63  }
0x202: {  	_ =	swait.ge [sflag:s23], $0x400  }
0x203: {  	[sflag:s23] =	ssyncset.done $0x0  }
0x204: {  	s12 =	simm.s32 $0x300;
	[sflag:s23] =	ssyncadd.s32 $0xFFFFFC00  }
0x205: {  	[tilespmem:s22], [sflag:$0x3] =	stream.indirect.gather [hbm4b:s6+s18], $0x8, s12, s18, $0xb8;
	[tilespmem:$0x1FE00] =	vst v63  }
0x206: {  	_ =	swait.ge [sflag:s9], $0x400  }
0x207: {  	[sflag:s9] =	ssyncset.done $0x0  }
0x208: {  	s13 =	simm.s32 $0x380;
	[sflag:s9] =	ssyncadd.s32 $0xFFFFFC00  }
0x209: {  	[tilespmem:s24], [sflag:$0x4] =	stream.indirect.gather [hbm4b:s6+s18], $0x8, s13, s18, $0xb8;
	[tilespmem:$0x1FE00] =	vst v63  }
0x20a: {  	_ =	swait.ge [sflag:s25], $0x400  }
0x20b: {  	[sflag:s25] =	ssyncset.done $0x0  }
0x20c: {  	s14 =	simm.s32 $0xC600;
	[sflag:s25] =	ssyncadd.s32 $0xFFFFFC00  }
0x20d: {  	[spmem:s2] =	stream.indirect.scatter.add.bf16 [tilespmem:s19], [sflag:$0x5], $0x8, s14, s18, $0xb8;
	[tilespmem:$0x1FE00] =	vst v63  }
0x20e: {  	_ =	swait.ge [sflag:s26], $0x400  }
0x20f: {  	[sflag:s26] =	ssyncset.done $0x0  }
0x210: {  	s28 =	simm.s32 $0xC680;
	[sflag:s26] =	ssyncadd.s32 $0xFFFFFC00  }
0x211: {  	[spmem:s2] =	stream.indirect.scatter.add.bf16 [tilespmem:s20], [sflag:$0x6], $0x8, s28, s18, $0xb8;
	[tilespmem:$0x1FE00] =	vst v63  }
0x212: {  	_ =	swait.ge [sflag:s29], $0x400  }
0x213: {  	[sflag:s29] =	ssyncset.done $0x0  }
0x214: {  	s30 =	simm.s32 $0xC700;
	[sflag:s29] =	ssyncadd.s32 $0xFFFFFC00  }
0x215: {  	[spmem:s2] =	stream.indirect.scatter.add.bf16 [tilespmem:s22], [sflag:$0x7], $0x8, s30, s18, $0xb8;
	[tilespmem:$0x1FE00] =	vst v63  }
0x216: {  	_ =	swait.ge [sflag:s31], $0x400  }
0x217: {  	[sflag:s31] =	ssyncset.done $0x0  }
0x218: {  	s10 =	simm.s32 $0x800;
	s12 =	simm.s32 $0xC780;
	[sflag:s31] =	ssyncadd.s32 $0xFFFFFC00  }
.LBB2_13:
0x219: {  	[spmem:s2] =	stream.indirect.scatter.add.bf16 [tilespmem:s24], [sflag:$0x8], $0x8, s12, s18, $0xb8;
	[tilespmem:$0x1FE00] =	vst v63  }
0x21a: {  	s0 =	smov.u32 s10  }
0x21b: {  	p1 =	sne.s32 s10, $0x30000;
	s10 =	sadd.s32 $0x800, s10;
	_ =	swait.ge [sflag:s21], $0x400  }
0x21c: {  	s28 =	sshra.s32 s0, $0x2;
	[sflag:s21] =	ssyncset.done $0x0  }
0x21d: {  	s0 =	sadd.s32 $0x200, s28;
	[sflag:s21] =	ssyncadd.s32 $0xFFFFFC00  }
0x21e: {  	[tilespmem:s19], [sflag:$0x1] =	stream.indirect.gather [hbm4b:s6+s18], $0x8, s0, s18, $0xb8;
	[tilespmem:$0x1FE00] =	vst v63  }
0x21f: {  	_ =	swait.ge [sflag:s8], $0x400  }
0x220: {  	[sflag:s8] =	ssyncset.done $0x0  }
0x221: {  	s0 =	sadd.s32 $0x280, s28;
	[sflag:s8] =	ssyncadd.s32 $0xFFFFFC00  }
0x222: {  	[tilespmem:s20], [sflag:$0x2] =	stream.indirect.gather [hbm4b:s6+s18], $0x8, s0, s18, $0xb8;
	[tilespmem:$0x1FE00] =	vst v63  }
0x223: {  	_ =	swait.ge [sflag:s23], $0x400  }
0x224: {  	[sflag:s23] =	ssyncset.done $0x0  }
0x225: {  	s0 =	sadd.s32 $0x300, s28;
	[sflag:s23] =	ssyncadd.s32 $0xFFFFFC00  }
0x226: {  	[tilespmem:s22], [sflag:$0x3] =	stream.indirect.gather [hbm4b:s6+s18], $0x8, s0, s18, $0xb8;
	[tilespmem:$0x1FE00] =	vst v63  }
0x227: {  	_ =	swait.ge [sflag:s9], $0x400  }
0x228: {  	[sflag:s9] =	ssyncset.done $0x0  }
0x229: {  	s0 =	sadd.s32 $0x380, s28;
	[sflag:s9] =	ssyncadd.s32 $0xFFFFFC00  }
0x22a: {  	[tilespmem:s24], [sflag:$0x4] =	stream.indirect.gather [hbm4b:s6+s18], $0x8, s0, s18, $0xb8;
	[tilespmem:$0x1FE00] =	vst v63  }
0x22b: {  	_ =	swait.ge [sflag:s25], $0x400  }
0x22c: {  	[sflag:s25] =	ssyncset.done $0x0  }
0x22d: {  	s0 =	sadd.s32 $0xC600, s28;
	[sflag:s25] =	ssyncadd.s32 $0xFFFFFC00  }
0x22e: {  	[spmem:s2] =	stream.indirect.scatter.add.bf16 [tilespmem:s19], [sflag:$0x5], $0x8, s0, s18, $0xb8;
	[tilespmem:$0x1FE00] =	vst v63  }
0x22f: {  	_ =	swait.ge [sflag:s26], $0x400  }
0x230: {  	[sflag:s26] =	ssyncset.done $0x0  }
0x231: {  	s0 =	sadd.s32 $0xC680, s28;
	[sflag:s26] =	ssyncadd.s32 $0xFFFFFC00  }
0x232: {  	[spmem:s2] =	stream.indirect.scatter.add.bf16 [tilespmem:s20], [sflag:$0x6], $0x8, s0, s18, $0xb8;
	[tilespmem:$0x1FE00] =	vst v63  }
0x233: {  	_ =	swait.ge [sflag:s29], $0x400  }
0x234: {  	[sflag:s29] =	ssyncset.done $0x0  }
.Ltmp15:
0x235: {  	s0 =	sadd.s32 $0xC700, s28;
	[sflag:s29] =	ssyncadd.s32 $0xFFFFFC00;
	(pc) =	sbr.rel @p1 .LBB2_13-.Ltmp15, $4  }
0x236: {  	[spmem:s2] =	stream.indirect.scatter.add.bf16 [tilespmem:s22], [sflag:$0x7], $0x8, s0, s18, $0xb8;
	[tilespmem:$0x1FE00] =	vst v63  }
0x237: {  	_ =	swait.ge [sflag:s31], $0x400  }
0x238: {  	[sflag:s31] =	ssyncset.done $0x0  }
0x239: {  	s12 =	sadd.s32 $0xC780, s28;
	[sflag:s31] =	ssyncadd.s32 $0xFFFFFC00  }
0x23a: {  	[spmem:s2] =	stream.indirect.scatter.add.bf16 [tilespmem:s24], [sflag:$0x8], $0x8, s12, s18, $0xb8;
	[tilespmem:$0x1FE00] =	vst v63  }
0x23b: {  	_ =	swait.ge [sflag:s21], $0x400  }
0x23c: {  	[sflag:s21] =	ssyncset.done $0x0  }
0x23d: {  	[sflag:s21] =	ssyncadd.s32 $0xFFFFFC00  }
0x23e: {  	_ =	swait.ge [sflag:s8], $0x400  }
0x23f: {  	[sflag:s8] =	ssyncset.done $0x0  }
0x240: {  	[sflag:s8] =	ssyncadd.s32 $0xFFFFFC00  }
0x241: {  	_ =	swait.ge [sflag:s23], $0x400  }
0x242: {  	[sflag:s23] =	ssyncset.done $0x0  }
0x243: {  	[sflag:s23] =	ssyncadd.s32 $0xFFFFFC00  }
0x244: {  	_ =	swait.ge [sflag:s9], $0x400  }
0x245: {  	s0 =	sadd.s32 $0x0, s1;
	[sflag:s9] =	ssyncset.done $0x0  }
0x246: {  	p1 =	sgt.u32 s0, $0x187;
	[sflag:s9] =	ssyncadd.s32 $0xFFFFFC00  }
0x247: {  	s0 =	sshll.u32 @!p1 s1, $0x6;
	s10 =	sshrl.u32 @!p1 s11, $0x3;
	[bflag:$0x0] =	sbarrier.arrive $0xFFFF  }
0x248: {  	s30 =	simm.s32 @!p1 $0x9;
	s0 =	sor.u32 @!p1 $0x1C09, s0;
	s14 =	rddreg [dreg:$0x7]  }
0x249: {  	[hbm:s14], [sflag:s0] =	dma.local @!p1 [spmem:s10], $0x80  }
0x24a: {  	s12 =	simm.s32 $0x20;
	s13 =	sadd.s32 $0x10, s1;
	_ =	swait.ge @!p1 [sflag:s30], $0x80  }
0x24b: {  	s10 =	sadd.s32 $0x4000, s11;
	s28 =	sadd.s32 $0x800, s14;
	[sflag:s30] =	ssyncset.done @!p1 $0x0  }
.LBB2_15:
0x24c: {  	s0 =	smov.u32 s12;
	s12 =	sadd.s32 $0x10, s12  }
0x24d: {  	[sflag:s30] =	ssyncadd.s32 @!p1 $0xFFFFFF80;
	p1 =	sgt.u32 s13, $0x187;
	p2 =	seq.s32 s12, $0x190  }
.Ltmp16:
0x24e: {  	s13 =	sshll.u32 @!p1 s1, $0x6;
	s14 =	sshrl.u32 @!p1 s10, $0x3;
	(pc) =	sbr.rel @!p2 .LBB2_15-.Ltmp16, $4  }
0x24f: {  	s30 =	simm.s32 @!p1 $0x9;
	s13 =	sor.u32 @!p1 $0x1C09, s13  }
0x250: {  	[hbm:s28], [sflag:s13] =	dma.local @!p1 [spmem:s14], $0x80  }
0x251: {  	s10 =	sadd.s32 $0x4000, s10;
	_ =	swait.ge @!p1 [sflag:s30], $0x80  }
0x252: {  	s13 =	sadd.s32 s0, s1;
	s28 =	sadd.s32 $0x800, s28;
	[sflag:s30] =	ssyncset.done @!p1 $0x0  }
.Ltmp17:
0x253: {  	_ = 	snop;
	(pc) =	sbr.rel .LBB2_16-.Ltmp17, $1  }
0x254: {  	_ =	sdelay $0x3  }
.LBB2_31:
0x255: {  	_ =	sfence.sel $0x180000  }
0x256: {  	[bflag:$0x0] =	sbarrier.arrive $0xFFFF  }
0x257: {  	_ =	strace $0x9000004A  }
0x258: {  	[bflag:$0x2] =	sbarrier.arrive $0xFFFF  }
0x259: {  	p0 =	sne.s32 s1, $0x0;
	s0 =	rddreg [dreg:$0x2]  }
0x25a: {  	s0 =	sadd.s32 @!p0 $0x100000, s0  }
0x25b: {  	[sflag:s0] =	ssyncadd.tile.s32 @!p0 $0x1;
	_ =	shalt  }
.Lfunc_end2:
_tile_overlayer_lowered:
.L_overlay_start_2:
0x25c: {  	(tag) =	ssettag $0x2  }
0x25d: {  	s0 =	rddreg [dreg:$0x0];
	s2 =	stileid.u32  }
0x25e: {  	s1 =	rddreg [dreg:$0x1];
	p0 =	sne.s32 s2, $0x0  }
0x25f: {  	s3 =	rddreg [dreg:$0x2];
	[bflag:$0x3] =	sbarrier.arrive $0xFFFF;
	s2 =	simm.s32 @!p0 $0x1C09  }
0x260: {  	[timem:s3], [sflag:s2] =	dma.local @!p0 [hbm:s0], s1  }
0x261: {  	s0 =	simm.s32 @!p0 $0x9  }
0x262: {  	_ =	swait.ge @!p0 [sflag:s0], s1  }
0x263: {  	s1 =	ssub.s32 @!p0 $0x0, s1;
	[sflag:s0] =	ssyncset.done @!p0 $0x0  }
0x264: {  	[sflag:s0] =	ssyncadd.s32 @!p0 s1  }
0x265: {  	[bflag:$0x3] =	sbarrier.arrive $0xFFFF  }
0x266: {  	_ =	shalt  }

</sc_bundles>
